<compile_context>
chip_gen: v7x
topology: tpu7x:2x2x1
jax: 0.10.2.dev20260603
libtpu: 0.0.44.dev20260713+nightly
codegen_flags: <defaults>
</compile_context>

<pallas_src>
import functools

import jax
import jax.numpy as jnp
from jax import lax
from jax.experimental import pallas as pl
from jax.experimental.pallas import tpu as pltpu
from jax.experimental.pallas import tpu_sc as plsc

N_TRAIN = 1000000
EMBED_DIMS = 64
BATCH = 16384

_NC = 2
_NS = 16
_NW = _NC * _NS
_B_PER_W = BATCH // _NW
_L = 16
_G = 2
_NG = _B_PER_W // _G
_NB = 7
_BLK = 128
_GPB = _BLK // _G


def _rsqrt_newton(z):
    i = lax.bitcast_convert_type(z, jnp.int32)
    i = jnp.int32(0x5F3759DF) - lax.shift_right_arithmetic(i, 1)
    y = lax.bitcast_convert_type(i, jnp.float32)
    hz = z * jnp.float32(0.5)
    for _ in range(3):
        y = y * (jnp.float32(1.5) - hz * y * y)
    return y


def _lane_take(x, idx):
    dnums = lax.GatherDimensionNumbers(
        offset_dims=(), collapsed_slice_dims=(0,), start_index_map=(0,))
    return lax.gather(x, idx[:, None], dnums, (1,),
                      mode=lax.GatherScatterMode.PROMISE_IN_BOUNDS)


_mesh = plsc.VectorSubcoreMesh(core_axis_name="c", subcore_axis_name="s")


@functools.partial(
    pl.kernel,
    mesh=_mesh,
    compiler_params=pltpu.CompilerParams(needs_layout_passes=False),
    out_type=jax.ShapeDtypeStruct((EMBED_DIMS, BATCH), jnp.float32),
    scratch_types=[
        pltpu.VMEM((_B_PER_W + _L,), jnp.int32),
        pltpu.VMEM((_NB, _G, EMBED_DIMS, 128), jnp.float32),
        pltpu.VMEM((EMBED_DIMS, _BLK), jnp.float32),
    ] + [pltpu.SemaphoreType.DMA] * _NB,
)
def _embed_norm_t(tab_hbm, idx_hbm, out_hbm, idx_v, stage, outblk, *sems):
    wid = lax.axis_index("s") * _NC + lax.axis_index("c")
    base = wid * _B_PER_W
    pltpu.sync_copy(idx_hbm.at[pl.ds(base, _B_PER_W)],
                    idx_v.at[pl.ds(0, _B_PER_W)])

    lanes = lax.iota(jnp.int32, _L)
    rows = [lanes + jnp.int32(t * _L) for t in range(4)]

    def fire(g, b):
        gvec = idx_v[pl.ds(g * _G, _L)]
        for k in range(_G):
            s_k = gvec[k]
            start = s_k - lax.bitwise_and(s_k, jnp.int32(127))
            start = pl.multiple_of(start, 128)
            pltpu.async_copy(
                tab_hbm.at[:, pl.ds(start, 128)], stage.at[b, k], sems[b])

    def drain(b):
        for k in range(_G):
            pltpu.make_async_copy(
                tab_hbm.at[:, pl.ds(0, 128)], stage.at[b, k], sems[b]).wait()

    def process(g, b):
        gvec = idx_v[pl.ds(g * _G, _L)]
        lvec = lax.bitwise_and(gvec, jnp.int32(127))
        col0 = jnp.full((_L,), lax.rem(g, jnp.int32(_GPB)) * _G,
                        dtype=jnp.int32)
        for k in range(_G):
            lcol = _lane_take(lvec, jnp.full((_L,), k, dtype=jnp.int32))
            vs = [plsc.load_gather(stage.at[b, k], [rows[t], lcol])
                  for t in range(4)]
            s = vs[0] * vs[0] + vs[1] * vs[1] + vs[2] * vs[2] + vs[3] * vs[3]
            for sh in (8, 4, 2, 1):
                s = s + _lane_take(s, lanes ^ sh)
            inv = _rsqrt_newton(jnp.maximum(s, jnp.float32(1e-16)))
            ocol = col0 + k
            for t in range(4):
                plsc.store_scatter(outblk, [rows[t], ocol], vs[t] * inv)

        @pl.when(lax.rem(g, jnp.int32(_GPB)) == _GPB - 1)
        def _():
            t = lax.div(g, jnp.int32(_GPB))
            pltpu.sync_copy(
                outblk, out_hbm.at[:, pl.ds(base + t * _BLK, _BLK)])

    for u in range(_NB):
        fire(jnp.int32(u), u)

    def ring_body(i, _):
        for u in range(_NB):
            g = _NB * i + u
            drain(u)
            process(lax.rem(g, jnp.int32(_NG)), u)
            fire(lax.rem(g + _NB, jnp.int32(_NG)), u)
        return 0

    lax.fori_loop(0, -(-_NG // _NB), ring_body, 0)
    for u in range(_NB):
        drain(u)


def kernel(indices, table):
    tab_t = table.T
    out_t = _embed_norm_t(tab_t, indices.astype(jnp.int32))
    return out_t.T

# --- scband reference (transcript-rebuilt; emitter-appended) ---
"""Pipeline reference for scband-sequenceless-micro16-s-71442486002220 (READ-ONLY COPY).

The authoritative reference and input builder live on the scoring server;
editing this copy changes nothing except your own understanding.
"""

import jax, jax.numpy as jnp
import numpy as np

N_TRAIN = 1000000
EMBED_DIMS = 64
BATCH = 16384

def setup_inputs(seed: int = 0) -> dict:
    key = jax.random.key(seed)
    k_idx, k_tab = jax.random.split(key)
    indices = jax.random.randint(k_idx, (BATCH,), 0, N_TRAIN, dtype=jnp.int64) if jax.config.jax_enable_x64 else jax.random.randint(k_idx, (BATCH,), 0, N_TRAIN, dtype=jnp.int32)
    # Xavier uniform init for embedding table [N_TRAIN, EMBED_DIMS]
    limit = float(np.sqrt(6.0 / (N_TRAIN + EMBED_DIMS)))
    table = jax.random.uniform(k_tab, (N_TRAIN, EMBED_DIMS), dtype=jnp.float32, minval=-limit, maxval=limit)
    return {"indices": indices, "table": table}

def reference(indices, table):
    # embedding lookup
    emb = jnp.take(table, indices, axis=0)
    # F.normalize(p=2, dim=-1, eps=1e-8): x / max(||x||_2, eps)
    norm = jnp.sqrt(jnp.sum(emb * emb, axis=-1, keepdims=True))
    denom = jnp.maximum(norm, 1e-08)
    return emb / denom

if __name__ == "__main__":
    import jax
    _d = setup_inputs()
    print(jax.jit(kernel)(*tuple(_d.values())))

</pallas_src>

<mosaic_0001>
#map = affine_map<(d0, d1) -> (0, 0)>
#map1 = affine_map<(d0, d1) -> (0)>
module attributes {stable_mosaic.version = 14 : i64} {
  func.func @_embed_norm_t(%arg0: i32, %arg1: i32, %arg2: memref<64x1000000xf32, #tpu.memory_space<hbm>>, %arg3: memref<16384xi32, #tpu.memory_space<hbm>>, %arg4: memref<64x16384xf32, #tpu.memory_space<hbm>>, %arg5: memref<528xi32, #tpu.memory_space<vmem>>, %arg6: memref<7x2x64x128xf32, #tpu.memory_space<vmem>>, %arg7: memref<64x128xf32, #tpu.memory_space<vmem>>, %arg8: memref<!tpu.dma_semaphore, #tpu.memory_space<semaphore_mem>>, %arg9: memref<!tpu.dma_semaphore, #tpu.memory_space<semaphore_mem>>, %arg10: memref<!tpu.dma_semaphore, #tpu.memory_space<semaphore_mem>>, %arg11: memref<!tpu.dma_semaphore, #tpu.memory_space<semaphore_mem>>, %arg12: memref<!tpu.dma_semaphore, #tpu.memory_space<semaphore_mem>>, %arg13: memref<!tpu.dma_semaphore, #tpu.memory_space<semaphore_mem>>, %arg14: memref<!tpu.dma_semaphore, #tpu.memory_space<semaphore_mem>>) attributes {dimension_semantics = [#tpu.dimension_semantics<core_parallel>, #tpu.dimension_semantics<subcore_parallel>], iteration_bounds = array<i64: 2, 16>, scalar_prefetch = 0 : i64, scratch_operands = 10 : i64, tpu.core_type = #tpu.core_type<sc_vector_subcore>, window_params = [{transform_indices = #map}, {transform_indices = #map1}, {transform_indices = #map}]} {
    %mul3A = arith.constant 2 : i32
    %mul3A_0 = arith.muli %arg1, %mul3A : i32
    %add3A = arith.addi %mul3A_0, %arg0 : i32
    %mul3A_1 = arith.constant 512 : i32
    %mul3A_2 = arith.muli %add3A, %mul3A_1 : i32
    "tpu.region"() ({
      %run_scoped3A = tpu.sem_alloc : memref<!tpu.dma_semaphore, #tpu.memory_space<semaphore_mem>>
      %dma_start3A_552 = arith.constant 0 : i32
      %dma_start3A_553 = tpu.memref_slice %arg5[%dma_start3A_552] : memref<528xi32, #tpu.memory_space<vmem>> -> memref<512xi32, #tpu.memory_space<vmem>>
      %dma_start3A_554 = tpu.memref_slice %arg3[%mul3A_2] : memref<16384xi32, #tpu.memory_space<hbm>> -> memref<512xi32, #tpu.memory_space<hbm>>
      %dma_start3A_555 = arith.constant 0 : i32
      %dma_start3A_556 = tpu.memref_slice %arg5[%dma_start3A_555] : memref<528xi32, #tpu.memory_space<vmem>> -> memref<512xi32, #tpu.memory_space<vmem>>
      %dma_start3A_557 = tpu.memref_slice %arg3[%mul3A_2] : memref<16384xi32, #tpu.memory_space<hbm>> -> memref<512xi32, #tpu.memory_space<hbm>>
      tpu.enqueue_dma source(%dma_start3A_557 : memref<512xi32, #tpu.memory_space<hbm>>) target(%dma_start3A_556 : memref<512xi32, #tpu.memory_space<vmem>>) target_semaphore(%run_scoped3A : memref<!tpu.dma_semaphore, #tpu.memory_space<semaphore_mem>>)
      %dma_wait3A_558 = arith.constant 0 : i32
      %dma_wait3A_559 = tpu.memref_slice %arg5[%dma_wait3A_558] : memref<528xi32, #tpu.memory_space<vmem>> -> memref<512xi32, #tpu.memory_space<vmem>>
      %dma_wait3A_560 = tpu.memref_slice %arg3[%mul3A_2] : memref<16384xi32, #tpu.memory_space<hbm>> -> memref<512xi32, #tpu.memory_space<hbm>>
      %dma_wait3A_561 = arith.constant 0 : i32
      %dma_wait3A_562 = tpu.memref_slice %arg5[%dma_wait3A_561] : memref<528xi32, #tpu.memory_space<vmem>> -> memref<512xi32, #tpu.memory_space<vmem>>
      %dma_wait3A_563 = tpu.memref_slice %arg3[%mul3A_2] : memref<16384xi32, #tpu.memory_space<hbm>> -> memref<512xi32, #tpu.memory_space<hbm>>
      tpu.wait_dma2 semaphore(%run_scoped3A : memref<!tpu.dma_semaphore, #tpu.memory_space<semaphore_mem>>) src(%dma_wait3A_563 : memref<512xi32, #tpu.memory_space<hbm>>) dst(%dma_wait3A_562 : memref<512xi32, #tpu.memory_space<vmem>>)
      tpu.yield
    }) : () -> ()
    %iota3A = tpu.iota {dimensions = array<i32: 0>} : vector<16xi32>
    %add3A_3 = arith.constant 0 : i32
    %add3A_4 = vector.broadcast %add3A_3 : i32 to vector<16xi32>
    %add3A_5 = arith.addi %iota3A, %add3A_4 : vector<16xi32>
    %add3A_6 = arith.constant 16 : i32
    %add3A_7 = vector.broadcast %add3A_6 : i32 to vector<16xi32>
    %add3A_8 = arith.addi %iota3A, %add3A_7 : vector<16xi32>
    %add3A_9 = arith.constant 32 : i32
    %add3A_10 = vector.broadcast %add3A_9 : i32 to vector<16xi32>
    %add3A_11 = arith.addi %iota3A, %add3A_10 : vector<16xi32>
    %add3A_12 = arith.constant 48 : i32
    %add3A_13 = vector.broadcast %add3A_12 : i32 to vector<16xi32>
    %add3A_14 = arith.addi %iota3A, %add3A_13 : vector<16xi32>
    %mul3A_15 = arith.constant 0 : i32
    %mul3A_16 = arith.constant 2 : i32
    %mul3A_17 = arith.muli %mul3A_15, %mul3A_16 : i32
    %get3A = arith.index_cast %mul3A_17 : i32 to index
    %get3A_18 = tpu.vector_load %arg5[%get3A] {strides = array<i32>} : memref<528xi32, #tpu.memory_space<vmem>>, vector<16xi32>,
    %slice3A = vector.extract_strided_slice %get3A_18 {offsets = [0], sizes = [1], strides = [1]} : vector<16xi32> to vector<1xi32>
    %squeeze3A = vector.extract %slice3A[0] : i32 from vector<1xi32>
    %and3A = arith.constant 127 : i32
    %and3A_19 = arith.andi %squeeze3A, %and3A : i32
    %sub3A = arith.subi %squeeze3A, %and3A_19 : i32
    %multiple_of3A = tpu.assume_multiple %sub3A, 128 : i32
    %dma_start3A = arith.constant 0 : i32
    %dma_start3A_20 = arith.constant 0 : i32
    %dma_start3A_21 = arith.constant 0 : i32
    %dma_start3A_22 = arith.constant 0 : i32
    %dma_start3A_23 = tpu.memref_slice %arg6[%dma_start3A, %dma_start3A_20, %dma_start3A_21, %dma_start3A_22] : memref<7x2x64x128xf32, #tpu.memory_space<vmem>> -> memref<1x1x64x128xf32, #tpu.memory_space<vmem>>
    %dma_start3A_24 = tpu.memref_squeeze %dma_start3A_23 : memref<1x1x64x128xf32, #tpu.memory_space<vmem>> -> memref<64x128xf32, #tpu.memory_space<vmem>>
    %dma_start3A_25 = arith.constant 0 : i32
    %dma_start3A_26 = tpu.memref_slice %arg2[%dma_start3A_25, %multiple_of3A] : memref<64x1000000xf32, #tpu.memory_space<hbm>> -> memref<64x128xf32, #tpu.memory_space<hbm>>
    %dma_start3A_27 = arith.constant 0 : i32
    %dma_start3A_28 = arith.constant 0 : i32
    %dma_start3A_29 = tpu.memref_slice %arg6[%dma_start3A, %dma_start3A_20, %dma_start3A_27, %dma_start3A_28] : memref<7x2x64x128xf32, #tpu.memory_space<vmem>> -> memref<1x1x64x128xf32, #tpu.memory_space<vmem>>
    %dma_start3A_30 = tpu.memref_squeeze %dma_start3A_29 : memref<1x1x64x128xf32, #tpu.memory_space<vmem>> -> memref<64x128xf32, #tpu.memory_space<vmem>>
    %dma_start3A_31 = arith.constant 0 : i32
    %dma_start3A_32 = tpu.memref_slice %arg2[%dma_start3A_31, %multiple_of3A] : memref<64x1000000xf32, #tpu.memory_space<hbm>> -> memref<64x128xf32, #tpu.memory_space<hbm>>
    tpu.enqueue_dma source(%dma_start3A_32 : memref<64x128xf32, #tpu.memory_space<hbm>>) target(%dma_start3A_30 : memref<64x128xf32, #tpu.memory_space<vmem>>) target_semaphore(%arg8 : memref<!tpu.dma_semaphore, #tpu.memory_space<semaphore_mem>>)
    %slice3A_33 = vector.extract_strided_slice %get3A_18 {offsets = [1], sizes = [1], strides = [1]} : vector<16xi32> to vector<1xi32>
    %squeeze3A_34 = vector.extract %slice3A_33[0] : i32 from vector<1xi32>
    %and3A_35 = arith.constant 127 : i32
    %and3A_36 = arith.andi %squeeze3A_34, %and3A_35 : i32
    %sub3A_37 = arith.subi %squeeze3A_34, %and3A_36 : i32
    %multiple_of3A_38 = tpu.assume_multiple %sub3A_37, 128 : i32
    %dma_start3A_39 = arith.constant 0 : i32
    %dma_start3A_40 = arith.constant 1 : i32
    %dma_start3A_41 = arith.constant 0 : i32
    %dma_start3A_42 = arith.constant 0 : i32
    %dma_start3A_43 = tpu.memref_slice %arg6[%dma_start3A_39, %dma_start3A_40, %dma_start3A_41, %dma_start3A_42] : memref<7x2x64x128xf32, #tpu.memory_space<vmem>> -> memref<1x1x64x128xf32, #tpu.memory_space<vmem>>
    %dma_start3A_44 = tpu.memref_squeeze %dma_start3A_43 : memref<1x1x64x128xf32, #tpu.memory_space<vmem>> -> memref<64x128xf32, #tpu.memory_space<vmem>>
    %dma_start3A_45 = arith.constant 0 : i32
    %dma_start3A_46 = tpu.memref_slice %arg2[%dma_start3A_45, %multiple_of3A_38] : memref<64x1000000xf32, #tpu.memory_space<hbm>> -> memref<64x128xf32, #tpu.memory_space<hbm>>
    %dma_start3A_47 = arith.constant 0 : i32
    %dma_start3A_48 = arith.constant 0 : i32
    %dma_start3A_49 = tpu.memref_slice %arg6[%dma_start3A_39, %dma_start3A_40, %dma_start3A_47, %dma_start3A_48] : memref<7x2x64x128xf32, #tpu.memory_space<vmem>> -> memref<1x1x64x128xf32, #tpu.memory_space<vmem>>
    %dma_start3A_50 = tpu.memref_squeeze %dma_start3A_49 : memref<1x1x64x128xf32, #tpu.memory_space<vmem>> -> memref<64x128xf32, #tpu.memory_space<vmem>>
    %dma_start3A_51 = arith.constant 0 : i32
    %dma_start3A_52 = tpu.memref_slice %arg2[%dma_start3A_51, %multiple_of3A_38] : memref<64x1000000xf32, #tpu.memory_space<hbm>> -> memref<64x128xf32, #tpu.memory_space<hbm>>
    tpu.enqueue_dma source(%dma_start3A_52 : memref<64x128xf32, #tpu.memory_space<hbm>>) target(%dma_start3A_50 : memref<64x128xf32, #tpu.memory_space<vmem>>) target_semaphore(%arg8 : memref<!tpu.dma_semaphore, #tpu.memory_space<semaphore_mem>>)
    %mul3A_53 = arith.constant 1 : i32
    %mul3A_54 = arith.constant 2 : i32
    %mul3A_55 = arith.muli %mul3A_53, %mul3A_54 : i32
    %get3A_56 = arith.index_cast %mul3A_55 : i32 to index
    %get3A_57 = tpu.vector_load %arg5[%get3A_56] {strides = array<i32>} : memref<528xi32, #tpu.memory_space<vmem>>, vector<16xi32>,
    %slice3A_58 = vector.extract_strided_slice %get3A_57 {offsets = [0], sizes = [1], strides = [1]} : vector<16xi32> to vector<1xi32>
    %squeeze3A_59 = vector.extract %slice3A_58[0] : i32 from vector<1xi32>
    %and3A_60 = arith.constant 127 : i32
    %and3A_61 = arith.andi %squeeze3A_59, %and3A_60 : i32
    %sub3A_62 = arith.subi %squeeze3A_59, %and3A_61 : i32
    %multiple_of3A_63 = tpu.assume_multiple %sub3A_62, 128 : i32
    %dma_start3A_64 = arith.constant 1 : i32
    %dma_start3A_65 = arith.constant 0 : i32
    %dma_start3A_66 = arith.constant 0 : i32
    %dma_start3A_67 = arith.constant 0 : i32
    %dma_start3A_68 = tpu.memref_slice %arg6[%dma_start3A_64, %dma_start3A_65, %dma_start3A_66, %dma_start3A_67] : memref<7x2x64x128xf32, #tpu.memory_space<vmem>> -> memref<1x1x64x128xf32, #tpu.memory_space<vmem>>
    %dma_start3A_69 = tpu.memref_squeeze %dma_start3A_68 : memref<1x1x64x128xf32, #tpu.memory_space<vmem>> -> memref<64x128xf32, #tpu.memory_space<vmem>>
    %dma_start3A_70 = arith.constant 0 : i32
    %dma_start3A_71 = tpu.memref_slice %arg2[%dma_start3A_70, %multiple_of3A_63] : memref<64x1000000xf32, #tpu.memory_space<hbm>> -> memref<64x128xf32, #tpu.memory_space<hbm>>
    %dma_start3A_72 = arith.constant 0 : i32
    %dma_start3A_73 = arith.constant 0 : i32
    %dma_start3A_74 = tpu.memref_slice %arg6[%dma_start3A_64, %dma_start3A_65, %dma_start3A_72, %dma_start3A_73] : memref<7x2x64x128xf32, #tpu.memory_space<vmem>> -> memref<1x1x64x128xf32, #tpu.memory_space<vmem>>
    %dma_start3A_75 = tpu.memref_squeeze %dma_start3A_74 : memref<1x1x64x128xf32, #tpu.memory_space<vmem>> -> memref<64x128xf32, #tpu.memory_space<vmem>>
    %dma_start3A_76 = arith.constant 0 : i32
    %dma_start3A_77 = tpu.memref_slice %arg2[%dma_start3A_76, %multiple_of3A_63] : memref<64x1000000xf32, #tpu.memory_space<hbm>> -> memref<64x128xf32, #tpu.memory_space<hbm>>
    tpu.enqueue_dma source(%dma_start3A_77 : memref<64x128xf32, #tpu.memory_space<hbm>>) target(%dma_start3A_75 : memref<64x128xf32, #tpu.memory_space<vmem>>) target_semaphore(%arg9 : memref<!tpu.dma_semaphore, #tpu.memory_space<semaphore_mem>>)
    %slice3A_78 = vector.extract_strided_slice %get3A_57 {offsets = [1], sizes = [1], strides = [1]} : vector<16xi32> to vector<1xi32>
    %squeeze3A_79 = vector.extract %slice3A_78[0] : i32 from vector<1xi32>
    %and3A_80 = arith.constant 127 : i32
    %and3A_81 = arith.andi %squeeze3A_79, %and3A_80 : i32
    %sub3A_82 = arith.subi %squeeze3A_79, %and3A_81 : i32
    %multiple_of3A_83 = tpu.assume_multiple %sub3A_82, 128 : i32
    %dma_start3A_84 = arith.constant 1 : i32
    %dma_start3A_85 = arith.constant 1 : i32
    %dma_start3A_86 = arith.constant 0 : i32
    %dma_start3A_87 = arith.constant 0 : i32
    %dma_start3A_88 = tpu.memref_slice %arg6[%dma_start3A_84, %dma_start3A_85, %dma_start3A_86, %dma_start3A_87] : memref<7x2x64x128xf32, #tpu.memory_space<vmem>> -> memref<1x1x64x128xf32, #tpu.memory_space<vmem>>
    %dma_start3A_89 = tpu.memref_squeeze %dma_start3A_88 : memref<1x1x64x128xf32, #tpu.memory_space<vmem>> -> memref<64x128xf32, #tpu.memory_space<vmem>>
    %dma_start3A_90 = arith.constant 0 : i32
    %dma_start3A_91 = tpu.memref_slice %arg2[%dma_start3A_90, %multiple_of3A_83] : memref<64x1000000xf32, #tpu.memory_space<hbm>> -> memref<64x128xf32, #tpu.memory_space<hbm>>
    %dma_start3A_92 = arith.constant 0 : i32
    %dma_start3A_93 = arith.constant 0 : i32
    %dma_start3A_94 = tpu.memref_slice %arg6[%dma_start3A_84, %dma_start3A_85, %dma_start3A_92, %dma_start3A_93] : memref<7x2x64x128xf32, #tpu.memory_space<vmem>> -> memref<1x1x64x128xf32, #tpu.memory_space<vmem>>
    %dma_start3A_95 = tpu.memref_squeeze %dma_start3A_94 : memref<1x1x64x128xf32, #tpu.memory_space<vmem>> -> memref<64x128xf32, #tpu.memory_space<vmem>>
    %dma_start3A_96 = arith.constant 0 : i32
    %dma_start3A_97 = tpu.memref_slice %arg2[%dma_start3A_96, %multiple_of3A_83] : memref<64x1000000xf32, #tpu.memory_space<hbm>> -> memref<64x128xf32, #tpu.memory_space<hbm>>
    tpu.enqueue_dma source(%dma_start3A_97 : memref<64x128xf32, #tpu.memory_space<hbm>>) target(%dma_start3A_95 : memref<64x128xf32, #tpu.memory_space<vmem>>) target_semaphore(%arg9 : memref<!tpu.dma_semaphore, #tpu.memory_space<semaphore_mem>>)
    %mul3A_98 = arith.constant 2 : i32
    %mul3A_99 = arith.constant 2 : i32
    %mul3A_100 = arith.muli %mul3A_98, %mul3A_99 : i32
    %get3A_101 = arith.index_cast %mul3A_100 : i32 to index
    %get3A_102 = tpu.vector_load %arg5[%get3A_101] {strides = array<i32>} : memref<528xi32, #tpu.memory_space<vmem>>, vector<16xi32>,
    %slice3A_103 = vector.extract_strided_slice %get3A_102 {offsets = [0], sizes = [1], strides = [1]} : vector<16xi32> to vector<1xi32>
    %squeeze3A_104 = vector.extract %slice3A_103[0] : i32 from vector<1xi32>
    %and3A_105 = arith.constant 127 : i32
    %and3A_106 = arith.andi %squeeze3A_104, %and3A_105 : i32
    %sub3A_107 = arith.subi %squeeze3A_104, %and3A_106 : i32
    %multiple_of3A_108 = tpu.assume_multiple %sub3A_107, 128 : i32
    %dma_start3A_109 = arith.constant 2 : i32
    %dma_start3A_110 = arith.constant 0 : i32
    %dma_start3A_111 = arith.constant 0 : i32
    %dma_start3A_112 = arith.constant 0 : i32
    %dma_start3A_113 = tpu.memref_slice %arg6[%dma_start3A_109, %dma_start3A_110, %dma_start3A_111, %dma_start3A_112] : memref<7x2x64x128xf32, #tpu.memory_space<vmem>> -> memref<1x1x64x128xf32, #tpu.memory_space<vmem>>
    %dma_start3A_114 = tpu.memref_squeeze %dma_start3A_113 : memref<1x1x64x128xf32, #tpu.memory_space<vmem>> -> memref<64x128xf32, #tpu.memory_space<vmem>>
    %dma_start3A_115 = arith.constant 0 : i32
    %dma_start3A_116 = tpu.memref_slice %arg2[%dma_start3A_115, %multiple_of3A_108] : memref<64x1000000xf32, #tpu.memory_space<hbm>> -> memref<64x128xf32, #tpu.memory_space<hbm>>
    %dma_start3A_117 = arith.constant 0 : i32
    %dma_start3A_118 = arith.constant 0 : i32
    %dma_start3A_119 = tpu.memref_slice %arg6[%dma_start3A_109, %dma_start3A_110, %dma_start3A_117, %dma_start3A_118] : memref<7x2x64x128xf32, #tpu.memory_space<vmem>> -> memref<1x1x64x128xf32, #tpu.memory_space<vmem>>
    %dma_start3A_120 = tpu.memref_squeeze %dma_start3A_119 : memref<1x1x64x128xf32, #tpu.memory_space<vmem>> -> memref<64x128xf32, #tpu.memory_space<vmem>>
    %dma_start3A_121 = arith.constant 0 : i32
    %dma_start3A_122 = tpu.memref_slice %arg2[%dma_start3A_121, %multiple_of3A_108] : memref<64x1000000xf32, #tpu.memory_space<hbm>> -> memref<64x128xf32, #tpu.memory_space<hbm>>
    tpu.enqueue_dma source(%dma_start3A_122 : memref<64x128xf32, #tpu.memory_space<hbm>>) target(%dma_start3A_120 : memref<64x128xf32, #tpu.memory_space<vmem>>) target_semaphore(%arg10 : memref<!tpu.dma_semaphore, #tpu.memory_space<semaphore_mem>>)
    %slice3A_123 = vector.extract_strided_slice %get3A_102 {offsets = [1], sizes = [1], strides = [1]} : vector<16xi32> to vector<1xi32>
    %squeeze3A_124 = vector.extract %slice3A_123[0] : i32 from vector<1xi32>
    %and3A_125 = arith.constant 127 : i32
    %and3A_126 = arith.andi %squeeze3A_124, %and3A_125 : i32
    %sub3A_127 = arith.subi %squeeze3A_124, %and3A_126 : i32
    %multiple_of3A_128 = tpu.assume_multiple %sub3A_127, 128 : i32
    %dma_start3A_129 = arith.constant 2 : i32
    %dma_start3A_130 = arith.constant 1 : i32
    %dma_start3A_131 = arith.constant 0 : i32
    %dma_start3A_132 = arith.constant 0 : i32
    %dma_start3A_133 = tpu.memref_slice %arg6[%dma_start3A_129, %dma_start3A_130, %dma_start3A_131, %dma_start3A_132] : memref<7x2x64x128xf32, #tpu.memory_space<vmem>> -> memref<1x1x64x128xf32, #tpu.memory_space<vmem>>
    %dma_start3A_134 = tpu.memref_squeeze %dma_start3A_133 : memref<1x1x64x128xf32, #tpu.memory_space<vmem>> -> memref<64x128xf32, #tpu.memory_space<vmem>>
    %dma_start3A_135 = arith.constant 0 : i32
    %dma_start3A_136 = tpu.memref_slice %arg2[%dma_start3A_135, %multiple_of3A_128] : memref<64x1000000xf32, #tpu.memory_space<hbm>> -> memref<64x128xf32, #tpu.memory_space<hbm>>
    %dma_start3A_137 = arith.constant 0 : i32
    %dma_start3A_138 = arith.constant 0 : i32
    %dma_start3A_139 = tpu.memref_slice %arg6[%dma_start3A_129, %dma_start3A_130, %dma_start3A_137, %dma_start3A_138] : memref<7x2x64x128xf32, #tpu.memory_space<vmem>> -> memref<1x1x64x128xf32, #tpu.memory_space<vmem>>
    %dma_start3A_140 = tpu.memref_squeeze %dma_start3A_139 : memref<1x1x64x128xf32, #tpu.memory_space<vmem>> -> memref<64x128xf32, #tpu.memory_space<vmem>>
    %dma_start3A_141 = arith.constant 0 : i32
    %dma_start3A_142 = tpu.memref_slice %arg2[%dma_start3A_141, %multiple_of3A_128] : memref<64x1000000xf32, #tpu.memory_space<hbm>> -> memref<64x128xf32, #tpu.memory_space<hbm>>
    tpu.enqueue_dma source(%dma_start3A_142 : memref<64x128xf32, #tpu.memory_space<hbm>>) target(%dma_start3A_140 : memref<64x128xf32, #tpu.memory_space<vmem>>) target_semaphore(%arg10 : memref<!tpu.dma_semaphore, #tpu.memory_space<semaphore_mem>>)
    %mul3A_143 = arith.constant 3 : i32
    %mul3A_144 = arith.constant 2 : i32
    %mul3A_145 = arith.muli %mul3A_143, %mul3A_144 : i32
    %get3A_146 = arith.index_cast %mul3A_145 : i32 to index
    %get3A_147 = tpu.vector_load %arg5[%get3A_146] {strides = array<i32>} : memref<528xi32, #tpu.memory_space<vmem>>, vector<16xi32>,
    %slice3A_148 = vector.extract_strided_slice %get3A_147 {offsets = [0], sizes = [1], strides = [1]} : vector<16xi32> to vector<1xi32>
    %squeeze3A_149 = vector.extract %slice3A_148[0] : i32 from vector<1xi32>
    %and3A_150 = arith.constant 127 : i32
    %and3A_151 = arith.andi %squeeze3A_149, %and3A_150 : i32
    %sub3A_152 = arith.subi %squeeze3A_149, %and3A_151 : i32
    %multiple_of3A_153 = tpu.assume_multiple %sub3A_152, 128 : i32
    %dma_start3A_154 = arith.constant 3 : i32
    %dma_start3A_155 = arith.constant 0 : i32
    %dma_start3A_156 = arith.constant 0 : i32
    %dma_start3A_157 = arith.constant 0 : i32
    %dma_start3A_158 = tpu.memref_slice %arg6[%dma_start3A_154, %dma_start3A_155, %dma_start3A_156, %dma_start3A_157] : memref<7x2x64x128xf32, #tpu.memory_space<vmem>> -> memref<1x1x64x128xf32, #tpu.memory_space<vmem>>
    %dma_start3A_159 = tpu.memref_squeeze %dma_start3A_158 : memref<1x1x64x128xf32, #tpu.memory_space<vmem>> -> memref<64x128xf32, #tpu.memory_space<vmem>>
    %dma_start3A_160 = arith.constant 0 : i32
    %dma_start3A_161 = tpu.memref_slice %arg2[%dma_start3A_160, %multiple_of3A_153] : memref<64x1000000xf32, #tpu.memory_space<hbm>> -> memref<64x128xf32, #tpu.memory_space<hbm>>
    %dma_start3A_162 = arith.constant 0 : i32
    %dma_start3A_163 = arith.constant 0 : i32
    %dma_start3A_164 = tpu.memref_slice %arg6[%dma_start3A_154, %dma_start3A_155, %dma_start3A_162, %dma_start3A_163] : memref<7x2x64x128xf32, #tpu.memory_space<vmem>> -> memref<1x1x64x128xf32, #tpu.memory_space<vmem>>
    %dma_start3A_165 = tpu.memref_squeeze %dma_start3A_164 : memref<1x1x64x128xf32, #tpu.memory_space<vmem>> -> memref<64x128xf32, #tpu.memory_space<vmem>>
    %dma_start3A_166 = arith.constant 0 : i32
    %dma_start3A_167 = tpu.memref_slice %arg2[%dma_start3A_166, %multiple_of3A_153] : memref<64x1000000xf32, #tpu.memory_space<hbm>> -> memref<64x128xf32, #tpu.memory_space<hbm>>
    tpu.enqueue_dma source(%dma_start3A_167 : memref<64x128xf32, #tpu.memory_space<hbm>>) target(%dma_start3A_165 : memref<64x128xf32, #tpu.memory_space<vmem>>) target_semaphore(%arg11 : memref<!tpu.dma_semaphore, #tpu.memory_space<semaphore_mem>>)
    %slice3A_168 = vector.extract_strided_slice %get3A_147 {offsets = [1], sizes = [1], strides = [1]} : vector<16xi32> to vector<1xi32>
    %squeeze3A_169 = vector.extract %slice3A_168[0] : i32 from vector<1xi32>
    %and3A_170 = arith.constant 127 : i32
    %and3A_171 = arith.andi %squeeze3A_169, %and3A_170 : i32
    %sub3A_172 = arith.subi %squeeze3A_169, %and3A_171 : i32
    %multiple_of3A_173 = tpu.assume_multiple %sub3A_172, 128 : i32
    %dma_start3A_174 = arith.constant 3 : i32
    %dma_start3A_175 = arith.constant 1 : i32
    %dma_start3A_176 = arith.constant 0 : i32
    %dma_start3A_177 = arith.constant 0 : i32
    %dma_start3A_178 = tpu.memref_slice %arg6[%dma_start3A_174, %dma_start3A_175, %dma_start3A_176, %dma_start3A_177] : memref<7x2x64x128xf32, #tpu.memory_space<vmem>> -> memref<1x1x64x128xf32, #tpu.memory_space<vmem>>
    %dma_start3A_179 = tpu.memref_squeeze %dma_start3A_178 : memref<1x1x64x128xf32, #tpu.memory_space<vmem>> -> memref<64x128xf32, #tpu.memory_space<vmem>>
    %dma_start3A_180 = arith.constant 0 : i32
    %dma_start3A_181 = tpu.memref_slice %arg2[%dma_start3A_180, %multiple_of3A_173] : memref<64x1000000xf32, #tpu.memory_space<hbm>> -> memref<64x128xf32, #tpu.memory_space<hbm>>
    %dma_start3A_182 = arith.constant 0 : i32
    %dma_start3A_183 = arith.constant 0 : i32
    %dma_start3A_184 = tpu.memref_slice %arg6[%dma_start3A_174, %dma_start3A_175, %dma_start3A_182, %dma_start3A_183] : memref<7x2x64x128xf32, #tpu.memory_space<vmem>> -> memref<1x1x64x128xf32, #tpu.memory_space<vmem>>
    %dma_start3A_185 = tpu.memref_squeeze %dma_start3A_184 : memref<1x1x64x128xf32, #tpu.memory_space<vmem>> -> memref<64x128xf32, #tpu.memory_space<vmem>>
    %dma_start3A_186 = arith.constant 0 : i32
    %dma_start3A_187 = tpu.memref_slice %arg2[%dma_start3A_186, %multiple_of3A_173] : memref<64x1000000xf32, #tpu.memory_space<hbm>> -> memref<64x128xf32, #tpu.memory_space<hbm>>
    tpu.enqueue_dma source(%dma_start3A_187 : memref<64x128xf32, #tpu.memory_space<hbm>>) target(%dma_start3A_185 : memref<64x128xf32, #tpu.memory_space<vmem>>) target_semaphore(%arg11 : memref<!tpu.dma_semaphore, #tpu.memory_space<semaphore_mem>>)
    %mul3A_188 = arith.constant 4 : i32
    %mul3A_189 = arith.constant 2 : i32
    %mul3A_190 = arith.muli %mul3A_188, %mul3A_189 : i32
    %get3A_191 = arith.index_cast %mul3A_190 : i32 to index
    %get3A_192 = tpu.vector_load %arg5[%get3A_191] {strides = array<i32>} : memref<528xi32, #tpu.memory_space<vmem>>, vector<16xi32>,
    %slice3A_193 = vector.extract_strided_slice %get3A_192 {offsets = [0], sizes = [1], strides = [1]} : vector<16xi32> to vector<1xi32>
    %squeeze3A_194 = vector.extract %slice3A_193[0] : i32 from vector<1xi32>
    %and3A_195 = arith.constant 127 : i32
    %and3A_196 = arith.andi %squeeze3A_194, %and3A_195 : i32
    %sub3A_197 = arith.subi %squeeze3A_194, %and3A_196 : i32
    %multiple_of3A_198 = tpu.assume_multiple %sub3A_197, 128 : i32
    %dma_start3A_199 = arith.constant 4 : i32
    %dma_start3A_200 = arith.constant 0 : i32
    %dma_start3A_201 = arith.constant 0 : i32
    %dma_start3A_202 = arith.constant 0 : i32
    %dma_start3A_203 = tpu.memref_slice %arg6[%dma_start3A_199, %dma_start3A_200, %dma_start3A_201, %dma_start3A_202] : memref<7x2x64x128xf32, #tpu.memory_space<vmem>> -> memref<1x1x64x128xf32, #tpu.memory_space<vmem>>
    %dma_start3A_204 = tpu.memref_squeeze %dma_start3A_203 : memref<1x1x64x128xf32, #tpu.memory_space<vmem>> -> memref<64x128xf32, #tpu.memory_space<vmem>>
    %dma_start3A_205 = arith.constant 0 : i32
    %dma_start3A_206 = tpu.memref_slice %arg2[%dma_start3A_205, %multiple_of3A_198] : memref<64x1000000xf32, #tpu.memory_space<hbm>> -> memref<64x128xf32, #tpu.memory_space<hbm>>
    %dma_start3A_207 = arith.constant 0 : i32
    %dma_start3A_208 = arith.constant 0 : i32
    %dma_start3A_209 = tpu.memref_slice %arg6[%dma_start3A_199, %dma_start3A_200, %dma_start3A_207, %dma_start3A_208] : memref<7x2x64x128xf32, #tpu.memory_space<vmem>> -> memref<1x1x64x128xf32, #tpu.memory_space<vmem>>
    %dma_start3A_210 = tpu.memref_squeeze %dma_start3A_209 : memref<1x1x64x128xf32, #tpu.memory_space<vmem>> -> memref<64x128xf32, #tpu.memory_space<vmem>>
    %dma_start3A_211 = arith.constant 0 : i32
    %dma_start3A_212 = tpu.memref_slice %arg2[%dma_start3A_211, %multiple_of3A_198] : memref<64x1000000xf32, #tpu.memory_space<hbm>> -> memref<64x128xf32, #tpu.memory_space<hbm>>
    tpu.enqueue_dma source(%dma_start3A_212 : memref<64x128xf32, #tpu.memory_space<hbm>>) target(%dma_start3A_210 : memref<64x128xf32, #tpu.memory_space<vmem>>) target_semaphore(%arg12 : memref<!tpu.dma_semaphore, #tpu.memory_space<semaphore_mem>>)
    %slice3A_213 = vector.extract_strided_slice %get3A_192 {offsets = [1], sizes = [1], strides = [1]} : vector<16xi32> to vector<1xi32>
    %squeeze3A_214 = vector.extract %slice3A_213[0] : i32 from vector<1xi32>
    %and3A_215 = arith.constant 127 : i32
    %and3A_216 = arith.andi %squeeze3A_214, %and3A_215 : i32
    %sub3A_217 = arith.subi %squeeze3A_214, %and3A_216 : i32
    %multiple_of3A_218 = tpu.assume_multiple %sub3A_217, 128 : i32
    %dma_start3A_219 = arith.constant 4 : i32
    %dma_start3A_220 = arith.constant 1 : i32
    %dma_start3A_221 = arith.constant 0 : i32
    %dma_start3A_222 = arith.constant 0 : i32
    %dma_start3A_223 = tpu.memref_slice %arg6[%dma_start3A_219, %dma_start3A_220, %dma_start3A_221, %dma_start3A_222] : memref<7x2x64x128xf32, #tpu.memory_space<vmem>> -> memref<1x1x64x128xf32, #tpu.memory_space<vmem>>
    %dma_start3A_224 = tpu.memref_squeeze %dma_start3A_223 : memref<1x1x64x128xf32, #tpu.memory_space<vmem>> -> memref<64x128xf32, #tpu.memory_space<vmem>>
    %dma_start3A_225 = arith.constant 0 : i32
    %dma_start3A_226 = tpu.memref_slice %arg2[%dma_start3A_225, %multiple_of3A_218] : memref<64x1000000xf32, #tpu.memory_space<hbm>> -> memref<64x128xf32, #tpu.memory_space<hbm>>
    %dma_start3A_227 = arith.constant 0 : i32
    %dma_start3A_228 = arith.constant 0 : i32
    %dma_start3A_229 = tpu.memref_slice %arg6[%dma_start3A_219, %dma_start3A_220, %dma_start3A_227, %dma_start3A_228] : memref<7x2x64x128xf32, #tpu.memory_space<vmem>> -> memref<1x1x64x128xf32, #tpu.memory_space<vmem>>
    %dma_start3A_230 = tpu.memref_squeeze %dma_start3A_229 : memref<1x1x64x128xf32, #tpu.memory_space<vmem>> -> memref<64x128xf32, #tpu.memory_space<vmem>>
    %dma_start3A_231 = arith.constant 0 : i32
    %dma_start3A_232 = tpu.memref_slice %arg2[%dma_start3A_231, %multiple_of3A_218] : memref<64x1000000xf32, #tpu.memory_space<hbm>> -> memref<64x128xf32, #tpu.memory_space<hbm>>
    tpu.enqueue_dma source(%dma_start3A_232 : memref<64x128xf32, #tpu.memory_space<hbm>>) target(%dma_start3A_230 : memref<64x128xf32, #tpu.memory_space<vmem>>) target_semaphore(%arg12 : memref<!tpu.dma_semaphore, #tpu.memory_space<semaphore_mem>>)
    %mul3A_233 = arith.constant 5 : i32
    %mul3A_234 = arith.constant 2 : i32
    %mul3A_235 = arith.muli %mul3A_233, %mul3A_234 : i32
    %get3A_236 = arith.index_cast %mul3A_235 : i32 to index
    %get3A_237 = tpu.vector_load %arg5[%get3A_236] {strides = array<i32>} : memref<528xi32, #tpu.memory_space<vmem>>, vector<16xi32>,
    %slice3A_238 = vector.extract_strided_slice %get3A_237 {offsets = [0], sizes = [1], strides = [1]} : vector<16xi32> to vector<1xi32>
    %squeeze3A_239 = vector.extract %slice3A_238[0] : i32 from vector<1xi32>
    %and3A_240 = arith.constant 127 : i32
    %and3A_241 = arith.andi %squeeze3A_239, %and3A_240 : i32
    %sub3A_242 = arith.subi %squeeze3A_239, %and3A_241 : i32
    %multiple_of3A_243 = tpu.assume_multiple %sub3A_242, 128 : i32
    %dma_start3A_244 = arith.constant 5 : i32
    %dma_start3A_245 = arith.constant 0 : i32
    %dma_start3A_246 = arith.constant 0 : i32
    %dma_start3A_247 = arith.constant 0 : i32
    %dma_start3A_248 = tpu.memref_slice %arg6[%dma_start3A_244, %dma_start3A_245, %dma_start3A_246, %dma_start3A_247] : memref<7x2x64x128xf32, #tpu.memory_space<vmem>> -> memref<1x1x64x128xf32, #tpu.memory_space<vmem>>
    %dma_start3A_249 = tpu.memref_squeeze %dma_start3A_248 : memref<1x1x64x128xf32, #tpu.memory_space<vmem>> -> memref<64x128xf32, #tpu.memory_space<vmem>>
    %dma_start3A_250 = arith.constant 0 : i32
    %dma_start3A_251 = tpu.memref_slice %arg2[%dma_start3A_250, %multiple_of3A_243] : memref<64x1000000xf32, #tpu.memory_space<hbm>> -> memref<64x128xf32, #tpu.memory_space<hbm>>
    %dma_start3A_252 = arith.constant 0 : i32
    %dma_start3A_253 = arith.constant 0 : i32
    %dma_start3A_254 = tpu.memref_slice %arg6[%dma_start3A_244, %dma_start3A_245, %dma_start3A_252, %dma_start3A_253] : memref<7x2x64x128xf32, #tpu.memory_space<vmem>> -> memref<1x1x64x128xf32, #tpu.memory_space<vmem>>
    %dma_start3A_255 = tpu.memref_squeeze %dma_start3A_254 : memref<1x1x64x128xf32, #tpu.memory_space<vmem>> -> memref<64x128xf32, #tpu.memory_space<vmem>>
    %dma_start3A_256 = arith.constant 0 : i32
    %dma_start3A_257 = tpu.memref_slice %arg2[%dma_start3A_256, %multiple_of3A_243] : memref<64x1000000xf32, #tpu.memory_space<hbm>> -> memref<64x128xf32, #tpu.memory_space<hbm>>
    tpu.enqueue_dma source(%dma_start3A_257 : memref<64x128xf32, #tpu.memory_space<hbm>>) target(%dma_start3A_255 : memref<64x128xf32, #tpu.memory_space<vmem>>) target_semaphore(%arg13 : memref<!tpu.dma_semaphore, #tpu.memory_space<semaphore_mem>>)
    %slice3A_258 = vector.extract_strided_slice %get3A_237 {offsets = [1], sizes = [1], strides = [1]} : vector<16xi32> to vector<1xi32>
    %squeeze3A_259 = vector.extract %slice3A_258[0] : i32 from vector<1xi32>
    %and3A_260 = arith.constant 127 : i32
    %and3A_261 = arith.andi %squeeze3A_259, %and3A_260 : i32
    %sub3A_262 = arith.subi %squeeze3A_259, %and3A_261 : i32
    %multiple_of3A_263 = tpu.assume_multiple %sub3A_262, 128 : i32
    %dma_start3A_264 = arith.constant 5 : i32
    %dma_start3A_265 = arith.constant 1 : i32
    %dma_start3A_266 = arith.constant 0 : i32
    %dma_start3A_267 = arith.constant 0 : i32
    %dma_start3A_268 = tpu.memref_slice %arg6[%dma_start3A_264, %dma_start3A_265, %dma_start3A_266, %dma_start3A_267] : memref<7x2x64x128xf32, #tpu.memory_space<vmem>> -> memref<1x1x64x128xf32, #tpu.memory_space<vmem>>
    %dma_start3A_269 = tpu.memref_squeeze %dma_start3A_268 : memref<1x1x64x128xf32, #tpu.memory_space<vmem>> -> memref<64x128xf32, #tpu.memory_space<vmem>>
    %dma_start3A_270 = arith.constant 0 : i32
    %dma_start3A_271 = tpu.memref_slice %arg2[%dma_start3A_270, %multiple_of3A_263] : memref<64x1000000xf32, #tpu.memory_space<hbm>> -> memref<64x128xf32, #tpu.memory_space<hbm>>
    %dma_start3A_272 = arith.constant 0 : i32
    %dma_start3A_273 = arith.constant 0 : i32
    %dma_start3A_274 = tpu.memref_slice %arg6[%dma_start3A_264, %dma_start3A_265, %dma_start3A_272, %dma_start3A_273] : memref<7x2x64x128xf32, #tpu.memory_space<vmem>> -> memref<1x1x64x128xf32, #tpu.memory_space<vmem>>
    %dma_start3A_275 = tpu.memref_squeeze %dma_start3A_274 : memref<1x1x64x128xf32, #tpu.memory_space<vmem>> -> memref<64x128xf32, #tpu.memory_space<vmem>>
    %dma_start3A_276 = arith.constant 0 : i32
    %dma_start3A_277 = tpu.memref_slice %arg2[%dma_start3A_276, %multiple_of3A_263] : memref<64x1000000xf32, #tpu.memory_space<hbm>> -> memref<64x128xf32, #tpu.memory_space<hbm>>
    tpu.enqueue_dma source(%dma_start3A_277 : memref<64x128xf32, #tpu.memory_space<hbm>>) target(%dma_start3A_275 : memref<64x128xf32, #tpu.memory_space<vmem>>) target_semaphore(%arg13 : memref<!tpu.dma_semaphore, #tpu.memory_space<semaphore_mem>>)
    %mul3A_278 = arith.constant 6 : i32
    %mul3A_279 = arith.constant 2 : i32
    %mul3A_280 = arith.muli %mul3A_278, %mul3A_279 : i32
    %get3A_281 = arith.index_cast %mul3A_280 : i32 to index
    %get3A_282 = tpu.vector_load %arg5[%get3A_281] {strides = array<i32>} : memref<528xi32, #tpu.memory_space<vmem>>, vector<16xi32>,
    %slice3A_283 = vector.extract_strided_slice %get3A_282 {offsets = [0], sizes = [1], strides = [1]} : vector<16xi32> to vector<1xi32>
    %squeeze3A_284 = vector.extract %slice3A_283[0] : i32 from vector<1xi32>
    %and3A_285 = arith.constant 127 : i32
    %and3A_286 = arith.andi %squeeze3A_284, %and3A_285 : i32
    %sub3A_287 = arith.subi %squeeze3A_284, %and3A_286 : i32
    %multiple_of3A_288 = tpu.assume_multiple %sub3A_287, 128 : i32
    %dma_start3A_289 = arith.constant 6 : i32
    %dma_start3A_290 = arith.constant 0 : i32
    %dma_start3A_291 = arith.constant 0 : i32
    %dma_start3A_292 = arith.constant 0 : i32
    %dma_start3A_293 = tpu.memref_slice %arg6[%dma_start3A_289, %dma_start3A_290, %dma_start3A_291, %dma_start3A_292] : memref<7x2x64x128xf32, #tpu.memory_space<vmem>> -> memref<1x1x64x128xf32, #tpu.memory_space<vmem>>
    %dma_start3A_294 = tpu.memref_squeeze %dma_start3A_293 : memref<1x1x64x128xf32, #tpu.memory_space<vmem>> -> memref<64x128xf32, #tpu.memory_space<vmem>>
    %dma_start3A_295 = arith.constant 0 : i32
    %dma_start3A_296 = tpu.memref_slice %arg2[%dma_start3A_295, %multiple_of3A_288] : memref<64x1000000xf32, #tpu.memory_space<hbm>> -> memref<64x128xf32, #tpu.memory_space<hbm>>
    %dma_start3A_297 = arith.constant 0 : i32
    %dma_start3A_298 = arith.constant 0 : i32
    %dma_start3A_299 = tpu.memref_slice %arg6[%dma_start3A_289, %dma_start3A_290, %dma_start3A_297, %dma_start3A_298] : memref<7x2x64x128xf32, #tpu.memory_space<vmem>> -> memref<1x1x64x128xf32, #tpu.memory_space<vmem>>
    %dma_start3A_300 = tpu.memref_squeeze %dma_start3A_299 : memref<1x1x64x128xf32, #tpu.memory_space<vmem>> -> memref<64x128xf32, #tpu.memory_space<vmem>>
    %dma_start3A_301 = arith.constant 0 : i32
    %dma_start3A_302 = tpu.memref_slice %arg2[%dma_start3A_301, %multiple_of3A_288] : memref<64x1000000xf32, #tpu.memory_space<hbm>> -> memref<64x128xf32, #tpu.memory_space<hbm>>
    tpu.enqueue_dma source(%dma_start3A_302 : memref<64x128xf32, #tpu.memory_space<hbm>>) target(%dma_start3A_300 : memref<64x128xf32, #tpu.memory_space<vmem>>) target_semaphore(%arg14 : memref<!tpu.dma_semaphore, #tpu.memory_space<semaphore_mem>>)
    %slice3A_303 = vector.extract_strided_slice %get3A_282 {offsets = [1], sizes = [1], strides = [1]} : vector<16xi32> to vector<1xi32>
    %squeeze3A_304 = vector.extract %slice3A_303[0] : i32 from vector<1xi32>
    %and3A_305 = arith.constant 127 : i32
    %and3A_306 = arith.andi %squeeze3A_304, %and3A_305 : i32
    %sub3A_307 = arith.subi %squeeze3A_304, %and3A_306 : i32
    %multiple_of3A_308 = tpu.assume_multiple %sub3A_307, 128 : i32
    %dma_start3A_309 = arith.constant 6 : i32
    %dma_start3A_310 = arith.constant 1 : i32
    %dma_start3A_311 = arith.constant 0 : i32
    %dma_start3A_312 = arith.constant 0 : i32
    %dma_start3A_313 = tpu.memref_slice %arg6[%dma_start3A_309, %dma_start3A_310, %dma_start3A_311, %dma_start3A_312] : memref<7x2x64x128xf32, #tpu.memory_space<vmem>> -> memref<1x1x64x128xf32, #tpu.memory_space<vmem>>
    %dma_start3A_314 = tpu.memref_squeeze %dma_start3A_313 : memref<1x1x64x128xf32, #tpu.memory_space<vmem>> -> memref<64x128xf32, #tpu.memory_space<vmem>>
    %dma_start3A_315 = arith.constant 0 : i32
    %dma_start3A_316 = tpu.memref_slice %arg2[%dma_start3A_315, %multiple_of3A_308] : memref<64x1000000xf32, #tpu.memory_space<hbm>> -> memref<64x128xf32, #tpu.memory_space<hbm>>
    %dma_start3A_317 = arith.constant 0 : i32
    %dma_start3A_318 = arith.constant 0 : i32
    %dma_start3A_319 = tpu.memref_slice %arg6[%dma_start3A_309, %dma_start3A_310, %dma_start3A_317, %dma_start3A_318] : memref<7x2x64x128xf32, #tpu.memory_space<vmem>> -> memref<1x1x64x128xf32, #tpu.memory_space<vmem>>
    %dma_start3A_320 = tpu.memref_squeeze %dma_start3A_319 : memref<1x1x64x128xf32, #tpu.memory_space<vmem>> -> memref<64x128xf32, #tpu.memory_space<vmem>>
    %dma_start3A_321 = arith.constant 0 : i32
    %dma_start3A_322 = tpu.memref_slice %arg2[%dma_start3A_321, %multiple_of3A_308] : memref<64x1000000xf32, #tpu.memory_space<hbm>> -> memref<64x128xf32, #tpu.memory_space<hbm>>
    tpu.enqueue_dma source(%dma_start3A_322 : memref<64x128xf32, #tpu.memory_space<hbm>>) target(%dma_start3A_320 : memref<64x128xf32, #tpu.memory_space<vmem>>) target_semaphore(%arg14 : memref<!tpu.dma_semaphore, #tpu.memory_space<semaphore_mem>>)
    %scan3A = arith.constant 0 : i32
    %scan3A_323 = arith.constant 0 : i32
    %scan3A_324 = arith.constant 37 : i32
    %scan3A_325 = arith.addi %scan3A_323, %scan3A_324 : i32
    %scan3A_326 = arith.constant 1 : i32
    %scan3A_327 = scf.for %scan3A_552 = %scan3A_323 to %scan3A_325 step %scan3A_326 iter_args(%scan3A_553 = %scan3A) -> (i32)  : i32 {
      %mul3A_554 = arith.constant 7 : i32
      %mul3A_555 = arith.muli %mul3A_554, %scan3A_552 : i32
      %add3A_556 = arith.constant 0 : i32
      %add3A_557 = arith.addi %mul3A_555, %add3A_556 : i32
      %dma_wait3A_558 = arith.constant 0 : i32
      %dma_wait3A_559 = arith.constant 0 : i32
      %dma_wait3A_560 = arith.constant 0 : i32
      %dma_wait3A_561 = arith.constant 0 : i32
      %dma_wait3A_562 = tpu.memref_slice %arg6[%dma_wait3A_558, %dma_wait3A_559, %dma_wait3A_560, %dma_wait3A_561] : memref<7x2x64x128xf32, #tpu.memory_space<vmem>> -> memref<1x1x64x128xf32, #tpu.memory_space<vmem>>
      %dma_wait3A_563 = tpu.memref_squeeze %dma_wait3A_562 : memref<1x1x64x128xf32, #tpu.memory_space<vmem>> -> memref<64x128xf32, #tpu.memory_space<vmem>>
      %dma_wait3A_564 = arith.constant 0 : i32
      %dma_wait3A_565 = arith.constant 0 : i32
      %dma_wait3A_566 = tpu.memref_slice %arg2[%dma_wait3A_564, %dma_wait3A_565] : memref<64x1000000xf32, #tpu.memory_space<hbm>> -> memref<64x128xf32, #tpu.memory_space<hbm>>
      %dma_wait3A_567 = arith.constant 0 : i32
      %dma_wait3A_568 = arith.constant 0 : i32
      %dma_wait3A_569 = tpu.memref_slice %arg6[%dma_wait3A_558, %dma_wait3A_559, %dma_wait3A_567, %dma_wait3A_568] : memref<7x2x64x128xf32, #tpu.memory_space<vmem>> -> memref<1x1x64x128xf32, #tpu.memory_space<vmem>>
      %dma_wait3A_570 = tpu.memref_squeeze %dma_wait3A_569 : memref<1x1x64x128xf32, #tpu.memory_space<vmem>> -> memref<64x128xf32, #tpu.memory_space<vmem>>
      %dma_wait3A_571 = arith.constant 0 : i32
      %dma_wait3A_572 = arith.constant 0 : i32
      %dma_wait3A_573 = tpu.memref_slice %arg2[%dma_wait3A_571, %dma_wait3A_572] : memref<64x1000000xf32, #tpu.memory_space<hbm>> -> memref<64x128xf32, #tpu.memory_space<hbm>>
      tpu.wait_dma2 semaphore(%arg8 : memref<!tpu.dma_semaphore, #tpu.memory_space<semaphore_mem>>) src(%dma_wait3A_573 : memref<64x128xf32, #tpu.memory_space<hbm>>) dst(%dma_wait3A_570 : memref<64x128xf32, #tpu.memory_space<vmem>>)
      %dma_wait3A_574 = arith.constant 0 : i32
      %dma_wait3A_575 = arith.constant 1 : i32
      %dma_wait3A_576 = arith.constant 0 : i32
      %dma_wait3A_577 = arith.constant 0 : i32
      %dma_wait3A_578 = tpu.memref_slice %arg6[%dma_wait3A_574, %dma_wait3A_575, %dma_wait3A_576, %dma_wait3A_577] : memref<7x2x64x128xf32, #tpu.memory_space<vmem>> -> memref<1x1x64x128xf32, #tpu.memory_space<vmem>>
      %dma_wait3A_579 = tpu.memref_squeeze %dma_wait3A_578 : memref<1x1x64x128xf32, #tpu.memory_space<vmem>> -> memref<64x128xf32, #tpu.memory_space<vmem>>
      %dma_wait3A_580 = arith.constant 0 : i32
      %dma_wait3A_581 = arith.constant 0 : i32
      %dma_wait3A_582 = tpu.memref_slice %arg2[%dma_wait3A_580, %dma_wait3A_581] : memref<64x1000000xf32, #tpu.memory_space<hbm>> -> memref<64x128xf32, #tpu.memory_space<hbm>>
      %dma_wait3A_583 = arith.constant 0 : i32
      %dma_wait3A_584 = arith.constant 0 : i32
      %dma_wait3A_585 = tpu.memref_slice %arg6[%dma_wait3A_574, %dma_wait3A_575, %dma_wait3A_583, %dma_wait3A_584] : memref<7x2x64x128xf32, #tpu.memory_space<vmem>> -> memref<1x1x64x128xf32, #tpu.memory_space<vmem>>
      %dma_wait3A_586 = tpu.memref_squeeze %dma_wait3A_585 : memref<1x1x64x128xf32, #tpu.memory_space<vmem>> -> memref<64x128xf32, #tpu.memory_space<vmem>>
      %dma_wait3A_587 = arith.constant 0 : i32
      %dma_wait3A_588 = arith.constant 0 : i32
      %dma_wait3A_589 = tpu.memref_slice %arg2[%dma_wait3A_587, %dma_wait3A_588] : memref<64x1000000xf32, #tpu.memory_space<hbm>> -> memref<64x128xf32, #tpu.memory_space<hbm>>
      tpu.wait_dma2 semaphore(%arg8 : memref<!tpu.dma_semaphore, #tpu.memory_space<semaphore_mem>>) src(%dma_wait3A_589 : memref<64x128xf32, #tpu.memory_space<hbm>>) dst(%dma_wait3A_586 : memref<64x128xf32, #tpu.memory_space<vmem>>)
      %rem3A = arith.constant 256 : i32
      %rem3A_590 = arith.remsi %add3A_557, %rem3A : i32
      %mul3A_591 = arith.constant 2 : i32
      %mul3A_592 = arith.muli %rem3A_590, %mul3A_591 : i32
      %get3A_593 = arith.index_cast %mul3A_592 : i32 to index
      %get3A_594 = tpu.vector_load %arg5[%get3A_593] {strides = array<i32>} : memref<528xi32, #tpu.memory_space<vmem>>, vector<16xi32>,
      %and3A_595 = arith.constant 127 : i32
      %and3A_596 = vector.broadcast %and3A_595 : i32 to vector<16xi32>
      %and3A_597 = arith.andi %get3A_594, %and3A_596 : vector<16xi32>
      %rem3A_598 = arith.constant 64 : i32
      %rem3A_599 = arith.remsi %rem3A_590, %rem3A_598 : i32
      %mul3A_600 = arith.constant 2 : i32
      %mul3A_601 = arith.muli %rem3A_599, %mul3A_600 : i32
      %broadcast_in_dim3A = vector.broadcast %mul3A_601 : i32 to vector<16xi32>
      %broadcast_in_dim3A_602 = arith.constant 0 : i32
      %broadcast_in_dim3A_603 = vector.broadcast %broadcast_in_dim3A_602 : i32 to vector<16xi32>
      %broadcast_in_dim3A_604 = vector.shape_cast %broadcast_in_dim3A_603 : vector<16xi32> to vector<16x1xi32>
      %gather3A = vector.shape_cast %broadcast_in_dim3A_604 : vector<16x1xi32> to vector<16xi32>
      %gather3A_605 = tpu.dynamic_gather %and3A_597[%gather3A] in [0] : vector<16xi32>, vector<16xi32> -> vector<16xi32>
      %gather3A_606 = arith.constant 0 : i32
      %gather3A_607 = arith.constant 0 : i32
      %gather3A_608 = arith.constant 0 : i32
      %gather3A_609 = arith.constant 0 : i32
      %gather3A_610 = tpu.memref_slice %arg6[%gather3A_606, %gather3A_607, %gather3A_608, %gather3A_609] : memref<7x2x64x128xf32, #tpu.memory_space<vmem>> -> memref<1x1x64x128xf32, #tpu.memory_space<vmem>>
      %gather3A_611 = tpu.memref_squeeze %gather3A_610 : memref<1x1x64x128xf32, #tpu.memory_space<vmem>> -> memref<64x128xf32, #tpu.memory_space<vmem>>
      %gather3A_612 = tpu.vector_load_idx %gather3A_611[%add3A_5, %gather3A_605] : memref<64x128xf32, #tpu.memory_space<vmem>>[vector<16xi32>, vector<16xi32>], vector<16xf32>,
      %gather3A_613 = arith.constant 0 : i32
      %gather3A_614 = arith.constant 0 : i32
      %gather3A_615 = arith.constant 0 : i32
      %gather3A_616 = arith.constant 0 : i32
      %gather3A_617 = tpu.memref_slice %arg6[%gather3A_613, %gather3A_614, %gather3A_615, %gather3A_616] : memref<7x2x64x128xf32, #tpu.memory_space<vmem>> -> memref<1x1x64x128xf32, #tpu.memory_space<vmem>>
      %gather3A_618 = tpu.memref_squeeze %gather3A_617 : memref<1x1x64x128xf32, #tpu.memory_space<vmem>> -> memref<64x128xf32, #tpu.memory_space<vmem>>
      %gather3A_619 = tpu.vector_load_idx %gather3A_618[%add3A_8, %gather3A_605] : memref<64x128xf32, #tpu.memory_space<vmem>>[vector<16xi32>, vector<16xi32>], vector<16xf32>,
      %gather3A_620 = arith.constant 0 : i32
      %gather3A_621 = arith.constant 0 : i32
      %gather3A_622 = arith.constant 0 : i32
      %gather3A_623 = arith.constant 0 : i32
      %gather3A_624 = tpu.memref_slice %arg6[%gather3A_620, %gather3A_621, %gather3A_622, %gather3A_623] : memref<7x2x64x128xf32, #tpu.memory_space<vmem>> -> memref<1x1x64x128xf32, #tpu.memory_space<vmem>>
      %gather3A_625 = tpu.memref_squeeze %gather3A_624 : memref<1x1x64x128xf32, #tpu.memory_space<vmem>> -> memref<64x128xf32, #tpu.memory_space<vmem>>
      %gather3A_626 = tpu.vector_load_idx %gather3A_625[%add3A_11, %gather3A_605] : memref<64x128xf32, #tpu.memory_space<vmem>>[vector<16xi32>, vector<16xi32>], vector<16xf32>,
      %gather3A_627 = arith.constant 0 : i32
      %gather3A_628 = arith.constant 0 : i32
      %gather3A_629 = arith.constant 0 : i32
      %gather3A_630 = arith.constant 0 : i32
      %gather3A_631 = tpu.memref_slice %arg6[%gather3A_627, %gather3A_628, %gather3A_629, %gather3A_630] : memref<7x2x64x128xf32, #tpu.memory_space<vmem>> -> memref<1x1x64x128xf32, #tpu.memory_space<vmem>>
      %gather3A_632 = tpu.memref_squeeze %gather3A_631 : memref<1x1x64x128xf32, #tpu.memory_space<vmem>> -> memref<64x128xf32, #tpu.memory_space<vmem>>
      %gather3A_633 = tpu.vector_load_idx %gather3A_632[%add3A_14, %gather3A_605] : memref<64x128xf32, #tpu.memory_space<vmem>>[vector<16xi32>, vector<16xi32>], vector<16xf32>,
      %mul3A_634 = arith.mulf %gather3A_612, %gather3A_612 : vector<16xf32>
      %mul3A_635 = arith.mulf %gather3A_619, %gather3A_619 : vector<16xf32>
      %add3A_636 = arith.addf %mul3A_634, %mul3A_635 : vector<16xf32>
      %mul3A_637 = arith.mulf %gather3A_626, %gather3A_626 : vector<16xf32>
      %add3A_638 = arith.addf %add3A_636, %mul3A_637 : vector<16xf32>
      %mul3A_639 = arith.mulf %gather3A_633, %gather3A_633 : vector<16xf32>
      %add3A_640 = arith.addf %add3A_638, %mul3A_639 : vector<16xf32>
      %xor3A = arith.constant 8 : i32
      %xor3A_641 = vector.broadcast %xor3A : i32 to vector<16xi32>
      %xor3A_642 = arith.xori %iota3A, %xor3A_641 : vector<16xi32>
      %broadcast_in_dim3A_643 = vector.shape_cast %xor3A_642 : vector<16xi32> to vector<16x1xi32>
      %gather3A_644 = vector.shape_cast %broadcast_in_dim3A_643 : vector<16x1xi32> to vector<16xi32>
      %gather3A_645 = tpu.dynamic_gather %add3A_640[%gather3A_644] in [0] : vector<16xf32>, vector<16xi32> -> vector<16xf32>
      %add3A_646 = arith.addf %add3A_640, %gather3A_645 : vector<16xf32>
      %xor3A_647 = arith.constant 4 : i32
      %xor3A_648 = vector.broadcast %xor3A_647 : i32 to vector<16xi32>
      %xor3A_649 = arith.xori %iota3A, %xor3A_648 : vector<16xi32>
      %broadcast_in_dim3A_650 = vector.shape_cast %xor3A_649 : vector<16xi32> to vector<16x1xi32>
      %gather3A_651 = vector.shape_cast %broadcast_in_dim3A_650 : vector<16x1xi32> to vector<16xi32>
      %gather3A_652 = tpu.dynamic_gather %add3A_646[%gather3A_651] in [0] : vector<16xf32>, vector<16xi32> -> vector<16xf32>
      %add3A_653 = arith.addf %add3A_646, %gather3A_652 : vector<16xf32>
      %xor3A_654 = arith.constant 2 : i32
      %xor3A_655 = vector.broadcast %xor3A_654 : i32 to vector<16xi32>
      %xor3A_656 = arith.xori %iota3A, %xor3A_655 : vector<16xi32>
      %broadcast_in_dim3A_657 = vector.shape_cast %xor3A_656 : vector<16xi32> to vector<16x1xi32>
      %gather3A_658 = vector.shape_cast %broadcast_in_dim3A_657 : vector<16x1xi32> to vector<16xi32>
      %gather3A_659 = tpu.dynamic_gather %add3A_653[%gather3A_658] in [0] : vector<16xf32>, vector<16xi32> -> vector<16xf32>
      %add3A_660 = arith.addf %add3A_653, %gather3A_659 : vector<16xf32>
      %xor3A_661 = arith.constant 1 : i32
      %xor3A_662 = vector.broadcast %xor3A_661 : i32 to vector<16xi32>
      %xor3A_663 = arith.xori %iota3A, %xor3A_662 : vector<16xi32>
      %broadcast_in_dim3A_664 = vector.shape_cast %xor3A_663 : vector<16xi32> to vector<16x1xi32>
      %gather3A_665 = vector.shape_cast %broadcast_in_dim3A_664 : vector<16x1xi32> to vector<16xi32>
      %gather3A_666 = tpu.dynamic_gather %add3A_660[%gather3A_665] in [0] : vector<16xf32>, vector<16xi32> -> vector<16xf32>
      %add3A_667 = arith.addf %add3A_660, %gather3A_666 : vector<16xf32>
      %max3A = arith.constant 1.000000e-16 : f32
      %max3A_668 = vector.broadcast %max3A : f32 to vector<16xf32>
      %max3A_669 = arith.maximumf %add3A_667, %max3A_668 : vector<16xf32>
      %bitcast_convert_type3A = tpu.bitcast %max3A_669 : vector<16xf32> -> vector<16xi32>
      %shift_right_arithmetic3A = arith.constant 1 : i32
      %shift_right_arithmetic3A_670 = vector.broadcast %shift_right_arithmetic3A : i32 to vector<16xi32>
      %shift_right_arithmetic3A_671 = arith.shrsi %bitcast_convert_type3A, %shift_right_arithmetic3A_670 : vector<16xi32>
      %sub3A_672 = arith.constant 1597463007 : i32
      %sub3A_673 = vector.broadcast %sub3A_672 : i32 to vector<16xi32>
      %sub3A_674 = arith.subi %sub3A_673, %shift_right_arithmetic3A_671 : vector<16xi32>
      %bitcast_convert_type3A_675 = tpu.bitcast %sub3A_674 : vector<16xi32> -> vector<16xf32>
      %mul3A_676 = arith.constant 5.000000e-01 : f32
      %mul3A_677 = vector.broadcast %mul3A_676 : f32 to vector<16xf32>
      %mul3A_678 = arith.mulf %max3A_669, %mul3A_677 : vector<16xf32>
      %mul3A_679 = arith.mulf %mul3A_678, %bitcast_convert_type3A_675 : vector<16xf32>
      %mul3A_680 = arith.mulf %mul3A_679, %bitcast_convert_type3A_675 : vector<16xf32>
      %sub3A_681 = arith.constant 1.500000e+00 : f32
      %sub3A_682 = vector.broadcast %sub3A_681 : f32 to vector<16xf32>
      %sub3A_683 = arith.subf %sub3A_682, %mul3A_680 : vector<16xf32>
      %mul3A_684 = arith.mulf %bitcast_convert_type3A_675, %sub3A_683 : vector<16xf32>
      %mul3A_685 = arith.mulf %mul3A_678, %mul3A_684 : vector<16xf32>
      %mul3A_686 = arith.mulf %mul3A_685, %mul3A_684 : vector<16xf32>
      %sub3A_687 = arith.constant 1.500000e+00 : f32
      %sub3A_688 = vector.broadcast %sub3A_687 : f32 to vector<16xf32>
      %sub3A_689 = arith.subf %sub3A_688, %mul3A_686 : vector<16xf32>
      %mul3A_690 = arith.mulf %mul3A_684, %sub3A_689 : vector<16xf32>
      %mul3A_691 = arith.mulf %mul3A_678, %mul3A_690 : vector<16xf32>
      %mul3A_692 = arith.mulf %mul3A_691, %mul3A_690 : vector<16xf32>
      %sub3A_693 = arith.constant 1.500000e+00 : f32
      %sub3A_694 = vector.broadcast %sub3A_693 : f32 to vector<16xf32>
      %sub3A_695 = arith.subf %sub3A_694, %mul3A_692 : vector<16xf32>
      %mul3A_696 = arith.mulf %mul3A_690, %sub3A_695 : vector<16xf32>
      %add3A_697 = arith.constant 0 : i32
      %add3A_698 = vector.broadcast %add3A_697 : i32 to vector<16xi32>
      %add3A_699 = arith.addi %broadcast_in_dim3A, %add3A_698 : vector<16xi32>
      %mul3A_700 = arith.mulf %gather3A_612, %mul3A_696 : vector<16xf32>
      tpu.vector_store_idx %arg7[%add3A_5, %add3A_699], %mul3A_700 : memref<64x128xf32, #tpu.memory_space<vmem>>[vector<16xi32>, vector<16xi32>], vector<16xf32>,
      %mul3A_701 = arith.mulf %gather3A_619, %mul3A_696 : vector<16xf32>
      tpu.vector_store_idx %arg7[%add3A_8, %add3A_699], %mul3A_701 : memref<64x128xf32, #tpu.memory_space<vmem>>[vector<16xi32>, vector<16xi32>], vector<16xf32>,
      %mul3A_702 = arith.mulf %gather3A_626, %mul3A_696 : vector<16xf32>
      tpu.vector_store_idx %arg7[%add3A_11, %add3A_699], %mul3A_702 : memref<64x128xf32, #tpu.memory_space<vmem>>[vector<16xi32>, vector<16xi32>], vector<16xf32>,
      %mul3A_703 = arith.mulf %gather3A_633, %mul3A_696 : vector<16xf32>
      tpu.vector_store_idx %arg7[%add3A_14, %add3A_699], %mul3A_703 : memref<64x128xf32, #tpu.memory_space<vmem>>[vector<16xi32>, vector<16xi32>], vector<16xf32>,
      %broadcast_in_dim3A_704 = arith.constant 1 : i32
      %broadcast_in_dim3A_705 = vector.broadcast %broadcast_in_dim3A_704 : i32 to vector<16xi32>
      %broadcast_in_dim3A_706 = vector.shape_cast %broadcast_in_dim3A_705 : vector<16xi32> to vector<16x1xi32>
      %gather3A_707 = vector.shape_cast %broadcast_in_dim3A_706 : vector<16x1xi32> to vector<16xi32>
      %gather3A_708 = tpu.dynamic_gather %and3A_597[%gather3A_707] in [0] : vector<16xi32>, vector<16xi32> -> vector<16xi32>
      %gather3A_709 = arith.constant 0 : i32
      %gather3A_710 = arith.constant 1 : i32
      %gather3A_711 = arith.constant 0 : i32
      %gather3A_712 = arith.constant 0 : i32
      %gather3A_713 = tpu.memref_slice %arg6[%gather3A_709, %gather3A_710, %gather3A_711, %gather3A_712] : memref<7x2x64x128xf32, #tpu.memory_space<vmem>> -> memref<1x1x64x128xf32, #tpu.memory_space<vmem>>
      %gather3A_714 = tpu.memref_squeeze %gather3A_713 : memref<1x1x64x128xf32, #tpu.memory_space<vmem>> -> memref<64x128xf32, #tpu.memory_space<vmem>>
      %gather3A_715 = tpu.vector_load_idx %gather3A_714[%add3A_5, %gather3A_708] : memref<64x128xf32, #tpu.memory_space<vmem>>[vector<16xi32>, vector<16xi32>], vector<16xf32>,
      %gather3A_716 = arith.constant 0 : i32
      %gather3A_717 = arith.constant 1 : i32
      %gather3A_718 = arith.constant 0 : i32
      %gather3A_719 = arith.constant 0 : i32
      %gather3A_720 = tpu.memref_slice %arg6[%gather3A_716, %gather3A_717, %gather3A_718, %gather3A_719] : memref<7x2x64x128xf32, #tpu.memory_space<vmem>> -> memref<1x1x64x128xf32, #tpu.memory_space<vmem>>
      %gather3A_721 = tpu.memref_squeeze %gather3A_720 : memref<1x1x64x128xf32, #tpu.memory_space<vmem>> -> memref<64x128xf32, #tpu.memory_space<vmem>>
      %gather3A_722 = tpu.vector_load_idx %gather3A_721[%add3A_8, %gather3A_708] : memref<64x128xf32, #tpu.memory_space<vmem>>[vector<16xi32>, vector<16xi32>], vector<16xf32>,
      %gather3A_723 = arith.constant 0 : i32
      %gather3A_724 = arith.constant 1 : i32
      %gather3A_725 = arith.constant 0 : i32
      %gather3A_726 = arith.constant 0 : i32
      %gather3A_727 = tpu.memref_slice %arg6[%gather3A_723, %gather3A_724, %gather3A_725, %gather3A_726] : memref<7x2x64x128xf32, #tpu.memory_space<vmem>> -> memref<1x1x64x128xf32, #tpu.memory_space<vmem>>
      %gather3A_728 = tpu.memref_squeeze %gather3A_727 : memref<1x1x64x128xf32, #tpu.memory_space<vmem>> -> memref<64x128xf32, #tpu.memory_space<vmem>>
      %gather3A_729 = tpu.vector_load_idx %gather3A_728[%add3A_11, %gather3A_708] : memref<64x128xf32, #tpu.memory_space<vmem>>[vector<16xi32>, vector<16xi32>], vector<16xf32>,
      %gather3A_730 = arith.constant 0 : i32
      %gather3A_731 = arith.constant 1 : i32
      %gather3A_732 = arith.constant 0 : i32
      %gather3A_733 = arith.constant 0 : i32
      %gather3A_734 = tpu.memref_slice %arg6[%gather3A_730, %gather3A_731, %gather3A_732, %gather3A_733] : memref<7x2x64x128xf32, #tpu.memory_space<vmem>> -> memref<1x1x64x128xf32, #tpu.memory_space<vmem>>
      %gather3A_735 = tpu.memref_squeeze %gather3A_734 : memref<1x1x64x128xf32, #tpu.memory_space<vmem>> -> memref<64x128xf32, #tpu.memory_space<vmem>>
      %gather3A_736 = tpu.vector_load_idx %gather3A_735[%add3A_14, %gather3A_708] : memref<64x128xf32, #tpu.memory_space<vmem>>[vector<16xi32>, vector<16xi32>], vector<16xf32>,
      %mul3A_737 = arith.mulf %gather3A_715, %gather3A_715 : vector<16xf32>
      %mul3A_738 = arith.mulf %gather3A_722, %gather3A_722 : vector<16xf32>
      %add3A_739 = arith.addf %mul3A_737, %mul3A_738 : vector<16xf32>
      %mul3A_740 = arith.mulf %gather3A_729, %gather3A_729 : vector<16xf32>
      %add3A_741 = arith.addf %add3A_739, %mul3A_740 : vector<16xf32>
      %mul3A_742 = arith.mulf %gather3A_736, %gather3A_736 : vector<16xf32>
      %add3A_743 = arith.addf %add3A_741, %mul3A_742 : vector<16xf32>
      %xor3A_744 = arith.constant 8 : i32
      %xor3A_745 = vector.broadcast %xor3A_744 : i32 to vector<16xi32>
      %xor3A_746 = arith.xori %iota3A, %xor3A_745 : vector<16xi32>
      %broadcast_in_dim3A_747 = vector.shape_cast %xor3A_746 : vector<16xi32> to vector<16x1xi32>
      %gather3A_748 = vector.shape_cast %broadcast_in_dim3A_747 : vector<16x1xi32> to vector<16xi32>
      %gather3A_749 = tpu.dynamic_gather %add3A_743[%gather3A_748] in [0] : vector<16xf32>, vector<16xi32> -> vector<16xf32>
      %add3A_750 = arith.addf %add3A_743, %gather3A_749 : vector<16xf32>
      %xor3A_751 = arith.constant 4 : i32
      %xor3A_752 = vector.broadcast %xor3A_751 : i32 to vector<16xi32>
      %xor3A_753 = arith.xori %iota3A, %xor3A_752 : vector<16xi32>
      %broadcast_in_dim3A_754 = vector.shape_cast %xor3A_753 : vector<16xi32> to vector<16x1xi32>
      %gather3A_755 = vector.shape_cast %broadcast_in_dim3A_754 : vector<16x1xi32> to vector<16xi32>
      %gather3A_756 = tpu.dynamic_gather %add3A_750[%gather3A_755] in [0] : vector<16xf32>, vector<16xi32> -> vector<16xf32>
      %add3A_757 = arith.addf %add3A_750, %gather3A_756 : vector<16xf32>
      %xor3A_758 = arith.constant 2 : i32
      %xor3A_759 = vector.broadcast %xor3A_758 : i32 to vector<16xi32>
      %xor3A_760 = arith.xori %iota3A, %xor3A_759 : vector<16xi32>
      %broadcast_in_dim3A_761 = vector.shape_cast %xor3A_760 : vector<16xi32> to vector<16x1xi32>
      %gather3A_762 = vector.shape_cast %broadcast_in_dim3A_761 : vector<16x1xi32> to vector<16xi32>
      %gather3A_763 = tpu.dynamic_gather %add3A_757[%gather3A_762] in [0] : vector<16xf32>, vector<16xi32> -> vector<16xf32>
      %add3A_764 = arith.addf %add3A_757, %gather3A_763 : vector<16xf32>
      %xor3A_765 = arith.constant 1 : i32
      %xor3A_766 = vector.broadcast %xor3A_765 : i32 to vector<16xi32>
      %xor3A_767 = arith.xori %iota3A, %xor3A_766 : vector<16xi32>
      %broadcast_in_dim3A_768 = vector.shape_cast %xor3A_767 : vector<16xi32> to vector<16x1xi32>
      %gather3A_769 = vector.shape_cast %broadcast_in_dim3A_768 : vector<16x1xi32> to vector<16xi32>
      %gather3A_770 = tpu.dynamic_gather %add3A_764[%gather3A_769] in [0] : vector<16xf32>, vector<16xi32> -> vector<16xf32>
      %add3A_771 = arith.addf %add3A_764, %gather3A_770 : vector<16xf32>
      %max3A_772 = arith.constant 1.000000e-16 : f32
      %max3A_773 = vector.broadcast %max3A_772 : f32 to vector<16xf32>
      %max3A_774 = arith.maximumf %add3A_771, %max3A_773 : vector<16xf32>
      %bitcast_convert_type3A_775 = tpu.bitcast %max3A_774 : vector<16xf32> -> vector<16xi32>
      %shift_right_arithmetic3A_776 = arith.constant 1 : i32
      %shift_right_arithmetic3A_777 = vector.broadcast %shift_right_arithmetic3A_776 : i32 to vector<16xi32>
      %shift_right_arithmetic3A_778 = arith.shrsi %bitcast_convert_type3A_775, %shift_right_arithmetic3A_777 : vector<16xi32>
      %sub3A_779 = arith.constant 1597463007 : i32
      %sub3A_780 = vector.broadcast %sub3A_779 : i32 to vector<16xi32>
      %sub3A_781 = arith.subi %sub3A_780, %shift_right_arithmetic3A_778 : vector<16xi32>
      %bitcast_convert_type3A_782 = tpu.bitcast %sub3A_781 : vector<16xi32> -> vector<16xf32>
      %mul3A_783 = arith.constant 5.000000e-01 : f32
      %mul3A_784 = vector.broadcast %mul3A_783 : f32 to vector<16xf32>
      %mul3A_785 = arith.mulf %max3A_774, %mul3A_784 : vector<16xf32>
      %mul3A_786 = arith.mulf %mul3A_785, %bitcast_convert_type3A_782 : vector<16xf32>
      %mul3A_787 = arith.mulf %mul3A_786, %bitcast_convert_type3A_782 : vector<16xf32>
      %sub3A_788 = arith.constant 1.500000e+00 : f32
      %sub3A_789 = vector.broadcast %sub3A_788 : f32 to vector<16xf32>
      %sub3A_790 = arith.subf %sub3A_789, %mul3A_787 : vector<16xf32>
      %mul3A_791 = arith.mulf %bitcast_convert_type3A_782, %sub3A_790 : vector<16xf32>
      %mul3A_792 = arith.mulf %mul3A_785, %mul3A_791 : vector<16xf32>
      %mul3A_793 = arith.mulf %mul3A_792, %mul3A_791 : vector<16xf32>
      %sub3A_794 = arith.constant 1.500000e+00 : f32
      %sub3A_795 = vector.broadcast %sub3A_794 : f32 to vector<16xf32>
      %sub3A_796 = arith.subf %sub3A_795, %mul3A_793 : vector<16xf32>
      %mul3A_797 = arith.mulf %mul3A_791, %sub3A_796 : vector<16xf32>
      %mul3A_798 = arith.mulf %mul3A_785, %mul3A_797 : vector<16xf32>
      %mul3A_799 = arith.mulf %mul3A_798, %mul3A_797 : vector<16xf32>
      %sub3A_800 = arith.constant 1.500000e+00 : f32
      %sub3A_801 = vector.broadcast %sub3A_800 : f32 to vector<16xf32>
      %sub3A_802 = arith.subf %sub3A_801, %mul3A_799 : vector<16xf32>
      %mul3A_803 = arith.mulf %mul3A_797, %sub3A_802 : vector<16xf32>
      %add3A_804 = arith.constant 1 : i32
      %add3A_805 = vector.broadcast %add3A_804 : i32 to vector<16xi32>
      %add3A_806 = arith.addi %broadcast_in_dim3A, %add3A_805 : vector<16xi32>
      %mul3A_807 = arith.mulf %gather3A_715, %mul3A_803 : vector<16xf32>
      tpu.vector_store_idx %arg7[%add3A_5, %add3A_806], %mul3A_807 : memref<64x128xf32, #tpu.memory_space<vmem>>[vector<16xi32>, vector<16xi32>], vector<16xf32>,
      %mul3A_808 = arith.mulf %gather3A_722, %mul3A_803 : vector<16xf32>
      tpu.vector_store_idx %arg7[%add3A_8, %add3A_806], %mul3A_808 : memref<64x128xf32, #tpu.memory_space<vmem>>[vector<16xi32>, vector<16xi32>], vector<16xf32>,
      %mul3A_809 = arith.mulf %gather3A_729, %mul3A_803 : vector<16xf32>
      tpu.vector_store_idx %arg7[%add3A_11, %add3A_806], %mul3A_809 : memref<64x128xf32, #tpu.memory_space<vmem>>[vector<16xi32>, vector<16xi32>], vector<16xf32>,
      %mul3A_810 = arith.mulf %gather3A_736, %mul3A_803 : vector<16xf32>
      tpu.vector_store_idx %arg7[%add3A_14, %add3A_806], %mul3A_810 : memref<64x128xf32, #tpu.memory_space<vmem>>[vector<16xi32>, vector<16xi32>], vector<16xf32>,
      %rem3A_811 = arith.constant 64 : i32
      %rem3A_812 = arith.remsi %rem3A_590, %rem3A_811 : i32
      %eq3A = arith.constant 63 : i32
      %eq3A_813 = arith.cmpi eq, %rem3A_812, %eq3A : i32
      %convert_element_type3A = arith.extui %eq3A_813 : i1 to i32
      %cond3A = arith.constant 0 : i32
      %cond3A_814 = arith.cmpi ne, %convert_element_type3A, %cond3A : i32
      scf.if %cond3A_814 {
        %div3A = arith.constant 64 : i32
        %div3A_2778 = arith.divsi %rem3A_590, %div3A : i32
        %mul3A_2779 = arith.constant 128 : i32
        %mul3A_2780 = arith.muli %div3A_2778, %mul3A_2779 : i32
        %add3A_2781 = arith.addi %mul3A_2, %mul3A_2780 : i32
        "tpu.region"() ({
          %run_scoped3A = tpu.sem_alloc : memref<!tpu.dma_semaphore, #tpu.memory_space<semaphore_mem>>
          %dma_start3A_2782 = arith.constant 0 : i32
          %dma_start3A_2783 = tpu.memref_slice %arg4[%dma_start3A_2782, %add3A_2781] : memref<64x16384xf32, #tpu.memory_space<hbm>> -> memref<64x128xf32, #tpu.memory_space<hbm>>
          %dma_start3A_2784 = arith.constant 0 : i32
          %dma_start3A_2785 = tpu.memref_slice %arg4[%dma_start3A_2784, %add3A_2781] : memref<64x16384xf32, #tpu.memory_space<hbm>> -> memref<64x128xf32, #tpu.memory_space<hbm>>
          tpu.enqueue_dma source(%arg7 : memref<64x128xf32, #tpu.memory_space<vmem>>) target(%dma_start3A_2785 : memref<64x128xf32, #tpu.memory_space<hbm>>) target_semaphore(%run_scoped3A : memref<!tpu.dma_semaphore, #tpu.memory_space<semaphore_mem>>)
          %dma_wait3A_2786 = arith.constant 0 : i32
          %dma_wait3A_2787 = tpu.memref_slice %arg4[%dma_wait3A_2786, %add3A_2781] : memref<64x16384xf32, #tpu.memory_space<hbm>> -> memref<64x128xf32, #tpu.memory_space<hbm>>
          %dma_wait3A_2788 = arith.constant 0 : i32
          %dma_wait3A_2789 = tpu.memref_slice %arg4[%dma_wait3A_2788, %add3A_2781] : memref<64x16384xf32, #tpu.memory_space<hbm>> -> memref<64x128xf32, #tpu.memory_space<hbm>>
          tpu.wait_dma2 semaphore(%run_scoped3A : memref<!tpu.dma_semaphore, #tpu.memory_space<semaphore_mem>>) src(%arg7 : memref<64x128xf32, #tpu.memory_space<vmem>>) dst(%dma_wait3A_2789 : memref<64x128xf32, #tpu.memory_space<hbm>>)
          tpu.yield
        }) : () -> ()
      } else {
      }
      %add3A_815 = arith.constant 7 : i32
      %add3A_816 = arith.addi %add3A_557, %add3A_815 : i32
      %rem3A_817 = arith.constant 256 : i32
      %rem3A_818 = arith.remsi %add3A_816, %rem3A_817 : i32
      %mul3A_819 = arith.constant 2 : i32
      %mul3A_820 = arith.muli %rem3A_818, %mul3A_819 : i32
      %get3A_821 = arith.index_cast %mul3A_820 : i32 to index
      %get3A_822 = tpu.vector_load %arg5[%get3A_821] {strides = array<i32>} : memref<528xi32, #tpu.memory_space<vmem>>, vector<16xi32>,
      %slice3A_823 = vector.extract_strided_slice %get3A_822 {offsets = [0], sizes = [1], strides = [1]} : vector<16xi32> to vector<1xi32>
      %squeeze3A_824 = vector.extract %slice3A_823[0] : i32 from vector<1xi32>
      %and3A_825 = arith.constant 127 : i32
      %and3A_826 = arith.andi %squeeze3A_824, %and3A_825 : i32
      %sub3A_827 = arith.subi %squeeze3A_824, %and3A_826 : i32
      %multiple_of3A_828 = tpu.assume_multiple %sub3A_827, 128 : i32
      %dma_start3A_829 = arith.constant 0 : i32
      %dma_start3A_830 = arith.constant 0 : i32
      %dma_start3A_831 = arith.constant 0 : i32
      %dma_start3A_832 = arith.constant 0 : i32
      %dma_start3A_833 = tpu.memref_slice %arg6[%dma_start3A_829, %dma_start3A_830, %dma_start3A_831, %dma_start3A_832] : memref<7x2x64x128xf32, #tpu.memory_space<vmem>> -> memref<1x1x64x128xf32, #tpu.memory_space<vmem>>
      %dma_start3A_834 = tpu.memref_squeeze %dma_start3A_833 : memref<1x1x64x128xf32, #tpu.memory_space<vmem>> -> memref<64x128xf32, #tpu.memory_space<vmem>>
      %dma_start3A_835 = arith.constant 0 : i32
      %dma_start3A_836 = tpu.memref_slice %arg2[%dma_start3A_835, %multiple_of3A_828] : memref<64x1000000xf32, #tpu.memory_space<hbm>> -> memref<64x128xf32, #tpu.memory_space<hbm>>
      %dma_start3A_837 = arith.constant 0 : i32
      %dma_start3A_838 = arith.constant 0 : i32
      %dma_start3A_839 = tpu.memref_slice %arg6[%dma_start3A_829, %dma_start3A_830, %dma_start3A_837, %dma_start3A_838] : memref<7x2x64x128xf32, #tpu.memory_space<vmem>> -> memref<1x1x64x128xf32, #tpu.memory_space<vmem>>
      %dma_start3A_840 = tpu.memref_squeeze %dma_start3A_839 : memref<1x1x64x128xf32, #tpu.memory_space<vmem>> -> memref<64x128xf32, #tpu.memory_space<vmem>>
      %dma_start3A_841 = arith.constant 0 : i32
      %dma_start3A_842 = tpu.memref_slice %arg2[%dma_start3A_841, %multiple_of3A_828] : memref<64x1000000xf32, #tpu.memory_space<hbm>> -> memref<64x128xf32, #tpu.memory_space<hbm>>
      tpu.enqueue_dma source(%dma_start3A_842 : memref<64x128xf32, #tpu.memory_space<hbm>>) target(%dma_start3A_840 : memref<64x128xf32, #tpu.memory_space<vmem>>) target_semaphore(%arg8 : memref<!tpu.dma_semaphore, #tpu.memory_space<semaphore_mem>>)
      %slice3A_843 = vector.extract_strided_slice %get3A_822 {offsets = [1], sizes = [1], strides = [1]} : vector<16xi32> to vector<1xi32>
      %squeeze3A_844 = vector.extract %slice3A_843[0] : i32 from vector<1xi32>
      %and3A_845 = arith.constant 127 : i32
      %and3A_846 = arith.andi %squeeze3A_844, %and3A_845 : i32
      %sub3A_847 = arith.subi %squeeze3A_844, %and3A_846 : i32
      %multiple_of3A_848 = tpu.assume_multiple %sub3A_847, 128 : i32
      %dma_start3A_849 = arith.constant 0 : i32
      %dma_start3A_850 = arith.constant 1 : i32
      %dma_start3A_851 = arith.constant 0 : i32
      %dma_start3A_852 = arith.constant 0 : i32
      %dma_start3A_853 = tpu.memref_slice %arg6[%dma_start3A_849, %dma_start3A_850, %dma_start3A_851, %dma_start3A_852] : memref<7x2x64x128xf32, #tpu.memory_space<vmem>> -> memref<1x1x64x128xf32, #tpu.memory_space<vmem>>
      %dma_start3A_854 = tpu.memref_squeeze %dma_start3A_853 : memref<1x1x64x128xf32, #tpu.memory_space<vmem>> -> memref<64x128xf32, #tpu.memory_space<vmem>>
      %dma_start3A_855 = arith.constant 0 : i32
      %dma_start3A_856 = tpu.memref_slice %arg2[%dma_start3A_855, %multiple_of3A_848] : memref<64x1000000xf32, #tpu.memory_space<hbm>> -> memref<64x128xf32, #tpu.memory_space<hbm>>
      %dma_start3A_857 = arith.constant 0 : i32
      %dma_start3A_858 = arith.constant 0 : i32
      %dma_start3A_859 = tpu.memref_slice %arg6[%dma_start3A_849, %dma_start3A_850, %dma_start3A_857, %dma_start3A_858] : memref<7x2x64x128xf32, #tpu.memory_space<vmem>> -> memref<1x1x64x128xf32, #tpu.memory_space<vmem>>
      %dma_start3A_860 = tpu.memref_squeeze %dma_start3A_859 : memref<1x1x64x128xf32, #tpu.memory_space<vmem>> -> memref<64x128xf32, #tpu.memory_space<vmem>>
      %dma_start3A_861 = arith.constant 0 : i32
      %dma_start3A_862 = tpu.memref_slice %arg2[%dma_start3A_861, %multiple_of3A_848] : memref<64x1000000xf32, #tpu.memory_space<hbm>> -> memref<64x128xf32, #tpu.memory_space<hbm>>
      tpu.enqueue_dma source(%dma_start3A_862 : memref<64x128xf32, #tpu.memory_space<hbm>>) target(%dma_start3A_860 : memref<64x128xf32, #tpu.memory_space<vmem>>) target_semaphore(%arg8 : memref<!tpu.dma_semaphore, #tpu.memory_space<semaphore_mem>>)
      %mul3A_863 = arith.constant 7 : i32
      %mul3A_864 = arith.muli %mul3A_863, %scan3A_552 : i32
      %add3A_865 = arith.constant 1 : i32
      %add3A_866 = arith.addi %mul3A_864, %add3A_865 : i32
      %dma_wait3A_867 = arith.constant 1 : i32
      %dma_wait3A_868 = arith.constant 0 : i32
      %dma_wait3A_869 = arith.constant 0 : i32
      %dma_wait3A_870 = arith.constant 0 : i32
      %dma_wait3A_871 = tpu.memref_slice %arg6[%dma_wait3A_867, %dma_wait3A_868, %dma_wait3A_869, %dma_wait3A_870] : memref<7x2x64x128xf32, #tpu.memory_space<vmem>> -> memref<1x1x64x128xf32, #tpu.memory_space<vmem>>
      %dma_wait3A_872 = tpu.memref_squeeze %dma_wait3A_871 : memref<1x1x64x128xf32, #tpu.memory_space<vmem>> -> memref<64x128xf32, #tpu.memory_space<vmem>>
      %dma_wait3A_873 = arith.constant 0 : i32
      %dma_wait3A_874 = arith.constant 0 : i32
      %dma_wait3A_875 = tpu.memref_slice %arg2[%dma_wait3A_873, %dma_wait3A_874] : memref<64x1000000xf32, #tpu.memory_space<hbm>> -> memref<64x128xf32, #tpu.memory_space<hbm>>
      %dma_wait3A_876 = arith.constant 0 : i32
      %dma_wait3A_877 = arith.constant 0 : i32
      %dma_wait3A_878 = tpu.memref_slice %arg6[%dma_wait3A_867, %dma_wait3A_868, %dma_wait3A_876, %dma_wait3A_877] : memref<7x2x64x128xf32, #tpu.memory_space<vmem>> -> memref<1x1x64x128xf32, #tpu.memory_space<vmem>>
      %dma_wait3A_879 = tpu.memref_squeeze %dma_wait3A_878 : memref<1x1x64x128xf32, #tpu.memory_space<vmem>> -> memref<64x128xf32, #tpu.memory_space<vmem>>
      %dma_wait3A_880 = arith.constant 0 : i32
      %dma_wait3A_881 = arith.constant 0 : i32
      %dma_wait3A_882 = tpu.memref_slice %arg2[%dma_wait3A_880, %dma_wait3A_881] : memref<64x1000000xf32, #tpu.memory_space<hbm>> -> memref<64x128xf32, #tpu.memory_space<hbm>>
      tpu.wait_dma2 semaphore(%arg9 : memref<!tpu.dma_semaphore, #tpu.memory_space<semaphore_mem>>) src(%dma_wait3A_882 : memref<64x128xf32, #tpu.memory_space<hbm>>) dst(%dma_wait3A_879 : memref<64x128xf32, #tpu.memory_space<vmem>>)
      %dma_wait3A_883 = arith.constant 1 : i32
      %dma_wait3A_884 = arith.constant 1 : i32
      %dma_wait3A_885 = arith.constant 0 : i32
      %dma_wait3A_886 = arith.constant 0 : i32
      %dma_wait3A_887 = tpu.memref_slice %arg6[%dma_wait3A_883, %dma_wait3A_884, %dma_wait3A_885, %dma_wait3A_886] : memref<7x2x64x128xf32, #tpu.memory_space<vmem>> -> memref<1x1x64x128xf32, #tpu.memory_space<vmem>>
      %dma_wait3A_888 = tpu.memref_squeeze %dma_wait3A_887 : memref<1x1x64x128xf32, #tpu.memory_space<vmem>> -> memref<64x128xf32, #tpu.memory_space<vmem>>
      %dma_wait3A_889 = arith.constant 0 : i32
      %dma_wait3A_890 = arith.constant 0 : i32
      %dma_wait3A_891 = tpu.memref_slice %arg2[%dma_wait3A_889, %dma_wait3A_890] : memref<64x1000000xf32, #tpu.memory_space<hbm>> -> memref<64x128xf32, #tpu.memory_space<hbm>>
      %dma_wait3A_892 = arith.constant 0 : i32
      %dma_wait3A_893 = arith.constant 0 : i32
      %dma_wait3A_894 = tpu.memref_slice %arg6[%dma_wait3A_883, %dma_wait3A_884, %dma_wait3A_892, %dma_wait3A_893] : memref<7x2x64x128xf32, #tpu.memory_space<vmem>> -> memref<1x1x64x128xf32, #tpu.memory_space<vmem>>
      %dma_wait3A_895 = tpu.memref_squeeze %dma_wait3A_894 : memref<1x1x64x128xf32, #tpu.memory_space<vmem>> -> memref<64x128xf32, #tpu.memory_space<vmem>>
      %dma_wait3A_896 = arith.constant 0 : i32
      %dma_wait3A_897 = arith.constant 0 : i32
      %dma_wait3A_898 = tpu.memref_slice %arg2[%dma_wait3A_896, %dma_wait3A_897] : memref<64x1000000xf32, #tpu.memory_space<hbm>> -> memref<64x128xf32, #tpu.memory_space<hbm>>
      tpu.wait_dma2 semaphore(%arg9 : memref<!tpu.dma_semaphore, #tpu.memory_space<semaphore_mem>>) src(%dma_wait3A_898 : memref<64x128xf32, #tpu.memory_space<hbm>>) dst(%dma_wait3A_895 : memref<64x128xf32, #tpu.memory_space<vmem>>)
      %rem3A_899 = arith.constant 256 : i32
      %rem3A_900 = arith.remsi %add3A_866, %rem3A_899 : i32
      %mul3A_901 = arith.constant 2 : i32
      %mul3A_902 = arith.muli %rem3A_900, %mul3A_901 : i32
      %get3A_903 = arith.index_cast %mul3A_902 : i32 to index
      %get3A_904 = tpu.vector_load %arg5[%get3A_903] {strides = array<i32>} : memref<528xi32, #tpu.memory_space<vmem>>, vector<16xi32>,
      %and3A_905 = arith.constant 127 : i32
      %and3A_906 = vector.broadcast %and3A_905 : i32 to vector<16xi32>
      %and3A_907 = arith.andi %get3A_904, %and3A_906 : vector<16xi32>
      %rem3A_908 = arith.constant 64 : i32
      %rem3A_909 = arith.remsi %rem3A_900, %rem3A_908 : i32
      %mul3A_910 = arith.constant 2 : i32
      %mul3A_911 = arith.muli %rem3A_909, %mul3A_910 : i32
      %broadcast_in_dim3A_912 = vector.broadcast %mul3A_911 : i32 to vector<16xi32>
      %broadcast_in_dim3A_913 = arith.constant 0 : i32
      %broadcast_in_dim3A_914 = vector.broadcast %broadcast_in_dim3A_913 : i32 to vector<16xi32>
      %broadcast_in_dim3A_915 = vector.shape_cast %broadcast_in_dim3A_914 : vector<16xi32> to vector<16x1xi32>
      %gather3A_916 = vector.shape_cast %broadcast_in_dim3A_915 : vector<16x1xi32> to vector<16xi32>
      %gather3A_917 = tpu.dynamic_gather %and3A_907[%gather3A_916] in [0] : vector<16xi32>, vector<16xi32> -> vector<16xi32>
      %gather3A_918 = arith.constant 1 : i32
      %gather3A_919 = arith.constant 0 : i32
      %gather3A_920 = arith.constant 0 : i32
      %gather3A_921 = arith.constant 0 : i32
      %gather3A_922 = tpu.memref_slice %arg6[%gather3A_918, %gather3A_919, %gather3A_920, %gather3A_921] : memref<7x2x64x128xf32, #tpu.memory_space<vmem>> -> memref<1x1x64x128xf32, #tpu.memory_space<vmem>>
      %gather3A_923 = tpu.memref_squeeze %gather3A_922 : memref<1x1x64x128xf32, #tpu.memory_space<vmem>> -> memref<64x128xf32, #tpu.memory_space<vmem>>
      %gather3A_924 = tpu.vector_load_idx %gather3A_923[%add3A_5, %gather3A_917] : memref<64x128xf32, #tpu.memory_space<vmem>>[vector<16xi32>, vector<16xi32>], vector<16xf32>,
      %gather3A_925 = arith.constant 1 : i32
      %gather3A_926 = arith.constant 0 : i32
      %gather3A_927 = arith.constant 0 : i32
      %gather3A_928 = arith.constant 0 : i32
      %gather3A_929 = tpu.memref_slice %arg6[%gather3A_925, %gather3A_926, %gather3A_927, %gather3A_928] : memref<7x2x64x128xf32, #tpu.memory_space<vmem>> -> memref<1x1x64x128xf32, #tpu.memory_space<vmem>>
      %gather3A_930 = tpu.memref_squeeze %gather3A_929 : memref<1x1x64x128xf32, #tpu.memory_space<vmem>> -> memref<64x128xf32, #tpu.memory_space<vmem>>
      %gather3A_931 = tpu.vector_load_idx %gather3A_930[%add3A_8, %gather3A_917] : memref<64x128xf32, #tpu.memory_space<vmem>>[vector<16xi32>, vector<16xi32>], vector<16xf32>,
      %gather3A_932 = arith.constant 1 : i32
      %gather3A_933 = arith.constant 0 : i32
      %gather3A_934 = arith.constant 0 : i32
      %gather3A_935 = arith.constant 0 : i32
      %gather3A_936 = tpu.memref_slice %arg6[%gather3A_932, %gather3A_933, %gather3A_934, %gather3A_935] : memref<7x2x64x128xf32, #tpu.memory_space<vmem>> -> memref<1x1x64x128xf32, #tpu.memory_space<vmem>>
      %gather3A_937 = tpu.memref_squeeze %gather3A_936 : memref<1x1x64x128xf32, #tpu.memory_space<vmem>> -> memref<64x128xf32, #tpu.memory_space<vmem>>
      %gather3A_938 = tpu.vector_load_idx %gather3A_937[%add3A_11, %gather3A_917] : memref<64x128xf32, #tpu.memory_space<vmem>>[vector<16xi32>, vector<16xi32>], vector<16xf32>,
      %gather3A_939 = arith.constant 1 : i32
      %gather3A_940 = arith.constant 0 : i32
      %gather3A_941 = arith.constant 0 : i32
      %gather3A_942 = arith.constant 0 : i32
      %gather3A_943 = tpu.memref_slice %arg6[%gather3A_939, %gather3A_940, %gather3A_941, %gather3A_942] : memref<7x2x64x128xf32, #tpu.memory_space<vmem>> -> memref<1x1x64x128xf32, #tpu.memory_space<vmem>>
      %gather3A_944 = tpu.memref_squeeze %gather3A_943 : memref<1x1x64x128xf32, #tpu.memory_space<vmem>> -> memref<64x128xf32, #tpu.memory_space<vmem>>
      %gather3A_945 = tpu.vector_load_idx %gather3A_944[%add3A_14, %gather3A_917] : memref<64x128xf32, #tpu.memory_space<vmem>>[vector<16xi32>, vector<16xi32>], vector<16xf32>,
      %mul3A_946 = arith.mulf %gather3A_924, %gather3A_924 : vector<16xf32>
      %mul3A_947 = arith.mulf %gather3A_931, %gather3A_931 : vector<16xf32>
      %add3A_948 = arith.addf %mul3A_946, %mul3A_947 : vector<16xf32>
      %mul3A_949 = arith.mulf %gather3A_938, %gather3A_938 : vector<16xf32>
      %add3A_950 = arith.addf %add3A_948, %mul3A_949 : vector<16xf32>
      %mul3A_951 = arith.mulf %gather3A_945, %gather3A_945 : vector<16xf32>
      %add3A_952 = arith.addf %add3A_950, %mul3A_951 : vector<16xf32>
      %xor3A_953 = arith.constant 8 : i32
      %xor3A_954 = vector.broadcast %xor3A_953 : i32 to vector<16xi32>
      %xor3A_955 = arith.xori %iota3A, %xor3A_954 : vector<16xi32>
      %broadcast_in_dim3A_956 = vector.shape_cast %xor3A_955 : vector<16xi32> to vector<16x1xi32>
      %gather3A_957 = vector.shape_cast %broadcast_in_dim3A_956 : vector<16x1xi32> to vector<16xi32>
      %gather3A_958 = tpu.dynamic_gather %add3A_952[%gather3A_957] in [0] : vector<16xf32>, vector<16xi32> -> vector<16xf32>
      %add3A_959 = arith.addf %add3A_952, %gather3A_958 : vector<16xf32>
      %xor3A_960 = arith.constant 4 : i32
      %xor3A_961 = vector.broadcast %xor3A_960 : i32 to vector<16xi32>
      %xor3A_962 = arith.xori %iota3A, %xor3A_961 : vector<16xi32>
      %broadcast_in_dim3A_963 = vector.shape_cast %xor3A_962 : vector<16xi32> to vector<16x1xi32>
      %gather3A_964 = vector.shape_cast %broadcast_in_dim3A_963 : vector<16x1xi32> to vector<16xi32>
      %gather3A_965 = tpu.dynamic_gather %add3A_959[%gather3A_964] in [0] : vector<16xf32>, vector<16xi32> -> vector<16xf32>
      %add3A_966 = arith.addf %add3A_959, %gather3A_965 : vector<16xf32>
      %xor3A_967 = arith.constant 2 : i32
      %xor3A_968 = vector.broadcast %xor3A_967 : i32 to vector<16xi32>
      %xor3A_969 = arith.xori %iota3A, %xor3A_968 : vector<16xi32>
      %broadcast_in_dim3A_970 = vector.shape_cast %xor3A_969 : vector<16xi32> to vector<16x1xi32>
      %gather3A_971 = vector.shape_cast %broadcast_in_dim3A_970 : vector<16x1xi32> to vector<16xi32>
      %gather3A_972 = tpu.dynamic_gather %add3A_966[%gather3A_971] in [0] : vector<16xf32>, vector<16xi32> -> vector<16xf32>
      %add3A_973 = arith.addf %add3A_966, %gather3A_972 : vector<16xf32>
      %xor3A_974 = arith.constant 1 : i32
      %xor3A_975 = vector.broadcast %xor3A_974 : i32 to vector<16xi32>
      %xor3A_976 = arith.xori %iota3A, %xor3A_975 : vector<16xi32>
      %broadcast_in_dim3A_977 = vector.shape_cast %xor3A_976 : vector<16xi32> to vector<16x1xi32>
      %gather3A_978 = vector.shape_cast %broadcast_in_dim3A_977 : vector<16x1xi32> to vector<16xi32>
      %gather3A_979 = tpu.dynamic_gather %add3A_973[%gather3A_978] in [0] : vector<16xf32>, vector<16xi32> -> vector<16xf32>
      %add3A_980 = arith.addf %add3A_973, %gather3A_979 : vector<16xf32>
      %max3A_981 = arith.constant 1.000000e-16 : f32
      %max3A_982 = vector.broadcast %max3A_981 : f32 to vector<16xf32>
      %max3A_983 = arith.maximumf %add3A_980, %max3A_982 : vector<16xf32>
      %bitcast_convert_type3A_984 = tpu.bitcast %max3A_983 : vector<16xf32> -> vector<16xi32>
      %shift_right_arithmetic3A_985 = arith.constant 1 : i32
      %shift_right_arithmetic3A_986 = vector.broadcast %shift_right_arithmetic3A_985 : i32 to vector<16xi32>
      %shift_right_arithmetic3A_987 = arith.shrsi %bitcast_convert_type3A_984, %shift_right_arithmetic3A_986 : vector<16xi32>
      %sub3A_988 = arith.constant 1597463007 : i32
      %sub3A_989 = vector.broadcast %sub3A_988 : i32 to vector<16xi32>
      %sub3A_990 = arith.subi %sub3A_989, %shift_right_arithmetic3A_987 : vector<16xi32>
      %bitcast_convert_type3A_991 = tpu.bitcast %sub3A_990 : vector<16xi32> -> vector<16xf32>
      %mul3A_992 = arith.constant 5.000000e-01 : f32
      %mul3A_993 = vector.broadcast %mul3A_992 : f32 to vector<16xf32>
      %mul3A_994 = arith.mulf %max3A_983, %mul3A_993 : vector<16xf32>
      %mul3A_995 = arith.mulf %mul3A_994, %bitcast_convert_type3A_991 : vector<16xf32>
      %mul3A_996 = arith.mulf %mul3A_995, %bitcast_convert_type3A_991 : vector<16xf32>
      %sub3A_997 = arith.constant 1.500000e+00 : f32
      %sub3A_998 = vector.broadcast %sub3A_997 : f32 to vector<16xf32>
      %sub3A_999 = arith.subf %sub3A_998, %mul3A_996 : vector<16xf32>
      %mul3A_1000 = arith.mulf %bitcast_convert_type3A_991, %sub3A_999 : vector<16xf32>
      %mul3A_1001 = arith.mulf %mul3A_994, %mul3A_1000 : vector<16xf32>
      %mul3A_1002 = arith.mulf %mul3A_1001, %mul3A_1000 : vector<16xf32>
      %sub3A_1003 = arith.constant 1.500000e+00 : f32
      %sub3A_1004 = vector.broadcast %sub3A_1003 : f32 to vector<16xf32>
      %sub3A_1005 = arith.subf %sub3A_1004, %mul3A_1002 : vector<16xf32>
      %mul3A_1006 = arith.mulf %mul3A_1000, %sub3A_1005 : vector<16xf32>
      %mul3A_1007 = arith.mulf %mul3A_994, %mul3A_1006 : vector<16xf32>
      %mul3A_1008 = arith.mulf %mul3A_1007, %mul3A_1006 : vector<16xf32>
      %sub3A_1009 = arith.constant 1.500000e+00 : f32
      %sub3A_1010 = vector.broadcast %sub3A_1009 : f32 to vector<16xf32>
      %sub3A_1011 = arith.subf %sub3A_1010, %mul3A_1008 : vector<16xf32>
      %mul3A_1012 = arith.mulf %mul3A_1006, %sub3A_1011 : vector<16xf32>
      %add3A_1013 = arith.constant 0 : i32
      %add3A_1014 = vector.broadcast %add3A_1013 : i32 to vector<16xi32>
      %add3A_1015 = arith.addi %broadcast_in_dim3A_912, %add3A_1014 : vector<16xi32>
      %mul3A_1016 = arith.mulf %gather3A_924, %mul3A_1012 : vector<16xf32>
      tpu.vector_store_idx %arg7[%add3A_5, %add3A_1015], %mul3A_1016 : memref<64x128xf32, #tpu.memory_space<vmem>>[vector<16xi32>, vector<16xi32>], vector<16xf32>,
      %mul3A_1017 = arith.mulf %gather3A_931, %mul3A_1012 : vector<16xf32>
      tpu.vector_store_idx %arg7[%add3A_8, %add3A_1015], %mul3A_1017 : memref<64x128xf32, #tpu.memory_space<vmem>>[vector<16xi32>, vector<16xi32>], vector<16xf32>,
      %mul3A_1018 = arith.mulf %gather3A_938, %mul3A_1012 : vector<16xf32>
      tpu.vector_store_idx %arg7[%add3A_11, %add3A_1015], %mul3A_1018 : memref<64x128xf32, #tpu.memory_space<vmem>>[vector<16xi32>, vector<16xi32>], vector<16xf32>,
      %mul3A_1019 = arith.mulf %gather3A_945, %mul3A_1012 : vector<16xf32>
      tpu.vector_store_idx %arg7[%add3A_14, %add3A_1015], %mul3A_1019 : memref<64x128xf32, #tpu.memory_space<vmem>>[vector<16xi32>, vector<16xi32>], vector<16xf32>,
      %broadcast_in_dim3A_1020 = arith.constant 1 : i32
      %broadcast_in_dim3A_1021 = vector.broadcast %broadcast_in_dim3A_1020 : i32 to vector<16xi32>
      %broadcast_in_dim3A_1022 = vector.shape_cast %broadcast_in_dim3A_1021 : vector<16xi32> to vector<16x1xi32>
      %gather3A_1023 = vector.shape_cast %broadcast_in_dim3A_1022 : vector<16x1xi32> to vector<16xi32>
      %gather3A_1024 = tpu.dynamic_gather %and3A_907[%gather3A_1023] in [0] : vector<16xi32>, vector<16xi32> -> vector<16xi32>
      %gather3A_1025 = arith.constant 1 : i32
      %gather3A_1026 = arith.constant 1 : i32
      %gather3A_1027 = arith.constant 0 : i32
      %gather3A_1028 = arith.constant 0 : i32
      %gather3A_1029 = tpu.memref_slice %arg6[%gather3A_1025, %gather3A_1026, %gather3A_1027, %gather3A_1028] : memref<7x2x64x128xf32, #tpu.memory_space<vmem>> -> memref<1x1x64x128xf32, #tpu.memory_space<vmem>>
      %gather3A_1030 = tpu.memref_squeeze %gather3A_1029 : memref<1x1x64x128xf32, #tpu.memory_space<vmem>> -> memref<64x128xf32, #tpu.memory_space<vmem>>
      %gather3A_1031 = tpu.vector_load_idx %gather3A_1030[%add3A_5, %gather3A_1024] : memref<64x128xf32, #tpu.memory_space<vmem>>[vector<16xi32>, vector<16xi32>], vector<16xf32>,
      %gather3A_1032 = arith.constant 1 : i32
      %gather3A_1033 = arith.constant 1 : i32
      %gather3A_1034 = arith.constant 0 : i32
      %gather3A_1035 = arith.constant 0 : i32
      %gather3A_1036 = tpu.memref_slice %arg6[%gather3A_1032, %gather3A_1033, %gather3A_1034, %gather3A_1035] : memref<7x2x64x128xf32, #tpu.memory_space<vmem>> -> memref<1x1x64x128xf32, #tpu.memory_space<vmem>>
      %gather3A_1037 = tpu.memref_squeeze %gather3A_1036 : memref<1x1x64x128xf32, #tpu.memory_space<vmem>> -> memref<64x128xf32, #tpu.memory_space<vmem>>
      %gather3A_1038 = tpu.vector_load_idx %gather3A_1037[%add3A_8, %gather3A_1024] : memref<64x128xf32, #tpu.memory_space<vmem>>[vector<16xi32>, vector<16xi32>], vector<16xf32>,
      %gather3A_1039 = arith.constant 1 : i32
      %gather3A_1040 = arith.constant 1 : i32
      %gather3A_1041 = arith.constant 0 : i32
      %gather3A_1042 = arith.constant 0 : i32
      %gather3A_1043 = tpu.memref_slice %arg6[%gather3A_1039, %gather3A_1040, %gather3A_1041, %gather3A_1042] : memref<7x2x64x128xf32, #tpu.memory_space<vmem>> -> memref<1x1x64x128xf32, #tpu.memory_space<vmem>>
      %gather3A_1044 = tpu.memref_squeeze %gather3A_1043 : memref<1x1x64x128xf32, #tpu.memory_space<vmem>> -> memref<64x128xf32, #tpu.memory_space<vmem>>
      %gather3A_1045 = tpu.vector_load_idx %gather3A_1044[%add3A_11, %gather3A_1024] : memref<64x128xf32, #tpu.memory_space<vmem>>[vector<16xi32>, vector<16xi32>], vector<16xf32>,
      %gather3A_1046 = arith.constant 1 : i32
      %gather3A_1047 = arith.constant 1 : i32
      %gather3A_1048 = arith.constant 0 : i32
      %gather3A_1049 = arith.constant 0 : i32
      %gather3A_1050 = tpu.memref_slice %arg6[%gather3A_1046, %gather3A_1047, %gather3A_1048, %gather3A_1049] : memref<7x2x64x128xf32, #tpu.memory_space<vmem>> -> memref<1x1x64x128xf32, #tpu.memory_space<vmem>>
      %gather3A_1051 = tpu.memref_squeeze %gather3A_1050 : memref<1x1x64x128xf32, #tpu.memory_space<vmem>> -> memref<64x128xf32, #tpu.memory_space<vmem>>
      %gather3A_1052 = tpu.vector_load_idx %gather3A_1051[%add3A_14, %gather3A_1024] : memref<64x128xf32, #tpu.memory_space<vmem>>[vector<16xi32>, vector<16xi32>], vector<16xf32>,
      %mul3A_1053 = arith.mulf %gather3A_1031, %gather3A_1031 : vector<16xf32>
      %mul3A_1054 = arith.mulf %gather3A_1038, %gather3A_1038 : vector<16xf32>
      %add3A_1055 = arith.addf %mul3A_1053, %mul3A_1054 : vector<16xf32>
      %mul3A_1056 = arith.mulf %gather3A_1045, %gather3A_1045 : vector<16xf32>
      %add3A_1057 = arith.addf %add3A_1055, %mul3A_1056 : vector<16xf32>
      %mul3A_1058 = arith.mulf %gather3A_1052, %gather3A_1052 : vector<16xf32>
      %add3A_1059 = arith.addf %add3A_1057, %mul3A_1058 : vector<16xf32>
      %xor3A_1060 = arith.constant 8 : i32
      %xor3A_1061 = vector.broadcast %xor3A_1060 : i32 to vector<16xi32>
      %xor3A_1062 = arith.xori %iota3A, %xor3A_1061 : vector<16xi32>
      %broadcast_in_dim3A_1063 = vector.shape_cast %xor3A_1062 : vector<16xi32> to vector<16x1xi32>
      %gather3A_1064 = vector.shape_cast %broadcast_in_dim3A_1063 : vector<16x1xi32> to vector<16xi32>
      %gather3A_1065 = tpu.dynamic_gather %add3A_1059[%gather3A_1064] in [0] : vector<16xf32>, vector<16xi32> -> vector<16xf32>
      %add3A_1066 = arith.addf %add3A_1059, %gather3A_1065 : vector<16xf32>
      %xor3A_1067 = arith.constant 4 : i32
      %xor3A_1068 = vector.broadcast %xor3A_1067 : i32 to vector<16xi32>
      %xor3A_1069 = arith.xori %iota3A, %xor3A_1068 : vector<16xi32>
      %broadcast_in_dim3A_1070 = vector.shape_cast %xor3A_1069 : vector<16xi32> to vector<16x1xi32>
      %gather3A_1071 = vector.shape_cast %broadcast_in_dim3A_1070 : vector<16x1xi32> to vector<16xi32>
      %gather3A_1072 = tpu.dynamic_gather %add3A_1066[%gather3A_1071] in [0] : vector<16xf32>, vector<16xi32> -> vector<16xf32>
      %add3A_1073 = arith.addf %add3A_1066, %gather3A_1072 : vector<16xf32>
      %xor3A_1074 = arith.constant 2 : i32
      %xor3A_1075 = vector.broadcast %xor3A_1074 : i32 to vector<16xi32>
      %xor3A_1076 = arith.xori %iota3A, %xor3A_1075 : vector<16xi32>
      %broadcast_in_dim3A_1077 = vector.shape_cast %xor3A_1076 : vector<16xi32> to vector<16x1xi32>
      %gather3A_1078 = vector.shape_cast %broadcast_in_dim3A_1077 : vector<16x1xi32> to vector<16xi32>
      %gather3A_1079 = tpu.dynamic_gather %add3A_1073[%gather3A_1078] in [0] : vector<16xf32>, vector<16xi32> -> vector<16xf32>
      %add3A_1080 = arith.addf %add3A_1073, %gather3A_1079 : vector<16xf32>
      %xor3A_1081 = arith.constant 1 : i32
      %xor3A_1082 = vector.broadcast %xor3A_1081 : i32 to vector<16xi32>
      %xor3A_1083 = arith.xori %iota3A, %xor3A_1082 : vector<16xi32>
      %broadcast_in_dim3A_1084 = vector.shape_cast %xor3A_1083 : vector<16xi32> to vector<16x1xi32>
      %gather3A_1085 = vector.shape_cast %broadcast_in_dim3A_1084 : vector<16x1xi32> to vector<16xi32>
      %gather3A_1086 = tpu.dynamic_gather %add3A_1080[%gather3A_1085] in [0] : vector<16xf32>, vector<16xi32> -> vector<16xf32>
      %add3A_1087 = arith.addf %add3A_1080, %gather3A_1086 : vector<16xf32>
      %max3A_1088 = arith.constant 1.000000e-16 : f32
      %max3A_1089 = vector.broadcast %max3A_1088 : f32 to vector<16xf32>
      %max3A_1090 = arith.maximumf %add3A_1087, %max3A_1089 : vector<16xf32>
      %bitcast_convert_type3A_1091 = tpu.bitcast %max3A_1090 : vector<16xf32> -> vector<16xi32>
      %shift_right_arithmetic3A_1092 = arith.constant 1 : i32
      %shift_right_arithmetic3A_1093 = vector.broadcast %shift_right_arithmetic3A_1092 : i32 to vector<16xi32>
      %shift_right_arithmetic3A_1094 = arith.shrsi %bitcast_convert_type3A_1091, %shift_right_arithmetic3A_1093 : vector<16xi32>
      %sub3A_1095 = arith.constant 1597463007 : i32
      %sub3A_1096 = vector.broadcast %sub3A_1095 : i32 to vector<16xi32>
      %sub3A_1097 = arith.subi %sub3A_1096, %shift_right_arithmetic3A_1094 : vector<16xi32>
      %bitcast_convert_type3A_1098 = tpu.bitcast %sub3A_1097 : vector<16xi32> -> vector<16xf32>
      %mul3A_1099 = arith.constant 5.000000e-01 : f32
      %mul3A_1100 = vector.broadcast %mul3A_1099 : f32 to vector<16xf32>
      %mul3A_1101 = arith.mulf %max3A_1090, %mul3A_1100 : vector<16xf32>
      %mul3A_1102 = arith.mulf %mul3A_1101, %bitcast_convert_type3A_1098 : vector<16xf32>
      %mul3A_1103 = arith.mulf %mul3A_1102, %bitcast_convert_type3A_1098 : vector<16xf32>
      %sub3A_1104 = arith.constant 1.500000e+00 : f32
      %sub3A_1105 = vector.broadcast %sub3A_1104 : f32 to vector<16xf32>
      %sub3A_1106 = arith.subf %sub3A_1105, %mul3A_1103 : vector<16xf32>
      %mul3A_1107 = arith.mulf %bitcast_convert_type3A_1098, %sub3A_1106 : vector<16xf32>
      %mul3A_1108 = arith.mulf %mul3A_1101, %mul3A_1107 : vector<16xf32>
      %mul3A_1109 = arith.mulf %mul3A_1108, %mul3A_1107 : vector<16xf32>
      %sub3A_1110 = arith.constant 1.500000e+00 : f32
      %sub3A_1111 = vector.broadcast %sub3A_1110 : f32 to vector<16xf32>
      %sub3A_1112 = arith.subf %sub3A_1111, %mul3A_1109 : vector<16xf32>
      %mul3A_1113 = arith.mulf %mul3A_1107, %sub3A_1112 : vector<16xf32>
      %mul3A_1114 = arith.mulf %mul3A_1101, %mul3A_1113 : vector<16xf32>
      %mul3A_1115 = arith.mulf %mul3A_1114, %mul3A_1113 : vector<16xf32>
      %sub3A_1116 = arith.constant 1.500000e+00 : f32
      %sub3A_1117 = vector.broadcast %sub3A_1116 : f32 to vector<16xf32>
      %sub3A_1118 = arith.subf %sub3A_1117, %mul3A_1115 : vector<16xf32>
      %mul3A_1119 = arith.mulf %mul3A_1113, %sub3A_1118 : vector<16xf32>
      %add3A_1120 = arith.constant 1 : i32
      %add3A_1121 = vector.broadcast %add3A_1120 : i32 to vector<16xi32>
      %add3A_1122 = arith.addi %broadcast_in_dim3A_912, %add3A_1121 : vector<16xi32>
      %mul3A_1123 = arith.mulf %gather3A_1031, %mul3A_1119 : vector<16xf32>
      tpu.vector_store_idx %arg7[%add3A_5, %add3A_1122], %mul3A_1123 : memref<64x128xf32, #tpu.memory_space<vmem>>[vector<16xi32>, vector<16xi32>], vector<16xf32>,
      %mul3A_1124 = arith.mulf %gather3A_1038, %mul3A_1119 : vector<16xf32>
      tpu.vector_store_idx %arg7[%add3A_8, %add3A_1122], %mul3A_1124 : memref<64x128xf32, #tpu.memory_space<vmem>>[vector<16xi32>, vector<16xi32>], vector<16xf32>,
      %mul3A_1125 = arith.mulf %gather3A_1045, %mul3A_1119 : vector<16xf32>
      tpu.vector_store_idx %arg7[%add3A_11, %add3A_1122], %mul3A_1125 : memref<64x128xf32, #tpu.memory_space<vmem>>[vector<16xi32>, vector<16xi32>], vector<16xf32>,
      %mul3A_1126 = arith.mulf %gather3A_1052, %mul3A_1119 : vector<16xf32>
      tpu.vector_store_idx %arg7[%add3A_14, %add3A_1122], %mul3A_1126 : memref<64x128xf32, #tpu.memory_space<vmem>>[vector<16xi32>, vector<16xi32>], vector<16xf32>,
      %rem3A_1127 = arith.constant 64 : i32
      %rem3A_1128 = arith.remsi %rem3A_900, %rem3A_1127 : i32
      %eq3A_1129 = arith.constant 63 : i32
      %eq3A_1130 = arith.cmpi eq, %rem3A_1128, %eq3A_1129 : i32
      %convert_element_type3A_1131 = arith.extui %eq3A_1130 : i1 to i32
      %cond3A_1132 = arith.constant 0 : i32
      %cond3A_1133 = arith.cmpi ne, %convert_element_type3A_1131, %cond3A_1132 : i32
      scf.if %cond3A_1133 {
        %div3A = arith.constant 64 : i32
        %div3A_2778 = arith.divsi %rem3A_900, %div3A : i32
        %mul3A_2779 = arith.constant 128 : i32
        %mul3A_2780 = arith.muli %div3A_2778, %mul3A_2779 : i32
        %add3A_2781 = arith.addi %mul3A_2, %mul3A_2780 : i32
        "tpu.region"() ({
          %run_scoped3A = tpu.sem_alloc : memref<!tpu.dma_semaphore, #tpu.memory_space<semaphore_mem>>
          %dma_start3A_2782 = arith.constant 0 : i32
          %dma_start3A_2783 = tpu.memref_slice %arg4[%dma_start3A_2782, %add3A_2781] : memref<64x16384xf32, #tpu.memory_space<hbm>> -> memref<64x128xf32, #tpu.memory_space<hbm>>
          %dma_start3A_2784 = arith.constant 0 : i32
          %dma_start3A_2785 = tpu.memref_slice %arg4[%dma_start3A_2784, %add3A_2781] : memref<64x16384xf32, #tpu.memory_space<hbm>> -> memref<64x128xf32, #tpu.memory_space<hbm>>
          tpu.enqueue_dma source(%arg7 : memref<64x128xf32, #tpu.memory_space<vmem>>) target(%dma_start3A_2785 : memref<64x128xf32, #tpu.memory_space<hbm>>) target_semaphore(%run_scoped3A : memref<!tpu.dma_semaphore, #tpu.memory_space<semaphore_mem>>)
          %dma_wait3A_2786 = arith.constant 0 : i32
          %dma_wait3A_2787 = tpu.memref_slice %arg4[%dma_wait3A_2786, %add3A_2781] : memref<64x16384xf32, #tpu.memory_space<hbm>> -> memref<64x128xf32, #tpu.memory_space<hbm>>
          %dma_wait3A_2788 = arith.constant 0 : i32
          %dma_wait3A_2789 = tpu.memref_slice %arg4[%dma_wait3A_2788, %add3A_2781] : memref<64x16384xf32, #tpu.memory_space<hbm>> -> memref<64x128xf32, #tpu.memory_space<hbm>>
          tpu.wait_dma2 semaphore(%run_scoped3A : memref<!tpu.dma_semaphore, #tpu.memory_space<semaphore_mem>>) src(%arg7 : memref<64x128xf32, #tpu.memory_space<vmem>>) dst(%dma_wait3A_2789 : memref<64x128xf32, #tpu.memory_space<hbm>>)
          tpu.yield
        }) : () -> ()
      } else {
      }
      %add3A_1134 = arith.constant 7 : i32
      %add3A_1135 = arith.addi %add3A_866, %add3A_1134 : i32
      %rem3A_1136 = arith.constant 256 : i32
      %rem3A_1137 = arith.remsi %add3A_1135, %rem3A_1136 : i32
      %mul3A_1138 = arith.constant 2 : i32
      %mul3A_1139 = arith.muli %rem3A_1137, %mul3A_1138 : i32
      %get3A_1140 = arith.index_cast %mul3A_1139 : i32 to index
      %get3A_1141 = tpu.vector_load %arg5[%get3A_1140] {strides = array<i32>} : memref<528xi32, #tpu.memory_space<vmem>>, vector<16xi32>,
      %slice3A_1142 = vector.extract_strided_slice %get3A_1141 {offsets = [0], sizes = [1], strides = [1]} : vector<16xi32> to vector<1xi32>
      %squeeze3A_1143 = vector.extract %slice3A_1142[0] : i32 from vector<1xi32>
      %and3A_1144 = arith.constant 127 : i32
      %and3A_1145 = arith.andi %squeeze3A_1143, %and3A_1144 : i32
      %sub3A_1146 = arith.subi %squeeze3A_1143, %and3A_1145 : i32
      %multiple_of3A_1147 = tpu.assume_multiple %sub3A_1146, 128 : i32
      %dma_start3A_1148 = arith.constant 1 : i32
      %dma_start3A_1149 = arith.constant 0 : i32
      %dma_start3A_1150 = arith.constant 0 : i32
      %dma_start3A_1151 = arith.constant 0 : i32
      %dma_start3A_1152 = tpu.memref_slice %arg6[%dma_start3A_1148, %dma_start3A_1149, %dma_start3A_1150, %dma_start3A_1151] : memref<7x2x64x128xf32, #tpu.memory_space<vmem>> -> memref<1x1x64x128xf32, #tpu.memory_space<vmem>>
      %dma_start3A_1153 = tpu.memref_squeeze %dma_start3A_1152 : memref<1x1x64x128xf32, #tpu.memory_space<vmem>> -> memref<64x128xf32, #tpu.memory_space<vmem>>
      %dma_start3A_1154 = arith.constant 0 : i32
      %dma_start3A_1155 = tpu.memref_slice %arg2[%dma_start3A_1154, %multiple_of3A_1147] : memref<64x1000000xf32, #tpu.memory_space<hbm>> -> memref<64x128xf32, #tpu.memory_space<hbm>>
      %dma_start3A_1156 = arith.constant 0 : i32
      %dma_start3A_1157 = arith.constant 0 : i32
      %dma_start3A_1158 = tpu.memref_slice %arg6[%dma_start3A_1148, %dma_start3A_1149, %dma_start3A_1156, %dma_start3A_1157] : memref<7x2x64x128xf32, #tpu.memory_space<vmem>> -> memref<1x1x64x128xf32, #tpu.memory_space<vmem>>
      %dma_start3A_1159 = tpu.memref_squeeze %dma_start3A_1158 : memref<1x1x64x128xf32, #tpu.memory_space<vmem>> -> memref<64x128xf32, #tpu.memory_space<vmem>>
      %dma_start3A_1160 = arith.constant 0 : i32
      %dma_start3A_1161 = tpu.memref_slice %arg2[%dma_start3A_1160, %multiple_of3A_1147] : memref<64x1000000xf32, #tpu.memory_space<hbm>> -> memref<64x128xf32, #tpu.memory_space<hbm>>
      tpu.enqueue_dma source(%dma_start3A_1161 : memref<64x128xf32, #tpu.memory_space<hbm>>) target(%dma_start3A_1159 : memref<64x128xf32, #tpu.memory_space<vmem>>) target_semaphore(%arg9 : memref<!tpu.dma_semaphore, #tpu.memory_space<semaphore_mem>>)
      %slice3A_1162 = vector.extract_strided_slice %get3A_1141 {offsets = [1], sizes = [1], strides = [1]} : vector<16xi32> to vector<1xi32>
      %squeeze3A_1163 = vector.extract %slice3A_1162[0] : i32 from vector<1xi32>
      %and3A_1164 = arith.constant 127 : i32
      %and3A_1165 = arith.andi %squeeze3A_1163, %and3A_1164 : i32
      %sub3A_1166 = arith.subi %squeeze3A_1163, %and3A_1165 : i32
      %multiple_of3A_1167 = tpu.assume_multiple %sub3A_1166, 128 : i32
      %dma_start3A_1168 = arith.constant 1 : i32
      %dma_start3A_1169 = arith.constant 1 : i32
      %dma_start3A_1170 = arith.constant 0 : i32
      %dma_start3A_1171 = arith.constant 0 : i32
      %dma_start3A_1172 = tpu.memref_slice %arg6[%dma_start3A_1168, %dma_start3A_1169, %dma_start3A_1170, %dma_start3A_1171] : memref<7x2x64x128xf32, #tpu.memory_space<vmem>> -> memref<1x1x64x128xf32, #tpu.memory_space<vmem>>
      %dma_start3A_1173 = tpu.memref_squeeze %dma_start3A_1172 : memref<1x1x64x128xf32, #tpu.memory_space<vmem>> -> memref<64x128xf32, #tpu.memory_space<vmem>>
      %dma_start3A_1174 = arith.constant 0 : i32
      %dma_start3A_1175 = tpu.memref_slice %arg2[%dma_start3A_1174, %multiple_of3A_1167] : memref<64x1000000xf32, #tpu.memory_space<hbm>> -> memref<64x128xf32, #tpu.memory_space<hbm>>
      %dma_start3A_1176 = arith.constant 0 : i32
      %dma_start3A_1177 = arith.constant 0 : i32
      %dma_start3A_1178 = tpu.memref_slice %arg6[%dma_start3A_1168, %dma_start3A_1169, %dma_start3A_1176, %dma_start3A_1177] : memref<7x2x64x128xf32, #tpu.memory_space<vmem>> -> memref<1x1x64x128xf32, #tpu.memory_space<vmem>>
      %dma_start3A_1179 = tpu.memref_squeeze %dma_start3A_1178 : memref<1x1x64x128xf32, #tpu.memory_space<vmem>> -> memref<64x128xf32, #tpu.memory_space<vmem>>
      %dma_start3A_1180 = arith.constant 0 : i32
      %dma_start3A_1181 = tpu.memref_slice %arg2[%dma_start3A_1180, %multiple_of3A_1167] : memref<64x1000000xf32, #tpu.memory_space<hbm>> -> memref<64x128xf32, #tpu.memory_space<hbm>>
      tpu.enqueue_dma source(%dma_start3A_1181 : memref<64x128xf32, #tpu.memory_space<hbm>>) target(%dma_start3A_1179 : memref<64x128xf32, #tpu.memory_space<vmem>>) target_semaphore(%arg9 : memref<!tpu.dma_semaphore, #tpu.memory_space<semaphore_mem>>)
      %mul3A_1182 = arith.constant 7 : i32
      %mul3A_1183 = arith.muli %mul3A_1182, %scan3A_552 : i32
      %add3A_1184 = arith.constant 2 : i32
      %add3A_1185 = arith.addi %mul3A_1183, %add3A_1184 : i32
      %dma_wait3A_1186 = arith.constant 2 : i32
      %dma_wait3A_1187 = arith.constant 0 : i32
      %dma_wait3A_1188 = arith.constant 0 : i32
      %dma_wait3A_1189 = arith.constant 0 : i32
      %dma_wait3A_1190 = tpu.memref_slice %arg6[%dma_wait3A_1186, %dma_wait3A_1187, %dma_wait3A_1188, %dma_wait3A_1189] : memref<7x2x64x128xf32, #tpu.memory_space<vmem>> -> memref<1x1x64x128xf32, #tpu.memory_space<vmem>>
      %dma_wait3A_1191 = tpu.memref_squeeze %dma_wait3A_1190 : memref<1x1x64x128xf32, #tpu.memory_space<vmem>> -> memref<64x128xf32, #tpu.memory_space<vmem>>
      %dma_wait3A_1192 = arith.constant 0 : i32
      %dma_wait3A_1193 = arith.constant 0 : i32
      %dma_wait3A_1194 = tpu.memref_slice %arg2[%dma_wait3A_1192, %dma_wait3A_1193] : memref<64x1000000xf32, #tpu.memory_space<hbm>> -> memref<64x128xf32, #tpu.memory_space<hbm>>
      %dma_wait3A_1195 = arith.constant 0 : i32
      %dma_wait3A_1196 = arith.constant 0 : i32
      %dma_wait3A_1197 = tpu.memref_slice %arg6[%dma_wait3A_1186, %dma_wait3A_1187, %dma_wait3A_1195, %dma_wait3A_1196] : memref<7x2x64x128xf32, #tpu.memory_space<vmem>> -> memref<1x1x64x128xf32, #tpu.memory_space<vmem>>
      %dma_wait3A_1198 = tpu.memref_squeeze %dma_wait3A_1197 : memref<1x1x64x128xf32, #tpu.memory_space<vmem>> -> memref<64x128xf32, #tpu.memory_space<vmem>>
      %dma_wait3A_1199 = arith.constant 0 : i32
      %dma_wait3A_1200 = arith.constant 0 : i32
      %dma_wait3A_1201 = tpu.memref_slice %arg2[%dma_wait3A_1199, %dma_wait3A_1200] : memref<64x1000000xf32, #tpu.memory_space<hbm>> -> memref<64x128xf32, #tpu.memory_space<hbm>>
      tpu.wait_dma2 semaphore(%arg10 : memref<!tpu.dma_semaphore, #tpu.memory_space<semaphore_mem>>) src(%dma_wait3A_1201 : memref<64x128xf32, #tpu.memory_space<hbm>>) dst(%dma_wait3A_1198 : memref<64x128xf32, #tpu.memory_space<vmem>>)
      %dma_wait3A_1202 = arith.constant 2 : i32
      %dma_wait3A_1203 = arith.constant 1 : i32
      %dma_wait3A_1204 = arith.constant 0 : i32
      %dma_wait3A_1205 = arith.constant 0 : i32
      %dma_wait3A_1206 = tpu.memref_slice %arg6[%dma_wait3A_1202, %dma_wait3A_1203, %dma_wait3A_1204, %dma_wait3A_1205] : memref<7x2x64x128xf32, #tpu.memory_space<vmem>> -> memref<1x1x64x128xf32, #tpu.memory_space<vmem>>
      %dma_wait3A_1207 = tpu.memref_squeeze %dma_wait3A_1206 : memref<1x1x64x128xf32, #tpu.memory_space<vmem>> -> memref<64x128xf32, #tpu.memory_space<vmem>>
      %dma_wait3A_1208 = arith.constant 0 : i32
      %dma_wait3A_1209 = arith.constant 0 : i32
      %dma_wait3A_1210 = tpu.memref_slice %arg2[%dma_wait3A_1208, %dma_wait3A_1209] : memref<64x1000000xf32, #tpu.memory_space<hbm>> -> memref<64x128xf32, #tpu.memory_space<hbm>>
      %dma_wait3A_1211 = arith.constant 0 : i32
      %dma_wait3A_1212 = arith.constant 0 : i32
      %dma_wait3A_1213 = tpu.memref_slice %arg6[%dma_wait3A_1202, %dma_wait3A_1203, %dma_wait3A_1211, %dma_wait3A_1212] : memref<7x2x64x128xf32, #tpu.memory_space<vmem>> -> memref<1x1x64x128xf32, #tpu.memory_space<vmem>>
      %dma_wait3A_1214 = tpu.memref_squeeze %dma_wait3A_1213 : memref<1x1x64x128xf32, #tpu.memory_space<vmem>> -> memref<64x128xf32, #tpu.memory_space<vmem>>
      %dma_wait3A_1215 = arith.constant 0 : i32
      %dma_wait3A_1216 = arith.constant 0 : i32
      %dma_wait3A_1217 = tpu.memref_slice %arg2[%dma_wait3A_1215, %dma_wait3A_1216] : memref<64x1000000xf32, #tpu.memory_space<hbm>> -> memref<64x128xf32, #tpu.memory_space<hbm>>
      tpu.wait_dma2 semaphore(%arg10 : memref<!tpu.dma_semaphore, #tpu.memory_space<semaphore_mem>>) src(%dma_wait3A_1217 : memref<64x128xf32, #tpu.memory_space<hbm>>) dst(%dma_wait3A_1214 : memref<64x128xf32, #tpu.memory_space<vmem>>)
      %rem3A_1218 = arith.constant 256 : i32
      %rem3A_1219 = arith.remsi %add3A_1185, %rem3A_1218 : i32
      %mul3A_1220 = arith.constant 2 : i32
      %mul3A_1221 = arith.muli %rem3A_1219, %mul3A_1220 : i32
      %get3A_1222 = arith.index_cast %mul3A_1221 : i32 to index
      %get3A_1223 = tpu.vector_load %arg5[%get3A_1222] {strides = array<i32>} : memref<528xi32, #tpu.memory_space<vmem>>, vector<16xi32>,
      %and3A_1224 = arith.constant 127 : i32
      %and3A_1225 = vector.broadcast %and3A_1224 : i32 to vector<16xi32>
      %and3A_1226 = arith.andi %get3A_1223, %and3A_1225 : vector<16xi32>
      %rem3A_1227 = arith.constant 64 : i32
      %rem3A_1228 = arith.remsi %rem3A_1219, %rem3A_1227 : i32
      %mul3A_1229 = arith.constant 2 : i32
      %mul3A_1230 = arith.muli %rem3A_1228, %mul3A_1229 : i32
      %broadcast_in_dim3A_1231 = vector.broadcast %mul3A_1230 : i32 to vector<16xi32>
      %broadcast_in_dim3A_1232 = arith.constant 0 : i32
      %broadcast_in_dim3A_1233 = vector.broadcast %broadcast_in_dim3A_1232 : i32 to vector<16xi32>
      %broadcast_in_dim3A_1234 = vector.shape_cast %broadcast_in_dim3A_1233 : vector<16xi32> to vector<16x1xi32>
      %gather3A_1235 = vector.shape_cast %broadcast_in_dim3A_1234 : vector<16x1xi32> to vector<16xi32>
      %gather3A_1236 = tpu.dynamic_gather %and3A_1226[%gather3A_1235] in [0] : vector<16xi32>, vector<16xi32> -> vector<16xi32>
      %gather3A_1237 = arith.constant 2 : i32
      %gather3A_1238 = arith.constant 0 : i32
      %gather3A_1239 = arith.constant 0 : i32
      %gather3A_1240 = arith.constant 0 : i32
      %gather3A_1241 = tpu.memref_slice %arg6[%gather3A_1237, %gather3A_1238, %gather3A_1239, %gather3A_1240] : memref<7x2x64x128xf32, #tpu.memory_space<vmem>> -> memref<1x1x64x128xf32, #tpu.memory_space<vmem>>
      %gather3A_1242 = tpu.memref_squeeze %gather3A_1241 : memref<1x1x64x128xf32, #tpu.memory_space<vmem>> -> memref<64x128xf32, #tpu.memory_space<vmem>>
      %gather3A_1243 = tpu.vector_load_idx %gather3A_1242[%add3A_5, %gather3A_1236] : memref<64x128xf32, #tpu.memory_space<vmem>>[vector<16xi32>, vector<16xi32>], vector<16xf32>,
      %gather3A_1244 = arith.constant 2 : i32
      %gather3A_1245 = arith.constant 0 : i32
      %gather3A_1246 = arith.constant 0 : i32
      %gather3A_1247 = arith.constant 0 : i32
      %gather3A_1248 = tpu.memref_slice %arg6[%gather3A_1244, %gather3A_1245, %gather3A_1246, %gather3A_1247] : memref<7x2x64x128xf32, #tpu.memory_space<vmem>> -> memref<1x1x64x128xf32, #tpu.memory_space<vmem>>
      %gather3A_1249 = tpu.memref_squeeze %gather3A_1248 : memref<1x1x64x128xf32, #tpu.memory_space<vmem>> -> memref<64x128xf32, #tpu.memory_space<vmem>>
      %gather3A_1250 = tpu.vector_load_idx %gather3A_1249[%add3A_8, %gather3A_1236] : memref<64x128xf32, #tpu.memory_space<vmem>>[vector<16xi32>, vector<16xi32>], vector<16xf32>,
      %gather3A_1251 = arith.constant 2 : i32
      %gather3A_1252 = arith.constant 0 : i32
      %gather3A_1253 = arith.constant 0 : i32
      %gather3A_1254 = arith.constant 0 : i32
      %gather3A_1255 = tpu.memref_slice %arg6[%gather3A_1251, %gather3A_1252, %gather3A_1253, %gather3A_1254] : memref<7x2x64x128xf32, #tpu.memory_space<vmem>> -> memref<1x1x64x128xf32, #tpu.memory_space<vmem>>
      %gather3A_1256 = tpu.memref_squeeze %gather3A_1255 : memref<1x1x64x128xf32, #tpu.memory_space<vmem>> -> memref<64x128xf32, #tpu.memory_space<vmem>>
      %gather3A_1257 = tpu.vector_load_idx %gather3A_1256[%add3A_11, %gather3A_1236] : memref<64x128xf32, #tpu.memory_space<vmem>>[vector<16xi32>, vector<16xi32>], vector<16xf32>,
      %gather3A_1258 = arith.constant 2 : i32
      %gather3A_1259 = arith.constant 0 : i32
      %gather3A_1260 = arith.constant 0 : i32
      %gather3A_1261 = arith.constant 0 : i32
      %gather3A_1262 = tpu.memref_slice %arg6[%gather3A_1258, %gather3A_1259, %gather3A_1260, %gather3A_1261] : memref<7x2x64x128xf32, #tpu.memory_space<vmem>> -> memref<1x1x64x128xf32, #tpu.memory_space<vmem>>
      %gather3A_1263 = tpu.memref_squeeze %gather3A_1262 : memref<1x1x64x128xf32, #tpu.memory_space<vmem>> -> memref<64x128xf32, #tpu.memory_space<vmem>>
      %gather3A_1264 = tpu.vector_load_idx %gather3A_1263[%add3A_14, %gather3A_1236] : memref<64x128xf32, #tpu.memory_space<vmem>>[vector<16xi32>, vector<16xi32>], vector<16xf32>,
      %mul3A_1265 = arith.mulf %gather3A_1243, %gather3A_1243 : vector<16xf32>
      %mul3A_1266 = arith.mulf %gather3A_1250, %gather3A_1250 : vector<16xf32>
      %add3A_1267 = arith.addf %mul3A_1265, %mul3A_1266 : vector<16xf32>
      %mul3A_1268 = arith.mulf %gather3A_1257, %gather3A_1257 : vector<16xf32>
      %add3A_1269 = arith.addf %add3A_1267, %mul3A_1268 : vector<16xf32>
      %mul3A_1270 = arith.mulf %gather3A_1264, %gather3A_1264 : vector<16xf32>
      %add3A_1271 = arith.addf %add3A_1269, %mul3A_1270 : vector<16xf32>
      %xor3A_1272 = arith.constant 8 : i32
      %xor3A_1273 = vector.broadcast %xor3A_1272 : i32 to vector<16xi32>
      %xor3A_1274 = arith.xori %iota3A, %xor3A_1273 : vector<16xi32>
      %broadcast_in_dim3A_1275 = vector.shape_cast %xor3A_1274 : vector<16xi32> to vector<16x1xi32>
      %gather3A_1276 = vector.shape_cast %broadcast_in_dim3A_1275 : vector<16x1xi32> to vector<16xi32>
      %gather3A_1277 = tpu.dynamic_gather %add3A_1271[%gather3A_1276] in [0] : vector<16xf32>, vector<16xi32> -> vector<16xf32>
      %add3A_1278 = arith.addf %add3A_1271, %gather3A_1277 : vector<16xf32>
      %xor3A_1279 = arith.constant 4 : i32
      %xor3A_1280 = vector.broadcast %xor3A_1279 : i32 to vector<16xi32>
      %xor3A_1281 = arith.xori %iota3A, %xor3A_1280 : vector<16xi32>
      %broadcast_in_dim3A_1282 = vector.shape_cast %xor3A_1281 : vector<16xi32> to vector<16x1xi32>
      %gather3A_1283 = vector.shape_cast %broadcast_in_dim3A_1282 : vector<16x1xi32> to vector<16xi32>
      %gather3A_1284 = tpu.dynamic_gather %add3A_1278[%gather3A_1283] in [0] : vector<16xf32>, vector<16xi32> -> vector<16xf32>
      %add3A_1285 = arith.addf %add3A_1278, %gather3A_1284 : vector<16xf32>
      %xor3A_1286 = arith.constant 2 : i32
      %xor3A_1287 = vector.broadcast %xor3A_1286 : i32 to vector<16xi32>
      %xor3A_1288 = arith.xori %iota3A, %xor3A_1287 : vector<16xi32>
      %broadcast_in_dim3A_1289 = vector.shape_cast %xor3A_1288 : vector<16xi32> to vector<16x1xi32>
      %gather3A_1290 = vector.shape_cast %broadcast_in_dim3A_1289 : vector<16x1xi32> to vector<16xi32>
      %gather3A_1291 = tpu.dynamic_gather %add3A_1285[%gather3A_1290] in [0] : vector<16xf32>, vector<16xi32> -> vector<16xf32>
      %add3A_1292 = arith.addf %add3A_1285, %gather3A_1291 : vector<16xf32>
      %xor3A_1293 = arith.constant 1 : i32
      %xor3A_1294 = vector.broadcast %xor3A_1293 : i32 to vector<16xi32>
      %xor3A_1295 = arith.xori %iota3A, %xor3A_1294 : vector<16xi32>
      %broadcast_in_dim3A_1296 = vector.shape_cast %xor3A_1295 : vector<16xi32> to vector<16x1xi32>
      %gather3A_1297 = vector.shape_cast %broadcast_in_dim3A_1296 : vector<16x1xi32> to vector<16xi32>
      %gather3A_1298 = tpu.dynamic_gather %add3A_1292[%gather3A_1297] in [0] : vector<16xf32>, vector<16xi32> -> vector<16xf32>
      %add3A_1299 = arith.addf %add3A_1292, %gather3A_1298 : vector<16xf32>
      %max3A_1300 = arith.constant 1.000000e-16 : f32
      %max3A_1301 = vector.broadcast %max3A_1300 : f32 to vector<16xf32>
      %max3A_1302 = arith.maximumf %add3A_1299, %max3A_1301 : vector<16xf32>
      %bitcast_convert_type3A_1303 = tpu.bitcast %max3A_1302 : vector<16xf32> -> vector<16xi32>
      %shift_right_arithmetic3A_1304 = arith.constant 1 : i32
      %shift_right_arithmetic3A_1305 = vector.broadcast %shift_right_arithmetic3A_1304 : i32 to vector<16xi32>
      %shift_right_arithmetic3A_1306 = arith.shrsi %bitcast_convert_type3A_1303, %shift_right_arithmetic3A_1305 : vector<16xi32>
      %sub3A_1307 = arith.constant 1597463007 : i32
      %sub3A_1308 = vector.broadcast %sub3A_1307 : i32 to vector<16xi32>
      %sub3A_1309 = arith.subi %sub3A_1308, %shift_right_arithmetic3A_1306 : vector<16xi32>
      %bitcast_convert_type3A_1310 = tpu.bitcast %sub3A_1309 : vector<16xi32> -> vector<16xf32>
      %mul3A_1311 = arith.constant 5.000000e-01 : f32
      %mul3A_1312 = vector.broadcast %mul3A_1311 : f32 to vector<16xf32>
      %mul3A_1313 = arith.mulf %max3A_1302, %mul3A_1312 : vector<16xf32>
      %mul3A_1314 = arith.mulf %mul3A_1313, %bitcast_convert_type3A_1310 : vector<16xf32>
      %mul3A_1315 = arith.mulf %mul3A_1314, %bitcast_convert_type3A_1310 : vector<16xf32>
      %sub3A_1316 = arith.constant 1.500000e+00 : f32
      %sub3A_1317 = vector.broadcast %sub3A_1316 : f32 to vector<16xf32>
      %sub3A_1318 = arith.subf %sub3A_1317, %mul3A_1315 : vector<16xf32>
      %mul3A_1319 = arith.mulf %bitcast_convert_type3A_1310, %sub3A_1318 : vector<16xf32>
      %mul3A_1320 = arith.mulf %mul3A_1313, %mul3A_1319 : vector<16xf32>
      %mul3A_1321 = arith.mulf %mul3A_1320, %mul3A_1319 : vector<16xf32>
      %sub3A_1322 = arith.constant 1.500000e+00 : f32
      %sub3A_1323 = vector.broadcast %sub3A_1322 : f32 to vector<16xf32>
      %sub3A_1324 = arith.subf %sub3A_1323, %mul3A_1321 : vector<16xf32>
      %mul3A_1325 = arith.mulf %mul3A_1319, %sub3A_1324 : vector<16xf32>
      %mul3A_1326 = arith.mulf %mul3A_1313, %mul3A_1325 : vector<16xf32>
      %mul3A_1327 = arith.mulf %mul3A_1326, %mul3A_1325 : vector<16xf32>
      %sub3A_1328 = arith.constant 1.500000e+00 : f32
      %sub3A_1329 = vector.broadcast %sub3A_1328 : f32 to vector<16xf32>
      %sub3A_1330 = arith.subf %sub3A_1329, %mul3A_1327 : vector<16xf32>
      %mul3A_1331 = arith.mulf %mul3A_1325, %sub3A_1330 : vector<16xf32>
      %add3A_1332 = arith.constant 0 : i32
      %add3A_1333 = vector.broadcast %add3A_1332 : i32 to vector<16xi32>
      %add3A_1334 = arith.addi %broadcast_in_dim3A_1231, %add3A_1333 : vector<16xi32>
      %mul3A_1335 = arith.mulf %gather3A_1243, %mul3A_1331 : vector<16xf32>
      tpu.vector_store_idx %arg7[%add3A_5, %add3A_1334], %mul3A_1335 : memref<64x128xf32, #tpu.memory_space<vmem>>[vector<16xi32>, vector<16xi32>], vector<16xf32>,
      %mul3A_1336 = arith.mulf %gather3A_1250, %mul3A_1331 : vector<16xf32>
      tpu.vector_store_idx %arg7[%add3A_8, %add3A_1334], %mul3A_1336 : memref<64x128xf32, #tpu.memory_space<vmem>>[vector<16xi32>, vector<16xi32>], vector<16xf32>,
      %mul3A_1337 = arith.mulf %gather3A_1257, %mul3A_1331 : vector<16xf32>
      tpu.vector_store_idx %arg7[%add3A_11, %add3A_1334], %mul3A_1337 : memref<64x128xf32, #tpu.memory_space<vmem>>[vector<16xi32>, vector<16xi32>], vector<16xf32>,
      %mul3A_1338 = arith.mulf %gather3A_1264, %mul3A_1331 : vector<16xf32>
      tpu.vector_store_idx %arg7[%add3A_14, %add3A_1334], %mul3A_1338 : memref<64x128xf32, #tpu.memory_space<vmem>>[vector<16xi32>, vector<16xi32>], vector<16xf32>,
      %broadcast_in_dim3A_1339 = arith.constant 1 : i32
      %broadcast_in_dim3A_1340 = vector.broadcast %broadcast_in_dim3A_1339 : i32 to vector<16xi32>
      %broadcast_in_dim3A_1341 = vector.shape_cast %broadcast_in_dim3A_1340 : vector<16xi32> to vector<16x1xi32>
      %gather3A_1342 = vector.shape_cast %broadcast_in_dim3A_1341 : vector<16x1xi32> to vector<16xi32>
      %gather3A_1343 = tpu.dynamic_gather %and3A_1226[%gather3A_1342] in [0] : vector<16xi32>, vector<16xi32> -> vector<16xi32>
      %gather3A_1344 = arith.constant 2 : i32
      %gather3A_1345 = arith.constant 1 : i32
      %gather3A_1346 = arith.constant 0 : i32
      %gather3A_1347 = arith.constant 0 : i32
      %gather3A_1348 = tpu.memref_slice %arg6[%gather3A_1344, %gather3A_1345, %gather3A_1346, %gather3A_1347] : memref<7x2x64x128xf32, #tpu.memory_space<vmem>> -> memref<1x1x64x128xf32, #tpu.memory_space<vmem>>
      %gather3A_1349 = tpu.memref_squeeze %gather3A_1348 : memref<1x1x64x128xf32, #tpu.memory_space<vmem>> -> memref<64x128xf32, #tpu.memory_space<vmem>>
      %gather3A_1350 = tpu.vector_load_idx %gather3A_1349[%add3A_5, %gather3A_1343] : memref<64x128xf32, #tpu.memory_space<vmem>>[vector<16xi32>, vector<16xi32>], vector<16xf32>,
      %gather3A_1351 = arith.constant 2 : i32
      %gather3A_1352 = arith.constant 1 : i32
      %gather3A_1353 = arith.constant 0 : i32
      %gather3A_1354 = arith.constant 0 : i32
      %gather3A_1355 = tpu.memref_slice %arg6[%gather3A_1351, %gather3A_1352, %gather3A_1353, %gather3A_1354] : memref<7x2x64x128xf32, #tpu.memory_space<vmem>> -> memref<1x1x64x128xf32, #tpu.memory_space<vmem>>
      %gather3A_1356 = tpu.memref_squeeze %gather3A_1355 : memref<1x1x64x128xf32, #tpu.memory_space<vmem>> -> memref<64x128xf32, #tpu.memory_space<vmem>>
      %gather3A_1357 = tpu.vector_load_idx %gather3A_1356[%add3A_8, %gather3A_1343] : memref<64x128xf32, #tpu.memory_space<vmem>>[vector<16xi32>, vector<16xi32>], vector<16xf32>,
      %gather3A_1358 = arith.constant 2 : i32
      %gather3A_1359 = arith.constant 1 : i32
      %gather3A_1360 = arith.constant 0 : i32
      %gather3A_1361 = arith.constant 0 : i32
      %gather3A_1362 = tpu.memref_slice %arg6[%gather3A_1358, %gather3A_1359, %gather3A_1360, %gather3A_1361] : memref<7x2x64x128xf32, #tpu.memory_space<vmem>> -> memref<1x1x64x128xf32, #tpu.memory_space<vmem>>
      %gather3A_1363 = tpu.memref_squeeze %gather3A_1362 : memref<1x1x64x128xf32, #tpu.memory_space<vmem>> -> memref<64x128xf32, #tpu.memory_space<vmem>>
      %gather3A_1364 = tpu.vector_load_idx %gather3A_1363[%add3A_11, %gather3A_1343] : memref<64x128xf32, #tpu.memory_space<vmem>>[vector<16xi32>, vector<16xi32>], vector<16xf32>,
      %gather3A_1365 = arith.constant 2 : i32
      %gather3A_1366 = arith.constant 1 : i32
      %gather3A_1367 = arith.constant 0 : i32
      %gather3A_1368 = arith.constant 0 : i32
      %gather3A_1369 = tpu.memref_slice %arg6[%gather3A_1365, %gather3A_1366, %gather3A_1367, %gather3A_1368] : memref<7x2x64x128xf32, #tpu.memory_space<vmem>> -> memref<1x1x64x128xf32, #tpu.memory_space<vmem>>
      %gather3A_1370 = tpu.memref_squeeze %gather3A_1369 : memref<1x1x64x128xf32, #tpu.memory_space<vmem>> -> memref<64x128xf32, #tpu.memory_space<vmem>>
      %gather3A_1371 = tpu.vector_load_idx %gather3A_1370[%add3A_14, %gather3A_1343] : memref<64x128xf32, #tpu.memory_space<vmem>>[vector<16xi32>, vector<16xi32>], vector<16xf32>,
      %mul3A_1372 = arith.mulf %gather3A_1350, %gather3A_1350 : vector<16xf32>
      %mul3A_1373 = arith.mulf %gather3A_1357, %gather3A_1357 : vector<16xf32>
      %add3A_1374 = arith.addf %mul3A_1372, %mul3A_1373 : vector<16xf32>
      %mul3A_1375 = arith.mulf %gather3A_1364, %gather3A_1364 : vector<16xf32>
      %add3A_1376 = arith.addf %add3A_1374, %mul3A_1375 : vector<16xf32>
      %mul3A_1377 = arith.mulf %gather3A_1371, %gather3A_1371 : vector<16xf32>
      %add3A_1378 = arith.addf %add3A_1376, %mul3A_1377 : vector<16xf32>
      %xor3A_1379 = arith.constant 8 : i32
      %xor3A_1380 = vector.broadcast %xor3A_1379 : i32 to vector<16xi32>
      %xor3A_1381 = arith.xori %iota3A, %xor3A_1380 : vector<16xi32>
      %broadcast_in_dim3A_1382 = vector.shape_cast %xor3A_1381 : vector<16xi32> to vector<16x1xi32>
      %gather3A_1383 = vector.shape_cast %broadcast_in_dim3A_1382 : vector<16x1xi32> to vector<16xi32>
      %gather3A_1384 = tpu.dynamic_gather %add3A_1378[%gather3A_1383] in [0] : vector<16xf32>, vector<16xi32> -> vector<16xf32>
      %add3A_1385 = arith.addf %add3A_1378, %gather3A_1384 : vector<16xf32>
      %xor3A_1386 = arith.constant 4 : i32
      %xor3A_1387 = vector.broadcast %xor3A_1386 : i32 to vector<16xi32>
      %xor3A_1388 = arith.xori %iota3A, %xor3A_1387 : vector<16xi32>
      %broadcast_in_dim3A_1389 = vector.shape_cast %xor3A_1388 : vector<16xi32> to vector<16x1xi32>
      %gather3A_1390 = vector.shape_cast %broadcast_in_dim3A_1389 : vector<16x1xi32> to vector<16xi32>
      %gather3A_1391 = tpu.dynamic_gather %add3A_1385[%gather3A_1390] in [0] : vector<16xf32>, vector<16xi32> -> vector<16xf32>
      %add3A_1392 = arith.addf %add3A_1385, %gather3A_1391 : vector<16xf32>
      %xor3A_1393 = arith.constant 2 : i32
      %xor3A_1394 = vector.broadcast %xor3A_1393 : i32 to vector<16xi32>
      %xor3A_1395 = arith.xori %iota3A, %xor3A_1394 : vector<16xi32>
      %broadcast_in_dim3A_1396 = vector.shape_cast %xor3A_1395 : vector<16xi32> to vector<16x1xi32>
      %gather3A_1397 = vector.shape_cast %broadcast_in_dim3A_1396 : vector<16x1xi32> to vector<16xi32>
      %gather3A_1398 = tpu.dynamic_gather %add3A_1392[%gather3A_1397] in [0] : vector<16xf32>, vector<16xi32> -> vector<16xf32>
      %add3A_1399 = arith.addf %add3A_1392, %gather3A_1398 : vector<16xf32>
      %xor3A_1400 = arith.constant 1 : i32
      %xor3A_1401 = vector.broadcast %xor3A_1400 : i32 to vector<16xi32>
      %xor3A_1402 = arith.xori %iota3A, %xor3A_1401 : vector<16xi32>
      %broadcast_in_dim3A_1403 = vector.shape_cast %xor3A_1402 : vector<16xi32> to vector<16x1xi32>
      %gather3A_1404 = vector.shape_cast %broadcast_in_dim3A_1403 : vector<16x1xi32> to vector<16xi32>
      %gather3A_1405 = tpu.dynamic_gather %add3A_1399[%gather3A_1404] in [0] : vector<16xf32>, vector<16xi32> -> vector<16xf32>
      %add3A_1406 = arith.addf %add3A_1399, %gather3A_1405 : vector<16xf32>
      %max3A_1407 = arith.constant 1.000000e-16 : f32
      %max3A_1408 = vector.broadcast %max3A_1407 : f32 to vector<16xf32>
      %max3A_1409 = arith.maximumf %add3A_1406, %max3A_1408 : vector<16xf32>
      %bitcast_convert_type3A_1410 = tpu.bitcast %max3A_1409 : vector<16xf32> -> vector<16xi32>
      %shift_right_arithmetic3A_1411 = arith.constant 1 : i32
      %shift_right_arithmetic3A_1412 = vector.broadcast %shift_right_arithmetic3A_1411 : i32 to vector<16xi32>
      %shift_right_arithmetic3A_1413 = arith.shrsi %bitcast_convert_type3A_1410, %shift_right_arithmetic3A_1412 : vector<16xi32>
      %sub3A_1414 = arith.constant 1597463007 : i32
      %sub3A_1415 = vector.broadcast %sub3A_1414 : i32 to vector<16xi32>
      %sub3A_1416 = arith.subi %sub3A_1415, %shift_right_arithmetic3A_1413 : vector<16xi32>
      %bitcast_convert_type3A_1417 = tpu.bitcast %sub3A_1416 : vector<16xi32> -> vector<16xf32>
      %mul3A_1418 = arith.constant 5.000000e-01 : f32
      %mul3A_1419 = vector.broadcast %mul3A_1418 : f32 to vector<16xf32>
      %mul3A_1420 = arith.mulf %max3A_1409, %mul3A_1419 : vector<16xf32>
      %mul3A_1421 = arith.mulf %mul3A_1420, %bitcast_convert_type3A_1417 : vector<16xf32>
      %mul3A_1422 = arith.mulf %mul3A_1421, %bitcast_convert_type3A_1417 : vector<16xf32>
      %sub3A_1423 = arith.constant 1.500000e+00 : f32
      %sub3A_1424 = vector.broadcast %sub3A_1423 : f32 to vector<16xf32>
      %sub3A_1425 = arith.subf %sub3A_1424, %mul3A_1422 : vector<16xf32>
      %mul3A_1426 = arith.mulf %bitcast_convert_type3A_1417, %sub3A_1425 : vector<16xf32>
      %mul3A_1427 = arith.mulf %mul3A_1420, %mul3A_1426 : vector<16xf32>
      %mul3A_1428 = arith.mulf %mul3A_1427, %mul3A_1426 : vector<16xf32>
      %sub3A_1429 = arith.constant 1.500000e+00 : f32
      %sub3A_1430 = vector.broadcast %sub3A_1429 : f32 to vector<16xf32>
      %sub3A_1431 = arith.subf %sub3A_1430, %mul3A_1428 : vector<16xf32>
      %mul3A_1432 = arith.mulf %mul3A_1426, %sub3A_1431 : vector<16xf32>
      %mul3A_1433 = arith.mulf %mul3A_1420, %mul3A_1432 : vector<16xf32>
      %mul3A_1434 = arith.mulf %mul3A_1433, %mul3A_1432 : vector<16xf32>
      %sub3A_1435 = arith.constant 1.500000e+00 : f32
      %sub3A_1436 = vector.broadcast %sub3A_1435 : f32 to vector<16xf32>
      %sub3A_1437 = arith.subf %sub3A_1436, %mul3A_1434 : vector<16xf32>
      %mul3A_1438 = arith.mulf %mul3A_1432, %sub3A_1437 : vector<16xf32>
      %add3A_1439 = arith.constant 1 : i32
      %add3A_1440 = vector.broadcast %add3A_1439 : i32 to vector<16xi32>
      %add3A_1441 = arith.addi %broadcast_in_dim3A_1231, %add3A_1440 : vector<16xi32>
      %mul3A_1442 = arith.mulf %gather3A_1350, %mul3A_1438 : vector<16xf32>
      tpu.vector_store_idx %arg7[%add3A_5, %add3A_1441], %mul3A_1442 : memref<64x128xf32, #tpu.memory_space<vmem>>[vector<16xi32>, vector<16xi32>], vector<16xf32>,
      %mul3A_1443 = arith.mulf %gather3A_1357, %mul3A_1438 : vector<16xf32>
      tpu.vector_store_idx %arg7[%add3A_8, %add3A_1441], %mul3A_1443 : memref<64x128xf32, #tpu.memory_space<vmem>>[vector<16xi32>, vector<16xi32>], vector<16xf32>,
      %mul3A_1444 = arith.mulf %gather3A_1364, %mul3A_1438 : vector<16xf32>
      tpu.vector_store_idx %arg7[%add3A_11, %add3A_1441], %mul3A_1444 : memref<64x128xf32, #tpu.memory_space<vmem>>[vector<16xi32>, vector<16xi32>], vector<16xf32>,
      %mul3A_1445 = arith.mulf %gather3A_1371, %mul3A_1438 : vector<16xf32>
      tpu.vector_store_idx %arg7[%add3A_14, %add3A_1441], %mul3A_1445 : memref<64x128xf32, #tpu.memory_space<vmem>>[vector<16xi32>, vector<16xi32>], vector<16xf32>,
      %rem3A_1446 = arith.constant 64 : i32
      %rem3A_1447 = arith.remsi %rem3A_1219, %rem3A_1446 : i32
      %eq3A_1448 = arith.constant 63 : i32
      %eq3A_1449 = arith.cmpi eq, %rem3A_1447, %eq3A_1448 : i32
      %convert_element_type3A_1450 = arith.extui %eq3A_1449 : i1 to i32
      %cond3A_1451 = arith.constant 0 : i32
      %cond3A_1452 = arith.cmpi ne, %convert_element_type3A_1450, %cond3A_1451 : i32
      scf.if %cond3A_1452 {
        %div3A = arith.constant 64 : i32
        %div3A_2778 = arith.divsi %rem3A_1219, %div3A : i32
        %mul3A_2779 = arith.constant 128 : i32
        %mul3A_2780 = arith.muli %div3A_2778, %mul3A_2779 : i32
        %add3A_2781 = arith.addi %mul3A_2, %mul3A_2780 : i32
        "tpu.region"() ({
          %run_scoped3A = tpu.sem_alloc : memref<!tpu.dma_semaphore, #tpu.memory_space<semaphore_mem>>
          %dma_start3A_2782 = arith.constant 0 : i32
          %dma_start3A_2783 = tpu.memref_slice %arg4[%dma_start3A_2782, %add3A_2781] : memref<64x16384xf32, #tpu.memory_space<hbm>> -> memref<64x128xf32, #tpu.memory_space<hbm>>
          %dma_start3A_2784 = arith.constant 0 : i32
          %dma_start3A_2785 = tpu.memref_slice %arg4[%dma_start3A_2784, %add3A_2781] : memref<64x16384xf32, #tpu.memory_space<hbm>> -> memref<64x128xf32, #tpu.memory_space<hbm>>
          tpu.enqueue_dma source(%arg7 : memref<64x128xf32, #tpu.memory_space<vmem>>) target(%dma_start3A_2785 : memref<64x128xf32, #tpu.memory_space<hbm>>) target_semaphore(%run_scoped3A : memref<!tpu.dma_semaphore, #tpu.memory_space<semaphore_mem>>)
          %dma_wait3A_2786 = arith.constant 0 : i32
          %dma_wait3A_2787 = tpu.memref_slice %arg4[%dma_wait3A_2786, %add3A_2781] : memref<64x16384xf32, #tpu.memory_space<hbm>> -> memref<64x128xf32, #tpu.memory_space<hbm>>
          %dma_wait3A_2788 = arith.constant 0 : i32
          %dma_wait3A_2789 = tpu.memref_slice %arg4[%dma_wait3A_2788, %add3A_2781] : memref<64x16384xf32, #tpu.memory_space<hbm>> -> memref<64x128xf32, #tpu.memory_space<hbm>>
          tpu.wait_dma2 semaphore(%run_scoped3A : memref<!tpu.dma_semaphore, #tpu.memory_space<semaphore_mem>>) src(%arg7 : memref<64x128xf32, #tpu.memory_space<vmem>>) dst(%dma_wait3A_2789 : memref<64x128xf32, #tpu.memory_space<hbm>>)
          tpu.yield
        }) : () -> ()
      } else {
      }
      %add3A_1453 = arith.constant 7 : i32
      %add3A_1454 = arith.addi %add3A_1185, %add3A_1453 : i32
      %rem3A_1455 = arith.constant 256 : i32
      %rem3A_1456 = arith.remsi %add3A_1454, %rem3A_1455 : i32
      %mul3A_1457 = arith.constant 2 : i32
      %mul3A_1458 = arith.muli %rem3A_1456, %mul3A_1457 : i32
      %get3A_1459 = arith.index_cast %mul3A_1458 : i32 to index
      %get3A_1460 = tpu.vector_load %arg5[%get3A_1459] {strides = array<i32>} : memref<528xi32, #tpu.memory_space<vmem>>, vector<16xi32>,
      %slice3A_1461 = vector.extract_strided_slice %get3A_1460 {offsets = [0], sizes = [1], strides = [1]} : vector<16xi32> to vector<1xi32>
      %squeeze3A_1462 = vector.extract %slice3A_1461[0] : i32 from vector<1xi32>
      %and3A_1463 = arith.constant 127 : i32
      %and3A_1464 = arith.andi %squeeze3A_1462, %and3A_1463 : i32
      %sub3A_1465 = arith.subi %squeeze3A_1462, %and3A_1464 : i32
      %multiple_of3A_1466 = tpu.assume_multiple %sub3A_1465, 128 : i32
      %dma_start3A_1467 = arith.constant 2 : i32
      %dma_start3A_1468 = arith.constant 0 : i32
      %dma_start3A_1469 = arith.constant 0 : i32
      %dma_start3A_1470 = arith.constant 0 : i32
      %dma_start3A_1471 = tpu.memref_slice %arg6[%dma_start3A_1467, %dma_start3A_1468, %dma_start3A_1469, %dma_start3A_1470] : memref<7x2x64x128xf32, #tpu.memory_space<vmem>> -> memref<1x1x64x128xf32, #tpu.memory_space<vmem>>
      %dma_start3A_1472 = tpu.memref_squeeze %dma_start3A_1471 : memref<1x1x64x128xf32, #tpu.memory_space<vmem>> -> memref<64x128xf32, #tpu.memory_space<vmem>>
      %dma_start3A_1473 = arith.constant 0 : i32
      %dma_start3A_1474 = tpu.memref_slice %arg2[%dma_start3A_1473, %multiple_of3A_1466] : memref<64x1000000xf32, #tpu.memory_space<hbm>> -> memref<64x128xf32, #tpu.memory_space<hbm>>
      %dma_start3A_1475 = arith.constant 0 : i32
      %dma_start3A_1476 = arith.constant 0 : i32
      %dma_start3A_1477 = tpu.memref_slice %arg6[%dma_start3A_1467, %dma_start3A_1468, %dma_start3A_1475, %dma_start3A_1476] : memref<7x2x64x128xf32, #tpu.memory_space<vmem>> -> memref<1x1x64x128xf32, #tpu.memory_space<vmem>>
      %dma_start3A_1478 = tpu.memref_squeeze %dma_start3A_1477 : memref<1x1x64x128xf32, #tpu.memory_space<vmem>> -> memref<64x128xf32, #tpu.memory_space<vmem>>
      %dma_start3A_1479 = arith.constant 0 : i32
      %dma_start3A_1480 = tpu.memref_slice %arg2[%dma_start3A_1479, %multiple_of3A_1466] : memref<64x1000000xf32, #tpu.memory_space<hbm>> -> memref<64x128xf32, #tpu.memory_space<hbm>>
      tpu.enqueue_dma source(%dma_start3A_1480 : memref<64x128xf32, #tpu.memory_space<hbm>>) target(%dma_start3A_1478 : memref<64x128xf32, #tpu.memory_space<vmem>>) target_semaphore(%arg10 : memref<!tpu.dma_semaphore, #tpu.memory_space<semaphore_mem>>)
      %slice3A_1481 = vector.extract_strided_slice %get3A_1460 {offsets = [1], sizes = [1], strides = [1]} : vector<16xi32> to vector<1xi32>
      %squeeze3A_1482 = vector.extract %slice3A_1481[0] : i32 from vector<1xi32>
      %and3A_1483 = arith.constant 127 : i32
      %and3A_1484 = arith.andi %squeeze3A_1482, %and3A_1483 : i32
      %sub3A_1485 = arith.subi %squeeze3A_1482, %and3A_1484 : i32
      %multiple_of3A_1486 = tpu.assume_multiple %sub3A_1485, 128 : i32
      %dma_start3A_1487 = arith.constant 2 : i32
      %dma_start3A_1488 = arith.constant 1 : i32
      %dma_start3A_1489 = arith.constant 0 : i32
      %dma_start3A_1490 = arith.constant 0 : i32
      %dma_start3A_1491 = tpu.memref_slice %arg6[%dma_start3A_1487, %dma_start3A_1488, %dma_start3A_1489, %dma_start3A_1490] : memref<7x2x64x128xf32, #tpu.memory_space<vmem>> -> memref<1x1x64x128xf32, #tpu.memory_space<vmem>>
      %dma_start3A_1492 = tpu.memref_squeeze %dma_start3A_1491 : memref<1x1x64x128xf32, #tpu.memory_space<vmem>> -> memref<64x128xf32, #tpu.memory_space<vmem>>
      %dma_start3A_1493 = arith.constant 0 : i32
      %dma_start3A_1494 = tpu.memref_slice %arg2[%dma_start3A_1493, %multiple_of3A_1486] : memref<64x1000000xf32, #tpu.memory_space<hbm>> -> memref<64x128xf32, #tpu.memory_space<hbm>>
      %dma_start3A_1495 = arith.constant 0 : i32
      %dma_start3A_1496 = arith.constant 0 : i32
      %dma_start3A_1497 = tpu.memref_slice %arg6[%dma_start3A_1487, %dma_start3A_1488, %dma_start3A_1495, %dma_start3A_1496] : memref<7x2x64x128xf32, #tpu.memory_space<vmem>> -> memref<1x1x64x128xf32, #tpu.memory_space<vmem>>
      %dma_start3A_1498 = tpu.memref_squeeze %dma_start3A_1497 : memref<1x1x64x128xf32, #tpu.memory_space<vmem>> -> memref<64x128xf32, #tpu.memory_space<vmem>>
      %dma_start3A_1499 = arith.constant 0 : i32
      %dma_start3A_1500 = tpu.memref_slice %arg2[%dma_start3A_1499, %multiple_of3A_1486] : memref<64x1000000xf32, #tpu.memory_space<hbm>> -> memref<64x128xf32, #tpu.memory_space<hbm>>
      tpu.enqueue_dma source(%dma_start3A_1500 : memref<64x128xf32, #tpu.memory_space<hbm>>) target(%dma_start3A_1498 : memref<64x128xf32, #tpu.memory_space<vmem>>) target_semaphore(%arg10 : memref<!tpu.dma_semaphore, #tpu.memory_space<semaphore_mem>>)
      %mul3A_1501 = arith.constant 7 : i32
      %mul3A_1502 = arith.muli %mul3A_1501, %scan3A_552 : i32
      %add3A_1503 = arith.constant 3 : i32
      %add3A_1504 = arith.addi %mul3A_1502, %add3A_1503 : i32
      %dma_wait3A_1505 = arith.constant 3 : i32
      %dma_wait3A_1506 = arith.constant 0 : i32
      %dma_wait3A_1507 = arith.constant 0 : i32
      %dma_wait3A_1508 = arith.constant 0 : i32
      %dma_wait3A_1509 = tpu.memref_slice %arg6[%dma_wait3A_1505, %dma_wait3A_1506, %dma_wait3A_1507, %dma_wait3A_1508] : memref<7x2x64x128xf32, #tpu.memory_space<vmem>> -> memref<1x1x64x128xf32, #tpu.memory_space<vmem>>
      %dma_wait3A_1510 = tpu.memref_squeeze %dma_wait3A_1509 : memref<1x1x64x128xf32, #tpu.memory_space<vmem>> -> memref<64x128xf32, #tpu.memory_space<vmem>>
      %dma_wait3A_1511 = arith.constant 0 : i32
      %dma_wait3A_1512 = arith.constant 0 : i32
      %dma_wait3A_1513 = tpu.memref_slice %arg2[%dma_wait3A_1511, %dma_wait3A_1512] : memref<64x1000000xf32, #tpu.memory_space<hbm>> -> memref<64x128xf32, #tpu.memory_space<hbm>>
      %dma_wait3A_1514 = arith.constant 0 : i32
      %dma_wait3A_1515 = arith.constant 0 : i32
      %dma_wait3A_1516 = tpu.memref_slice %arg6[%dma_wait3A_1505, %dma_wait3A_1506, %dma_wait3A_1514, %dma_wait3A_1515] : memref<7x2x64x128xf32, #tpu.memory_space<vmem>> -> memref<1x1x64x128xf32, #tpu.memory_space<vmem>>
      %dma_wait3A_1517 = tpu.memref_squeeze %dma_wait3A_1516 : memref<1x1x64x128xf32, #tpu.memory_space<vmem>> -> memref<64x128xf32, #tpu.memory_space<vmem>>
      %dma_wait3A_1518 = arith.constant 0 : i32
      %dma_wait3A_1519 = arith.constant 0 : i32
      %dma_wait3A_1520 = tpu.memref_slice %arg2[%dma_wait3A_1518, %dma_wait3A_1519] : memref<64x1000000xf32, #tpu.memory_space<hbm>> -> memref<64x128xf32, #tpu.memory_space<hbm>>
      tpu.wait_dma2 semaphore(%arg11 : memref<!tpu.dma_semaphore, #tpu.memory_space<semaphore_mem>>) src(%dma_wait3A_1520 : memref<64x128xf32, #tpu.memory_space<hbm>>) dst(%dma_wait3A_1517 : memref<64x128xf32, #tpu.memory_space<vmem>>)
      %dma_wait3A_1521 = arith.constant 3 : i32
      %dma_wait3A_1522 = arith.constant 1 : i32
      %dma_wait3A_1523 = arith.constant 0 : i32
      %dma_wait3A_1524 = arith.constant 0 : i32
      %dma_wait3A_1525 = tpu.memref_slice %arg6[%dma_wait3A_1521, %dma_wait3A_1522, %dma_wait3A_1523, %dma_wait3A_1524] : memref<7x2x64x128xf32, #tpu.memory_space<vmem>> -> memref<1x1x64x128xf32, #tpu.memory_space<vmem>>
      %dma_wait3A_1526 = tpu.memref_squeeze %dma_wait3A_1525 : memref<1x1x64x128xf32, #tpu.memory_space<vmem>> -> memref<64x128xf32, #tpu.memory_space<vmem>>
      %dma_wait3A_1527 = arith.constant 0 : i32
      %dma_wait3A_1528 = arith.constant 0 : i32
      %dma_wait3A_1529 = tpu.memref_slice %arg2[%dma_wait3A_1527, %dma_wait3A_1528] : memref<64x1000000xf32, #tpu.memory_space<hbm>> -> memref<64x128xf32, #tpu.memory_space<hbm>>
      %dma_wait3A_1530 = arith.constant 0 : i32
      %dma_wait3A_1531 = arith.constant 0 : i32
      %dma_wait3A_1532 = tpu.memref_slice %arg6[%dma_wait3A_1521, %dma_wait3A_1522, %dma_wait3A_1530, %dma_wait3A_1531] : memref<7x2x64x128xf32, #tpu.memory_space<vmem>> -> memref<1x1x64x128xf32, #tpu.memory_space<vmem>>
      %dma_wait3A_1533 = tpu.memref_squeeze %dma_wait3A_1532 : memref<1x1x64x128xf32, #tpu.memory_space<vmem>> -> memref<64x128xf32, #tpu.memory_space<vmem>>
      %dma_wait3A_1534 = arith.constant 0 : i32
      %dma_wait3A_1535 = arith.constant 0 : i32
      %dma_wait3A_1536 = tpu.memref_slice %arg2[%dma_wait3A_1534, %dma_wait3A_1535] : memref<64x1000000xf32, #tpu.memory_space<hbm>> -> memref<64x128xf32, #tpu.memory_space<hbm>>
      tpu.wait_dma2 semaphore(%arg11 : memref<!tpu.dma_semaphore, #tpu.memory_space<semaphore_mem>>) src(%dma_wait3A_1536 : memref<64x128xf32, #tpu.memory_space<hbm>>) dst(%dma_wait3A_1533 : memref<64x128xf32, #tpu.memory_space<vmem>>)
      %rem3A_1537 = arith.constant 256 : i32
      %rem3A_1538 = arith.remsi %add3A_1504, %rem3A_1537 : i32
      %mul3A_1539 = arith.constant 2 : i32
      %mul3A_1540 = arith.muli %rem3A_1538, %mul3A_1539 : i32
      %get3A_1541 = arith.index_cast %mul3A_1540 : i32 to index
      %get3A_1542 = tpu.vector_load %arg5[%get3A_1541] {strides = array<i32>} : memref<528xi32, #tpu.memory_space<vmem>>, vector<16xi32>,
      %and3A_1543 = arith.constant 127 : i32
      %and3A_1544 = vector.broadcast %and3A_1543 : i32 to vector<16xi32>
      %and3A_1545 = arith.andi %get3A_1542, %and3A_1544 : vector<16xi32>
      %rem3A_1546 = arith.constant 64 : i32
      %rem3A_1547 = arith.remsi %rem3A_1538, %rem3A_1546 : i32
      %mul3A_1548 = arith.constant 2 : i32
      %mul3A_1549 = arith.muli %rem3A_1547, %mul3A_1548 : i32
      %broadcast_in_dim3A_1550 = vector.broadcast %mul3A_1549 : i32 to vector<16xi32>
      %broadcast_in_dim3A_1551 = arith.constant 0 : i32
      %broadcast_in_dim3A_1552 = vector.broadcast %broadcast_in_dim3A_1551 : i32 to vector<16xi32>
      %broadcast_in_dim3A_1553 = vector.shape_cast %broadcast_in_dim3A_1552 : vector<16xi32> to vector<16x1xi32>
      %gather3A_1554 = vector.shape_cast %broadcast_in_dim3A_1553 : vector<16x1xi32> to vector<16xi32>
      %gather3A_1555 = tpu.dynamic_gather %and3A_1545[%gather3A_1554] in [0] : vector<16xi32>, vector<16xi32> -> vector<16xi32>
      %gather3A_1556 = arith.constant 3 : i32
      %gather3A_1557 = arith.constant 0 : i32
      %gather3A_1558 = arith.constant 0 : i32
      %gather3A_1559 = arith.constant 0 : i32
      %gather3A_1560 = tpu.memref_slice %arg6[%gather3A_1556, %gather3A_1557, %gather3A_1558, %gather3A_1559] : memref<7x2x64x128xf32, #tpu.memory_space<vmem>> -> memref<1x1x64x128xf32, #tpu.memory_space<vmem>>
      %gather3A_1561 = tpu.memref_squeeze %gather3A_1560 : memref<1x1x64x128xf32, #tpu.memory_space<vmem>> -> memref<64x128xf32, #tpu.memory_space<vmem>>
      %gather3A_1562 = tpu.vector_load_idx %gather3A_1561[%add3A_5, %gather3A_1555] : memref<64x128xf32, #tpu.memory_space<vmem>>[vector<16xi32>, vector<16xi32>], vector<16xf32>,
      %gather3A_1563 = arith.constant 3 : i32
      %gather3A_1564 = arith.constant 0 : i32
      %gather3A_1565 = arith.constant 0 : i32
      %gather3A_1566 = arith.constant 0 : i32
      %gather3A_1567 = tpu.memref_slice %arg6[%gather3A_1563, %gather3A_1564, %gather3A_1565, %gather3A_1566] : memref<7x2x64x128xf32, #tpu.memory_space<vmem>> -> memref<1x1x64x128xf32, #tpu.memory_space<vmem>>
      %gather3A_1568 = tpu.memref_squeeze %gather3A_1567 : memref<1x1x64x128xf32, #tpu.memory_space<vmem>> -> memref<64x128xf32, #tpu.memory_space<vmem>>
      %gather3A_1569 = tpu.vector_load_idx %gather3A_1568[%add3A_8, %gather3A_1555] : memref<64x128xf32, #tpu.memory_space<vmem>>[vector<16xi32>, vector<16xi32>], vector<16xf32>,
      %gather3A_1570 = arith.constant 3 : i32
      %gather3A_1571 = arith.constant 0 : i32
      %gather3A_1572 = arith.constant 0 : i32
      %gather3A_1573 = arith.constant 0 : i32
      %gather3A_1574 = tpu.memref_slice %arg6[%gather3A_1570, %gather3A_1571, %gather3A_1572, %gather3A_1573] : memref<7x2x64x128xf32, #tpu.memory_space<vmem>> -> memref<1x1x64x128xf32, #tpu.memory_space<vmem>>
      %gather3A_1575 = tpu.memref_squeeze %gather3A_1574 : memref<1x1x64x128xf32, #tpu.memory_space<vmem>> -> memref<64x128xf32, #tpu.memory_space<vmem>>
      %gather3A_1576 = tpu.vector_load_idx %gather3A_1575[%add3A_11, %gather3A_1555] : memref<64x128xf32, #tpu.memory_space<vmem>>[vector<16xi32>, vector<16xi32>], vector<16xf32>,
      %gather3A_1577 = arith.constant 3 : i32
      %gather3A_1578 = arith.constant 0 : i32
      %gather3A_1579 = arith.constant 0 : i32
      %gather3A_1580 = arith.constant 0 : i32
      %gather3A_1581 = tpu.memref_slice %arg6[%gather3A_1577, %gather3A_1578, %gather3A_1579, %gather3A_1580] : memref<7x2x64x128xf32, #tpu.memory_space<vmem>> -> memref<1x1x64x128xf32, #tpu.memory_space<vmem>>
      %gather3A_1582 = tpu.memref_squeeze %gather3A_1581 : memref<1x1x64x128xf32, #tpu.memory_space<vmem>> -> memref<64x128xf32, #tpu.memory_space<vmem>>
      %gather3A_1583 = tpu.vector_load_idx %gather3A_1582[%add3A_14, %gather3A_1555] : memref<64x128xf32, #tpu.memory_space<vmem>>[vector<16xi32>, vector<16xi32>], vector<16xf32>,
      %mul3A_1584 = arith.mulf %gather3A_1562, %gather3A_1562 : vector<16xf32>
      %mul3A_1585 = arith.mulf %gather3A_1569, %gather3A_1569 : vector<16xf32>
      %add3A_1586 = arith.addf %mul3A_1584, %mul3A_1585 : vector<16xf32>
      %mul3A_1587 = arith.mulf %gather3A_1576, %gather3A_1576 : vector<16xf32>
      %add3A_1588 = arith.addf %add3A_1586, %mul3A_1587 : vector<16xf32>
      %mul3A_1589 = arith.mulf %gather3A_1583, %gather3A_1583 : vector<16xf32>
      %add3A_1590 = arith.addf %add3A_1588, %mul3A_1589 : vector<16xf32>
      %xor3A_1591 = arith.constant 8 : i32
      %xor3A_1592 = vector.broadcast %xor3A_1591 : i32 to vector<16xi32>
      %xor3A_1593 = arith.xori %iota3A, %xor3A_1592 : vector<16xi32>
      %broadcast_in_dim3A_1594 = vector.shape_cast %xor3A_1593 : vector<16xi32> to vector<16x1xi32>
      %gather3A_1595 = vector.shape_cast %broadcast_in_dim3A_1594 : vector<16x1xi32> to vector<16xi32>
      %gather3A_1596 = tpu.dynamic_gather %add3A_1590[%gather3A_1595] in [0] : vector<16xf32>, vector<16xi32> -> vector<16xf32>
      %add3A_1597 = arith.addf %add3A_1590, %gather3A_1596 : vector<16xf32>
      %xor3A_1598 = arith.constant 4 : i32
      %xor3A_1599 = vector.broadcast %xor3A_1598 : i32 to vector<16xi32>
      %xor3A_1600 = arith.xori %iota3A, %xor3A_1599 : vector<16xi32>
      %broadcast_in_dim3A_1601 = vector.shape_cast %xor3A_1600 : vector<16xi32> to vector<16x1xi32>
      %gather3A_1602 = vector.shape_cast %broadcast_in_dim3A_1601 : vector<16x1xi32> to vector<16xi32>
      %gather3A_1603 = tpu.dynamic_gather %add3A_1597[%gather3A_1602] in [0] : vector<16xf32>, vector<16xi32> -> vector<16xf32>
      %add3A_1604 = arith.addf %add3A_1597, %gather3A_1603 : vector<16xf32>
      %xor3A_1605 = arith.constant 2 : i32
      %xor3A_1606 = vector.broadcast %xor3A_1605 : i32 to vector<16xi32>
      %xor3A_1607 = arith.xori %iota3A, %xor3A_1606 : vector<16xi32>
      %broadcast_in_dim3A_1608 = vector.shape_cast %xor3A_1607 : vector<16xi32> to vector<16x1xi32>
      %gather3A_1609 = vector.shape_cast %broadcast_in_dim3A_1608 : vector<16x1xi32> to vector<16xi32>
      %gather3A_1610 = tpu.dynamic_gather %add3A_1604[%gather3A_1609] in [0] : vector<16xf32>, vector<16xi32> -> vector<16xf32>
      %add3A_1611 = arith.addf %add3A_1604, %gather3A_1610 : vector<16xf32>
      %xor3A_1612 = arith.constant 1 : i32
      %xor3A_1613 = vector.broadcast %xor3A_1612 : i32 to vector<16xi32>
      %xor3A_1614 = arith.xori %iota3A, %xor3A_1613 : vector<16xi32>
      %broadcast_in_dim3A_1615 = vector.shape_cast %xor3A_1614 : vector<16xi32> to vector<16x1xi32>
      %gather3A_1616 = vector.shape_cast %broadcast_in_dim3A_1615 : vector<16x1xi32> to vector<16xi32>
      %gather3A_1617 = tpu.dynamic_gather %add3A_1611[%gather3A_1616] in [0] : vector<16xf32>, vector<16xi32> -> vector<16xf32>
      %add3A_1618 = arith.addf %add3A_1611, %gather3A_1617 : vector<16xf32>
      %max3A_1619 = arith.constant 1.000000e-16 : f32
      %max3A_1620 = vector.broadcast %max3A_1619 : f32 to vector<16xf32>
      %max3A_1621 = arith.maximumf %add3A_1618, %max3A_1620 : vector<16xf32>
      %bitcast_convert_type3A_1622 = tpu.bitcast %max3A_1621 : vector<16xf32> -> vector<16xi32>
      %shift_right_arithmetic3A_1623 = arith.constant 1 : i32
      %shift_right_arithmetic3A_1624 = vector.broadcast %shift_right_arithmetic3A_1623 : i32 to vector<16xi32>
      %shift_right_arithmetic3A_1625 = arith.shrsi %bitcast_convert_type3A_1622, %shift_right_arithmetic3A_1624 : vector<16xi32>
      %sub3A_1626 = arith.constant 1597463007 : i32
      %sub3A_1627 = vector.broadcast %sub3A_1626 : i32 to vector<16xi32>
      %sub3A_1628 = arith.subi %sub3A_1627, %shift_right_arithmetic3A_1625 : vector<16xi32>
      %bitcast_convert_type3A_1629 = tpu.bitcast %sub3A_1628 : vector<16xi32> -> vector<16xf32>
      %mul3A_1630 = arith.constant 5.000000e-01 : f32
      %mul3A_1631 = vector.broadcast %mul3A_1630 : f32 to vector<16xf32>
      %mul3A_1632 = arith.mulf %max3A_1621, %mul3A_1631 : vector<16xf32>
      %mul3A_1633 = arith.mulf %mul3A_1632, %bitcast_convert_type3A_1629 : vector<16xf32>
      %mul3A_1634 = arith.mulf %mul3A_1633, %bitcast_convert_type3A_1629 : vector<16xf32>
      %sub3A_1635 = arith.constant 1.500000e+00 : f32
      %sub3A_1636 = vector.broadcast %sub3A_1635 : f32 to vector<16xf32>
      %sub3A_1637 = arith.subf %sub3A_1636, %mul3A_1634 : vector<16xf32>
      %mul3A_1638 = arith.mulf %bitcast_convert_type3A_1629, %sub3A_1637 : vector<16xf32>
      %mul3A_1639 = arith.mulf %mul3A_1632, %mul3A_1638 : vector<16xf32>
      %mul3A_1640 = arith.mulf %mul3A_1639, %mul3A_1638 : vector<16xf32>
      %sub3A_1641 = arith.constant 1.500000e+00 : f32
      %sub3A_1642 = vector.broadcast %sub3A_1641 : f32 to vector<16xf32>
      %sub3A_1643 = arith.subf %sub3A_1642, %mul3A_1640 : vector<16xf32>
      %mul3A_1644 = arith.mulf %mul3A_1638, %sub3A_1643 : vector<16xf32>
      %mul3A_1645 = arith.mulf %mul3A_1632, %mul3A_1644 : vector<16xf32>
      %mul3A_1646 = arith.mulf %mul3A_1645, %mul3A_1644 : vector<16xf32>
      %sub3A_1647 = arith.constant 1.500000e+00 : f32
      %sub3A_1648 = vector.broadcast %sub3A_1647 : f32 to vector<16xf32>
      %sub3A_1649 = arith.subf %sub3A_1648, %mul3A_1646 : vector<16xf32>
      %mul3A_1650 = arith.mulf %mul3A_1644, %sub3A_1649 : vector<16xf32>
      %add3A_1651 = arith.constant 0 : i32
      %add3A_1652 = vector.broadcast %add3A_1651 : i32 to vector<16xi32>
      %add3A_1653 = arith.addi %broadcast_in_dim3A_1550, %add3A_1652 : vector<16xi32>
      %mul3A_1654 = arith.mulf %gather3A_1562, %mul3A_1650 : vector<16xf32>
      tpu.vector_store_idx %arg7[%add3A_5, %add3A_1653], %mul3A_1654 : memref<64x128xf32, #tpu.memory_space<vmem>>[vector<16xi32>, vector<16xi32>], vector<16xf32>,
      %mul3A_1655 = arith.mulf %gather3A_1569, %mul3A_1650 : vector<16xf32>
      tpu.vector_store_idx %arg7[%add3A_8, %add3A_1653], %mul3A_1655 : memref<64x128xf32, #tpu.memory_space<vmem>>[vector<16xi32>, vector<16xi32>], vector<16xf32>,
      %mul3A_1656 = arith.mulf %gather3A_1576, %mul3A_1650 : vector<16xf32>
      tpu.vector_store_idx %arg7[%add3A_11, %add3A_1653], %mul3A_1656 : memref<64x128xf32, #tpu.memory_space<vmem>>[vector<16xi32>, vector<16xi32>], vector<16xf32>,
      %mul3A_1657 = arith.mulf %gather3A_1583, %mul3A_1650 : vector<16xf32>
      tpu.vector_store_idx %arg7[%add3A_14, %add3A_1653], %mul3A_1657 : memref<64x128xf32, #tpu.memory_space<vmem>>[vector<16xi32>, vector<16xi32>], vector<16xf32>,
      %broadcast_in_dim3A_1658 = arith.constant 1 : i32
      %broadcast_in_dim3A_1659 = vector.broadcast %broadcast_in_dim3A_1658 : i32 to vector<16xi32>
      %broadcast_in_dim3A_1660 = vector.shape_cast %broadcast_in_dim3A_1659 : vector<16xi32> to vector<16x1xi32>
      %gather3A_1661 = vector.shape_cast %broadcast_in_dim3A_1660 : vector<16x1xi32> to vector<16xi32>
      %gather3A_1662 = tpu.dynamic_gather %and3A_1545[%gather3A_1661] in [0] : vector<16xi32>, vector<16xi32> -> vector<16xi32>
      %gather3A_1663 = arith.constant 3 : i32
      %gather3A_1664 = arith.constant 1 : i32
      %gather3A_1665 = arith.constant 0 : i32
      %gather3A_1666 = arith.constant 0 : i32
      %gather3A_1667 = tpu.memref_slice %arg6[%gather3A_1663, %gather3A_1664, %gather3A_1665, %gather3A_1666] : memref<7x2x64x128xf32, #tpu.memory_space<vmem>> -> memref<1x1x64x128xf32, #tpu.memory_space<vmem>>
      %gather3A_1668 = tpu.memref_squeeze %gather3A_1667 : memref<1x1x64x128xf32, #tpu.memory_space<vmem>> -> memref<64x128xf32, #tpu.memory_space<vmem>>
      %gather3A_1669 = tpu.vector_load_idx %gather3A_1668[%add3A_5, %gather3A_1662] : memref<64x128xf32, #tpu.memory_space<vmem>>[vector<16xi32>, vector<16xi32>], vector<16xf32>,
      %gather3A_1670 = arith.constant 3 : i32
      %gather3A_1671 = arith.constant 1 : i32
      %gather3A_1672 = arith.constant 0 : i32
      %gather3A_1673 = arith.constant 0 : i32
      %gather3A_1674 = tpu.memref_slice %arg6[%gather3A_1670, %gather3A_1671, %gather3A_1672, %gather3A_1673] : memref<7x2x64x128xf32, #tpu.memory_space<vmem>> -> memref<1x1x64x128xf32, #tpu.memory_space<vmem>>
      %gather3A_1675 = tpu.memref_squeeze %gather3A_1674 : memref<1x1x64x128xf32, #tpu.memory_space<vmem>> -> memref<64x128xf32, #tpu.memory_space<vmem>>
      %gather3A_1676 = tpu.vector_load_idx %gather3A_1675[%add3A_8, %gather3A_1662] : memref<64x128xf32, #tpu.memory_space<vmem>>[vector<16xi32>, vector<16xi32>], vector<16xf32>,
      %gather3A_1677 = arith.constant 3 : i32
      %gather3A_1678 = arith.constant 1 : i32
      %gather3A_1679 = arith.constant 0 : i32
      %gather3A_1680 = arith.constant 0 : i32
      %gather3A_1681 = tpu.memref_slice %arg6[%gather3A_1677, %gather3A_1678, %gather3A_1679, %gather3A_1680] : memref<7x2x64x128xf32, #tpu.memory_space<vmem>> -> memref<1x1x64x128xf32, #tpu.memory_space<vmem>>
      %gather3A_1682 = tpu.memref_squeeze %gather3A_1681 : memref<1x1x64x128xf32, #tpu.memory_space<vmem>> -> memref<64x128xf32, #tpu.memory_space<vmem>>
      %gather3A_1683 = tpu.vector_load_idx %gather3A_1682[%add3A_11, %gather3A_1662] : memref<64x128xf32, #tpu.memory_space<vmem>>[vector<16xi32>, vector<16xi32>], vector<16xf32>,
      %gather3A_1684 = arith.constant 3 : i32
      %gather3A_1685 = arith.constant 1 : i32
      %gather3A_1686 = arith.constant 0 : i32
      %gather3A_1687 = arith.constant 0 : i32
      %gather3A_1688 = tpu.memref_slice %arg6[%gather3A_1684, %gather3A_1685, %gather3A_1686, %gather3A_1687] : memref<7x2x64x128xf32, #tpu.memory_space<vmem>> -> memref<1x1x64x128xf32, #tpu.memory_space<vmem>>
      %gather3A_1689 = tpu.memref_squeeze %gather3A_1688 : memref<1x1x64x128xf32, #tpu.memory_space<vmem>> -> memref<64x128xf32, #tpu.memory_space<vmem>>
      %gather3A_1690 = tpu.vector_load_idx %gather3A_1689[%add3A_14, %gather3A_1662] : memref<64x128xf32, #tpu.memory_space<vmem>>[vector<16xi32>, vector<16xi32>], vector<16xf32>,
      %mul3A_1691 = arith.mulf %gather3A_1669, %gather3A_1669 : vector<16xf32>
      %mul3A_1692 = arith.mulf %gather3A_1676, %gather3A_1676 : vector<16xf32>
      %add3A_1693 = arith.addf %mul3A_1691, %mul3A_1692 : vector<16xf32>
      %mul3A_1694 = arith.mulf %gather3A_1683, %gather3A_1683 : vector<16xf32>
      %add3A_1695 = arith.addf %add3A_1693, %mul3A_1694 : vector<16xf32>
      %mul3A_1696 = arith.mulf %gather3A_1690, %gather3A_1690 : vector<16xf32>
      %add3A_1697 = arith.addf %add3A_1695, %mul3A_1696 : vector<16xf32>
      %xor3A_1698 = arith.constant 8 : i32
      %xor3A_1699 = vector.broadcast %xor3A_1698 : i32 to vector<16xi32>
      %xor3A_1700 = arith.xori %iota3A, %xor3A_1699 : vector<16xi32>
      %broadcast_in_dim3A_1701 = vector.shape_cast %xor3A_1700 : vector<16xi32> to vector<16x1xi32>
      %gather3A_1702 = vector.shape_cast %broadcast_in_dim3A_1701 : vector<16x1xi32> to vector<16xi32>
      %gather3A_1703 = tpu.dynamic_gather %add3A_1697[%gather3A_1702] in [0] : vector<16xf32>, vector<16xi32> -> vector<16xf32>
      %add3A_1704 = arith.addf %add3A_1697, %gather3A_1703 : vector<16xf32>
      %xor3A_1705 = arith.constant 4 : i32
      %xor3A_1706 = vector.broadcast %xor3A_1705 : i32 to vector<16xi32>
      %xor3A_1707 = arith.xori %iota3A, %xor3A_1706 : vector<16xi32>
      %broadcast_in_dim3A_1708 = vector.shape_cast %xor3A_1707 : vector<16xi32> to vector<16x1xi32>
      %gather3A_1709 = vector.shape_cast %broadcast_in_dim3A_1708 : vector<16x1xi32> to vector<16xi32>
      %gather3A_1710 = tpu.dynamic_gather %add3A_1704[%gather3A_1709] in [0] : vector<16xf32>, vector<16xi32> -> vector<16xf32>
      %add3A_1711 = arith.addf %add3A_1704, %gather3A_1710 : vector<16xf32>
      %xor3A_1712 = arith.constant 2 : i32
      %xor3A_1713 = vector.broadcast %xor3A_1712 : i32 to vector<16xi32>
      %xor3A_1714 = arith.xori %iota3A, %xor3A_1713 : vector<16xi32>
      %broadcast_in_dim3A_1715 = vector.shape_cast %xor3A_1714 : vector<16xi32> to vector<16x1xi32>
      %gather3A_1716 = vector.shape_cast %broadcast_in_dim3A_1715 : vector<16x1xi32> to vector<16xi32>
      %gather3A_1717 = tpu.dynamic_gather %add3A_1711[%gather3A_1716] in [0] : vector<16xf32>, vector<16xi32> -> vector<16xf32>
      %add3A_1718 = arith.addf %add3A_1711, %gather3A_1717 : vector<16xf32>
      %xor3A_1719 = arith.constant 1 : i32
      %xor3A_1720 = vector.broadcast %xor3A_1719 : i32 to vector<16xi32>
      %xor3A_1721 = arith.xori %iota3A, %xor3A_1720 : vector<16xi32>
      %broadcast_in_dim3A_1722 = vector.shape_cast %xor3A_1721 : vector<16xi32> to vector<16x1xi32>
      %gather3A_1723 = vector.shape_cast %broadcast_in_dim3A_1722 : vector<16x1xi32> to vector<16xi32>
      %gather3A_1724 = tpu.dynamic_gather %add3A_1718[%gather3A_1723] in [0] : vector<16xf32>, vector<16xi32> -> vector<16xf32>
      %add3A_1725 = arith.addf %add3A_1718, %gather3A_1724 : vector<16xf32>
      %max3A_1726 = arith.constant 1.000000e-16 : f32
      %max3A_1727 = vector.broadcast %max3A_1726 : f32 to vector<16xf32>
      %max3A_1728 = arith.maximumf %add3A_1725, %max3A_1727 : vector<16xf32>
      %bitcast_convert_type3A_1729 = tpu.bitcast %max3A_1728 : vector<16xf32> -> vector<16xi32>
      %shift_right_arithmetic3A_1730 = arith.constant 1 : i32
      %shift_right_arithmetic3A_1731 = vector.broadcast %shift_right_arithmetic3A_1730 : i32 to vector<16xi32>
      %shift_right_arithmetic3A_1732 = arith.shrsi %bitcast_convert_type3A_1729, %shift_right_arithmetic3A_1731 : vector<16xi32>
      %sub3A_1733 = arith.constant 1597463007 : i32
      %sub3A_1734 = vector.broadcast %sub3A_1733 : i32 to vector<16xi32>
      %sub3A_1735 = arith.subi %sub3A_1734, %shift_right_arithmetic3A_1732 : vector<16xi32>
      %bitcast_convert_type3A_1736 = tpu.bitcast %sub3A_1735 : vector<16xi32> -> vector<16xf32>
      %mul3A_1737 = arith.constant 5.000000e-01 : f32
      %mul3A_1738 = vector.broadcast %mul3A_1737 : f32 to vector<16xf32>
      %mul3A_1739 = arith.mulf %max3A_1728, %mul3A_1738 : vector<16xf32>
      %mul3A_1740 = arith.mulf %mul3A_1739, %bitcast_convert_type3A_1736 : vector<16xf32>
      %mul3A_1741 = arith.mulf %mul3A_1740, %bitcast_convert_type3A_1736 : vector<16xf32>
      %sub3A_1742 = arith.constant 1.500000e+00 : f32
      %sub3A_1743 = vector.broadcast %sub3A_1742 : f32 to vector<16xf32>
      %sub3A_1744 = arith.subf %sub3A_1743, %mul3A_1741 : vector<16xf32>
      %mul3A_1745 = arith.mulf %bitcast_convert_type3A_1736, %sub3A_1744 : vector<16xf32>
      %mul3A_1746 = arith.mulf %mul3A_1739, %mul3A_1745 : vector<16xf32>
      %mul3A_1747 = arith.mulf %mul3A_1746, %mul3A_1745 : vector<16xf32>
      %sub3A_1748 = arith.constant 1.500000e+00 : f32
      %sub3A_1749 = vector.broadcast %sub3A_1748 : f32 to vector<16xf32>
      %sub3A_1750 = arith.subf %sub3A_1749, %mul3A_1747 : vector<16xf32>
      %mul3A_1751 = arith.mulf %mul3A_1745, %sub3A_1750 : vector<16xf32>
      %mul3A_1752 = arith.mulf %mul3A_1739, %mul3A_1751 : vector<16xf32>
      %mul3A_1753 = arith.mulf %mul3A_1752, %mul3A_1751 : vector<16xf32>
      %sub3A_1754 = arith.constant 1.500000e+00 : f32
      %sub3A_1755 = vector.broadcast %sub3A_1754 : f32 to vector<16xf32>
      %sub3A_1756 = arith.subf %sub3A_1755, %mul3A_1753 : vector<16xf32>
      %mul3A_1757 = arith.mulf %mul3A_1751, %sub3A_1756 : vector<16xf32>
      %add3A_1758 = arith.constant 1 : i32
      %add3A_1759 = vector.broadcast %add3A_1758 : i32 to vector<16xi32>
      %add3A_1760 = arith.addi %broadcast_in_dim3A_1550, %add3A_1759 : vector<16xi32>
      %mul3A_1761 = arith.mulf %gather3A_1669, %mul3A_1757 : vector<16xf32>
      tpu.vector_store_idx %arg7[%add3A_5, %add3A_1760], %mul3A_1761 : memref<64x128xf32, #tpu.memory_space<vmem>>[vector<16xi32>, vector<16xi32>], vector<16xf32>,
      %mul3A_1762 = arith.mulf %gather3A_1676, %mul3A_1757 : vector<16xf32>
      tpu.vector_store_idx %arg7[%add3A_8, %add3A_1760], %mul3A_1762 : memref<64x128xf32, #tpu.memory_space<vmem>>[vector<16xi32>, vector<16xi32>], vector<16xf32>,
      %mul3A_1763 = arith.mulf %gather3A_1683, %mul3A_1757 : vector<16xf32>
      tpu.vector_store_idx %arg7[%add3A_11, %add3A_1760], %mul3A_1763 : memref<64x128xf32, #tpu.memory_space<vmem>>[vector<16xi32>, vector<16xi32>], vector<16xf32>,
      %mul3A_1764 = arith.mulf %gather3A_1690, %mul3A_1757 : vector<16xf32>
      tpu.vector_store_idx %arg7[%add3A_14, %add3A_1760], %mul3A_1764 : memref<64x128xf32, #tpu.memory_space<vmem>>[vector<16xi32>, vector<16xi32>], vector<16xf32>,
      %rem3A_1765 = arith.constant 64 : i32
      %rem3A_1766 = arith.remsi %rem3A_1538, %rem3A_1765 : i32
      %eq3A_1767 = arith.constant 63 : i32
      %eq3A_1768 = arith.cmpi eq, %rem3A_1766, %eq3A_1767 : i32
      %convert_element_type3A_1769 = arith.extui %eq3A_1768 : i1 to i32
      %cond3A_1770 = arith.constant 0 : i32
      %cond3A_1771 = arith.cmpi ne, %convert_element_type3A_1769, %cond3A_1770 : i32
      scf.if %cond3A_1771 {
        %div3A = arith.constant 64 : i32
        %div3A_2778 = arith.divsi %rem3A_1538, %div3A : i32
        %mul3A_2779 = arith.constant 128 : i32
        %mul3A_2780 = arith.muli %div3A_2778, %mul3A_2779 : i32
        %add3A_2781 = arith.addi %mul3A_2, %mul3A_2780 : i32
        "tpu.region"() ({
          %run_scoped3A = tpu.sem_alloc : memref<!tpu.dma_semaphore, #tpu.memory_space<semaphore_mem>>
          %dma_start3A_2782 = arith.constant 0 : i32
          %dma_start3A_2783 = tpu.memref_slice %arg4[%dma_start3A_2782, %add3A_2781] : memref<64x16384xf32, #tpu.memory_space<hbm>> -> memref<64x128xf32, #tpu.memory_space<hbm>>
          %dma_start3A_2784 = arith.constant 0 : i32
          %dma_start3A_2785 = tpu.memref_slice %arg4[%dma_start3A_2784, %add3A_2781] : memref<64x16384xf32, #tpu.memory_space<hbm>> -> memref<64x128xf32, #tpu.memory_space<hbm>>
          tpu.enqueue_dma source(%arg7 : memref<64x128xf32, #tpu.memory_space<vmem>>) target(%dma_start3A_2785 : memref<64x128xf32, #tpu.memory_space<hbm>>) target_semaphore(%run_scoped3A : memref<!tpu.dma_semaphore, #tpu.memory_space<semaphore_mem>>)
          %dma_wait3A_2786 = arith.constant 0 : i32
          %dma_wait3A_2787 = tpu.memref_slice %arg4[%dma_wait3A_2786, %add3A_2781] : memref<64x16384xf32, #tpu.memory_space<hbm>> -> memref<64x128xf32, #tpu.memory_space<hbm>>
          %dma_wait3A_2788 = arith.constant 0 : i32
          %dma_wait3A_2789 = tpu.memref_slice %arg4[%dma_wait3A_2788, %add3A_2781] : memref<64x16384xf32, #tpu.memory_space<hbm>> -> memref<64x128xf32, #tpu.memory_space<hbm>>
          tpu.wait_dma2 semaphore(%run_scoped3A : memref<!tpu.dma_semaphore, #tpu.memory_space<semaphore_mem>>) src(%arg7 : memref<64x128xf32, #tpu.memory_space<vmem>>) dst(%dma_wait3A_2789 : memref<64x128xf32, #tpu.memory_space<hbm>>)
          tpu.yield
        }) : () -> ()
      } else {
      }
      %add3A_1772 = arith.constant 7 : i32
      %add3A_1773 = arith.addi %add3A_1504, %add3A_1772 : i32
      %rem3A_1774 = arith.constant 256 : i32
      %rem3A_1775 = arith.remsi %add3A_1773, %rem3A_1774 : i32
      %mul3A_1776 = arith.constant 2 : i32
      %mul3A_1777 = arith.muli %rem3A_1775, %mul3A_1776 : i32
      %get3A_1778 = arith.index_cast %mul3A_1777 : i32 to index
      %get3A_1779 = tpu.vector_load %arg5[%get3A_1778] {strides = array<i32>} : memref<528xi32, #tpu.memory_space<vmem>>, vector<16xi32>,
      %slice3A_1780 = vector.extract_strided_slice %get3A_1779 {offsets = [0], sizes = [1], strides = [1]} : vector<16xi32> to vector<1xi32>
      %squeeze3A_1781 = vector.extract %slice3A_1780[0] : i32 from vector<1xi32>
      %and3A_1782 = arith.constant 127 : i32
      %and3A_1783 = arith.andi %squeeze3A_1781, %and3A_1782 : i32
      %sub3A_1784 = arith.subi %squeeze3A_1781, %and3A_1783 : i32
      %multiple_of3A_1785 = tpu.assume_multiple %sub3A_1784, 128 : i32
      %dma_start3A_1786 = arith.constant 3 : i32
      %dma_start3A_1787 = arith.constant 0 : i32
      %dma_start3A_1788 = arith.constant 0 : i32
      %dma_start3A_1789 = arith.constant 0 : i32
      %dma_start3A_1790 = tpu.memref_slice %arg6[%dma_start3A_1786, %dma_start3A_1787, %dma_start3A_1788, %dma_start3A_1789] : memref<7x2x64x128xf32, #tpu.memory_space<vmem>> -> memref<1x1x64x128xf32, #tpu.memory_space<vmem>>
      %dma_start3A_1791 = tpu.memref_squeeze %dma_start3A_1790 : memref<1x1x64x128xf32, #tpu.memory_space<vmem>> -> memref<64x128xf32, #tpu.memory_space<vmem>>
      %dma_start3A_1792 = arith.constant 0 : i32
      %dma_start3A_1793 = tpu.memref_slice %arg2[%dma_start3A_1792, %multiple_of3A_1785] : memref<64x1000000xf32, #tpu.memory_space<hbm>> -> memref<64x128xf32, #tpu.memory_space<hbm>>
      %dma_start3A_1794 = arith.constant 0 : i32
      %dma_start3A_1795 = arith.constant 0 : i32
      %dma_start3A_1796 = tpu.memref_slice %arg6[%dma_start3A_1786, %dma_start3A_1787, %dma_start3A_1794, %dma_start3A_1795] : memref<7x2x64x128xf32, #tpu.memory_space<vmem>> -> memref<1x1x64x128xf32, #tpu.memory_space<vmem>>
      %dma_start3A_1797 = tpu.memref_squeeze %dma_start3A_1796 : memref<1x1x64x128xf32, #tpu.memory_space<vmem>> -> memref<64x128xf32, #tpu.memory_space<vmem>>
      %dma_start3A_1798 = arith.constant 0 : i32
      %dma_start3A_1799 = tpu.memref_slice %arg2[%dma_start3A_1798, %multiple_of3A_1785] : memref<64x1000000xf32, #tpu.memory_space<hbm>> -> memref<64x128xf32, #tpu.memory_space<hbm>>
      tpu.enqueue_dma source(%dma_start3A_1799 : memref<64x128xf32, #tpu.memory_space<hbm>>) target(%dma_start3A_1797 : memref<64x128xf32, #tpu.memory_space<vmem>>) target_semaphore(%arg11 : memref<!tpu.dma_semaphore, #tpu.memory_space<semaphore_mem>>)
      %slice3A_1800 = vector.extract_strided_slice %get3A_1779 {offsets = [1], sizes = [1], strides = [1]} : vector<16xi32> to vector<1xi32>
      %squeeze3A_1801 = vector.extract %slice3A_1800[0] : i32 from vector<1xi32>
      %and3A_1802 = arith.constant 127 : i32
      %and3A_1803 = arith.andi %squeeze3A_1801, %and3A_1802 : i32
      %sub3A_1804 = arith.subi %squeeze3A_1801, %and3A_1803 : i32
      %multiple_of3A_1805 = tpu.assume_multiple %sub3A_1804, 128 : i32
      %dma_start3A_1806 = arith.constant 3 : i32
      %dma_start3A_1807 = arith.constant 1 : i32
      %dma_start3A_1808 = arith.constant 0 : i32
      %dma_start3A_1809 = arith.constant 0 : i32
      %dma_start3A_1810 = tpu.memref_slice %arg6[%dma_start3A_1806, %dma_start3A_1807, %dma_start3A_1808, %dma_start3A_1809] : memref<7x2x64x128xf32, #tpu.memory_space<vmem>> -> memref<1x1x64x128xf32, #tpu.memory_space<vmem>>
      %dma_start3A_1811 = tpu.memref_squeeze %dma_start3A_1810 : memref<1x1x64x128xf32, #tpu.memory_space<vmem>> -> memref<64x128xf32, #tpu.memory_space<vmem>>
      %dma_start3A_1812 = arith.constant 0 : i32
      %dma_start3A_1813 = tpu.memref_slice %arg2[%dma_start3A_1812, %multiple_of3A_1805] : memref<64x1000000xf32, #tpu.memory_space<hbm>> -> memref<64x128xf32, #tpu.memory_space<hbm>>
      %dma_start3A_1814 = arith.constant 0 : i32
      %dma_start3A_1815 = arith.constant 0 : i32
      %dma_start3A_1816 = tpu.memref_slice %arg6[%dma_start3A_1806, %dma_start3A_1807, %dma_start3A_1814, %dma_start3A_1815] : memref<7x2x64x128xf32, #tpu.memory_space<vmem>> -> memref<1x1x64x128xf32, #tpu.memory_space<vmem>>
      %dma_start3A_1817 = tpu.memref_squeeze %dma_start3A_1816 : memref<1x1x64x128xf32, #tpu.memory_space<vmem>> -> memref<64x128xf32, #tpu.memory_space<vmem>>
      %dma_start3A_1818 = arith.constant 0 : i32
      %dma_start3A_1819 = tpu.memref_slice %arg2[%dma_start3A_1818, %multiple_of3A_1805] : memref<64x1000000xf32, #tpu.memory_space<hbm>> -> memref<64x128xf32, #tpu.memory_space<hbm>>
      tpu.enqueue_dma source(%dma_start3A_1819 : memref<64x128xf32, #tpu.memory_space<hbm>>) target(%dma_start3A_1817 : memref<64x128xf32, #tpu.memory_space<vmem>>) target_semaphore(%arg11 : memref<!tpu.dma_semaphore, #tpu.memory_space<semaphore_mem>>)
      %mul3A_1820 = arith.constant 7 : i32
      %mul3A_1821 = arith.muli %mul3A_1820, %scan3A_552 : i32
      %add3A_1822 = arith.constant 4 : i32
      %add3A_1823 = arith.addi %mul3A_1821, %add3A_1822 : i32
      %dma_wait3A_1824 = arith.constant 4 : i32
      %dma_wait3A_1825 = arith.constant 0 : i32
      %dma_wait3A_1826 = arith.constant 0 : i32
      %dma_wait3A_1827 = arith.constant 0 : i32
      %dma_wait3A_1828 = tpu.memref_slice %arg6[%dma_wait3A_1824, %dma_wait3A_1825, %dma_wait3A_1826, %dma_wait3A_1827] : memref<7x2x64x128xf32, #tpu.memory_space<vmem>> -> memref<1x1x64x128xf32, #tpu.memory_space<vmem>>
      %dma_wait3A_1829 = tpu.memref_squeeze %dma_wait3A_1828 : memref<1x1x64x128xf32, #tpu.memory_space<vmem>> -> memref<64x128xf32, #tpu.memory_space<vmem>>
      %dma_wait3A_1830 = arith.constant 0 : i32
      %dma_wait3A_1831 = arith.constant 0 : i32
      %dma_wait3A_1832 = tpu.memref_slice %arg2[%dma_wait3A_1830, %dma_wait3A_1831] : memref<64x1000000xf32, #tpu.memory_space<hbm>> -> memref<64x128xf32, #tpu.memory_space<hbm>>
      %dma_wait3A_1833 = arith.constant 0 : i32
      %dma_wait3A_1834 = arith.constant 0 : i32
      %dma_wait3A_1835 = tpu.memref_slice %arg6[%dma_wait3A_1824, %dma_wait3A_1825, %dma_wait3A_1833, %dma_wait3A_1834] : memref<7x2x64x128xf32, #tpu.memory_space<vmem>> -> memref<1x1x64x128xf32, #tpu.memory_space<vmem>>
      %dma_wait3A_1836 = tpu.memref_squeeze %dma_wait3A_1835 : memref<1x1x64x128xf32, #tpu.memory_space<vmem>> -> memref<64x128xf32, #tpu.memory_space<vmem>>
      %dma_wait3A_1837 = arith.constant 0 : i32
      %dma_wait3A_1838 = arith.constant 0 : i32
      %dma_wait3A_1839 = tpu.memref_slice %arg2[%dma_wait3A_1837, %dma_wait3A_1838] : memref<64x1000000xf32, #tpu.memory_space<hbm>> -> memref<64x128xf32, #tpu.memory_space<hbm>>
      tpu.wait_dma2 semaphore(%arg12 : memref<!tpu.dma_semaphore, #tpu.memory_space<semaphore_mem>>) src(%dma_wait3A_1839 : memref<64x128xf32, #tpu.memory_space<hbm>>) dst(%dma_wait3A_1836 : memref<64x128xf32, #tpu.memory_space<vmem>>)
      %dma_wait3A_1840 = arith.constant 4 : i32
      %dma_wait3A_1841 = arith.constant 1 : i32
      %dma_wait3A_1842 = arith.constant 0 : i32
      %dma_wait3A_1843 = arith.constant 0 : i32
      %dma_wait3A_1844 = tpu.memref_slice %arg6[%dma_wait3A_1840, %dma_wait3A_1841, %dma_wait3A_1842, %dma_wait3A_1843] : memref<7x2x64x128xf32, #tpu.memory_space<vmem>> -> memref<1x1x64x128xf32, #tpu.memory_space<vmem>>
      %dma_wait3A_1845 = tpu.memref_squeeze %dma_wait3A_1844 : memref<1x1x64x128xf32, #tpu.memory_space<vmem>> -> memref<64x128xf32, #tpu.memory_space<vmem>>
      %dma_wait3A_1846 = arith.constant 0 : i32
      %dma_wait3A_1847 = arith.constant 0 : i32
      %dma_wait3A_1848 = tpu.memref_slice %arg2[%dma_wait3A_1846, %dma_wait3A_1847] : memref<64x1000000xf32, #tpu.memory_space<hbm>> -> memref<64x128xf32, #tpu.memory_space<hbm>>
      %dma_wait3A_1849 = arith.constant 0 : i32
      %dma_wait3A_1850 = arith.constant 0 : i32
      %dma_wait3A_1851 = tpu.memref_slice %arg6[%dma_wait3A_1840, %dma_wait3A_1841, %dma_wait3A_1849, %dma_wait3A_1850] : memref<7x2x64x128xf32, #tpu.memory_space<vmem>> -> memref<1x1x64x128xf32, #tpu.memory_space<vmem>>
      %dma_wait3A_1852 = tpu.memref_squeeze %dma_wait3A_1851 : memref<1x1x64x128xf32, #tpu.memory_space<vmem>> -> memref<64x128xf32, #tpu.memory_space<vmem>>
      %dma_wait3A_1853 = arith.constant 0 : i32
      %dma_wait3A_1854 = arith.constant 0 : i32
      %dma_wait3A_1855 = tpu.memref_slice %arg2[%dma_wait3A_1853, %dma_wait3A_1854] : memref<64x1000000xf32, #tpu.memory_space<hbm>> -> memref<64x128xf32, #tpu.memory_space<hbm>>
      tpu.wait_dma2 semaphore(%arg12 : memref<!tpu.dma_semaphore, #tpu.memory_space<semaphore_mem>>) src(%dma_wait3A_1855 : memref<64x128xf32, #tpu.memory_space<hbm>>) dst(%dma_wait3A_1852 : memref<64x128xf32, #tpu.memory_space<vmem>>)
      %rem3A_1856 = arith.constant 256 : i32
      %rem3A_1857 = arith.remsi %add3A_1823, %rem3A_1856 : i32
      %mul3A_1858 = arith.constant 2 : i32
      %mul3A_1859 = arith.muli %rem3A_1857, %mul3A_1858 : i32
      %get3A_1860 = arith.index_cast %mul3A_1859 : i32 to index
      %get3A_1861 = tpu.vector_load %arg5[%get3A_1860] {strides = array<i32>} : memref<528xi32, #tpu.memory_space<vmem>>, vector<16xi32>,
      %and3A_1862 = arith.constant 127 : i32
      %and3A_1863 = vector.broadcast %and3A_1862 : i32 to vector<16xi32>
      %and3A_1864 = arith.andi %get3A_1861, %and3A_1863 : vector<16xi32>
      %rem3A_1865 = arith.constant 64 : i32
      %rem3A_1866 = arith.remsi %rem3A_1857, %rem3A_1865 : i32
      %mul3A_1867 = arith.constant 2 : i32
      %mul3A_1868 = arith.muli %rem3A_1866, %mul3A_1867 : i32
      %broadcast_in_dim3A_1869 = vector.broadcast %mul3A_1868 : i32 to vector<16xi32>
      %broadcast_in_dim3A_1870 = arith.constant 0 : i32
      %broadcast_in_dim3A_1871 = vector.broadcast %broadcast_in_dim3A_1870 : i32 to vector<16xi32>
      %broadcast_in_dim3A_1872 = vector.shape_cast %broadcast_in_dim3A_1871 : vector<16xi32> to vector<16x1xi32>
      %gather3A_1873 = vector.shape_cast %broadcast_in_dim3A_1872 : vector<16x1xi32> to vector<16xi32>
      %gather3A_1874 = tpu.dynamic_gather %and3A_1864[%gather3A_1873] in [0] : vector<16xi32>, vector<16xi32> -> vector<16xi32>
      %gather3A_1875 = arith.constant 4 : i32
      %gather3A_1876 = arith.constant 0 : i32
      %gather3A_1877 = arith.constant 0 : i32
      %gather3A_1878 = arith.constant 0 : i32
      %gather3A_1879 = tpu.memref_slice %arg6[%gather3A_1875, %gather3A_1876, %gather3A_1877, %gather3A_1878] : memref<7x2x64x128xf32, #tpu.memory_space<vmem>> -> memref<1x1x64x128xf32, #tpu.memory_space<vmem>>
      %gather3A_1880 = tpu.memref_squeeze %gather3A_1879 : memref<1x1x64x128xf32, #tpu.memory_space<vmem>> -> memref<64x128xf32, #tpu.memory_space<vmem>>
      %gather3A_1881 = tpu.vector_load_idx %gather3A_1880[%add3A_5, %gather3A_1874] : memref<64x128xf32, #tpu.memory_space<vmem>>[vector<16xi32>, vector<16xi32>], vector<16xf32>,
      %gather3A_1882 = arith.constant 4 : i32
      %gather3A_1883 = arith.constant 0 : i32
      %gather3A_1884 = arith.constant 0 : i32
      %gather3A_1885 = arith.constant 0 : i32
      %gather3A_1886 = tpu.memref_slice %arg6[%gather3A_1882, %gather3A_1883, %gather3A_1884, %gather3A_1885] : memref<7x2x64x128xf32, #tpu.memory_space<vmem>> -> memref<1x1x64x128xf32, #tpu.memory_space<vmem>>
      %gather3A_1887 = tpu.memref_squeeze %gather3A_1886 : memref<1x1x64x128xf32, #tpu.memory_space<vmem>> -> memref<64x128xf32, #tpu.memory_space<vmem>>
      %gather3A_1888 = tpu.vector_load_idx %gather3A_1887[%add3A_8, %gather3A_1874] : memref<64x128xf32, #tpu.memory_space<vmem>>[vector<16xi32>, vector<16xi32>], vector<16xf32>,
      %gather3A_1889 = arith.constant 4 : i32
      %gather3A_1890 = arith.constant 0 : i32
      %gather3A_1891 = arith.constant 0 : i32
      %gather3A_1892 = arith.constant 0 : i32
      %gather3A_1893 = tpu.memref_slice %arg6[%gather3A_1889, %gather3A_1890, %gather3A_1891, %gather3A_1892] : memref<7x2x64x128xf32, #tpu.memory_space<vmem>> -> memref<1x1x64x128xf32, #tpu.memory_space<vmem>>
      %gather3A_1894 = tpu.memref_squeeze %gather3A_1893 : memref<1x1x64x128xf32, #tpu.memory_space<vmem>> -> memref<64x128xf32, #tpu.memory_space<vmem>>
      %gather3A_1895 = tpu.vector_load_idx %gather3A_1894[%add3A_11, %gather3A_1874] : memref<64x128xf32, #tpu.memory_space<vmem>>[vector<16xi32>, vector<16xi32>], vector<16xf32>,
      %gather3A_1896 = arith.constant 4 : i32
      %gather3A_1897 = arith.constant 0 : i32
      %gather3A_1898 = arith.constant 0 : i32
      %gather3A_1899 = arith.constant 0 : i32
      %gather3A_1900 = tpu.memref_slice %arg6[%gather3A_1896, %gather3A_1897, %gather3A_1898, %gather3A_1899] : memref<7x2x64x128xf32, #tpu.memory_space<vmem>> -> memref<1x1x64x128xf32, #tpu.memory_space<vmem>>
      %gather3A_1901 = tpu.memref_squeeze %gather3A_1900 : memref<1x1x64x128xf32, #tpu.memory_space<vmem>> -> memref<64x128xf32, #tpu.memory_space<vmem>>
      %gather3A_1902 = tpu.vector_load_idx %gather3A_1901[%add3A_14, %gather3A_1874] : memref<64x128xf32, #tpu.memory_space<vmem>>[vector<16xi32>, vector<16xi32>], vector<16xf32>,
      %mul3A_1903 = arith.mulf %gather3A_1881, %gather3A_1881 : vector<16xf32>
      %mul3A_1904 = arith.mulf %gather3A_1888, %gather3A_1888 : vector<16xf32>
      %add3A_1905 = arith.addf %mul3A_1903, %mul3A_1904 : vector<16xf32>
      %mul3A_1906 = arith.mulf %gather3A_1895, %gather3A_1895 : vector<16xf32>
      %add3A_1907 = arith.addf %add3A_1905, %mul3A_1906 : vector<16xf32>
      %mul3A_1908 = arith.mulf %gather3A_1902, %gather3A_1902 : vector<16xf32>
      %add3A_1909 = arith.addf %add3A_1907, %mul3A_1908 : vector<16xf32>
      %xor3A_1910 = arith.constant 8 : i32
      %xor3A_1911 = vector.broadcast %xor3A_1910 : i32 to vector<16xi32>
      %xor3A_1912 = arith.xori %iota3A, %xor3A_1911 : vector<16xi32>
      %broadcast_in_dim3A_1913 = vector.shape_cast %xor3A_1912 : vector<16xi32> to vector<16x1xi32>
      %gather3A_1914 = vector.shape_cast %broadcast_in_dim3A_1913 : vector<16x1xi32> to vector<16xi32>
      %gather3A_1915 = tpu.dynamic_gather %add3A_1909[%gather3A_1914] in [0] : vector<16xf32>, vector<16xi32> -> vector<16xf32>
      %add3A_1916 = arith.addf %add3A_1909, %gather3A_1915 : vector<16xf32>
      %xor3A_1917 = arith.constant 4 : i32
      %xor3A_1918 = vector.broadcast %xor3A_1917 : i32 to vector<16xi32>
      %xor3A_1919 = arith.xori %iota3A, %xor3A_1918 : vector<16xi32>
      %broadcast_in_dim3A_1920 = vector.shape_cast %xor3A_1919 : vector<16xi32> to vector<16x1xi32>
      %gather3A_1921 = vector.shape_cast %broadcast_in_dim3A_1920 : vector<16x1xi32> to vector<16xi32>
      %gather3A_1922 = tpu.dynamic_gather %add3A_1916[%gather3A_1921] in [0] : vector<16xf32>, vector<16xi32> -> vector<16xf32>
      %add3A_1923 = arith.addf %add3A_1916, %gather3A_1922 : vector<16xf32>
      %xor3A_1924 = arith.constant 2 : i32
      %xor3A_1925 = vector.broadcast %xor3A_1924 : i32 to vector<16xi32>
      %xor3A_1926 = arith.xori %iota3A, %xor3A_1925 : vector<16xi32>
      %broadcast_in_dim3A_1927 = vector.shape_cast %xor3A_1926 : vector<16xi32> to vector<16x1xi32>
      %gather3A_1928 = vector.shape_cast %broadcast_in_dim3A_1927 : vector<16x1xi32> to vector<16xi32>
      %gather3A_1929 = tpu.dynamic_gather %add3A_1923[%gather3A_1928] in [0] : vector<16xf32>, vector<16xi32> -> vector<16xf32>
      %add3A_1930 = arith.addf %add3A_1923, %gather3A_1929 : vector<16xf32>
      %xor3A_1931 = arith.constant 1 : i32
      %xor3A_1932 = vector.broadcast %xor3A_1931 : i32 to vector<16xi32>
      %xor3A_1933 = arith.xori %iota3A, %xor3A_1932 : vector<16xi32>
      %broadcast_in_dim3A_1934 = vector.shape_cast %xor3A_1933 : vector<16xi32> to vector<16x1xi32>
      %gather3A_1935 = vector.shape_cast %broadcast_in_dim3A_1934 : vector<16x1xi32> to vector<16xi32>
      %gather3A_1936 = tpu.dynamic_gather %add3A_1930[%gather3A_1935] in [0] : vector<16xf32>, vector<16xi32> -> vector<16xf32>
      %add3A_1937 = arith.addf %add3A_1930, %gather3A_1936 : vector<16xf32>
      %max3A_1938 = arith.constant 1.000000e-16 : f32
      %max3A_1939 = vector.broadcast %max3A_1938 : f32 to vector<16xf32>
      %max3A_1940 = arith.maximumf %add3A_1937, %max3A_1939 : vector<16xf32>
      %bitcast_convert_type3A_1941 = tpu.bitcast %max3A_1940 : vector<16xf32> -> vector<16xi32>
      %shift_right_arithmetic3A_1942 = arith.constant 1 : i32
      %shift_right_arithmetic3A_1943 = vector.broadcast %shift_right_arithmetic3A_1942 : i32 to vector<16xi32>
      %shift_right_arithmetic3A_1944 = arith.shrsi %bitcast_convert_type3A_1941, %shift_right_arithmetic3A_1943 : vector<16xi32>
      %sub3A_1945 = arith.constant 1597463007 : i32
      %sub3A_1946 = vector.broadcast %sub3A_1945 : i32 to vector<16xi32>
      %sub3A_1947 = arith.subi %sub3A_1946, %shift_right_arithmetic3A_1944 : vector<16xi32>
      %bitcast_convert_type3A_1948 = tpu.bitcast %sub3A_1947 : vector<16xi32> -> vector<16xf32>
      %mul3A_1949 = arith.constant 5.000000e-01 : f32
      %mul3A_1950 = vector.broadcast %mul3A_1949 : f32 to vector<16xf32>
      %mul3A_1951 = arith.mulf %max3A_1940, %mul3A_1950 : vector<16xf32>
      %mul3A_1952 = arith.mulf %mul3A_1951, %bitcast_convert_type3A_1948 : vector<16xf32>
      %mul3A_1953 = arith.mulf %mul3A_1952, %bitcast_convert_type3A_1948 : vector<16xf32>
      %sub3A_1954 = arith.constant 1.500000e+00 : f32
      %sub3A_1955 = vector.broadcast %sub3A_1954 : f32 to vector<16xf32>
      %sub3A_1956 = arith.subf %sub3A_1955, %mul3A_1953 : vector<16xf32>
      %mul3A_1957 = arith.mulf %bitcast_convert_type3A_1948, %sub3A_1956 : vector<16xf32>
      %mul3A_1958 = arith.mulf %mul3A_1951, %mul3A_1957 : vector<16xf32>
      %mul3A_1959 = arith.mulf %mul3A_1958, %mul3A_1957 : vector<16xf32>
      %sub3A_1960 = arith.constant 1.500000e+00 : f32
      %sub3A_1961 = vector.broadcast %sub3A_1960 : f32 to vector<16xf32>
      %sub3A_1962 = arith.subf %sub3A_1961, %mul3A_1959 : vector<16xf32>
      %mul3A_1963 = arith.mulf %mul3A_1957, %sub3A_1962 : vector<16xf32>
      %mul3A_1964 = arith.mulf %mul3A_1951, %mul3A_1963 : vector<16xf32>
      %mul3A_1965 = arith.mulf %mul3A_1964, %mul3A_1963 : vector<16xf32>
      %sub3A_1966 = arith.constant 1.500000e+00 : f32
      %sub3A_1967 = vector.broadcast %sub3A_1966 : f32 to vector<16xf32>
      %sub3A_1968 = arith.subf %sub3A_1967, %mul3A_1965 : vector<16xf32>
      %mul3A_1969 = arith.mulf %mul3A_1963, %sub3A_1968 : vector<16xf32>
      %add3A_1970 = arith.constant 0 : i32
      %add3A_1971 = vector.broadcast %add3A_1970 : i32 to vector<16xi32>
      %add3A_1972 = arith.addi %broadcast_in_dim3A_1869, %add3A_1971 : vector<16xi32>
      %mul3A_1973 = arith.mulf %gather3A_1881, %mul3A_1969 : vector<16xf32>
      tpu.vector_store_idx %arg7[%add3A_5, %add3A_1972], %mul3A_1973 : memref<64x128xf32, #tpu.memory_space<vmem>>[vector<16xi32>, vector<16xi32>], vector<16xf32>,
      %mul3A_1974 = arith.mulf %gather3A_1888, %mul3A_1969 : vector<16xf32>
      tpu.vector_store_idx %arg7[%add3A_8, %add3A_1972], %mul3A_1974 : memref<64x128xf32, #tpu.memory_space<vmem>>[vector<16xi32>, vector<16xi32>], vector<16xf32>,
      %mul3A_1975 = arith.mulf %gather3A_1895, %mul3A_1969 : vector<16xf32>
      tpu.vector_store_idx %arg7[%add3A_11, %add3A_1972], %mul3A_1975 : memref<64x128xf32, #tpu.memory_space<vmem>>[vector<16xi32>, vector<16xi32>], vector<16xf32>,
      %mul3A_1976 = arith.mulf %gather3A_1902, %mul3A_1969 : vector<16xf32>
      tpu.vector_store_idx %arg7[%add3A_14, %add3A_1972], %mul3A_1976 : memref<64x128xf32, #tpu.memory_space<vmem>>[vector<16xi32>, vector<16xi32>], vector<16xf32>,
      %broadcast_in_dim3A_1977 = arith.constant 1 : i32
      %broadcast_in_dim3A_1978 = vector.broadcast %broadcast_in_dim3A_1977 : i32 to vector<16xi32>
      %broadcast_in_dim3A_1979 = vector.shape_cast %broadcast_in_dim3A_1978 : vector<16xi32> to vector<16x1xi32>
      %gather3A_1980 = vector.shape_cast %broadcast_in_dim3A_1979 : vector<16x1xi32> to vector<16xi32>
      %gather3A_1981 = tpu.dynamic_gather %and3A_1864[%gather3A_1980] in [0] : vector<16xi32>, vector<16xi32> -> vector<16xi32>
      %gather3A_1982 = arith.constant 4 : i32
      %gather3A_1983 = arith.constant 1 : i32
      %gather3A_1984 = arith.constant 0 : i32
      %gather3A_1985 = arith.constant 0 : i32
      %gather3A_1986 = tpu.memref_slice %arg6[%gather3A_1982, %gather3A_1983, %gather3A_1984, %gather3A_1985] : memref<7x2x64x128xf32, #tpu.memory_space<vmem>> -> memref<1x1x64x128xf32, #tpu.memory_space<vmem>>
      %gather3A_1987 = tpu.memref_squeeze %gather3A_1986 : memref<1x1x64x128xf32, #tpu.memory_space<vmem>> -> memref<64x128xf32, #tpu.memory_space<vmem>>
      %gather3A_1988 = tpu.vector_load_idx %gather3A_1987[%add3A_5, %gather3A_1981] : memref<64x128xf32, #tpu.memory_space<vmem>>[vector<16xi32>, vector<16xi32>], vector<16xf32>,
      %gather3A_1989 = arith.constant 4 : i32
      %gather3A_1990 = arith.constant 1 : i32
      %gather3A_1991 = arith.constant 0 : i32
      %gather3A_1992 = arith.constant 0 : i32
      %gather3A_1993 = tpu.memref_slice %arg6[%gather3A_1989, %gather3A_1990, %gather3A_1991, %gather3A_1992] : memref<7x2x64x128xf32, #tpu.memory_space<vmem>> -> memref<1x1x64x128xf32, #tpu.memory_space<vmem>>
      %gather3A_1994 = tpu.memref_squeeze %gather3A_1993 : memref<1x1x64x128xf32, #tpu.memory_space<vmem>> -> memref<64x128xf32, #tpu.memory_space<vmem>>
      %gather3A_1995 = tpu.vector_load_idx %gather3A_1994[%add3A_8, %gather3A_1981] : memref<64x128xf32, #tpu.memory_space<vmem>>[vector<16xi32>, vector<16xi32>], vector<16xf32>,
      %gather3A_1996 = arith.constant 4 : i32
      %gather3A_1997 = arith.constant 1 : i32
      %gather3A_1998 = arith.constant 0 : i32
      %gather3A_1999 = arith.constant 0 : i32
      %gather3A_2000 = tpu.memref_slice %arg6[%gather3A_1996, %gather3A_1997, %gather3A_1998, %gather3A_1999] : memref<7x2x64x128xf32, #tpu.memory_space<vmem>> -> memref<1x1x64x128xf32, #tpu.memory_space<vmem>>
      %gather3A_2001 = tpu.memref_squeeze %gather3A_2000 : memref<1x1x64x128xf32, #tpu.memory_space<vmem>> -> memref<64x128xf32, #tpu.memory_space<vmem>>
      %gather3A_2002 = tpu.vector_load_idx %gather3A_2001[%add3A_11, %gather3A_1981] : memref<64x128xf32, #tpu.memory_space<vmem>>[vector<16xi32>, vector<16xi32>], vector<16xf32>,
      %gather3A_2003 = arith.constant 4 : i32
      %gather3A_2004 = arith.constant 1 : i32
      %gather3A_2005 = arith.constant 0 : i32
      %gather3A_2006 = arith.constant 0 : i32
      %gather3A_2007 = tpu.memref_slice %arg6[%gather3A_2003, %gather3A_2004, %gather3A_2005, %gather3A_2006] : memref<7x2x64x128xf32, #tpu.memory_space<vmem>> -> memref<1x1x64x128xf32, #tpu.memory_space<vmem>>
      %gather3A_2008 = tpu.memref_squeeze %gather3A_2007 : memref<1x1x64x128xf32, #tpu.memory_space<vmem>> -> memref<64x128xf32, #tpu.memory_space<vmem>>
      %gather3A_2009 = tpu.vector_load_idx %gather3A_2008[%add3A_14, %gather3A_1981] : memref<64x128xf32, #tpu.memory_space<vmem>>[vector<16xi32>, vector<16xi32>], vector<16xf32>,
      %mul3A_2010 = arith.mulf %gather3A_1988, %gather3A_1988 : vector<16xf32>
      %mul3A_2011 = arith.mulf %gather3A_1995, %gather3A_1995 : vector<16xf32>
      %add3A_2012 = arith.addf %mul3A_2010, %mul3A_2011 : vector<16xf32>
      %mul3A_2013 = arith.mulf %gather3A_2002, %gather3A_2002 : vector<16xf32>
      %add3A_2014 = arith.addf %add3A_2012, %mul3A_2013 : vector<16xf32>
      %mul3A_2015 = arith.mulf %gather3A_2009, %gather3A_2009 : vector<16xf32>
      %add3A_2016 = arith.addf %add3A_2014, %mul3A_2015 : vector<16xf32>
      %xor3A_2017 = arith.constant 8 : i32
      %xor3A_2018 = vector.broadcast %xor3A_2017 : i32 to vector<16xi32>
      %xor3A_2019 = arith.xori %iota3A, %xor3A_2018 : vector<16xi32>
      %broadcast_in_dim3A_2020 = vector.shape_cast %xor3A_2019 : vector<16xi32> to vector<16x1xi32>
      %gather3A_2021 = vector.shape_cast %broadcast_in_dim3A_2020 : vector<16x1xi32> to vector<16xi32>
      %gather3A_2022 = tpu.dynamic_gather %add3A_2016[%gather3A_2021] in [0] : vector<16xf32>, vector<16xi32> -> vector<16xf32>
      %add3A_2023 = arith.addf %add3A_2016, %gather3A_2022 : vector<16xf32>
      %xor3A_2024 = arith.constant 4 : i32
      %xor3A_2025 = vector.broadcast %xor3A_2024 : i32 to vector<16xi32>
      %xor3A_2026 = arith.xori %iota3A, %xor3A_2025 : vector<16xi32>
      %broadcast_in_dim3A_2027 = vector.shape_cast %xor3A_2026 : vector<16xi32> to vector<16x1xi32>
      %gather3A_2028 = vector.shape_cast %broadcast_in_dim3A_2027 : vector<16x1xi32> to vector<16xi32>
      %gather3A_2029 = tpu.dynamic_gather %add3A_2023[%gather3A_2028] in [0] : vector<16xf32>, vector<16xi32> -> vector<16xf32>
      %add3A_2030 = arith.addf %add3A_2023, %gather3A_2029 : vector<16xf32>
      %xor3A_2031 = arith.constant 2 : i32
      %xor3A_2032 = vector.broadcast %xor3A_2031 : i32 to vector<16xi32>
      %xor3A_2033 = arith.xori %iota3A, %xor3A_2032 : vector<16xi32>
      %broadcast_in_dim3A_2034 = vector.shape_cast %xor3A_2033 : vector<16xi32> to vector<16x1xi32>
      %gather3A_2035 = vector.shape_cast %broadcast_in_dim3A_2034 : vector<16x1xi32> to vector<16xi32>
      %gather3A_2036 = tpu.dynamic_gather %add3A_2030[%gather3A_2035] in [0] : vector<16xf32>, vector<16xi32> -> vector<16xf32>
      %add3A_2037 = arith.addf %add3A_2030, %gather3A_2036 : vector<16xf32>
      %xor3A_2038 = arith.constant 1 : i32
      %xor3A_2039 = vector.broadcast %xor3A_2038 : i32 to vector<16xi32>
      %xor3A_2040 = arith.xori %iota3A, %xor3A_2039 : vector<16xi32>
      %broadcast_in_dim3A_2041 = vector.shape_cast %xor3A_2040 : vector<16xi32> to vector<16x1xi32>
      %gather3A_2042 = vector.shape_cast %broadcast_in_dim3A_2041 : vector<16x1xi32> to vector<16xi32>
      %gather3A_2043 = tpu.dynamic_gather %add3A_2037[%gather3A_2042] in [0] : vector<16xf32>, vector<16xi32> -> vector<16xf32>
      %add3A_2044 = arith.addf %add3A_2037, %gather3A_2043 : vector<16xf32>
      %max3A_2045 = arith.constant 1.000000e-16 : f32
      %max3A_2046 = vector.broadcast %max3A_2045 : f32 to vector<16xf32>
      %max3A_2047 = arith.maximumf %add3A_2044, %max3A_2046 : vector<16xf32>
      %bitcast_convert_type3A_2048 = tpu.bitcast %max3A_2047 : vector<16xf32> -> vector<16xi32>
      %shift_right_arithmetic3A_2049 = arith.constant 1 : i32
      %shift_right_arithmetic3A_2050 = vector.broadcast %shift_right_arithmetic3A_2049 : i32 to vector<16xi32>
      %shift_right_arithmetic3A_2051 = arith.shrsi %bitcast_convert_type3A_2048, %shift_right_arithmetic3A_2050 : vector<16xi32>
      %sub3A_2052 = arith.constant 1597463007 : i32
      %sub3A_2053 = vector.broadcast %sub3A_2052 : i32 to vector<16xi32>
      %sub3A_2054 = arith.subi %sub3A_2053, %shift_right_arithmetic3A_2051 : vector<16xi32>
      %bitcast_convert_type3A_2055 = tpu.bitcast %sub3A_2054 : vector<16xi32> -> vector<16xf32>
      %mul3A_2056 = arith.constant 5.000000e-01 : f32
      %mul3A_2057 = vector.broadcast %mul3A_2056 : f32 to vector<16xf32>
      %mul3A_2058 = arith.mulf %max3A_2047, %mul3A_2057 : vector<16xf32>
      %mul3A_2059 = arith.mulf %mul3A_2058, %bitcast_convert_type3A_2055 : vector<16xf32>
      %mul3A_2060 = arith.mulf %mul3A_2059, %bitcast_convert_type3A_2055 : vector<16xf32>
      %sub3A_2061 = arith.constant 1.500000e+00 : f32
      %sub3A_2062 = vector.broadcast %sub3A_2061 : f32 to vector<16xf32>
      %sub3A_2063 = arith.subf %sub3A_2062, %mul3A_2060 : vector<16xf32>
      %mul3A_2064 = arith.mulf %bitcast_convert_type3A_2055, %sub3A_2063 : vector<16xf32>
      %mul3A_2065 = arith.mulf %mul3A_2058, %mul3A_2064 : vector<16xf32>
      %mul3A_2066 = arith.mulf %mul3A_2065, %mul3A_2064 : vector<16xf32>
      %sub3A_2067 = arith.constant 1.500000e+00 : f32
      %sub3A_2068 = vector.broadcast %sub3A_2067 : f32 to vector<16xf32>
      %sub3A_2069 = arith.subf %sub3A_2068, %mul3A_2066 : vector<16xf32>
      %mul3A_2070 = arith.mulf %mul3A_2064, %sub3A_2069 : vector<16xf32>
      %mul3A_2071 = arith.mulf %mul3A_2058, %mul3A_2070 : vector<16xf32>
      %mul3A_2072 = arith.mulf %mul3A_2071, %mul3A_2070 : vector<16xf32>
      %sub3A_2073 = arith.constant 1.500000e+00 : f32
      %sub3A_2074 = vector.broadcast %sub3A_2073 : f32 to vector<16xf32>
      %sub3A_2075 = arith.subf %sub3A_2074, %mul3A_2072 : vector<16xf32>
      %mul3A_2076 = arith.mulf %mul3A_2070, %sub3A_2075 : vector<16xf32>
      %add3A_2077 = arith.constant 1 : i32
      %add3A_2078 = vector.broadcast %add3A_2077 : i32 to vector<16xi32>
      %add3A_2079 = arith.addi %broadcast_in_dim3A_1869, %add3A_2078 : vector<16xi32>
      %mul3A_2080 = arith.mulf %gather3A_1988, %mul3A_2076 : vector<16xf32>
      tpu.vector_store_idx %arg7[%add3A_5, %add3A_2079], %mul3A_2080 : memref<64x128xf32, #tpu.memory_space<vmem>>[vector<16xi32>, vector<16xi32>], vector<16xf32>,
      %mul3A_2081 = arith.mulf %gather3A_1995, %mul3A_2076 : vector<16xf32>
      tpu.vector_store_idx %arg7[%add3A_8, %add3A_2079], %mul3A_2081 : memref<64x128xf32, #tpu.memory_space<vmem>>[vector<16xi32>, vector<16xi32>], vector<16xf32>,
      %mul3A_2082 = arith.mulf %gather3A_2002, %mul3A_2076 : vector<16xf32>
      tpu.vector_store_idx %arg7[%add3A_11, %add3A_2079], %mul3A_2082 : memref<64x128xf32, #tpu.memory_space<vmem>>[vector<16xi32>, vector<16xi32>], vector<16xf32>,
      %mul3A_2083 = arith.mulf %gather3A_2009, %mul3A_2076 : vector<16xf32>
      tpu.vector_store_idx %arg7[%add3A_14, %add3A_2079], %mul3A_2083 : memref<64x128xf32, #tpu.memory_space<vmem>>[vector<16xi32>, vector<16xi32>], vector<16xf32>,
      %rem3A_2084 = arith.constant 64 : i32
      %rem3A_2085 = arith.remsi %rem3A_1857, %rem3A_2084 : i32
      %eq3A_2086 = arith.constant 63 : i32
      %eq3A_2087 = arith.cmpi eq, %rem3A_2085, %eq3A_2086 : i32
      %convert_element_type3A_2088 = arith.extui %eq3A_2087 : i1 to i32
      %cond3A_2089 = arith.constant 0 : i32
      %cond3A_2090 = arith.cmpi ne, %convert_element_type3A_2088, %cond3A_2089 : i32
      scf.if %cond3A_2090 {
        %div3A = arith.constant 64 : i32
        %div3A_2778 = arith.divsi %rem3A_1857, %div3A : i32
        %mul3A_2779 = arith.constant 128 : i32
        %mul3A_2780 = arith.muli %div3A_2778, %mul3A_2779 : i32
        %add3A_2781 = arith.addi %mul3A_2, %mul3A_2780 : i32
        "tpu.region"() ({
          %run_scoped3A = tpu.sem_alloc : memref<!tpu.dma_semaphore, #tpu.memory_space<semaphore_mem>>
          %dma_start3A_2782 = arith.constant 0 : i32
          %dma_start3A_2783 = tpu.memref_slice %arg4[%dma_start3A_2782, %add3A_2781] : memref<64x16384xf32, #tpu.memory_space<hbm>> -> memref<64x128xf32, #tpu.memory_space<hbm>>
          %dma_start3A_2784 = arith.constant 0 : i32
          %dma_start3A_2785 = tpu.memref_slice %arg4[%dma_start3A_2784, %add3A_2781] : memref<64x16384xf32, #tpu.memory_space<hbm>> -> memref<64x128xf32, #tpu.memory_space<hbm>>
          tpu.enqueue_dma source(%arg7 : memref<64x128xf32, #tpu.memory_space<vmem>>) target(%dma_start3A_2785 : memref<64x128xf32, #tpu.memory_space<hbm>>) target_semaphore(%run_scoped3A : memref<!tpu.dma_semaphore, #tpu.memory_space<semaphore_mem>>)
          %dma_wait3A_2786 = arith.constant 0 : i32
          %dma_wait3A_2787 = tpu.memref_slice %arg4[%dma_wait3A_2786, %add3A_2781] : memref<64x16384xf32, #tpu.memory_space<hbm>> -> memref<64x128xf32, #tpu.memory_space<hbm>>
          %dma_wait3A_2788 = arith.constant 0 : i32
          %dma_wait3A_2789 = tpu.memref_slice %arg4[%dma_wait3A_2788, %add3A_2781] : memref<64x16384xf32, #tpu.memory_space<hbm>> -> memref<64x128xf32, #tpu.memory_space<hbm>>
          tpu.wait_dma2 semaphore(%run_scoped3A : memref<!tpu.dma_semaphore, #tpu.memory_space<semaphore_mem>>) src(%arg7 : memref<64x128xf32, #tpu.memory_space<vmem>>) dst(%dma_wait3A_2789 : memref<64x128xf32, #tpu.memory_space<hbm>>)
          tpu.yield
        }) : () -> ()
      } else {
      }
      %add3A_2091 = arith.constant 7 : i32
      %add3A_2092 = arith.addi %add3A_1823, %add3A_2091 : i32
      %rem3A_2093 = arith.constant 256 : i32
      %rem3A_2094 = arith.remsi %add3A_2092, %rem3A_2093 : i32
      %mul3A_2095 = arith.constant 2 : i32
      %mul3A_2096 = arith.muli %rem3A_2094, %mul3A_2095 : i32
      %get3A_2097 = arith.index_cast %mul3A_2096 : i32 to index
      %get3A_2098 = tpu.vector_load %arg5[%get3A_2097] {strides = array<i32>} : memref<528xi32, #tpu.memory_space<vmem>>, vector<16xi32>,
      %slice3A_2099 = vector.extract_strided_slice %get3A_2098 {offsets = [0], sizes = [1], strides = [1]} : vector<16xi32> to vector<1xi32>
      %squeeze3A_2100 = vector.extract %slice3A_2099[0] : i32 from vector<1xi32>
      %and3A_2101 = arith.constant 127 : i32
      %and3A_2102 = arith.andi %squeeze3A_2100, %and3A_2101 : i32
      %sub3A_2103 = arith.subi %squeeze3A_2100, %and3A_2102 : i32
      %multiple_of3A_2104 = tpu.assume_multiple %sub3A_2103, 128 : i32
      %dma_start3A_2105 = arith.constant 4 : i32
      %dma_start3A_2106 = arith.constant 0 : i32
      %dma_start3A_2107 = arith.constant 0 : i32
      %dma_start3A_2108 = arith.constant 0 : i32
      %dma_start3A_2109 = tpu.memref_slice %arg6[%dma_start3A_2105, %dma_start3A_2106, %dma_start3A_2107, %dma_start3A_2108] : memref<7x2x64x128xf32, #tpu.memory_space<vmem>> -> memref<1x1x64x128xf32, #tpu.memory_space<vmem>>
      %dma_start3A_2110 = tpu.memref_squeeze %dma_start3A_2109 : memref<1x1x64x128xf32, #tpu.memory_space<vmem>> -> memref<64x128xf32, #tpu.memory_space<vmem>>
      %dma_start3A_2111 = arith.constant 0 : i32
      %dma_start3A_2112 = tpu.memref_slice %arg2[%dma_start3A_2111, %multiple_of3A_2104] : memref<64x1000000xf32, #tpu.memory_space<hbm>> -> memref<64x128xf32, #tpu.memory_space<hbm>>
      %dma_start3A_2113 = arith.constant 0 : i32
      %dma_start3A_2114 = arith.constant 0 : i32
      %dma_start3A_2115 = tpu.memref_slice %arg6[%dma_start3A_2105, %dma_start3A_2106, %dma_start3A_2113, %dma_start3A_2114] : memref<7x2x64x128xf32, #tpu.memory_space<vmem>> -> memref<1x1x64x128xf32, #tpu.memory_space<vmem>>
      %dma_start3A_2116 = tpu.memref_squeeze %dma_start3A_2115 : memref<1x1x64x128xf32, #tpu.memory_space<vmem>> -> memref<64x128xf32, #tpu.memory_space<vmem>>
      %dma_start3A_2117 = arith.constant 0 : i32
      %dma_start3A_2118 = tpu.memref_slice %arg2[%dma_start3A_2117, %multiple_of3A_2104] : memref<64x1000000xf32, #tpu.memory_space<hbm>> -> memref<64x128xf32, #tpu.memory_space<hbm>>
      tpu.enqueue_dma source(%dma_start3A_2118 : memref<64x128xf32, #tpu.memory_space<hbm>>) target(%dma_start3A_2116 : memref<64x128xf32, #tpu.memory_space<vmem>>) target_semaphore(%arg12 : memref<!tpu.dma_semaphore, #tpu.memory_space<semaphore_mem>>)
      %slice3A_2119 = vector.extract_strided_slice %get3A_2098 {offsets = [1], sizes = [1], strides = [1]} : vector<16xi32> to vector<1xi32>
      %squeeze3A_2120 = vector.extract %slice3A_2119[0] : i32 from vector<1xi32>
      %and3A_2121 = arith.constant 127 : i32
      %and3A_2122 = arith.andi %squeeze3A_2120, %and3A_2121 : i32
      %sub3A_2123 = arith.subi %squeeze3A_2120, %and3A_2122 : i32
      %multiple_of3A_2124 = tpu.assume_multiple %sub3A_2123, 128 : i32
      %dma_start3A_2125 = arith.constant 4 : i32
      %dma_start3A_2126 = arith.constant 1 : i32
      %dma_start3A_2127 = arith.constant 0 : i32
      %dma_start3A_2128 = arith.constant 0 : i32
      %dma_start3A_2129 = tpu.memref_slice %arg6[%dma_start3A_2125, %dma_start3A_2126, %dma_start3A_2127, %dma_start3A_2128] : memref<7x2x64x128xf32, #tpu.memory_space<vmem>> -> memref<1x1x64x128xf32, #tpu.memory_space<vmem>>
      %dma_start3A_2130 = tpu.memref_squeeze %dma_start3A_2129 : memref<1x1x64x128xf32, #tpu.memory_space<vmem>> -> memref<64x128xf32, #tpu.memory_space<vmem>>
      %dma_start3A_2131 = arith.constant 0 : i32
      %dma_start3A_2132 = tpu.memref_slice %arg2[%dma_start3A_2131, %multiple_of3A_2124] : memref<64x1000000xf32, #tpu.memory_space<hbm>> -> memref<64x128xf32, #tpu.memory_space<hbm>>
      %dma_start3A_2133 = arith.constant 0 : i32
      %dma_start3A_2134 = arith.constant 0 : i32
      %dma_start3A_2135 = tpu.memref_slice %arg6[%dma_start3A_2125, %dma_start3A_2126, %dma_start3A_2133, %dma_start3A_2134] : memref<7x2x64x128xf32, #tpu.memory_space<vmem>> -> memref<1x1x64x128xf32, #tpu.memory_space<vmem>>
      %dma_start3A_2136 = tpu.memref_squeeze %dma_start3A_2135 : memref<1x1x64x128xf32, #tpu.memory_space<vmem>> -> memref<64x128xf32, #tpu.memory_space<vmem>>
      %dma_start3A_2137 = arith.constant 0 : i32
      %dma_start3A_2138 = tpu.memref_slice %arg2[%dma_start3A_2137, %multiple_of3A_2124] : memref<64x1000000xf32, #tpu.memory_space<hbm>> -> memref<64x128xf32, #tpu.memory_space<hbm>>
      tpu.enqueue_dma source(%dma_start3A_2138 : memref<64x128xf32, #tpu.memory_space<hbm>>) target(%dma_start3A_2136 : memref<64x128xf32, #tpu.memory_space<vmem>>) target_semaphore(%arg12 : memref<!tpu.dma_semaphore, #tpu.memory_space<semaphore_mem>>)
      %mul3A_2139 = arith.constant 7 : i32
      %mul3A_2140 = arith.muli %mul3A_2139, %scan3A_552 : i32
      %add3A_2141 = arith.constant 5 : i32
      %add3A_2142 = arith.addi %mul3A_2140, %add3A_2141 : i32
      %dma_wait3A_2143 = arith.constant 5 : i32
      %dma_wait3A_2144 = arith.constant 0 : i32
      %dma_wait3A_2145 = arith.constant 0 : i32
      %dma_wait3A_2146 = arith.constant 0 : i32
      %dma_wait3A_2147 = tpu.memref_slice %arg6[%dma_wait3A_2143, %dma_wait3A_2144, %dma_wait3A_2145, %dma_wait3A_2146] : memref<7x2x64x128xf32, #tpu.memory_space<vmem>> -> memref<1x1x64x128xf32, #tpu.memory_space<vmem>>
      %dma_wait3A_2148 = tpu.memref_squeeze %dma_wait3A_2147 : memref<1x1x64x128xf32, #tpu.memory_space<vmem>> -> memref<64x128xf32, #tpu.memory_space<vmem>>
      %dma_wait3A_2149 = arith.constant 0 : i32
      %dma_wait3A_2150 = arith.constant 0 : i32
      %dma_wait3A_2151 = tpu.memref_slice %arg2[%dma_wait3A_2149, %dma_wait3A_2150] : memref<64x1000000xf32, #tpu.memory_space<hbm>> -> memref<64x128xf32, #tpu.memory_space<hbm>>
      %dma_wait3A_2152 = arith.constant 0 : i32
      %dma_wait3A_2153 = arith.constant 0 : i32
      %dma_wait3A_2154 = tpu.memref_slice %arg6[%dma_wait3A_2143, %dma_wait3A_2144, %dma_wait3A_2152, %dma_wait3A_2153] : memref<7x2x64x128xf32, #tpu.memory_space<vmem>> -> memref<1x1x64x128xf32, #tpu.memory_space<vmem>>
      %dma_wait3A_2155 = tpu.memref_squeeze %dma_wait3A_2154 : memref<1x1x64x128xf32, #tpu.memory_space<vmem>> -> memref<64x128xf32, #tpu.memory_space<vmem>>
      %dma_wait3A_2156 = arith.constant 0 : i32
      %dma_wait3A_2157 = arith.constant 0 : i32
      %dma_wait3A_2158 = tpu.memref_slice %arg2[%dma_wait3A_2156, %dma_wait3A_2157] : memref<64x1000000xf32, #tpu.memory_space<hbm>> -> memref<64x128xf32, #tpu.memory_space<hbm>>
      tpu.wait_dma2 semaphore(%arg13 : memref<!tpu.dma_semaphore, #tpu.memory_space<semaphore_mem>>) src(%dma_wait3A_2158 : memref<64x128xf32, #tpu.memory_space<hbm>>) dst(%dma_wait3A_2155 : memref<64x128xf32, #tpu.memory_space<vmem>>)
      %dma_wait3A_2159 = arith.constant 5 : i32
      %dma_wait3A_2160 = arith.constant 1 : i32
      %dma_wait3A_2161 = arith.constant 0 : i32
      %dma_wait3A_2162 = arith.constant 0 : i32
      %dma_wait3A_2163 = tpu.memref_slice %arg6[%dma_wait3A_2159, %dma_wait3A_2160, %dma_wait3A_2161, %dma_wait3A_2162] : memref<7x2x64x128xf32, #tpu.memory_space<vmem>> -> memref<1x1x64x128xf32, #tpu.memory_space<vmem>>
      %dma_wait3A_2164 = tpu.memref_squeeze %dma_wait3A_2163 : memref<1x1x64x128xf32, #tpu.memory_space<vmem>> -> memref<64x128xf32, #tpu.memory_space<vmem>>
      %dma_wait3A_2165 = arith.constant 0 : i32
      %dma_wait3A_2166 = arith.constant 0 : i32
      %dma_wait3A_2167 = tpu.memref_slice %arg2[%dma_wait3A_2165, %dma_wait3A_2166] : memref<64x1000000xf32, #tpu.memory_space<hbm>> -> memref<64x128xf32, #tpu.memory_space<hbm>>
      %dma_wait3A_2168 = arith.constant 0 : i32
      %dma_wait3A_2169 = arith.constant 0 : i32
      %dma_wait3A_2170 = tpu.memref_slice %arg6[%dma_wait3A_2159, %dma_wait3A_2160, %dma_wait3A_2168, %dma_wait3A_2169] : memref<7x2x64x128xf32, #tpu.memory_space<vmem>> -> memref<1x1x64x128xf32, #tpu.memory_space<vmem>>
      %dma_wait3A_2171 = tpu.memref_squeeze %dma_wait3A_2170 : memref<1x1x64x128xf32, #tpu.memory_space<vmem>> -> memref<64x128xf32, #tpu.memory_space<vmem>>
      %dma_wait3A_2172 = arith.constant 0 : i32
      %dma_wait3A_2173 = arith.constant 0 : i32
      %dma_wait3A_2174 = tpu.memref_slice %arg2[%dma_wait3A_2172, %dma_wait3A_2173] : memref<64x1000000xf32, #tpu.memory_space<hbm>> -> memref<64x128xf32, #tpu.memory_space<hbm>>
      tpu.wait_dma2 semaphore(%arg13 : memref<!tpu.dma_semaphore, #tpu.memory_space<semaphore_mem>>) src(%dma_wait3A_2174 : memref<64x128xf32, #tpu.memory_space<hbm>>) dst(%dma_wait3A_2171 : memref<64x128xf32, #tpu.memory_space<vmem>>)
      %rem3A_2175 = arith.constant 256 : i32
      %rem3A_2176 = arith.remsi %add3A_2142, %rem3A_2175 : i32
      %mul3A_2177 = arith.constant 2 : i32
      %mul3A_2178 = arith.muli %rem3A_2176, %mul3A_2177 : i32
      %get3A_2179 = arith.index_cast %mul3A_2178 : i32 to index
      %get3A_2180 = tpu.vector_load %arg5[%get3A_2179] {strides = array<i32>} : memref<528xi32, #tpu.memory_space<vmem>>, vector<16xi32>,
      %and3A_2181 = arith.constant 127 : i32
      %and3A_2182 = vector.broadcast %and3A_2181 : i32 to vector<16xi32>
      %and3A_2183 = arith.andi %get3A_2180, %and3A_2182 : vector<16xi32>
      %rem3A_2184 = arith.constant 64 : i32
      %rem3A_2185 = arith.remsi %rem3A_2176, %rem3A_2184 : i32
      %mul3A_2186 = arith.constant 2 : i32
      %mul3A_2187 = arith.muli %rem3A_2185, %mul3A_2186 : i32
      %broadcast_in_dim3A_2188 = vector.broadcast %mul3A_2187 : i32 to vector<16xi32>
      %broadcast_in_dim3A_2189 = arith.constant 0 : i32
      %broadcast_in_dim3A_2190 = vector.broadcast %broadcast_in_dim3A_2189 : i32 to vector<16xi32>
      %broadcast_in_dim3A_2191 = vector.shape_cast %broadcast_in_dim3A_2190 : vector<16xi32> to vector<16x1xi32>
      %gather3A_2192 = vector.shape_cast %broadcast_in_dim3A_2191 : vector<16x1xi32> to vector<16xi32>
      %gather3A_2193 = tpu.dynamic_gather %and3A_2183[%gather3A_2192] in [0] : vector<16xi32>, vector<16xi32> -> vector<16xi32>
      %gather3A_2194 = arith.constant 5 : i32
      %gather3A_2195 = arith.constant 0 : i32
      %gather3A_2196 = arith.constant 0 : i32
      %gather3A_2197 = arith.constant 0 : i32
      %gather3A_2198 = tpu.memref_slice %arg6[%gather3A_2194, %gather3A_2195, %gather3A_2196, %gather3A_2197] : memref<7x2x64x128xf32, #tpu.memory_space<vmem>> -> memref<1x1x64x128xf32, #tpu.memory_space<vmem>>
      %gather3A_2199 = tpu.memref_squeeze %gather3A_2198 : memref<1x1x64x128xf32, #tpu.memory_space<vmem>> -> memref<64x128xf32, #tpu.memory_space<vmem>>
      %gather3A_2200 = tpu.vector_load_idx %gather3A_2199[%add3A_5, %gather3A_2193] : memref<64x128xf32, #tpu.memory_space<vmem>>[vector<16xi32>, vector<16xi32>], vector<16xf32>,
      %gather3A_2201 = arith.constant 5 : i32
      %gather3A_2202 = arith.constant 0 : i32
      %gather3A_2203 = arith.constant 0 : i32
      %gather3A_2204 = arith.constant 0 : i32
      %gather3A_2205 = tpu.memref_slice %arg6[%gather3A_2201, %gather3A_2202, %gather3A_2203, %gather3A_2204] : memref<7x2x64x128xf32, #tpu.memory_space<vmem>> -> memref<1x1x64x128xf32, #tpu.memory_space<vmem>>
      %gather3A_2206 = tpu.memref_squeeze %gather3A_2205 : memref<1x1x64x128xf32, #tpu.memory_space<vmem>> -> memref<64x128xf32, #tpu.memory_space<vmem>>
      %gather3A_2207 = tpu.vector_load_idx %gather3A_2206[%add3A_8, %gather3A_2193] : memref<64x128xf32, #tpu.memory_space<vmem>>[vector<16xi32>, vector<16xi32>], vector<16xf32>,
      %gather3A_2208 = arith.constant 5 : i32
      %gather3A_2209 = arith.constant 0 : i32
      %gather3A_2210 = arith.constant 0 : i32
      %gather3A_2211 = arith.constant 0 : i32
      %gather3A_2212 = tpu.memref_slice %arg6[%gather3A_2208, %gather3A_2209, %gather3A_2210, %gather3A_2211] : memref<7x2x64x128xf32, #tpu.memory_space<vmem>> -> memref<1x1x64x128xf32, #tpu.memory_space<vmem>>
      %gather3A_2213 = tpu.memref_squeeze %gather3A_2212 : memref<1x1x64x128xf32, #tpu.memory_space<vmem>> -> memref<64x128xf32, #tpu.memory_space<vmem>>
      %gather3A_2214 = tpu.vector_load_idx %gather3A_2213[%add3A_11, %gather3A_2193] : memref<64x128xf32, #tpu.memory_space<vmem>>[vector<16xi32>, vector<16xi32>], vector<16xf32>,
      %gather3A_2215 = arith.constant 5 : i32
      %gather3A_2216 = arith.constant 0 : i32
      %gather3A_2217 = arith.constant 0 : i32
      %gather3A_2218 = arith.constant 0 : i32
      %gather3A_2219 = tpu.memref_slice %arg6[%gather3A_2215, %gather3A_2216, %gather3A_2217, %gather3A_2218] : memref<7x2x64x128xf32, #tpu.memory_space<vmem>> -> memref<1x1x64x128xf32, #tpu.memory_space<vmem>>
      %gather3A_2220 = tpu.memref_squeeze %gather3A_2219 : memref<1x1x64x128xf32, #tpu.memory_space<vmem>> -> memref<64x128xf32, #tpu.memory_space<vmem>>
      %gather3A_2221 = tpu.vector_load_idx %gather3A_2220[%add3A_14, %gather3A_2193] : memref<64x128xf32, #tpu.memory_space<vmem>>[vector<16xi32>, vector<16xi32>], vector<16xf32>,
      %mul3A_2222 = arith.mulf %gather3A_2200, %gather3A_2200 : vector<16xf32>
      %mul3A_2223 = arith.mulf %gather3A_2207, %gather3A_2207 : vector<16xf32>
      %add3A_2224 = arith.addf %mul3A_2222, %mul3A_2223 : vector<16xf32>
      %mul3A_2225 = arith.mulf %gather3A_2214, %gather3A_2214 : vector<16xf32>
      %add3A_2226 = arith.addf %add3A_2224, %mul3A_2225 : vector<16xf32>
      %mul3A_2227 = arith.mulf %gather3A_2221, %gather3A_2221 : vector<16xf32>
      %add3A_2228 = arith.addf %add3A_2226, %mul3A_2227 : vector<16xf32>
      %xor3A_2229 = arith.constant 8 : i32
      %xor3A_2230 = vector.broadcast %xor3A_2229 : i32 to vector<16xi32>
      %xor3A_2231 = arith.xori %iota3A, %xor3A_2230 : vector<16xi32>
      %broadcast_in_dim3A_2232 = vector.shape_cast %xor3A_2231 : vector<16xi32> to vector<16x1xi32>
      %gather3A_2233 = vector.shape_cast %broadcast_in_dim3A_2232 : vector<16x1xi32> to vector<16xi32>
      %gather3A_2234 = tpu.dynamic_gather %add3A_2228[%gather3A_2233] in [0] : vector<16xf32>, vector<16xi32> -> vector<16xf32>
      %add3A_2235 = arith.addf %add3A_2228, %gather3A_2234 : vector<16xf32>
      %xor3A_2236 = arith.constant 4 : i32
      %xor3A_2237 = vector.broadcast %xor3A_2236 : i32 to vector<16xi32>
      %xor3A_2238 = arith.xori %iota3A, %xor3A_2237 : vector<16xi32>
      %broadcast_in_dim3A_2239 = vector.shape_cast %xor3A_2238 : vector<16xi32> to vector<16x1xi32>
      %gather3A_2240 = vector.shape_cast %broadcast_in_dim3A_2239 : vector<16x1xi32> to vector<16xi32>
      %gather3A_2241 = tpu.dynamic_gather %add3A_2235[%gather3A_2240] in [0] : vector<16xf32>, vector<16xi32> -> vector<16xf32>
      %add3A_2242 = arith.addf %add3A_2235, %gather3A_2241 : vector<16xf32>
      %xor3A_2243 = arith.constant 2 : i32
      %xor3A_2244 = vector.broadcast %xor3A_2243 : i32 to vector<16xi32>
      %xor3A_2245 = arith.xori %iota3A, %xor3A_2244 : vector<16xi32>
      %broadcast_in_dim3A_2246 = vector.shape_cast %xor3A_2245 : vector<16xi32> to vector<16x1xi32>
      %gather3A_2247 = vector.shape_cast %broadcast_in_dim3A_2246 : vector<16x1xi32> to vector<16xi32>
      %gather3A_2248 = tpu.dynamic_gather %add3A_2242[%gather3A_2247] in [0] : vector<16xf32>, vector<16xi32> -> vector<16xf32>
      %add3A_2249 = arith.addf %add3A_2242, %gather3A_2248 : vector<16xf32>
      %xor3A_2250 = arith.constant 1 : i32
      %xor3A_2251 = vector.broadcast %xor3A_2250 : i32 to vector<16xi32>
      %xor3A_2252 = arith.xori %iota3A, %xor3A_2251 : vector<16xi32>
      %broadcast_in_dim3A_2253 = vector.shape_cast %xor3A_2252 : vector<16xi32> to vector<16x1xi32>
      %gather3A_2254 = vector.shape_cast %broadcast_in_dim3A_2253 : vector<16x1xi32> to vector<16xi32>
      %gather3A_2255 = tpu.dynamic_gather %add3A_2249[%gather3A_2254] in [0] : vector<16xf32>, vector<16xi32> -> vector<16xf32>
      %add3A_2256 = arith.addf %add3A_2249, %gather3A_2255 : vector<16xf32>
      %max3A_2257 = arith.constant 1.000000e-16 : f32
      %max3A_2258 = vector.broadcast %max3A_2257 : f32 to vector<16xf32>
      %max3A_2259 = arith.maximumf %add3A_2256, %max3A_2258 : vector<16xf32>
      %bitcast_convert_type3A_2260 = tpu.bitcast %max3A_2259 : vector<16xf32> -> vector<16xi32>
      %shift_right_arithmetic3A_2261 = arith.constant 1 : i32
      %shift_right_arithmetic3A_2262 = vector.broadcast %shift_right_arithmetic3A_2261 : i32 to vector<16xi32>
      %shift_right_arithmetic3A_2263 = arith.shrsi %bitcast_convert_type3A_2260, %shift_right_arithmetic3A_2262 : vector<16xi32>
      %sub3A_2264 = arith.constant 1597463007 : i32
      %sub3A_2265 = vector.broadcast %sub3A_2264 : i32 to vector<16xi32>
      %sub3A_2266 = arith.subi %sub3A_2265, %shift_right_arithmetic3A_2263 : vector<16xi32>
      %bitcast_convert_type3A_2267 = tpu.bitcast %sub3A_2266 : vector<16xi32> -> vector<16xf32>
      %mul3A_2268 = arith.constant 5.000000e-01 : f32
      %mul3A_2269 = vector.broadcast %mul3A_2268 : f32 to vector<16xf32>
      %mul3A_2270 = arith.mulf %max3A_2259, %mul3A_2269 : vector<16xf32>
      %mul3A_2271 = arith.mulf %mul3A_2270, %bitcast_convert_type3A_2267 : vector<16xf32>
      %mul3A_2272 = arith.mulf %mul3A_2271, %bitcast_convert_type3A_2267 : vector<16xf32>
      %sub3A_2273 = arith.constant 1.500000e+00 : f32
      %sub3A_2274 = vector.broadcast %sub3A_2273 : f32 to vector<16xf32>
      %sub3A_2275 = arith.subf %sub3A_2274, %mul3A_2272 : vector<16xf32>
      %mul3A_2276 = arith.mulf %bitcast_convert_type3A_2267, %sub3A_2275 : vector<16xf32>
      %mul3A_2277 = arith.mulf %mul3A_2270, %mul3A_2276 : vector<16xf32>
      %mul3A_2278 = arith.mulf %mul3A_2277, %mul3A_2276 : vector<16xf32>
      %sub3A_2279 = arith.constant 1.500000e+00 : f32
      %sub3A_2280 = vector.broadcast %sub3A_2279 : f32 to vector<16xf32>
      %sub3A_2281 = arith.subf %sub3A_2280, %mul3A_2278 : vector<16xf32>
      %mul3A_2282 = arith.mulf %mul3A_2276, %sub3A_2281 : vector<16xf32>
      %mul3A_2283 = arith.mulf %mul3A_2270, %mul3A_2282 : vector<16xf32>
      %mul3A_2284 = arith.mulf %mul3A_2283, %mul3A_2282 : vector<16xf32>
      %sub3A_2285 = arith.constant 1.500000e+00 : f32
      %sub3A_2286 = vector.broadcast %sub3A_2285 : f32 to vector<16xf32>
      %sub3A_2287 = arith.subf %sub3A_2286, %mul3A_2284 : vector<16xf32>
      %mul3A_2288 = arith.mulf %mul3A_2282, %sub3A_2287 : vector<16xf32>
      %add3A_2289 = arith.constant 0 : i32
      %add3A_2290 = vector.broadcast %add3A_2289 : i32 to vector<16xi32>
      %add3A_2291 = arith.addi %broadcast_in_dim3A_2188, %add3A_2290 : vector<16xi32>
      %mul3A_2292 = arith.mulf %gather3A_2200, %mul3A_2288 : vector<16xf32>
      tpu.vector_store_idx %arg7[%add3A_5, %add3A_2291], %mul3A_2292 : memref<64x128xf32, #tpu.memory_space<vmem>>[vector<16xi32>, vector<16xi32>], vector<16xf32>,
      %mul3A_2293 = arith.mulf %gather3A_2207, %mul3A_2288 : vector<16xf32>
      tpu.vector_store_idx %arg7[%add3A_8, %add3A_2291], %mul3A_2293 : memref<64x128xf32, #tpu.memory_space<vmem>>[vector<16xi32>, vector<16xi32>], vector<16xf32>,
      %mul3A_2294 = arith.mulf %gather3A_2214, %mul3A_2288 : vector<16xf32>
      tpu.vector_store_idx %arg7[%add3A_11, %add3A_2291], %mul3A_2294 : memref<64x128xf32, #tpu.memory_space<vmem>>[vector<16xi32>, vector<16xi32>], vector<16xf32>,
      %mul3A_2295 = arith.mulf %gather3A_2221, %mul3A_2288 : vector<16xf32>
      tpu.vector_store_idx %arg7[%add3A_14, %add3A_2291], %mul3A_2295 : memref<64x128xf32, #tpu.memory_space<vmem>>[vector<16xi32>, vector<16xi32>], vector<16xf32>,
      %broadcast_in_dim3A_2296 = arith.constant 1 : i32
      %broadcast_in_dim3A_2297 = vector.broadcast %broadcast_in_dim3A_2296 : i32 to vector<16xi32>
      %broadcast_in_dim3A_2298 = vector.shape_cast %broadcast_in_dim3A_2297 : vector<16xi32> to vector<16x1xi32>
      %gather3A_2299 = vector.shape_cast %broadcast_in_dim3A_2298 : vector<16x1xi32> to vector<16xi32>
      %gather3A_2300 = tpu.dynamic_gather %and3A_2183[%gather3A_2299] in [0] : vector<16xi32>, vector<16xi32> -> vector<16xi32>
      %gather3A_2301 = arith.constant 5 : i32
      %gather3A_2302 = arith.constant 1 : i32
      %gather3A_2303 = arith.constant 0 : i32
      %gather3A_2304 = arith.constant 0 : i32
      %gather3A_2305 = tpu.memref_slice %arg6[%gather3A_2301, %gather3A_2302, %gather3A_2303, %gather3A_2304] : memref<7x2x64x128xf32, #tpu.memory_space<vmem>> -> memref<1x1x64x128xf32, #tpu.memory_space<vmem>>
      %gather3A_2306 = tpu.memref_squeeze %gather3A_2305 : memref<1x1x64x128xf32, #tpu.memory_space<vmem>> -> memref<64x128xf32, #tpu.memory_space<vmem>>
      %gather3A_2307 = tpu.vector_load_idx %gather3A_2306[%add3A_5, %gather3A_2300] : memref<64x128xf32, #tpu.memory_space<vmem>>[vector<16xi32>, vector<16xi32>], vector<16xf32>,
      %gather3A_2308 = arith.constant 5 : i32
      %gather3A_2309 = arith.constant 1 : i32
      %gather3A_2310 = arith.constant 0 : i32
      %gather3A_2311 = arith.constant 0 : i32
      %gather3A_2312 = tpu.memref_slice %arg6[%gather3A_2308, %gather3A_2309, %gather3A_2310, %gather3A_2311] : memref<7x2x64x128xf32, #tpu.memory_space<vmem>> -> memref<1x1x64x128xf32, #tpu.memory_space<vmem>>
      %gather3A_2313 = tpu.memref_squeeze %gather3A_2312 : memref<1x1x64x128xf32, #tpu.memory_space<vmem>> -> memref<64x128xf32, #tpu.memory_space<vmem>>
      %gather3A_2314 = tpu.vector_load_idx %gather3A_2313[%add3A_8, %gather3A_2300] : memref<64x128xf32, #tpu.memory_space<vmem>>[vector<16xi32>, vector<16xi32>], vector<16xf32>,
      %gather3A_2315 = arith.constant 5 : i32
      %gather3A_2316 = arith.constant 1 : i32
      %gather3A_2317 = arith.constant 0 : i32
      %gather3A_2318 = arith.constant 0 : i32
      %gather3A_2319 = tpu.memref_slice %arg6[%gather3A_2315, %gather3A_2316, %gather3A_2317, %gather3A_2318] : memref<7x2x64x128xf32, #tpu.memory_space<vmem>> -> memref<1x1x64x128xf32, #tpu.memory_space<vmem>>
      %gather3A_2320 = tpu.memref_squeeze %gather3A_2319 : memref<1x1x64x128xf32, #tpu.memory_space<vmem>> -> memref<64x128xf32, #tpu.memory_space<vmem>>
      %gather3A_2321 = tpu.vector_load_idx %gather3A_2320[%add3A_11, %gather3A_2300] : memref<64x128xf32, #tpu.memory_space<vmem>>[vector<16xi32>, vector<16xi32>], vector<16xf32>,
      %gather3A_2322 = arith.constant 5 : i32
      %gather3A_2323 = arith.constant 1 : i32
      %gather3A_2324 = arith.constant 0 : i32
      %gather3A_2325 = arith.constant 0 : i32
      %gather3A_2326 = tpu.memref_slice %arg6[%gather3A_2322, %gather3A_2323, %gather3A_2324, %gather3A_2325] : memref<7x2x64x128xf32, #tpu.memory_space<vmem>> -> memref<1x1x64x128xf32, #tpu.memory_space<vmem>>
      %gather3A_2327 = tpu.memref_squeeze %gather3A_2326 : memref<1x1x64x128xf32, #tpu.memory_space<vmem>> -> memref<64x128xf32, #tpu.memory_space<vmem>>
      %gather3A_2328 = tpu.vector_load_idx %gather3A_2327[%add3A_14, %gather3A_2300] : memref<64x128xf32, #tpu.memory_space<vmem>>[vector<16xi32>, vector<16xi32>], vector<16xf32>,
      %mul3A_2329 = arith.mulf %gather3A_2307, %gather3A_2307 : vector<16xf32>
      %mul3A_2330 = arith.mulf %gather3A_2314, %gather3A_2314 : vector<16xf32>
      %add3A_2331 = arith.addf %mul3A_2329, %mul3A_2330 : vector<16xf32>
      %mul3A_2332 = arith.mulf %gather3A_2321, %gather3A_2321 : vector<16xf32>
      %add3A_2333 = arith.addf %add3A_2331, %mul3A_2332 : vector<16xf32>
      %mul3A_2334 = arith.mulf %gather3A_2328, %gather3A_2328 : vector<16xf32>
      %add3A_2335 = arith.addf %add3A_2333, %mul3A_2334 : vector<16xf32>
      %xor3A_2336 = arith.constant 8 : i32
      %xor3A_2337 = vector.broadcast %xor3A_2336 : i32 to vector<16xi32>
      %xor3A_2338 = arith.xori %iota3A, %xor3A_2337 : vector<16xi32>
      %broadcast_in_dim3A_2339 = vector.shape_cast %xor3A_2338 : vector<16xi32> to vector<16x1xi32>
      %gather3A_2340 = vector.shape_cast %broadcast_in_dim3A_2339 : vector<16x1xi32> to vector<16xi32>
      %gather3A_2341 = tpu.dynamic_gather %add3A_2335[%gather3A_2340] in [0] : vector<16xf32>, vector<16xi32> -> vector<16xf32>
      %add3A_2342 = arith.addf %add3A_2335, %gather3A_2341 : vector<16xf32>
      %xor3A_2343 = arith.constant 4 : i32
      %xor3A_2344 = vector.broadcast %xor3A_2343 : i32 to vector<16xi32>
      %xor3A_2345 = arith.xori %iota3A, %xor3A_2344 : vector<16xi32>
      %broadcast_in_dim3A_2346 = vector.shape_cast %xor3A_2345 : vector<16xi32> to vector<16x1xi32>
      %gather3A_2347 = vector.shape_cast %broadcast_in_dim3A_2346 : vector<16x1xi32> to vector<16xi32>
      %gather3A_2348 = tpu.dynamic_gather %add3A_2342[%gather3A_2347] in [0] : vector<16xf32>, vector<16xi32> -> vector<16xf32>
      %add3A_2349 = arith.addf %add3A_2342, %gather3A_2348 : vector<16xf32>
      %xor3A_2350 = arith.constant 2 : i32
      %xor3A_2351 = vector.broadcast %xor3A_2350 : i32 to vector<16xi32>
      %xor3A_2352 = arith.xori %iota3A, %xor3A_2351 : vector<16xi32>
      %broadcast_in_dim3A_2353 = vector.shape_cast %xor3A_2352 : vector<16xi32> to vector<16x1xi32>
      %gather3A_2354 = vector.shape_cast %broadcast_in_dim3A_2353 : vector<16x1xi32> to vector<16xi32>
      %gather3A_2355 = tpu.dynamic_gather %add3A_2349[%gather3A_2354] in [0] : vector<16xf32>, vector<16xi32> -> vector<16xf32>
      %add3A_2356 = arith.addf %add3A_2349, %gather3A_2355 : vector<16xf32>
      %xor3A_2357 = arith.constant 1 : i32
      %xor3A_2358 = vector.broadcast %xor3A_2357 : i32 to vector<16xi32>
      %xor3A_2359 = arith.xori %iota3A, %xor3A_2358 : vector<16xi32>
      %broadcast_in_dim3A_2360 = vector.shape_cast %xor3A_2359 : vector<16xi32> to vector<16x1xi32>
      %gather3A_2361 = vector.shape_cast %broadcast_in_dim3A_2360 : vector<16x1xi32> to vector<16xi32>
      %gather3A_2362 = tpu.dynamic_gather %add3A_2356[%gather3A_2361] in [0] : vector<16xf32>, vector<16xi32> -> vector<16xf32>
      %add3A_2363 = arith.addf %add3A_2356, %gather3A_2362 : vector<16xf32>
      %max3A_2364 = arith.constant 1.000000e-16 : f32
      %max3A_2365 = vector.broadcast %max3A_2364 : f32 to vector<16xf32>
      %max3A_2366 = arith.maximumf %add3A_2363, %max3A_2365 : vector<16xf32>
      %bitcast_convert_type3A_2367 = tpu.bitcast %max3A_2366 : vector<16xf32> -> vector<16xi32>
      %shift_right_arithmetic3A_2368 = arith.constant 1 : i32
      %shift_right_arithmetic3A_2369 = vector.broadcast %shift_right_arithmetic3A_2368 : i32 to vector<16xi32>
      %shift_right_arithmetic3A_2370 = arith.shrsi %bitcast_convert_type3A_2367, %shift_right_arithmetic3A_2369 : vector<16xi32>
      %sub3A_2371 = arith.constant 1597463007 : i32
      %sub3A_2372 = vector.broadcast %sub3A_2371 : i32 to vector<16xi32>
      %sub3A_2373 = arith.subi %sub3A_2372, %shift_right_arithmetic3A_2370 : vector<16xi32>
      %bitcast_convert_type3A_2374 = tpu.bitcast %sub3A_2373 : vector<16xi32> -> vector<16xf32>
      %mul3A_2375 = arith.constant 5.000000e-01 : f32
      %mul3A_2376 = vector.broadcast %mul3A_2375 : f32 to vector<16xf32>
      %mul3A_2377 = arith.mulf %max3A_2366, %mul3A_2376 : vector<16xf32>
      %mul3A_2378 = arith.mulf %mul3A_2377, %bitcast_convert_type3A_2374 : vector<16xf32>
      %mul3A_2379 = arith.mulf %mul3A_2378, %bitcast_convert_type3A_2374 : vector<16xf32>
      %sub3A_2380 = arith.constant 1.500000e+00 : f32
      %sub3A_2381 = vector.broadcast %sub3A_2380 : f32 to vector<16xf32>
      %sub3A_2382 = arith.subf %sub3A_2381, %mul3A_2379 : vector<16xf32>
      %mul3A_2383 = arith.mulf %bitcast_convert_type3A_2374, %sub3A_2382 : vector<16xf32>
      %mul3A_2384 = arith.mulf %mul3A_2377, %mul3A_2383 : vector<16xf32>
      %mul3A_2385 = arith.mulf %mul3A_2384, %mul3A_2383 : vector<16xf32>
      %sub3A_2386 = arith.constant 1.500000e+00 : f32
      %sub3A_2387 = vector.broadcast %sub3A_2386 : f32 to vector<16xf32>
      %sub3A_2388 = arith.subf %sub3A_2387, %mul3A_2385 : vector<16xf32>
      %mul3A_2389 = arith.mulf %mul3A_2383, %sub3A_2388 : vector<16xf32>
      %mul3A_2390 = arith.mulf %mul3A_2377, %mul3A_2389 : vector<16xf32>
      %mul3A_2391 = arith.mulf %mul3A_2390, %mul3A_2389 : vector<16xf32>
      %sub3A_2392 = arith.constant 1.500000e+00 : f32
      %sub3A_2393 = vector.broadcast %sub3A_2392 : f32 to vector<16xf32>
      %sub3A_2394 = arith.subf %sub3A_2393, %mul3A_2391 : vector<16xf32>
      %mul3A_2395 = arith.mulf %mul3A_2389, %sub3A_2394 : vector<16xf32>
      %add3A_2396 = arith.constant 1 : i32
      %add3A_2397 = vector.broadcast %add3A_2396 : i32 to vector<16xi32>
      %add3A_2398 = arith.addi %broadcast_in_dim3A_2188, %add3A_2397 : vector<16xi32>
      %mul3A_2399 = arith.mulf %gather3A_2307, %mul3A_2395 : vector<16xf32>
      tpu.vector_store_idx %arg7[%add3A_5, %add3A_2398], %mul3A_2399 : memref<64x128xf32, #tpu.memory_space<vmem>>[vector<16xi32>, vector<16xi32>], vector<16xf32>,
      %mul3A_2400 = arith.mulf %gather3A_2314, %mul3A_2395 : vector<16xf32>
      tpu.vector_store_idx %arg7[%add3A_8, %add3A_2398], %mul3A_2400 : memref<64x128xf32, #tpu.memory_space<vmem>>[vector<16xi32>, vector<16xi32>], vector<16xf32>,
      %mul3A_2401 = arith.mulf %gather3A_2321, %mul3A_2395 : vector<16xf32>
      tpu.vector_store_idx %arg7[%add3A_11, %add3A_2398], %mul3A_2401 : memref<64x128xf32, #tpu.memory_space<vmem>>[vector<16xi32>, vector<16xi32>], vector<16xf32>,
      %mul3A_2402 = arith.mulf %gather3A_2328, %mul3A_2395 : vector<16xf32>
      tpu.vector_store_idx %arg7[%add3A_14, %add3A_2398], %mul3A_2402 : memref<64x128xf32, #tpu.memory_space<vmem>>[vector<16xi32>, vector<16xi32>], vector<16xf32>,
      %rem3A_2403 = arith.constant 64 : i32
      %rem3A_2404 = arith.remsi %rem3A_2176, %rem3A_2403 : i32
      %eq3A_2405 = arith.constant 63 : i32
      %eq3A_2406 = arith.cmpi eq, %rem3A_2404, %eq3A_2405 : i32
      %convert_element_type3A_2407 = arith.extui %eq3A_2406 : i1 to i32
      %cond3A_2408 = arith.constant 0 : i32
      %cond3A_2409 = arith.cmpi ne, %convert_element_type3A_2407, %cond3A_2408 : i32
      scf.if %cond3A_2409 {
        %div3A = arith.constant 64 : i32
        %div3A_2778 = arith.divsi %rem3A_2176, %div3A : i32
        %mul3A_2779 = arith.constant 128 : i32
        %mul3A_2780 = arith.muli %div3A_2778, %mul3A_2779 : i32
        %add3A_2781 = arith.addi %mul3A_2, %mul3A_2780 : i32
        "tpu.region"() ({
          %run_scoped3A = tpu.sem_alloc : memref<!tpu.dma_semaphore, #tpu.memory_space<semaphore_mem>>
          %dma_start3A_2782 = arith.constant 0 : i32
          %dma_start3A_2783 = tpu.memref_slice %arg4[%dma_start3A_2782, %add3A_2781] : memref<64x16384xf32, #tpu.memory_space<hbm>> -> memref<64x128xf32, #tpu.memory_space<hbm>>
          %dma_start3A_2784 = arith.constant 0 : i32
          %dma_start3A_2785 = tpu.memref_slice %arg4[%dma_start3A_2784, %add3A_2781] : memref<64x16384xf32, #tpu.memory_space<hbm>> -> memref<64x128xf32, #tpu.memory_space<hbm>>
          tpu.enqueue_dma source(%arg7 : memref<64x128xf32, #tpu.memory_space<vmem>>) target(%dma_start3A_2785 : memref<64x128xf32, #tpu.memory_space<hbm>>) target_semaphore(%run_scoped3A : memref<!tpu.dma_semaphore, #tpu.memory_space<semaphore_mem>>)
          %dma_wait3A_2786 = arith.constant 0 : i32
          %dma_wait3A_2787 = tpu.memref_slice %arg4[%dma_wait3A_2786, %add3A_2781] : memref<64x16384xf32, #tpu.memory_space<hbm>> -> memref<64x128xf32, #tpu.memory_space<hbm>>
          %dma_wait3A_2788 = arith.constant 0 : i32
          %dma_wait3A_2789 = tpu.memref_slice %arg4[%dma_wait3A_2788, %add3A_2781] : memref<64x16384xf32, #tpu.memory_space<hbm>> -> memref<64x128xf32, #tpu.memory_space<hbm>>
          tpu.wait_dma2 semaphore(%run_scoped3A : memref<!tpu.dma_semaphore, #tpu.memory_space<semaphore_mem>>) src(%arg7 : memref<64x128xf32, #tpu.memory_space<vmem>>) dst(%dma_wait3A_2789 : memref<64x128xf32, #tpu.memory_space<hbm>>)
          tpu.yield
        }) : () -> ()
      } else {
      }
      %add3A_2410 = arith.constant 7 : i32
      %add3A_2411 = arith.addi %add3A_2142, %add3A_2410 : i32
      %rem3A_2412 = arith.constant 256 : i32
      %rem3A_2413 = arith.remsi %add3A_2411, %rem3A_2412 : i32
      %mul3A_2414 = arith.constant 2 : i32
      %mul3A_2415 = arith.muli %rem3A_2413, %mul3A_2414 : i32
      %get3A_2416 = arith.index_cast %mul3A_2415 : i32 to index
      %get3A_2417 = tpu.vector_load %arg5[%get3A_2416] {strides = array<i32>} : memref<528xi32, #tpu.memory_space<vmem>>, vector<16xi32>,
      %slice3A_2418 = vector.extract_strided_slice %get3A_2417 {offsets = [0], sizes = [1], strides = [1]} : vector<16xi32> to vector<1xi32>
      %squeeze3A_2419 = vector.extract %slice3A_2418[0] : i32 from vector<1xi32>
      %and3A_2420 = arith.constant 127 : i32
      %and3A_2421 = arith.andi %squeeze3A_2419, %and3A_2420 : i32
      %sub3A_2422 = arith.subi %squeeze3A_2419, %and3A_2421 : i32
      %multiple_of3A_2423 = tpu.assume_multiple %sub3A_2422, 128 : i32
      %dma_start3A_2424 = arith.constant 5 : i32
      %dma_start3A_2425 = arith.constant 0 : i32
      %dma_start3A_2426 = arith.constant 0 : i32
      %dma_start3A_2427 = arith.constant 0 : i32
      %dma_start3A_2428 = tpu.memref_slice %arg6[%dma_start3A_2424, %dma_start3A_2425, %dma_start3A_2426, %dma_start3A_2427] : memref<7x2x64x128xf32, #tpu.memory_space<vmem>> -> memref<1x1x64x128xf32, #tpu.memory_space<vmem>>
      %dma_start3A_2429 = tpu.memref_squeeze %dma_start3A_2428 : memref<1x1x64x128xf32, #tpu.memory_space<vmem>> -> memref<64x128xf32, #tpu.memory_space<vmem>>
      %dma_start3A_2430 = arith.constant 0 : i32
      %dma_start3A_2431 = tpu.memref_slice %arg2[%dma_start3A_2430, %multiple_of3A_2423] : memref<64x1000000xf32, #tpu.memory_space<hbm>> -> memref<64x128xf32, #tpu.memory_space<hbm>>
      %dma_start3A_2432 = arith.constant 0 : i32
      %dma_start3A_2433 = arith.constant 0 : i32
      %dma_start3A_2434 = tpu.memref_slice %arg6[%dma_start3A_2424, %dma_start3A_2425, %dma_start3A_2432, %dma_start3A_2433] : memref<7x2x64x128xf32, #tpu.memory_space<vmem>> -> memref<1x1x64x128xf32, #tpu.memory_space<vmem>>
      %dma_start3A_2435 = tpu.memref_squeeze %dma_start3A_2434 : memref<1x1x64x128xf32, #tpu.memory_space<vmem>> -> memref<64x128xf32, #tpu.memory_space<vmem>>
      %dma_start3A_2436 = arith.constant 0 : i32
      %dma_start3A_2437 = tpu.memref_slice %arg2[%dma_start3A_2436, %multiple_of3A_2423] : memref<64x1000000xf32, #tpu.memory_space<hbm>> -> memref<64x128xf32, #tpu.memory_space<hbm>>
      tpu.enqueue_dma source(%dma_start3A_2437 : memref<64x128xf32, #tpu.memory_space<hbm>>) target(%dma_start3A_2435 : memref<64x128xf32, #tpu.memory_space<vmem>>) target_semaphore(%arg13 : memref<!tpu.dma_semaphore, #tpu.memory_space<semaphore_mem>>)
      %slice3A_2438 = vector.extract_strided_slice %get3A_2417 {offsets = [1], sizes = [1], strides = [1]} : vector<16xi32> to vector<1xi32>
      %squeeze3A_2439 = vector.extract %slice3A_2438[0] : i32 from vector<1xi32>
      %and3A_2440 = arith.constant 127 : i32
      %and3A_2441 = arith.andi %squeeze3A_2439, %and3A_2440 : i32
      %sub3A_2442 = arith.subi %squeeze3A_2439, %and3A_2441 : i32
      %multiple_of3A_2443 = tpu.assume_multiple %sub3A_2442, 128 : i32
      %dma_start3A_2444 = arith.constant 5 : i32
      %dma_start3A_2445 = arith.constant 1 : i32
      %dma_start3A_2446 = arith.constant 0 : i32
      %dma_start3A_2447 = arith.constant 0 : i32
      %dma_start3A_2448 = tpu.memref_slice %arg6[%dma_start3A_2444, %dma_start3A_2445, %dma_start3A_2446, %dma_start3A_2447] : memref<7x2x64x128xf32, #tpu.memory_space<vmem>> -> memref<1x1x64x128xf32, #tpu.memory_space<vmem>>
      %dma_start3A_2449 = tpu.memref_squeeze %dma_start3A_2448 : memref<1x1x64x128xf32, #tpu.memory_space<vmem>> -> memref<64x128xf32, #tpu.memory_space<vmem>>
      %dma_start3A_2450 = arith.constant 0 : i32
      %dma_start3A_2451 = tpu.memref_slice %arg2[%dma_start3A_2450, %multiple_of3A_2443] : memref<64x1000000xf32, #tpu.memory_space<hbm>> -> memref<64x128xf32, #tpu.memory_space<hbm>>
      %dma_start3A_2452 = arith.constant 0 : i32
      %dma_start3A_2453 = arith.constant 0 : i32
      %dma_start3A_2454 = tpu.memref_slice %arg6[%dma_start3A_2444, %dma_start3A_2445, %dma_start3A_2452, %dma_start3A_2453] : memref<7x2x64x128xf32, #tpu.memory_space<vmem>> -> memref<1x1x64x128xf32, #tpu.memory_space<vmem>>
      %dma_start3A_2455 = tpu.memref_squeeze %dma_start3A_2454 : memref<1x1x64x128xf32, #tpu.memory_space<vmem>> -> memref<64x128xf32, #tpu.memory_space<vmem>>
      %dma_start3A_2456 = arith.constant 0 : i32
      %dma_start3A_2457 = tpu.memref_slice %arg2[%dma_start3A_2456, %multiple_of3A_2443] : memref<64x1000000xf32, #tpu.memory_space<hbm>> -> memref<64x128xf32, #tpu.memory_space<hbm>>
      tpu.enqueue_dma source(%dma_start3A_2457 : memref<64x128xf32, #tpu.memory_space<hbm>>) target(%dma_start3A_2455 : memref<64x128xf32, #tpu.memory_space<vmem>>) target_semaphore(%arg13 : memref<!tpu.dma_semaphore, #tpu.memory_space<semaphore_mem>>)
      %mul3A_2458 = arith.constant 7 : i32
      %mul3A_2459 = arith.muli %mul3A_2458, %scan3A_552 : i32
      %add3A_2460 = arith.constant 6 : i32
      %add3A_2461 = arith.addi %mul3A_2459, %add3A_2460 : i32
      %dma_wait3A_2462 = arith.constant 6 : i32
      %dma_wait3A_2463 = arith.constant 0 : i32
      %dma_wait3A_2464 = arith.constant 0 : i32
      %dma_wait3A_2465 = arith.constant 0 : i32
      %dma_wait3A_2466 = tpu.memref_slice %arg6[%dma_wait3A_2462, %dma_wait3A_2463, %dma_wait3A_2464, %dma_wait3A_2465] : memref<7x2x64x128xf32, #tpu.memory_space<vmem>> -> memref<1x1x64x128xf32, #tpu.memory_space<vmem>>
      %dma_wait3A_2467 = tpu.memref_squeeze %dma_wait3A_2466 : memref<1x1x64x128xf32, #tpu.memory_space<vmem>> -> memref<64x128xf32, #tpu.memory_space<vmem>>
      %dma_wait3A_2468 = arith.constant 0 : i32
      %dma_wait3A_2469 = arith.constant 0 : i32
      %dma_wait3A_2470 = tpu.memref_slice %arg2[%dma_wait3A_2468, %dma_wait3A_2469] : memref<64x1000000xf32, #tpu.memory_space<hbm>> -> memref<64x128xf32, #tpu.memory_space<hbm>>
      %dma_wait3A_2471 = arith.constant 0 : i32
      %dma_wait3A_2472 = arith.constant 0 : i32
      %dma_wait3A_2473 = tpu.memref_slice %arg6[%dma_wait3A_2462, %dma_wait3A_2463, %dma_wait3A_2471, %dma_wait3A_2472] : memref<7x2x64x128xf32, #tpu.memory_space<vmem>> -> memref<1x1x64x128xf32, #tpu.memory_space<vmem>>
      %dma_wait3A_2474 = tpu.memref_squeeze %dma_wait3A_2473 : memref<1x1x64x128xf32, #tpu.memory_space<vmem>> -> memref<64x128xf32, #tpu.memory_space<vmem>>
      %dma_wait3A_2475 = arith.constant 0 : i32
      %dma_wait3A_2476 = arith.constant 0 : i32
      %dma_wait3A_2477 = tpu.memref_slice %arg2[%dma_wait3A_2475, %dma_wait3A_2476] : memref<64x1000000xf32, #tpu.memory_space<hbm>> -> memref<64x128xf32, #tpu.memory_space<hbm>>
      tpu.wait_dma2 semaphore(%arg14 : memref<!tpu.dma_semaphore, #tpu.memory_space<semaphore_mem>>) src(%dma_wait3A_2477 : memref<64x128xf32, #tpu.memory_space<hbm>>) dst(%dma_wait3A_2474 : memref<64x128xf32, #tpu.memory_space<vmem>>)
      %dma_wait3A_2478 = arith.constant 6 : i32
      %dma_wait3A_2479 = arith.constant 1 : i32
      %dma_wait3A_2480 = arith.constant 0 : i32
      %dma_wait3A_2481 = arith.constant 0 : i32
      %dma_wait3A_2482 = tpu.memref_slice %arg6[%dma_wait3A_2478, %dma_wait3A_2479, %dma_wait3A_2480, %dma_wait3A_2481] : memref<7x2x64x128xf32, #tpu.memory_space<vmem>> -> memref<1x1x64x128xf32, #tpu.memory_space<vmem>>
      %dma_wait3A_2483 = tpu.memref_squeeze %dma_wait3A_2482 : memref<1x1x64x128xf32, #tpu.memory_space<vmem>> -> memref<64x128xf32, #tpu.memory_space<vmem>>
      %dma_wait3A_2484 = arith.constant 0 : i32
      %dma_wait3A_2485 = arith.constant 0 : i32
      %dma_wait3A_2486 = tpu.memref_slice %arg2[%dma_wait3A_2484, %dma_wait3A_2485] : memref<64x1000000xf32, #tpu.memory_space<hbm>> -> memref<64x128xf32, #tpu.memory_space<hbm>>
      %dma_wait3A_2487 = arith.constant 0 : i32
      %dma_wait3A_2488 = arith.constant 0 : i32
      %dma_wait3A_2489 = tpu.memref_slice %arg6[%dma_wait3A_2478, %dma_wait3A_2479, %dma_wait3A_2487, %dma_wait3A_2488] : memref<7x2x64x128xf32, #tpu.memory_space<vmem>> -> memref<1x1x64x128xf32, #tpu.memory_space<vmem>>
      %dma_wait3A_2490 = tpu.memref_squeeze %dma_wait3A_2489 : memref<1x1x64x128xf32, #tpu.memory_space<vmem>> -> memref<64x128xf32, #tpu.memory_space<vmem>>
      %dma_wait3A_2491 = arith.constant 0 : i32
      %dma_wait3A_2492 = arith.constant 0 : i32
      %dma_wait3A_2493 = tpu.memref_slice %arg2[%dma_wait3A_2491, %dma_wait3A_2492] : memref<64x1000000xf32, #tpu.memory_space<hbm>> -> memref<64x128xf32, #tpu.memory_space<hbm>>
      tpu.wait_dma2 semaphore(%arg14 : memref<!tpu.dma_semaphore, #tpu.memory_space<semaphore_mem>>) src(%dma_wait3A_2493 : memref<64x128xf32, #tpu.memory_space<hbm>>) dst(%dma_wait3A_2490 : memref<64x128xf32, #tpu.memory_space<vmem>>)
      %rem3A_2494 = arith.constant 256 : i32
      %rem3A_2495 = arith.remsi %add3A_2461, %rem3A_2494 : i32
      %mul3A_2496 = arith.constant 2 : i32
      %mul3A_2497 = arith.muli %rem3A_2495, %mul3A_2496 : i32
      %get3A_2498 = arith.index_cast %mul3A_2497 : i32 to index
      %get3A_2499 = tpu.vector_load %arg5[%get3A_2498] {strides = array<i32>} : memref<528xi32, #tpu.memory_space<vmem>>, vector<16xi32>,
      %and3A_2500 = arith.constant 127 : i32
      %and3A_2501 = vector.broadcast %and3A_2500 : i32 to vector<16xi32>
      %and3A_2502 = arith.andi %get3A_2499, %and3A_2501 : vector<16xi32>
      %rem3A_2503 = arith.constant 64 : i32
      %rem3A_2504 = arith.remsi %rem3A_2495, %rem3A_2503 : i32
      %mul3A_2505 = arith.constant 2 : i32
      %mul3A_2506 = arith.muli %rem3A_2504, %mul3A_2505 : i32
      %broadcast_in_dim3A_2507 = vector.broadcast %mul3A_2506 : i32 to vector<16xi32>
      %broadcast_in_dim3A_2508 = arith.constant 0 : i32
      %broadcast_in_dim3A_2509 = vector.broadcast %broadcast_in_dim3A_2508 : i32 to vector<16xi32>
      %broadcast_in_dim3A_2510 = vector.shape_cast %broadcast_in_dim3A_2509 : vector<16xi32> to vector<16x1xi32>
      %gather3A_2511 = vector.shape_cast %broadcast_in_dim3A_2510 : vector<16x1xi32> to vector<16xi32>
      %gather3A_2512 = tpu.dynamic_gather %and3A_2502[%gather3A_2511] in [0] : vector<16xi32>, vector<16xi32> -> vector<16xi32>
      %gather3A_2513 = arith.constant 6 : i32
      %gather3A_2514 = arith.constant 0 : i32
      %gather3A_2515 = arith.constant 0 : i32
      %gather3A_2516 = arith.constant 0 : i32
      %gather3A_2517 = tpu.memref_slice %arg6[%gather3A_2513, %gather3A_2514, %gather3A_2515, %gather3A_2516] : memref<7x2x64x128xf32, #tpu.memory_space<vmem>> -> memref<1x1x64x128xf32, #tpu.memory_space<vmem>>
      %gather3A_2518 = tpu.memref_squeeze %gather3A_2517 : memref<1x1x64x128xf32, #tpu.memory_space<vmem>> -> memref<64x128xf32, #tpu.memory_space<vmem>>
      %gather3A_2519 = tpu.vector_load_idx %gather3A_2518[%add3A_5, %gather3A_2512] : memref<64x128xf32, #tpu.memory_space<vmem>>[vector<16xi32>, vector<16xi32>], vector<16xf32>,
      %gather3A_2520 = arith.constant 6 : i32
      %gather3A_2521 = arith.constant 0 : i32
      %gather3A_2522 = arith.constant 0 : i32
      %gather3A_2523 = arith.constant 0 : i32
      %gather3A_2524 = tpu.memref_slice %arg6[%gather3A_2520, %gather3A_2521, %gather3A_2522, %gather3A_2523] : memref<7x2x64x128xf32, #tpu.memory_space<vmem>> -> memref<1x1x64x128xf32, #tpu.memory_space<vmem>>
      %gather3A_2525 = tpu.memref_squeeze %gather3A_2524 : memref<1x1x64x128xf32, #tpu.memory_space<vmem>> -> memref<64x128xf32, #tpu.memory_space<vmem>>
      %gather3A_2526 = tpu.vector_load_idx %gather3A_2525[%add3A_8, %gather3A_2512] : memref<64x128xf32, #tpu.memory_space<vmem>>[vector<16xi32>, vector<16xi32>], vector<16xf32>,
      %gather3A_2527 = arith.constant 6 : i32
      %gather3A_2528 = arith.constant 0 : i32
      %gather3A_2529 = arith.constant 0 : i32
      %gather3A_2530 = arith.constant 0 : i32
      %gather3A_2531 = tpu.memref_slice %arg6[%gather3A_2527, %gather3A_2528, %gather3A_2529, %gather3A_2530] : memref<7x2x64x128xf32, #tpu.memory_space<vmem>> -> memref<1x1x64x128xf32, #tpu.memory_space<vmem>>
      %gather3A_2532 = tpu.memref_squeeze %gather3A_2531 : memref<1x1x64x128xf32, #tpu.memory_space<vmem>> -> memref<64x128xf32, #tpu.memory_space<vmem>>
      %gather3A_2533 = tpu.vector_load_idx %gather3A_2532[%add3A_11, %gather3A_2512] : memref<64x128xf32, #tpu.memory_space<vmem>>[vector<16xi32>, vector<16xi32>], vector<16xf32>,
      %gather3A_2534 = arith.constant 6 : i32
      %gather3A_2535 = arith.constant 0 : i32
      %gather3A_2536 = arith.constant 0 : i32
      %gather3A_2537 = arith.constant 0 : i32
      %gather3A_2538 = tpu.memref_slice %arg6[%gather3A_2534, %gather3A_2535, %gather3A_2536, %gather3A_2537] : memref<7x2x64x128xf32, #tpu.memory_space<vmem>> -> memref<1x1x64x128xf32, #tpu.memory_space<vmem>>
      %gather3A_2539 = tpu.memref_squeeze %gather3A_2538 : memref<1x1x64x128xf32, #tpu.memory_space<vmem>> -> memref<64x128xf32, #tpu.memory_space<vmem>>
      %gather3A_2540 = tpu.vector_load_idx %gather3A_2539[%add3A_14, %gather3A_2512] : memref<64x128xf32, #tpu.memory_space<vmem>>[vector<16xi32>, vector<16xi32>], vector<16xf32>,
      %mul3A_2541 = arith.mulf %gather3A_2519, %gather3A_2519 : vector<16xf32>
      %mul3A_2542 = arith.mulf %gather3A_2526, %gather3A_2526 : vector<16xf32>
      %add3A_2543 = arith.addf %mul3A_2541, %mul3A_2542 : vector<16xf32>
      %mul3A_2544 = arith.mulf %gather3A_2533, %gather3A_2533 : vector<16xf32>
      %add3A_2545 = arith.addf %add3A_2543, %mul3A_2544 : vector<16xf32>
      %mul3A_2546 = arith.mulf %gather3A_2540, %gather3A_2540 : vector<16xf32>
      %add3A_2547 = arith.addf %add3A_2545, %mul3A_2546 : vector<16xf32>
      %xor3A_2548 = arith.constant 8 : i32
      %xor3A_2549 = vector.broadcast %xor3A_2548 : i32 to vector<16xi32>
      %xor3A_2550 = arith.xori %iota3A, %xor3A_2549 : vector<16xi32>
      %broadcast_in_dim3A_2551 = vector.shape_cast %xor3A_2550 : vector<16xi32> to vector<16x1xi32>
      %gather3A_2552 = vector.shape_cast %broadcast_in_dim3A_2551 : vector<16x1xi32> to vector<16xi32>
      %gather3A_2553 = tpu.dynamic_gather %add3A_2547[%gather3A_2552] in [0] : vector<16xf32>, vector<16xi32> -> vector<16xf32>
      %add3A_2554 = arith.addf %add3A_2547, %gather3A_2553 : vector<16xf32>
      %xor3A_2555 = arith.constant 4 : i32
      %xor3A_2556 = vector.broadcast %xor3A_2555 : i32 to vector<16xi32>
      %xor3A_2557 = arith.xori %iota3A, %xor3A_2556 : vector<16xi32>
      %broadcast_in_dim3A_2558 = vector.shape_cast %xor3A_2557 : vector<16xi32> to vector<16x1xi32>
      %gather3A_2559 = vector.shape_cast %broadcast_in_dim3A_2558 : vector<16x1xi32> to vector<16xi32>
      %gather3A_2560 = tpu.dynamic_gather %add3A_2554[%gather3A_2559] in [0] : vector<16xf32>, vector<16xi32> -> vector<16xf32>
      %add3A_2561 = arith.addf %add3A_2554, %gather3A_2560 : vector<16xf32>
      %xor3A_2562 = arith.constant 2 : i32
      %xor3A_2563 = vector.broadcast %xor3A_2562 : i32 to vector<16xi32>
      %xor3A_2564 = arith.xori %iota3A, %xor3A_2563 : vector<16xi32>
      %broadcast_in_dim3A_2565 = vector.shape_cast %xor3A_2564 : vector<16xi32> to vector<16x1xi32>
      %gather3A_2566 = vector.shape_cast %broadcast_in_dim3A_2565 : vector<16x1xi32> to vector<16xi32>
      %gather3A_2567 = tpu.dynamic_gather %add3A_2561[%gather3A_2566] in [0] : vector<16xf32>, vector<16xi32> -> vector<16xf32>
      %add3A_2568 = arith.addf %add3A_2561, %gather3A_2567 : vector<16xf32>
      %xor3A_2569 = arith.constant 1 : i32
      %xor3A_2570 = vector.broadcast %xor3A_2569 : i32 to vector<16xi32>
      %xor3A_2571 = arith.xori %iota3A, %xor3A_2570 : vector<16xi32>
      %broadcast_in_dim3A_2572 = vector.shape_cast %xor3A_2571 : vector<16xi32> to vector<16x1xi32>
      %gather3A_2573 = vector.shape_cast %broadcast_in_dim3A_2572 : vector<16x1xi32> to vector<16xi32>
      %gather3A_2574 = tpu.dynamic_gather %add3A_2568[%gather3A_2573] in [0] : vector<16xf32>, vector<16xi32> -> vector<16xf32>
      %add3A_2575 = arith.addf %add3A_2568, %gather3A_2574 : vector<16xf32>
      %max3A_2576 = arith.constant 1.000000e-16 : f32
      %max3A_2577 = vector.broadcast %max3A_2576 : f32 to vector<16xf32>
      %max3A_2578 = arith.maximumf %add3A_2575, %max3A_2577 : vector<16xf32>
      %bitcast_convert_type3A_2579 = tpu.bitcast %max3A_2578 : vector<16xf32> -> vector<16xi32>
      %shift_right_arithmetic3A_2580 = arith.constant 1 : i32
      %shift_right_arithmetic3A_2581 = vector.broadcast %shift_right_arithmetic3A_2580 : i32 to vector<16xi32>
      %shift_right_arithmetic3A_2582 = arith.shrsi %bitcast_convert_type3A_2579, %shift_right_arithmetic3A_2581 : vector<16xi32>
      %sub3A_2583 = arith.constant 1597463007 : i32
      %sub3A_2584 = vector.broadcast %sub3A_2583 : i32 to vector<16xi32>
      %sub3A_2585 = arith.subi %sub3A_2584, %shift_right_arithmetic3A_2582 : vector<16xi32>
      %bitcast_convert_type3A_2586 = tpu.bitcast %sub3A_2585 : vector<16xi32> -> vector<16xf32>
      %mul3A_2587 = arith.constant 5.000000e-01 : f32
      %mul3A_2588 = vector.broadcast %mul3A_2587 : f32 to vector<16xf32>
      %mul3A_2589 = arith.mulf %max3A_2578, %mul3A_2588 : vector<16xf32>
      %mul3A_2590 = arith.mulf %mul3A_2589, %bitcast_convert_type3A_2586 : vector<16xf32>
      %mul3A_2591 = arith.mulf %mul3A_2590, %bitcast_convert_type3A_2586 : vector<16xf32>
      %sub3A_2592 = arith.constant 1.500000e+00 : f32
      %sub3A_2593 = vector.broadcast %sub3A_2592 : f32 to vector<16xf32>
      %sub3A_2594 = arith.subf %sub3A_2593, %mul3A_2591 : vector<16xf32>
      %mul3A_2595 = arith.mulf %bitcast_convert_type3A_2586, %sub3A_2594 : vector<16xf32>
      %mul3A_2596 = arith.mulf %mul3A_2589, %mul3A_2595 : vector<16xf32>
      %mul3A_2597 = arith.mulf %mul3A_2596, %mul3A_2595 : vector<16xf32>
      %sub3A_2598 = arith.constant 1.500000e+00 : f32
      %sub3A_2599 = vector.broadcast %sub3A_2598 : f32 to vector<16xf32>
      %sub3A_2600 = arith.subf %sub3A_2599, %mul3A_2597 : vector<16xf32>
      %mul3A_2601 = arith.mulf %mul3A_2595, %sub3A_2600 : vector<16xf32>
      %mul3A_2602 = arith.mulf %mul3A_2589, %mul3A_2601 : vector<16xf32>
      %mul3A_2603 = arith.mulf %mul3A_2602, %mul3A_2601 : vector<16xf32>
      %sub3A_2604 = arith.constant 1.500000e+00 : f32
      %sub3A_2605 = vector.broadcast %sub3A_2604 : f32 to vector<16xf32>
      %sub3A_2606 = arith.subf %sub3A_2605, %mul3A_2603 : vector<16xf32>
      %mul3A_2607 = arith.mulf %mul3A_2601, %sub3A_2606 : vector<16xf32>
      %add3A_2608 = arith.constant 0 : i32
      %add3A_2609 = vector.broadcast %add3A_2608 : i32 to vector<16xi32>
      %add3A_2610 = arith.addi %broadcast_in_dim3A_2507, %add3A_2609 : vector<16xi32>
      %mul3A_2611 = arith.mulf %gather3A_2519, %mul3A_2607 : vector<16xf32>
      tpu.vector_store_idx %arg7[%add3A_5, %add3A_2610], %mul3A_2611 : memref<64x128xf32, #tpu.memory_space<vmem>>[vector<16xi32>, vector<16xi32>], vector<16xf32>,
      %mul3A_2612 = arith.mulf %gather3A_2526, %mul3A_2607 : vector<16xf32>
      tpu.vector_store_idx %arg7[%add3A_8, %add3A_2610], %mul3A_2612 : memref<64x128xf32, #tpu.memory_space<vmem>>[vector<16xi32>, vector<16xi32>], vector<16xf32>,
      %mul3A_2613 = arith.mulf %gather3A_2533, %mul3A_2607 : vector<16xf32>
      tpu.vector_store_idx %arg7[%add3A_11, %add3A_2610], %mul3A_2613 : memref<64x128xf32, #tpu.memory_space<vmem>>[vector<16xi32>, vector<16xi32>], vector<16xf32>,
      %mul3A_2614 = arith.mulf %gather3A_2540, %mul3A_2607 : vector<16xf32>
      tpu.vector_store_idx %arg7[%add3A_14, %add3A_2610], %mul3A_2614 : memref<64x128xf32, #tpu.memory_space<vmem>>[vector<16xi32>, vector<16xi32>], vector<16xf32>,
      %broadcast_in_dim3A_2615 = arith.constant 1 : i32
      %broadcast_in_dim3A_2616 = vector.broadcast %broadcast_in_dim3A_2615 : i32 to vector<16xi32>
      %broadcast_in_dim3A_2617 = vector.shape_cast %broadcast_in_dim3A_2616 : vector<16xi32> to vector<16x1xi32>
      %gather3A_2618 = vector.shape_cast %broadcast_in_dim3A_2617 : vector<16x1xi32> to vector<16xi32>
      %gather3A_2619 = tpu.dynamic_gather %and3A_2502[%gather3A_2618] in [0] : vector<16xi32>, vector<16xi32> -> vector<16xi32>
      %gather3A_2620 = arith.constant 6 : i32
      %gather3A_2621 = arith.constant 1 : i32
      %gather3A_2622 = arith.constant 0 : i32
      %gather3A_2623 = arith.constant 0 : i32
      %gather3A_2624 = tpu.memref_slice %arg6[%gather3A_2620, %gather3A_2621, %gather3A_2622, %gather3A_2623] : memref<7x2x64x128xf32, #tpu.memory_space<vmem>> -> memref<1x1x64x128xf32, #tpu.memory_space<vmem>>
      %gather3A_2625 = tpu.memref_squeeze %gather3A_2624 : memref<1x1x64x128xf32, #tpu.memory_space<vmem>> -> memref<64x128xf32, #tpu.memory_space<vmem>>
      %gather3A_2626 = tpu.vector_load_idx %gather3A_2625[%add3A_5, %gather3A_2619] : memref<64x128xf32, #tpu.memory_space<vmem>>[vector<16xi32>, vector<16xi32>], vector<16xf32>,
      %gather3A_2627 = arith.constant 6 : i32
      %gather3A_2628 = arith.constant 1 : i32
      %gather3A_2629 = arith.constant 0 : i32
      %gather3A_2630 = arith.constant 0 : i32
      %gather3A_2631 = tpu.memref_slice %arg6[%gather3A_2627, %gather3A_2628, %gather3A_2629, %gather3A_2630] : memref<7x2x64x128xf32, #tpu.memory_space<vmem>> -> memref<1x1x64x128xf32, #tpu.memory_space<vmem>>
      %gather3A_2632 = tpu.memref_squeeze %gather3A_2631 : memref<1x1x64x128xf32, #tpu.memory_space<vmem>> -> memref<64x128xf32, #tpu.memory_space<vmem>>
      %gather3A_2633 = tpu.vector_load_idx %gather3A_2632[%add3A_8, %gather3A_2619] : memref<64x128xf32, #tpu.memory_space<vmem>>[vector<16xi32>, vector<16xi32>], vector<16xf32>,
      %gather3A_2634 = arith.constant 6 : i32
      %gather3A_2635 = arith.constant 1 : i32
      %gather3A_2636 = arith.constant 0 : i32
      %gather3A_2637 = arith.constant 0 : i32
      %gather3A_2638 = tpu.memref_slice %arg6[%gather3A_2634, %gather3A_2635, %gather3A_2636, %gather3A_2637] : memref<7x2x64x128xf32, #tpu.memory_space<vmem>> -> memref<1x1x64x128xf32, #tpu.memory_space<vmem>>
      %gather3A_2639 = tpu.memref_squeeze %gather3A_2638 : memref<1x1x64x128xf32, #tpu.memory_space<vmem>> -> memref<64x128xf32, #tpu.memory_space<vmem>>
      %gather3A_2640 = tpu.vector_load_idx %gather3A_2639[%add3A_11, %gather3A_2619] : memref<64x128xf32, #tpu.memory_space<vmem>>[vector<16xi32>, vector<16xi32>], vector<16xf32>,
      %gather3A_2641 = arith.constant 6 : i32
      %gather3A_2642 = arith.constant 1 : i32
      %gather3A_2643 = arith.constant 0 : i32
      %gather3A_2644 = arith.constant 0 : i32
      %gather3A_2645 = tpu.memref_slice %arg6[%gather3A_2641, %gather3A_2642, %gather3A_2643, %gather3A_2644] : memref<7x2x64x128xf32, #tpu.memory_space<vmem>> -> memref<1x1x64x128xf32, #tpu.memory_space<vmem>>
      %gather3A_2646 = tpu.memref_squeeze %gather3A_2645 : memref<1x1x64x128xf32, #tpu.memory_space<vmem>> -> memref<64x128xf32, #tpu.memory_space<vmem>>
      %gather3A_2647 = tpu.vector_load_idx %gather3A_2646[%add3A_14, %gather3A_2619] : memref<64x128xf32, #tpu.memory_space<vmem>>[vector<16xi32>, vector<16xi32>], vector<16xf32>,
      %mul3A_2648 = arith.mulf %gather3A_2626, %gather3A_2626 : vector<16xf32>
      %mul3A_2649 = arith.mulf %gather3A_2633, %gather3A_2633 : vector<16xf32>
      %add3A_2650 = arith.addf %mul3A_2648, %mul3A_2649 : vector<16xf32>
      %mul3A_2651 = arith.mulf %gather3A_2640, %gather3A_2640 : vector<16xf32>
      %add3A_2652 = arith.addf %add3A_2650, %mul3A_2651 : vector<16xf32>
      %mul3A_2653 = arith.mulf %gather3A_2647, %gather3A_2647 : vector<16xf32>
      %add3A_2654 = arith.addf %add3A_2652, %mul3A_2653 : vector<16xf32>
      %xor3A_2655 = arith.constant 8 : i32
      %xor3A_2656 = vector.broadcast %xor3A_2655 : i32 to vector<16xi32>
      %xor3A_2657 = arith.xori %iota3A, %xor3A_2656 : vector<16xi32>
      %broadcast_in_dim3A_2658 = vector.shape_cast %xor3A_2657 : vector<16xi32> to vector<16x1xi32>
      %gather3A_2659 = vector.shape_cast %broadcast_in_dim3A_2658 : vector<16x1xi32> to vector<16xi32>
      %gather3A_2660 = tpu.dynamic_gather %add3A_2654[%gather3A_2659] in [0] : vector<16xf32>, vector<16xi32> -> vector<16xf32>
      %add3A_2661 = arith.addf %add3A_2654, %gather3A_2660 : vector<16xf32>
      %xor3A_2662 = arith.constant 4 : i32
      %xor3A_2663 = vector.broadcast %xor3A_2662 : i32 to vector<16xi32>
      %xor3A_2664 = arith.xori %iota3A, %xor3A_2663 : vector<16xi32>
      %broadcast_in_dim3A_2665 = vector.shape_cast %xor3A_2664 : vector<16xi32> to vector<16x1xi32>
      %gather3A_2666 = vector.shape_cast %broadcast_in_dim3A_2665 : vector<16x1xi32> to vector<16xi32>
      %gather3A_2667 = tpu.dynamic_gather %add3A_2661[%gather3A_2666] in [0] : vector<16xf32>, vector<16xi32> -> vector<16xf32>
      %add3A_2668 = arith.addf %add3A_2661, %gather3A_2667 : vector<16xf32>
      %xor3A_2669 = arith.constant 2 : i32
      %xor3A_2670 = vector.broadcast %xor3A_2669 : i32 to vector<16xi32>
      %xor3A_2671 = arith.xori %iota3A, %xor3A_2670 : vector<16xi32>
      %broadcast_in_dim3A_2672 = vector.shape_cast %xor3A_2671 : vector<16xi32> to vector<16x1xi32>
      %gather3A_2673 = vector.shape_cast %broadcast_in_dim3A_2672 : vector<16x1xi32> to vector<16xi32>
      %gather3A_2674 = tpu.dynamic_gather %add3A_2668[%gather3A_2673] in [0] : vector<16xf32>, vector<16xi32> -> vector<16xf32>
      %add3A_2675 = arith.addf %add3A_2668, %gather3A_2674 : vector<16xf32>
      %xor3A_2676 = arith.constant 1 : i32
      %xor3A_2677 = vector.broadcast %xor3A_2676 : i32 to vector<16xi32>
      %xor3A_2678 = arith.xori %iota3A, %xor3A_2677 : vector<16xi32>
      %broadcast_in_dim3A_2679 = vector.shape_cast %xor3A_2678 : vector<16xi32> to vector<16x1xi32>
      %gather3A_2680 = vector.shape_cast %broadcast_in_dim3A_2679 : vector<16x1xi32> to vector<16xi32>
      %gather3A_2681 = tpu.dynamic_gather %add3A_2675[%gather3A_2680] in [0] : vector<16xf32>, vector<16xi32> -> vector<16xf32>
      %add3A_2682 = arith.addf %add3A_2675, %gather3A_2681 : vector<16xf32>
      %max3A_2683 = arith.constant 1.000000e-16 : f32
      %max3A_2684 = vector.broadcast %max3A_2683 : f32 to vector<16xf32>
      %max3A_2685 = arith.maximumf %add3A_2682, %max3A_2684 : vector<16xf32>
      %bitcast_convert_type3A_2686 = tpu.bitcast %max3A_2685 : vector<16xf32> -> vector<16xi32>
      %shift_right_arithmetic3A_2687 = arith.constant 1 : i32
      %shift_right_arithmetic3A_2688 = vector.broadcast %shift_right_arithmetic3A_2687 : i32 to vector<16xi32>
      %shift_right_arithmetic3A_2689 = arith.shrsi %bitcast_convert_type3A_2686, %shift_right_arithmetic3A_2688 : vector<16xi32>
      %sub3A_2690 = arith.constant 1597463007 : i32
      %sub3A_2691 = vector.broadcast %sub3A_2690 : i32 to vector<16xi32>
      %sub3A_2692 = arith.subi %sub3A_2691, %shift_right_arithmetic3A_2689 : vector<16xi32>
      %bitcast_convert_type3A_2693 = tpu.bitcast %sub3A_2692 : vector<16xi32> -> vector<16xf32>
      %mul3A_2694 = arith.constant 5.000000e-01 : f32
      %mul3A_2695 = vector.broadcast %mul3A_2694 : f32 to vector<16xf32>
      %mul3A_2696 = arith.mulf %max3A_2685, %mul3A_2695 : vector<16xf32>
      %mul3A_2697 = arith.mulf %mul3A_2696, %bitcast_convert_type3A_2693 : vector<16xf32>
      %mul3A_2698 = arith.mulf %mul3A_2697, %bitcast_convert_type3A_2693 : vector<16xf32>
      %sub3A_2699 = arith.constant 1.500000e+00 : f32
      %sub3A_2700 = vector.broadcast %sub3A_2699 : f32 to vector<16xf32>
      %sub3A_2701 = arith.subf %sub3A_2700, %mul3A_2698 : vector<16xf32>
      %mul3A_2702 = arith.mulf %bitcast_convert_type3A_2693, %sub3A_2701 : vector<16xf32>
      %mul3A_2703 = arith.mulf %mul3A_2696, %mul3A_2702 : vector<16xf32>
      %mul3A_2704 = arith.mulf %mul3A_2703, %mul3A_2702 : vector<16xf32>
      %sub3A_2705 = arith.constant 1.500000e+00 : f32
      %sub3A_2706 = vector.broadcast %sub3A_2705 : f32 to vector<16xf32>
      %sub3A_2707 = arith.subf %sub3A_2706, %mul3A_2704 : vector<16xf32>
      %mul3A_2708 = arith.mulf %mul3A_2702, %sub3A_2707 : vector<16xf32>
      %mul3A_2709 = arith.mulf %mul3A_2696, %mul3A_2708 : vector<16xf32>
      %mul3A_2710 = arith.mulf %mul3A_2709, %mul3A_2708 : vector<16xf32>
      %sub3A_2711 = arith.constant 1.500000e+00 : f32
      %sub3A_2712 = vector.broadcast %sub3A_2711 : f32 to vector<16xf32>
      %sub3A_2713 = arith.subf %sub3A_2712, %mul3A_2710 : vector<16xf32>
      %mul3A_2714 = arith.mulf %mul3A_2708, %sub3A_2713 : vector<16xf32>
      %add3A_2715 = arith.constant 1 : i32
      %add3A_2716 = vector.broadcast %add3A_2715 : i32 to vector<16xi32>
      %add3A_2717 = arith.addi %broadcast_in_dim3A_2507, %add3A_2716 : vector<16xi32>
      %mul3A_2718 = arith.mulf %gather3A_2626, %mul3A_2714 : vector<16xf32>
      tpu.vector_store_idx %arg7[%add3A_5, %add3A_2717], %mul3A_2718 : memref<64x128xf32, #tpu.memory_space<vmem>>[vector<16xi32>, vector<16xi32>], vector<16xf32>,
      %mul3A_2719 = arith.mulf %gather3A_2633, %mul3A_2714 : vector<16xf32>
      tpu.vector_store_idx %arg7[%add3A_8, %add3A_2717], %mul3A_2719 : memref<64x128xf32, #tpu.memory_space<vmem>>[vector<16xi32>, vector<16xi32>], vector<16xf32>,
      %mul3A_2720 = arith.mulf %gather3A_2640, %mul3A_2714 : vector<16xf32>
      tpu.vector_store_idx %arg7[%add3A_11, %add3A_2717], %mul3A_2720 : memref<64x128xf32, #tpu.memory_space<vmem>>[vector<16xi32>, vector<16xi32>], vector<16xf32>,
      %mul3A_2721 = arith.mulf %gather3A_2647, %mul3A_2714 : vector<16xf32>
      tpu.vector_store_idx %arg7[%add3A_14, %add3A_2717], %mul3A_2721 : memref<64x128xf32, #tpu.memory_space<vmem>>[vector<16xi32>, vector<16xi32>], vector<16xf32>,
      %rem3A_2722 = arith.constant 64 : i32
      %rem3A_2723 = arith.remsi %rem3A_2495, %rem3A_2722 : i32
      %eq3A_2724 = arith.constant 63 : i32
      %eq3A_2725 = arith.cmpi eq, %rem3A_2723, %eq3A_2724 : i32
      %convert_element_type3A_2726 = arith.extui %eq3A_2725 : i1 to i32
      %cond3A_2727 = arith.constant 0 : i32
      %cond3A_2728 = arith.cmpi ne, %convert_element_type3A_2726, %cond3A_2727 : i32
      scf.if %cond3A_2728 {
        %div3A = arith.constant 64 : i32
        %div3A_2778 = arith.divsi %rem3A_2495, %div3A : i32
        %mul3A_2779 = arith.constant 128 : i32
        %mul3A_2780 = arith.muli %div3A_2778, %mul3A_2779 : i32
        %add3A_2781 = arith.addi %mul3A_2, %mul3A_2780 : i32
        "tpu.region"() ({
          %run_scoped3A = tpu.sem_alloc : memref<!tpu.dma_semaphore, #tpu.memory_space<semaphore_mem>>
          %dma_start3A_2782 = arith.constant 0 : i32
          %dma_start3A_2783 = tpu.memref_slice %arg4[%dma_start3A_2782, %add3A_2781] : memref<64x16384xf32, #tpu.memory_space<hbm>> -> memref<64x128xf32, #tpu.memory_space<hbm>>
          %dma_start3A_2784 = arith.constant 0 : i32
          %dma_start3A_2785 = tpu.memref_slice %arg4[%dma_start3A_2784, %add3A_2781] : memref<64x16384xf32, #tpu.memory_space<hbm>> -> memref<64x128xf32, #tpu.memory_space<hbm>>
          tpu.enqueue_dma source(%arg7 : memref<64x128xf32, #tpu.memory_space<vmem>>) target(%dma_start3A_2785 : memref<64x128xf32, #tpu.memory_space<hbm>>) target_semaphore(%run_scoped3A : memref<!tpu.dma_semaphore, #tpu.memory_space<semaphore_mem>>)
          %dma_wait3A_2786 = arith.constant 0 : i32
          %dma_wait3A_2787 = tpu.memref_slice %arg4[%dma_wait3A_2786, %add3A_2781] : memref<64x16384xf32, #tpu.memory_space<hbm>> -> memref<64x128xf32, #tpu.memory_space<hbm>>
          %dma_wait3A_2788 = arith.constant 0 : i32
          %dma_wait3A_2789 = tpu.memref_slice %arg4[%dma_wait3A_2788, %add3A_2781] : memref<64x16384xf32, #tpu.memory_space<hbm>> -> memref<64x128xf32, #tpu.memory_space<hbm>>
          tpu.wait_dma2 semaphore(%run_scoped3A : memref<!tpu.dma_semaphore, #tpu.memory_space<semaphore_mem>>) src(%arg7 : memref<64x128xf32, #tpu.memory_space<vmem>>) dst(%dma_wait3A_2789 : memref<64x128xf32, #tpu.memory_space<hbm>>)
          tpu.yield
        }) : () -> ()
      } else {
      }
      %add3A_2729 = arith.constant 7 : i32
      %add3A_2730 = arith.addi %add3A_2461, %add3A_2729 : i32
      %rem3A_2731 = arith.constant 256 : i32
      %rem3A_2732 = arith.remsi %add3A_2730, %rem3A_2731 : i32
      %mul3A_2733 = arith.constant 2 : i32
      %mul3A_2734 = arith.muli %rem3A_2732, %mul3A_2733 : i32
      %get3A_2735 = arith.index_cast %mul3A_2734 : i32 to index
      %get3A_2736 = tpu.vector_load %arg5[%get3A_2735] {strides = array<i32>} : memref<528xi32, #tpu.memory_space<vmem>>, vector<16xi32>,
      %slice3A_2737 = vector.extract_strided_slice %get3A_2736 {offsets = [0], sizes = [1], strides = [1]} : vector<16xi32> to vector<1xi32>
      %squeeze3A_2738 = vector.extract %slice3A_2737[0] : i32 from vector<1xi32>
      %and3A_2739 = arith.constant 127 : i32
      %and3A_2740 = arith.andi %squeeze3A_2738, %and3A_2739 : i32
      %sub3A_2741 = arith.subi %squeeze3A_2738, %and3A_2740 : i32
      %multiple_of3A_2742 = tpu.assume_multiple %sub3A_2741, 128 : i32
      %dma_start3A_2743 = arith.constant 6 : i32
      %dma_start3A_2744 = arith.constant 0 : i32
      %dma_start3A_2745 = arith.constant 0 : i32
      %dma_start3A_2746 = arith.constant 0 : i32
      %dma_start3A_2747 = tpu.memref_slice %arg6[%dma_start3A_2743, %dma_start3A_2744, %dma_start3A_2745, %dma_start3A_2746] : memref<7x2x64x128xf32, #tpu.memory_space<vmem>> -> memref<1x1x64x128xf32, #tpu.memory_space<vmem>>
      %dma_start3A_2748 = tpu.memref_squeeze %dma_start3A_2747 : memref<1x1x64x128xf32, #tpu.memory_space<vmem>> -> memref<64x128xf32, #tpu.memory_space<vmem>>
      %dma_start3A_2749 = arith.constant 0 : i32
      %dma_start3A_2750 = tpu.memref_slice %arg2[%dma_start3A_2749, %multiple_of3A_2742] : memref<64x1000000xf32, #tpu.memory_space<hbm>> -> memref<64x128xf32, #tpu.memory_space<hbm>>
      %dma_start3A_2751 = arith.constant 0 : i32
      %dma_start3A_2752 = arith.constant 0 : i32
      %dma_start3A_2753 = tpu.memref_slice %arg6[%dma_start3A_2743, %dma_start3A_2744, %dma_start3A_2751, %dma_start3A_2752] : memref<7x2x64x128xf32, #tpu.memory_space<vmem>> -> memref<1x1x64x128xf32, #tpu.memory_space<vmem>>
      %dma_start3A_2754 = tpu.memref_squeeze %dma_start3A_2753 : memref<1x1x64x128xf32, #tpu.memory_space<vmem>> -> memref<64x128xf32, #tpu.memory_space<vmem>>
      %dma_start3A_2755 = arith.constant 0 : i32
      %dma_start3A_2756 = tpu.memref_slice %arg2[%dma_start3A_2755, %multiple_of3A_2742] : memref<64x1000000xf32, #tpu.memory_space<hbm>> -> memref<64x128xf32, #tpu.memory_space<hbm>>
      tpu.enqueue_dma source(%dma_start3A_2756 : memref<64x128xf32, #tpu.memory_space<hbm>>) target(%dma_start3A_2754 : memref<64x128xf32, #tpu.memory_space<vmem>>) target_semaphore(%arg14 : memref<!tpu.dma_semaphore, #tpu.memory_space<semaphore_mem>>)
      %slice3A_2757 = vector.extract_strided_slice %get3A_2736 {offsets = [1], sizes = [1], strides = [1]} : vector<16xi32> to vector<1xi32>
      %squeeze3A_2758 = vector.extract %slice3A_2757[0] : i32 from vector<1xi32>
      %and3A_2759 = arith.constant 127 : i32
      %and3A_2760 = arith.andi %squeeze3A_2758, %and3A_2759 : i32
      %sub3A_2761 = arith.subi %squeeze3A_2758, %and3A_2760 : i32
      %multiple_of3A_2762 = tpu.assume_multiple %sub3A_2761, 128 : i32
      %dma_start3A_2763 = arith.constant 6 : i32
      %dma_start3A_2764 = arith.constant 1 : i32
      %dma_start3A_2765 = arith.constant 0 : i32
      %dma_start3A_2766 = arith.constant 0 : i32
      %dma_start3A_2767 = tpu.memref_slice %arg6[%dma_start3A_2763, %dma_start3A_2764, %dma_start3A_2765, %dma_start3A_2766] : memref<7x2x64x128xf32, #tpu.memory_space<vmem>> -> memref<1x1x64x128xf32, #tpu.memory_space<vmem>>
      %dma_start3A_2768 = tpu.memref_squeeze %dma_start3A_2767 : memref<1x1x64x128xf32, #tpu.memory_space<vmem>> -> memref<64x128xf32, #tpu.memory_space<vmem>>
      %dma_start3A_2769 = arith.constant 0 : i32
      %dma_start3A_2770 = tpu.memref_slice %arg2[%dma_start3A_2769, %multiple_of3A_2762] : memref<64x1000000xf32, #tpu.memory_space<hbm>> -> memref<64x128xf32, #tpu.memory_space<hbm>>
      %dma_start3A_2771 = arith.constant 0 : i32
      %dma_start3A_2772 = arith.constant 0 : i32
      %dma_start3A_2773 = tpu.memref_slice %arg6[%dma_start3A_2763, %dma_start3A_2764, %dma_start3A_2771, %dma_start3A_2772] : memref<7x2x64x128xf32, #tpu.memory_space<vmem>> -> memref<1x1x64x128xf32, #tpu.memory_space<vmem>>
      %dma_start3A_2774 = tpu.memref_squeeze %dma_start3A_2773 : memref<1x1x64x128xf32, #tpu.memory_space<vmem>> -> memref<64x128xf32, #tpu.memory_space<vmem>>
      %dma_start3A_2775 = arith.constant 0 : i32
      %dma_start3A_2776 = tpu.memref_slice %arg2[%dma_start3A_2775, %multiple_of3A_2762] : memref<64x1000000xf32, #tpu.memory_space<hbm>> -> memref<64x128xf32, #tpu.memory_space<hbm>>
      tpu.enqueue_dma source(%dma_start3A_2776 : memref<64x128xf32, #tpu.memory_space<hbm>>) target(%dma_start3A_2774 : memref<64x128xf32, #tpu.memory_space<vmem>>) target_semaphore(%arg14 : memref<!tpu.dma_semaphore, #tpu.memory_space<semaphore_mem>>)
      %scan3A_2777 = arith.constant 0 : i32
      scf.yield %scan3A_2777 : i32
    }
    %scan3A_328 = arith.constant 37 : i32
    %dma_wait3A = arith.constant 0 : i32
    %dma_wait3A_329 = arith.constant 0 : i32
    %dma_wait3A_330 = arith.constant 0 : i32
    %dma_wait3A_331 = arith.constant 0 : i32
    %dma_wait3A_332 = tpu.memref_slice %arg6[%dma_wait3A, %dma_wait3A_329, %dma_wait3A_330, %dma_wait3A_331] : memref<7x2x64x128xf32, #tpu.memory_space<vmem>> -> memref<1x1x64x128xf32, #tpu.memory_space<vmem>>
    %dma_wait3A_333 = tpu.memref_squeeze %dma_wait3A_332 : memref<1x1x64x128xf32, #tpu.memory_space<vmem>> -> memref<64x128xf32, #tpu.memory_space<vmem>>
    %dma_wait3A_334 = arith.constant 0 : i32
    %dma_wait3A_335 = arith.constant 0 : i32
    %dma_wait3A_336 = tpu.memref_slice %arg2[%dma_wait3A_334, %dma_wait3A_335] : memref<64x1000000xf32, #tpu.memory_space<hbm>> -> memref<64x128xf32, #tpu.memory_space<hbm>>
    %dma_wait3A_337 = arith.constant 0 : i32
    %dma_wait3A_338 = arith.constant 0 : i32
    %dma_wait3A_339 = tpu.memref_slice %arg6[%dma_wait3A, %dma_wait3A_329, %dma_wait3A_337, %dma_wait3A_338] : memref<7x2x64x128xf32, #tpu.memory_space<vmem>> -> memref<1x1x64x128xf32, #tpu.memory_space<vmem>>
    %dma_wait3A_340 = tpu.memref_squeeze %dma_wait3A_339 : memref<1x1x64x128xf32, #tpu.memory_space<vmem>> -> memref<64x128xf32, #tpu.memory_space<vmem>>
    %dma_wait3A_341 = arith.constant 0 : i32
    %dma_wait3A_342 = arith.constant 0 : i32
    %dma_wait3A_343 = tpu.memref_slice %arg2[%dma_wait3A_341, %dma_wait3A_342] : memref<64x1000000xf32, #tpu.memory_space<hbm>> -> memref<64x128xf32, #tpu.memory_space<hbm>>
    tpu.wait_dma2 semaphore(%arg8 : memref<!tpu.dma_semaphore, #tpu.memory_space<semaphore_mem>>) src(%dma_wait3A_343 : memref<64x128xf32, #tpu.memory_space<hbm>>) dst(%dma_wait3A_340 : memref<64x128xf32, #tpu.memory_space<vmem>>)
    %dma_wait3A_344 = arith.constant 0 : i32
    %dma_wait3A_345 = arith.constant 1 : i32
    %dma_wait3A_346 = arith.constant 0 : i32
    %dma_wait3A_347 = arith.constant 0 : i32
    %dma_wait3A_348 = tpu.memref_slice %arg6[%dma_wait3A_344, %dma_wait3A_345, %dma_wait3A_346, %dma_wait3A_347] : memref<7x2x64x128xf32, #tpu.memory_space<vmem>> -> memref<1x1x64x128xf32, #tpu.memory_space<vmem>>
    %dma_wait3A_349 = tpu.memref_squeeze %dma_wait3A_348 : memref<1x1x64x128xf32, #tpu.memory_space<vmem>> -> memref<64x128xf32, #tpu.memory_space<vmem>>
    %dma_wait3A_350 = arith.constant 0 : i32
    %dma_wait3A_351 = arith.constant 0 : i32
    %dma_wait3A_352 = tpu.memref_slice %arg2[%dma_wait3A_350, %dma_wait3A_351] : memref<64x1000000xf32, #tpu.memory_space<hbm>> -> memref<64x128xf32, #tpu.memory_space<hbm>>
    %dma_wait3A_353 = arith.constant 0 : i32
    %dma_wait3A_354 = arith.constant 0 : i32
    %dma_wait3A_355 = tpu.memref_slice %arg6[%dma_wait3A_344, %dma_wait3A_345, %dma_wait3A_353, %dma_wait3A_354] : memref<7x2x64x128xf32, #tpu.memory_space<vmem>> -> memref<1x1x64x128xf32, #tpu.memory_space<vmem>>
    %dma_wait3A_356 = tpu.memref_squeeze %dma_wait3A_355 : memref<1x1x64x128xf32, #tpu.memory_space<vmem>> -> memref<64x128xf32, #tpu.memory_space<vmem>>
    %dma_wait3A_357 = arith.constant 0 : i32
    %dma_wait3A_358 = arith.constant 0 : i32
    %dma_wait3A_359 = tpu.memref_slice %arg2[%dma_wait3A_357, %dma_wait3A_358] : memref<64x1000000xf32, #tpu.memory_space<hbm>> -> memref<64x128xf32, #tpu.memory_space<hbm>>
    tpu.wait_dma2 semaphore(%arg8 : memref<!tpu.dma_semaphore, #tpu.memory_space<semaphore_mem>>) src(%dma_wait3A_359 : memref<64x128xf32, #tpu.memory_space<hbm>>) dst(%dma_wait3A_356 : memref<64x128xf32, #tpu.memory_space<vmem>>)
    %dma_wait3A_360 = arith.constant 1 : i32
    %dma_wait3A_361 = arith.constant 0 : i32
    %dma_wait3A_362 = arith.constant 0 : i32
    %dma_wait3A_363 = arith.constant 0 : i32
    %dma_wait3A_364 = tpu.memref_slice %arg6[%dma_wait3A_360, %dma_wait3A_361, %dma_wait3A_362, %dma_wait3A_363] : memref<7x2x64x128xf32, #tpu.memory_space<vmem>> -> memref<1x1x64x128xf32, #tpu.memory_space<vmem>>
    %dma_wait3A_365 = tpu.memref_squeeze %dma_wait3A_364 : memref<1x1x64x128xf32, #tpu.memory_space<vmem>> -> memref<64x128xf32, #tpu.memory_space<vmem>>
    %dma_wait3A_366 = arith.constant 0 : i32
    %dma_wait3A_367 = arith.constant 0 : i32
    %dma_wait3A_368 = tpu.memref_slice %arg2[%dma_wait3A_366, %dma_wait3A_367] : memref<64x1000000xf32, #tpu.memory_space<hbm>> -> memref<64x128xf32, #tpu.memory_space<hbm>>
    %dma_wait3A_369 = arith.constant 0 : i32
    %dma_wait3A_370 = arith.constant 0 : i32
    %dma_wait3A_371 = tpu.memref_slice %arg6[%dma_wait3A_360, %dma_wait3A_361, %dma_wait3A_369, %dma_wait3A_370] : memref<7x2x64x128xf32, #tpu.memory_space<vmem>> -> memref<1x1x64x128xf32, #tpu.memory_space<vmem>>
    %dma_wait3A_372 = tpu.memref_squeeze %dma_wait3A_371 : memref<1x1x64x128xf32, #tpu.memory_space<vmem>> -> memref<64x128xf32, #tpu.memory_space<vmem>>
    %dma_wait3A_373 = arith.constant 0 : i32
    %dma_wait3A_374 = arith.constant 0 : i32
    %dma_wait3A_375 = tpu.memref_slice %arg2[%dma_wait3A_373, %dma_wait3A_374] : memref<64x1000000xf32, #tpu.memory_space<hbm>> -> memref<64x128xf32, #tpu.memory_space<hbm>>
    tpu.wait_dma2 semaphore(%arg9 : memref<!tpu.dma_semaphore, #tpu.memory_space<semaphore_mem>>) src(%dma_wait3A_375 : memref<64x128xf32, #tpu.memory_space<hbm>>) dst(%dma_wait3A_372 : memref<64x128xf32, #tpu.memory_space<vmem>>)
    %dma_wait3A_376 = arith.constant 1 : i32
    %dma_wait3A_377 = arith.constant 1 : i32
    %dma_wait3A_378 = arith.constant 0 : i32
    %dma_wait3A_379 = arith.constant 0 : i32
    %dma_wait3A_380 = tpu.memref_slice %arg6[%dma_wait3A_376, %dma_wait3A_377, %dma_wait3A_378, %dma_wait3A_379] : memref<7x2x64x128xf32, #tpu.memory_space<vmem>> -> memref<1x1x64x128xf32, #tpu.memory_space<vmem>>
    %dma_wait3A_381 = tpu.memref_squeeze %dma_wait3A_380 : memref<1x1x64x128xf32, #tpu.memory_space<vmem>> -> memref<64x128xf32, #tpu.memory_space<vmem>>
    %dma_wait3A_382 = arith.constant 0 : i32
    %dma_wait3A_383 = arith.constant 0 : i32
    %dma_wait3A_384 = tpu.memref_slice %arg2[%dma_wait3A_382, %dma_wait3A_383] : memref<64x1000000xf32, #tpu.memory_space<hbm>> -> memref<64x128xf32, #tpu.memory_space<hbm>>
    %dma_wait3A_385 = arith.constant 0 : i32
    %dma_wait3A_386 = arith.constant 0 : i32
    %dma_wait3A_387 = tpu.memref_slice %arg6[%dma_wait3A_376, %dma_wait3A_377, %dma_wait3A_385, %dma_wait3A_386] : memref<7x2x64x128xf32, #tpu.memory_space<vmem>> -> memref<1x1x64x128xf32, #tpu.memory_space<vmem>>
    %dma_wait3A_388 = tpu.memref_squeeze %dma_wait3A_387 : memref<1x1x64x128xf32, #tpu.memory_space<vmem>> -> memref<64x128xf32, #tpu.memory_space<vmem>>
    %dma_wait3A_389 = arith.constant 0 : i32
    %dma_wait3A_390 = arith.constant 0 : i32
    %dma_wait3A_391 = tpu.memref_slice %arg2[%dma_wait3A_389, %dma_wait3A_390] : memref<64x1000000xf32, #tpu.memory_space<hbm>> -> memref<64x128xf32, #tpu.memory_space<hbm>>
    tpu.wait_dma2 semaphore(%arg9 : memref<!tpu.dma_semaphore, #tpu.memory_space<semaphore_mem>>) src(%dma_wait3A_391 : memref<64x128xf32, #tpu.memory_space<hbm>>) dst(%dma_wait3A_388 : memref<64x128xf32, #tpu.memory_space<vmem>>)
    %dma_wait3A_392 = arith.constant 2 : i32
    %dma_wait3A_393 = arith.constant 0 : i32
    %dma_wait3A_394 = arith.constant 0 : i32
    %dma_wait3A_395 = arith.constant 0 : i32
    %dma_wait3A_396 = tpu.memref_slice %arg6[%dma_wait3A_392, %dma_wait3A_393, %dma_wait3A_394, %dma_wait3A_395] : memref<7x2x64x128xf32, #tpu.memory_space<vmem>> -> memref<1x1x64x128xf32, #tpu.memory_space<vmem>>
    %dma_wait3A_397 = tpu.memref_squeeze %dma_wait3A_396 : memref<1x1x64x128xf32, #tpu.memory_space<vmem>> -> memref<64x128xf32, #tpu.memory_space<vmem>>
    %dma_wait3A_398 = arith.constant 0 : i32
    %dma_wait3A_399 = arith.constant 0 : i32
    %dma_wait3A_400 = tpu.memref_slice %arg2[%dma_wait3A_398, %dma_wait3A_399] : memref<64x1000000xf32, #tpu.memory_space<hbm>> -> memref<64x128xf32, #tpu.memory_space<hbm>>
    %dma_wait3A_401 = arith.constant 0 : i32
    %dma_wait3A_402 = arith.constant 0 : i32
    %dma_wait3A_403 = tpu.memref_slice %arg6[%dma_wait3A_392, %dma_wait3A_393, %dma_wait3A_401, %dma_wait3A_402] : memref<7x2x64x128xf32, #tpu.memory_space<vmem>> -> memref<1x1x64x128xf32, #tpu.memory_space<vmem>>
    %dma_wait3A_404 = tpu.memref_squeeze %dma_wait3A_403 : memref<1x1x64x128xf32, #tpu.memory_space<vmem>> -> memref<64x128xf32, #tpu.memory_space<vmem>>
    %dma_wait3A_405 = arith.constant 0 : i32
    %dma_wait3A_406 = arith.constant 0 : i32
    %dma_wait3A_407 = tpu.memref_slice %arg2[%dma_wait3A_405, %dma_wait3A_406] : memref<64x1000000xf32, #tpu.memory_space<hbm>> -> memref<64x128xf32, #tpu.memory_space<hbm>>
    tpu.wait_dma2 semaphore(%arg10 : memref<!tpu.dma_semaphore, #tpu.memory_space<semaphore_mem>>) src(%dma_wait3A_407 : memref<64x128xf32, #tpu.memory_space<hbm>>) dst(%dma_wait3A_404 : memref<64x128xf32, #tpu.memory_space<vmem>>)
    %dma_wait3A_408 = arith.constant 2 : i32
    %dma_wait3A_409 = arith.constant 1 : i32
    %dma_wait3A_410 = arith.constant 0 : i32
    %dma_wait3A_411 = arith.constant 0 : i32
    %dma_wait3A_412 = tpu.memref_slice %arg6[%dma_wait3A_408, %dma_wait3A_409, %dma_wait3A_410, %dma_wait3A_411] : memref<7x2x64x128xf32, #tpu.memory_space<vmem>> -> memref<1x1x64x128xf32, #tpu.memory_space<vmem>>
    %dma_wait3A_413 = tpu.memref_squeeze %dma_wait3A_412 : memref<1x1x64x128xf32, #tpu.memory_space<vmem>> -> memref<64x128xf32, #tpu.memory_space<vmem>>
    %dma_wait3A_414 = arith.constant 0 : i32
    %dma_wait3A_415 = arith.constant 0 : i32
    %dma_wait3A_416 = tpu.memref_slice %arg2[%dma_wait3A_414, %dma_wait3A_415] : memref<64x1000000xf32, #tpu.memory_space<hbm>> -> memref<64x128xf32, #tpu.memory_space<hbm>>
    %dma_wait3A_417 = arith.constant 0 : i32
    %dma_wait3A_418 = arith.constant 0 : i32
    %dma_wait3A_419 = tpu.memref_slice %arg6[%dma_wait3A_408, %dma_wait3A_409, %dma_wait3A_417, %dma_wait3A_418] : memref<7x2x64x128xf32, #tpu.memory_space<vmem>> -> memref<1x1x64x128xf32, #tpu.memory_space<vmem>>
    %dma_wait3A_420 = tpu.memref_squeeze %dma_wait3A_419 : memref<1x1x64x128xf32, #tpu.memory_space<vmem>> -> memref<64x128xf32, #tpu.memory_space<vmem>>
    %dma_wait3A_421 = arith.constant 0 : i32
    %dma_wait3A_422 = arith.constant 0 : i32
    %dma_wait3A_423 = tpu.memref_slice %arg2[%dma_wait3A_421, %dma_wait3A_422] : memref<64x1000000xf32, #tpu.memory_space<hbm>> -> memref<64x128xf32, #tpu.memory_space<hbm>>
    tpu.wait_dma2 semaphore(%arg10 : memref<!tpu.dma_semaphore, #tpu.memory_space<semaphore_mem>>) src(%dma_wait3A_423 : memref<64x128xf32, #tpu.memory_space<hbm>>) dst(%dma_wait3A_420 : memref<64x128xf32, #tpu.memory_space<vmem>>)
    %dma_wait3A_424 = arith.constant 3 : i32
    %dma_wait3A_425 = arith.constant 0 : i32
    %dma_wait3A_426 = arith.constant 0 : i32
    %dma_wait3A_427 = arith.constant 0 : i32
    %dma_wait3A_428 = tpu.memref_slice %arg6[%dma_wait3A_424, %dma_wait3A_425, %dma_wait3A_426, %dma_wait3A_427] : memref<7x2x64x128xf32, #tpu.memory_space<vmem>> -> memref<1x1x64x128xf32, #tpu.memory_space<vmem>>
    %dma_wait3A_429 = tpu.memref_squeeze %dma_wait3A_428 : memref<1x1x64x128xf32, #tpu.memory_space<vmem>> -> memref<64x128xf32, #tpu.memory_space<vmem>>
    %dma_wait3A_430 = arith.constant 0 : i32
    %dma_wait3A_431 = arith.constant 0 : i32
    %dma_wait3A_432 = tpu.memref_slice %arg2[%dma_wait3A_430, %dma_wait3A_431] : memref<64x1000000xf32, #tpu.memory_space<hbm>> -> memref<64x128xf32, #tpu.memory_space<hbm>>
    %dma_wait3A_433 = arith.constant 0 : i32
    %dma_wait3A_434 = arith.constant 0 : i32
    %dma_wait3A_435 = tpu.memref_slice %arg6[%dma_wait3A_424, %dma_wait3A_425, %dma_wait3A_433, %dma_wait3A_434] : memref<7x2x64x128xf32, #tpu.memory_space<vmem>> -> memref<1x1x64x128xf32, #tpu.memory_space<vmem>>
    %dma_wait3A_436 = tpu.memref_squeeze %dma_wait3A_435 : memref<1x1x64x128xf32, #tpu.memory_space<vmem>> -> memref<64x128xf32, #tpu.memory_space<vmem>>
    %dma_wait3A_437 = arith.constant 0 : i32
    %dma_wait3A_438 = arith.constant 0 : i32
    %dma_wait3A_439 = tpu.memref_slice %arg2[%dma_wait3A_437, %dma_wait3A_438] : memref<64x1000000xf32, #tpu.memory_space<hbm>> -> memref<64x128xf32, #tpu.memory_space<hbm>>
    tpu.wait_dma2 semaphore(%arg11 : memref<!tpu.dma_semaphore, #tpu.memory_space<semaphore_mem>>) src(%dma_wait3A_439 : memref<64x128xf32, #tpu.memory_space<hbm>>) dst(%dma_wait3A_436 : memref<64x128xf32, #tpu.memory_space<vmem>>)
    %dma_wait3A_440 = arith.constant 3 : i32
    %dma_wait3A_441 = arith.constant 1 : i32
    %dma_wait3A_442 = arith.constant 0 : i32
    %dma_wait3A_443 = arith.constant 0 : i32
    %dma_wait3A_444 = tpu.memref_slice %arg6[%dma_wait3A_440, %dma_wait3A_441, %dma_wait3A_442, %dma_wait3A_443] : memref<7x2x64x128xf32, #tpu.memory_space<vmem>> -> memref<1x1x64x128xf32, #tpu.memory_space<vmem>>
    %dma_wait3A_445 = tpu.memref_squeeze %dma_wait3A_444 : memref<1x1x64x128xf32, #tpu.memory_space<vmem>> -> memref<64x128xf32, #tpu.memory_space<vmem>>
    %dma_wait3A_446 = arith.constant 0 : i32
    %dma_wait3A_447 = arith.constant 0 : i32
    %dma_wait3A_448 = tpu.memref_slice %arg2[%dma_wait3A_446, %dma_wait3A_447] : memref<64x1000000xf32, #tpu.memory_space<hbm>> -> memref<64x128xf32, #tpu.memory_space<hbm>>
    %dma_wait3A_449 = arith.constant 0 : i32
    %dma_wait3A_450 = arith.constant 0 : i32
    %dma_wait3A_451 = tpu.memref_slice %arg6[%dma_wait3A_440, %dma_wait3A_441, %dma_wait3A_449, %dma_wait3A_450] : memref<7x2x64x128xf32, #tpu.memory_space<vmem>> -> memref<1x1x64x128xf32, #tpu.memory_space<vmem>>
    %dma_wait3A_452 = tpu.memref_squeeze %dma_wait3A_451 : memref<1x1x64x128xf32, #tpu.memory_space<vmem>> -> memref<64x128xf32, #tpu.memory_space<vmem>>
    %dma_wait3A_453 = arith.constant 0 : i32
    %dma_wait3A_454 = arith.constant 0 : i32
    %dma_wait3A_455 = tpu.memref_slice %arg2[%dma_wait3A_453, %dma_wait3A_454] : memref<64x1000000xf32, #tpu.memory_space<hbm>> -> memref<64x128xf32, #tpu.memory_space<hbm>>
    tpu.wait_dma2 semaphore(%arg11 : memref<!tpu.dma_semaphore, #tpu.memory_space<semaphore_mem>>) src(%dma_wait3A_455 : memref<64x128xf32, #tpu.memory_space<hbm>>) dst(%dma_wait3A_452 : memref<64x128xf32, #tpu.memory_space<vmem>>)
    %dma_wait3A_456 = arith.constant 4 : i32
    %dma_wait3A_457 = arith.constant 0 : i32
    %dma_wait3A_458 = arith.constant 0 : i32
    %dma_wait3A_459 = arith.constant 0 : i32
    %dma_wait3A_460 = tpu.memref_slice %arg6[%dma_wait3A_456, %dma_wait3A_457, %dma_wait3A_458, %dma_wait3A_459] : memref<7x2x64x128xf32, #tpu.memory_space<vmem>> -> memref<1x1x64x128xf32, #tpu.memory_space<vmem>>
    %dma_wait3A_461 = tpu.memref_squeeze %dma_wait3A_460 : memref<1x1x64x128xf32, #tpu.memory_space<vmem>> -> memref<64x128xf32, #tpu.memory_space<vmem>>
    %dma_wait3A_462 = arith.constant 0 : i32
    %dma_wait3A_463 = arith.constant 0 : i32
    %dma_wait3A_464 = tpu.memref_slice %arg2[%dma_wait3A_462, %dma_wait3A_463] : memref<64x1000000xf32, #tpu.memory_space<hbm>> -> memref<64x128xf32, #tpu.memory_space<hbm>>
    %dma_wait3A_465 = arith.constant 0 : i32
    %dma_wait3A_466 = arith.constant 0 : i32
    %dma_wait3A_467 = tpu.memref_slice %arg6[%dma_wait3A_456, %dma_wait3A_457, %dma_wait3A_465, %dma_wait3A_466] : memref<7x2x64x128xf32, #tpu.memory_space<vmem>> -> memref<1x1x64x128xf32, #tpu.memory_space<vmem>>
    %dma_wait3A_468 = tpu.memref_squeeze %dma_wait3A_467 : memref<1x1x64x128xf32, #tpu.memory_space<vmem>> -> memref<64x128xf32, #tpu.memory_space<vmem>>
    %dma_wait3A_469 = arith.constant 0 : i32
    %dma_wait3A_470 = arith.constant 0 : i32
    %dma_wait3A_471 = tpu.memref_slice %arg2[%dma_wait3A_469, %dma_wait3A_470] : memref<64x1000000xf32, #tpu.memory_space<hbm>> -> memref<64x128xf32, #tpu.memory_space<hbm>>
    tpu.wait_dma2 semaphore(%arg12 : memref<!tpu.dma_semaphore, #tpu.memory_space<semaphore_mem>>) src(%dma_wait3A_471 : memref<64x128xf32, #tpu.memory_space<hbm>>) dst(%dma_wait3A_468 : memref<64x128xf32, #tpu.memory_space<vmem>>)
    %dma_wait3A_472 = arith.constant 4 : i32
    %dma_wait3A_473 = arith.constant 1 : i32
    %dma_wait3A_474 = arith.constant 0 : i32
    %dma_wait3A_475 = arith.constant 0 : i32
    %dma_wait3A_476 = tpu.memref_slice %arg6[%dma_wait3A_472, %dma_wait3A_473, %dma_wait3A_474, %dma_wait3A_475] : memref<7x2x64x128xf32, #tpu.memory_space<vmem>> -> memref<1x1x64x128xf32, #tpu.memory_space<vmem>>
    %dma_wait3A_477 = tpu.memref_squeeze %dma_wait3A_476 : memref<1x1x64x128xf32, #tpu.memory_space<vmem>> -> memref<64x128xf32, #tpu.memory_space<vmem>>
    %dma_wait3A_478 = arith.constant 0 : i32
    %dma_wait3A_479 = arith.constant 0 : i32
    %dma_wait3A_480 = tpu.memref_slice %arg2[%dma_wait3A_478, %dma_wait3A_479] : memref<64x1000000xf32, #tpu.memory_space<hbm>> -> memref<64x128xf32, #tpu.memory_space<hbm>>
    %dma_wait3A_481 = arith.constant 0 : i32
    %dma_wait3A_482 = arith.constant 0 : i32
    %dma_wait3A_483 = tpu.memref_slice %arg6[%dma_wait3A_472, %dma_wait3A_473, %dma_wait3A_481, %dma_wait3A_482] : memref<7x2x64x128xf32, #tpu.memory_space<vmem>> -> memref<1x1x64x128xf32, #tpu.memory_space<vmem>>
    %dma_wait3A_484 = tpu.memref_squeeze %dma_wait3A_483 : memref<1x1x64x128xf32, #tpu.memory_space<vmem>> -> memref<64x128xf32, #tpu.memory_space<vmem>>
    %dma_wait3A_485 = arith.constant 0 : i32
    %dma_wait3A_486 = arith.constant 0 : i32
    %dma_wait3A_487 = tpu.memref_slice %arg2[%dma_wait3A_485, %dma_wait3A_486] : memref<64x1000000xf32, #tpu.memory_space<hbm>> -> memref<64x128xf32, #tpu.memory_space<hbm>>
    tpu.wait_dma2 semaphore(%arg12 : memref<!tpu.dma_semaphore, #tpu.memory_space<semaphore_mem>>) src(%dma_wait3A_487 : memref<64x128xf32, #tpu.memory_space<hbm>>) dst(%dma_wait3A_484 : memref<64x128xf32, #tpu.memory_space<vmem>>)
    %dma_wait3A_488 = arith.constant 5 : i32
    %dma_wait3A_489 = arith.constant 0 : i32
    %dma_wait3A_490 = arith.constant 0 : i32
    %dma_wait3A_491 = arith.constant 0 : i32
    %dma_wait3A_492 = tpu.memref_slice %arg6[%dma_wait3A_488, %dma_wait3A_489, %dma_wait3A_490, %dma_wait3A_491] : memref<7x2x64x128xf32, #tpu.memory_space<vmem>> -> memref<1x1x64x128xf32, #tpu.memory_space<vmem>>
    %dma_wait3A_493 = tpu.memref_squeeze %dma_wait3A_492 : memref<1x1x64x128xf32, #tpu.memory_space<vmem>> -> memref<64x128xf32, #tpu.memory_space<vmem>>
    %dma_wait3A_494 = arith.constant 0 : i32
    %dma_wait3A_495 = arith.constant 0 : i32
    %dma_wait3A_496 = tpu.memref_slice %arg2[%dma_wait3A_494, %dma_wait3A_495] : memref<64x1000000xf32, #tpu.memory_space<hbm>> -> memref<64x128xf32, #tpu.memory_space<hbm>>
    %dma_wait3A_497 = arith.constant 0 : i32
    %dma_wait3A_498 = arith.constant 0 : i32
    %dma_wait3A_499 = tpu.memref_slice %arg6[%dma_wait3A_488, %dma_wait3A_489, %dma_wait3A_497, %dma_wait3A_498] : memref<7x2x64x128xf32, #tpu.memory_space<vmem>> -> memref<1x1x64x128xf32, #tpu.memory_space<vmem>>
    %dma_wait3A_500 = tpu.memref_squeeze %dma_wait3A_499 : memref<1x1x64x128xf32, #tpu.memory_space<vmem>> -> memref<64x128xf32, #tpu.memory_space<vmem>>
    %dma_wait3A_501 = arith.constant 0 : i32
    %dma_wait3A_502 = arith.constant 0 : i32
    %dma_wait3A_503 = tpu.memref_slice %arg2[%dma_wait3A_501, %dma_wait3A_502] : memref<64x1000000xf32, #tpu.memory_space<hbm>> -> memref<64x128xf32, #tpu.memory_space<hbm>>
    tpu.wait_dma2 semaphore(%arg13 : memref<!tpu.dma_semaphore, #tpu.memory_space<semaphore_mem>>) src(%dma_wait3A_503 : memref<64x128xf32, #tpu.memory_space<hbm>>) dst(%dma_wait3A_500 : memref<64x128xf32, #tpu.memory_space<vmem>>)
    %dma_wait3A_504 = arith.constant 5 : i32
    %dma_wait3A_505 = arith.constant 1 : i32
    %dma_wait3A_506 = arith.constant 0 : i32
    %dma_wait3A_507 = arith.constant 0 : i32
    %dma_wait3A_508 = tpu.memref_slice %arg6[%dma_wait3A_504, %dma_wait3A_505, %dma_wait3A_506, %dma_wait3A_507] : memref<7x2x64x128xf32, #tpu.memory_space<vmem>> -> memref<1x1x64x128xf32, #tpu.memory_space<vmem>>
    %dma_wait3A_509 = tpu.memref_squeeze %dma_wait3A_508 : memref<1x1x64x128xf32, #tpu.memory_space<vmem>> -> memref<64x128xf32, #tpu.memory_space<vmem>>
    %dma_wait3A_510 = arith.constant 0 : i32
    %dma_wait3A_511 = arith.constant 0 : i32
    %dma_wait3A_512 = tpu.memref_slice %arg2[%dma_wait3A_510, %dma_wait3A_511] : memref<64x1000000xf32, #tpu.memory_space<hbm>> -> memref<64x128xf32, #tpu.memory_space<hbm>>
    %dma_wait3A_513 = arith.constant 0 : i32
    %dma_wait3A_514 = arith.constant 0 : i32
    %dma_wait3A_515 = tpu.memref_slice %arg6[%dma_wait3A_504, %dma_wait3A_505, %dma_wait3A_513, %dma_wait3A_514] : memref<7x2x64x128xf32, #tpu.memory_space<vmem>> -> memref<1x1x64x128xf32, #tpu.memory_space<vmem>>
    %dma_wait3A_516 = tpu.memref_squeeze %dma_wait3A_515 : memref<1x1x64x128xf32, #tpu.memory_space<vmem>> -> memref<64x128xf32, #tpu.memory_space<vmem>>
    %dma_wait3A_517 = arith.constant 0 : i32
    %dma_wait3A_518 = arith.constant 0 : i32
    %dma_wait3A_519 = tpu.memref_slice %arg2[%dma_wait3A_517, %dma_wait3A_518] : memref<64x1000000xf32, #tpu.memory_space<hbm>> -> memref<64x128xf32, #tpu.memory_space<hbm>>
    tpu.wait_dma2 semaphore(%arg13 : memref<!tpu.dma_semaphore, #tpu.memory_space<semaphore_mem>>) src(%dma_wait3A_519 : memref<64x128xf32, #tpu.memory_space<hbm>>) dst(%dma_wait3A_516 : memref<64x128xf32, #tpu.memory_space<vmem>>)
    %dma_wait3A_520 = arith.constant 6 : i32
    %dma_wait3A_521 = arith.constant 0 : i32
    %dma_wait3A_522 = arith.constant 0 : i32
    %dma_wait3A_523 = arith.constant 0 : i32
    %dma_wait3A_524 = tpu.memref_slice %arg6[%dma_wait3A_520, %dma_wait3A_521, %dma_wait3A_522, %dma_wait3A_523] : memref<7x2x64x128xf32, #tpu.memory_space<vmem>> -> memref<1x1x64x128xf32, #tpu.memory_space<vmem>>
    %dma_wait3A_525 = tpu.memref_squeeze %dma_wait3A_524 : memref<1x1x64x128xf32, #tpu.memory_space<vmem>> -> memref<64x128xf32, #tpu.memory_space<vmem>>
    %dma_wait3A_526 = arith.constant 0 : i32
    %dma_wait3A_527 = arith.constant 0 : i32
    %dma_wait3A_528 = tpu.memref_slice %arg2[%dma_wait3A_526, %dma_wait3A_527] : memref<64x1000000xf32, #tpu.memory_space<hbm>> -> memref<64x128xf32, #tpu.memory_space<hbm>>
    %dma_wait3A_529 = arith.constant 0 : i32
    %dma_wait3A_530 = arith.constant 0 : i32
    %dma_wait3A_531 = tpu.memref_slice %arg6[%dma_wait3A_520, %dma_wait3A_521, %dma_wait3A_529, %dma_wait3A_530] : memref<7x2x64x128xf32, #tpu.memory_space<vmem>> -> memref<1x1x64x128xf32, #tpu.memory_space<vmem>>
    %dma_wait3A_532 = tpu.memref_squeeze %dma_wait3A_531 : memref<1x1x64x128xf32, #tpu.memory_space<vmem>> -> memref<64x128xf32, #tpu.memory_space<vmem>>
    %dma_wait3A_533 = arith.constant 0 : i32
    %dma_wait3A_534 = arith.constant 0 : i32
    %dma_wait3A_535 = tpu.memref_slice %arg2[%dma_wait3A_533, %dma_wait3A_534] : memref<64x1000000xf32, #tpu.memory_space<hbm>> -> memref<64x128xf32, #tpu.memory_space<hbm>>
    tpu.wait_dma2 semaphore(%arg14 : memref<!tpu.dma_semaphore, #tpu.memory_space<semaphore_mem>>) src(%dma_wait3A_535 : memref<64x128xf32, #tpu.memory_space<hbm>>) dst(%dma_wait3A_532 : memref<64x128xf32, #tpu.memory_space<vmem>>)
    %dma_wait3A_536 = arith.constant 6 : i32
    %dma_wait3A_537 = arith.constant 1 : i32
    %dma_wait3A_538 = arith.constant 0 : i32
    %dma_wait3A_539 = arith.constant 0 : i32
    %dma_wait3A_540 = tpu.memref_slice %arg6[%dma_wait3A_536, %dma_wait3A_537, %dma_wait3A_538, %dma_wait3A_539] : memref<7x2x64x128xf32, #tpu.memory_space<vmem>> -> memref<1x1x64x128xf32, #tpu.memory_space<vmem>>
    %dma_wait3A_541 = tpu.memref_squeeze %dma_wait3A_540 : memref<1x1x64x128xf32, #tpu.memory_space<vmem>> -> memref<64x128xf32, #tpu.memory_space<vmem>>
    %dma_wait3A_542 = arith.constant 0 : i32
    %dma_wait3A_543 = arith.constant 0 : i32
    %dma_wait3A_544 = tpu.memref_slice %arg2[%dma_wait3A_542, %dma_wait3A_543] : memref<64x1000000xf32, #tpu.memory_space<hbm>> -> memref<64x128xf32, #tpu.memory_space<hbm>>
    %dma_wait3A_545 = arith.constant 0 : i32
    %dma_wait3A_546 = arith.constant 0 : i32
    %dma_wait3A_547 = tpu.memref_slice %arg6[%dma_wait3A_536, %dma_wait3A_537, %dma_wait3A_545, %dma_wait3A_546] : memref<7x2x64x128xf32, #tpu.memory_space<vmem>> -> memref<1x1x64x128xf32, #tpu.memory_space<vmem>>
    %dma_wait3A_548 = tpu.memref_squeeze %dma_wait3A_547 : memref<1x1x64x128xf32, #tpu.memory_space<vmem>> -> memref<64x128xf32, #tpu.memory_space<vmem>>
    %dma_wait3A_549 = arith.constant 0 : i32
    %dma_wait3A_550 = arith.constant 0 : i32
    %dma_wait3A_551 = tpu.memref_slice %arg2[%dma_wait3A_549, %dma_wait3A_550] : memref<64x1000000xf32, #tpu.memory_space<hbm>> -> memref<64x128xf32, #tpu.memory_space<hbm>>
    tpu.wait_dma2 semaphore(%arg14 : memref<!tpu.dma_semaphore, #tpu.memory_space<semaphore_mem>>) src(%dma_wait3A_551 : memref<64x128xf32, #tpu.memory_space<hbm>>) dst(%dma_wait3A_548 : memref<64x128xf32, #tpu.memory_space<vmem>>)
    return
  }
}

</mosaic_0001>

<sc_bundles>
// kernel: kernel.3.cloned.1.call-start
scs
__scs_entry_jumppad:
0x0: {  	(pc) =	sbr.rel $0x88, $3  }
0x1: {  	(tag) =	ssettag $0x0;
	lr =	simm.s32 $0x1  }
0x2: {  	[smem:$0x3F9F] =	sst lr;
	_ =	strace $0xD0000000  }
0x3: {  	_ = 	snop  }
0x4: {  	_ = 	snop  }
0x5: {  	_ = 	snop  }
0x6: {  	_ = 	snop  }
0x7: {  	_ = 	snop  }
__scs_overlays_trampoline_lowered:
0x8: {  	[smem:$0x3FAE] =	sst s0  }
0x9: {  	[smem:$0x3FAF] =	sst s1  }
0xa: {  	[smem:$0x3FB0] =	sst s2  }
0xb: {  	[smem:$0x3FB1] =	sst s3  }
0xc: {  	[smem:$0x3FB2] =	sst s4  }
0xd: {  	[smem:$0x3FB3] =	sst s5  }
0xe: {  	[smem:$0x3FB4] =	sst s6  }
0xf: {  	[smem:$0x3FB5] =	sst s7  }
0x10: {  	[smem:$0x3FB6] =	sst s8  }
0x11: {  	[smem:$0x3FB7] =	sst s9;
	s0 =	simm.s32 @!p0 $0x0  }
0x12: {  	s1 =	sld [smem:$0x3F9D];
	s0 =	simm.s32 @p0 $0x1  }
0x13: {  	[smem:$0x3FB8] =	sst s0;
	s0 =	simm.s32 @!p1 $0x0  }
0x14: {  	s2 =	sld [smem:$0x3F9C];
	s0 =	simm.s32 @p1 $0x1  }
0x15: {  	[smem:$0x3FB9] =	sst s0;
	s0 =	simm.s32 @!p2 $0x0  }
0x16: {  	s3 =	sld [smem:$0x3FDB];
	s0 =	simm.s32 @p2 $0x1  }
0x17: {  	s4 =	simm.s32 $0x1BF5;
	[smem:$0x3FBB] =	sst s0  }
0x18: {  	s0 =	sld [smem:$0x3F9E];
	_ =	swait.ge [sflag:s4], $0x0  }
0x19: {  	s7 =	sld [smem:$0x3F9F]  }
0x1a: {  	s8 =	sadd.s32 $0xFFFFE003, lr  }
0x1b: {  	s9 =	sadd.s32 $0xFFFFFEF7, lr;
	s5 =	simm.s32 $0xFFFFFFFF;
	p2 =	slt.u32 s8, $0xFFFFF086  }
0x1c: {  	p1 =	slt.u32 s9, $0xF7A;
	s5 =	simm.s32 @!p2 $0x0  }
0x1d: {  	s5 =	simm.s32 @p1 $0x1;
	p0 =	seq.s32 s7, s2  }
0x1e: {  	s7 =	smul.u32 @!p0 $0xF7A, s2;
	p2 =	seq.s32 @!p0 s5, $0x0  }
0x1f: {  	s9 =	smul.u32 $0xF7A, s1;
	s8 =	simm.s32 @!p0 $0x1BF5;
	p2 =	por !p2, p0  }
0x20: {  	[sflag:s8] =	ssyncset.s32 @!p0 $0xFFFFF086;
	s6 =	sadd.s32 @!p0 s3, s7;
	s7 =	simm.s32 @!p0 $0x108  }
0x21: {  	s3 =	sadd.s32 s3, s9;
	s6 =	sadd.s32 @!p0 $0x88, s6;
	s7 =	simm.s32 @p2 $0x1082  }
0x22: {  	[simem:s7], [sflag:s8] =	dma.local @!p0 [hbm:s6], $0xF7A  }
0x23: {  	s9 =	sor.u32 $0xD0000000, s2;
	s6 =	simm.s32 $0x108;
	_ =	swait.ge @!p0 [sflag:s8], $0x0  }
0x24: {  	s3 =	sadd.s32 $0x88, s3;
	s6 =	simm.s32 @!p1 $0x1082;
	[sflag:s4] =	ssyncset.s32 $0xFFFFF086  }
0x25: {  	[simem:s6], [sflag:s4] =	dma.local [hbm:s3], $0xF7A  }
0x26: {  	[smem:$0x3F9F] =	sst s1;
	(tag) =	ssettag s2;
	_ =	strace s9  }
0x27: {  	s1 =	sld [smem:$0x3FAF]  }
0x28: {  	s2 =	sld [smem:$0x3FB0]  }
0x29: {  	s4 =	sld [smem:$0x3FB2]  }
0x2a: {  	p0 =	seq.s32 s5, $0x0;
	s5 =	sld [smem:$0x3FB3]  }
0x2b: {  	s6 =	sld [smem:$0x3FB4]  }
0x2c: {  	s7 =	sld [smem:$0x3FB5]  }
0x2d: {  	s3 =	simm.s32 $0x108;
	s8 =	sld [smem:$0x3FB6]  }
0x2e: {  	s3 =	simm.s32 @!p0 $0x1082;
	s9 =	sld [smem:$0x3FB7]  }
0x2f: {  	lr =	sadd.s32 s0, s3;
	s0 =	sld [smem:$0x3FAE]  }
0x30: {  	s3 =	sld [smem:$0x3FB1]  }
0x31: {  	[smem:$0x3FBA] =	sst s10  }
0x32: {  	s10 =	sld [smem:$0x3FB8];
	_ =	sdelay $0x3  }
0x33: {  	p0 =	seq.s32 s10, $0x1;
	s10 =	sld [smem:$0x3FBA];
	_ =	sdelay $0x3  }
0x34: {  	[smem:$0x3FBA] =	sst s10  }
0x35: {  	s10 =	sld [smem:$0x3FB9];
	_ =	sdelay $0x3  }
0x36: {  	p1 =	seq.s32 s10, $0x1;
	s10 =	sld [smem:$0x3FBA];
	_ =	sdelay $0x3  }
0x37: {  	[smem:$0x3FBA] =	sst s10  }
0x38: {  	s10 =	sld [smem:$0x3FBB]  }
0x39: {  	_ = 	snop;
	(pc) =	sbr.ind lr, $3  }
0x3a: {  	_ = 	snop  }
0x3b: {  	_ = 	snop  }
0x3c: {  	p2 =	seq.s32 s10, $0x1;
	s10 =	sld [smem:$0x3FBA]  }
0x3d: {  	_ =	shalt  }
0x3e: {  	_ =	shalt  }
0x3f: {  	_ =	shalt  }
0x40: {  	_ =	shalt  }
0x41: {  	_ =	shalt  }
0x42: {  	_ =	shalt  }
0x43: {  	_ =	shalt  }
0x44: {  	_ =	shalt  }
0x45: {  	_ =	shalt  }
0x46: {  	_ =	shalt  }
0x47: {  	_ =	shalt  }
0x48: {  	_ =	shalt  }
0x49: {  	_ =	shalt  }
0x4a: {  	_ =	shalt  }
0x4b: {  	_ =	shalt  }
0x4c: {  	_ =	shalt  }
0x4d: {  	_ =	shalt  }
0x4e: {  	_ =	shalt  }
0x4f: {  	_ =	shalt  }
0x50: {  	_ =	shalt  }
0x51: {  	_ =	shalt  }
0x52: {  	_ =	shalt  }
0x53: {  	_ =	shalt  }
0x54: {  	_ =	shalt  }
0x55: {  	_ =	shalt  }
0x56: {  	_ =	shalt  }
0x57: {  	_ =	shalt  }
0x58: {  	_ =	shalt  }
0x59: {  	_ =	shalt  }
0x5a: {  	_ =	shalt  }
0x5b: {  	_ =	shalt  }
0x5c: {  	_ =	shalt  }
0x5d: {  	_ =	shalt  }
0x5e: {  	_ =	shalt  }
0x5f: {  	_ =	shalt  }
0x60: {  	_ =	shalt  }
0x61: {  	_ =	shalt  }
0x62: {  	_ =	shalt  }
0x63: {  	_ =	shalt  }
0x64: {  	_ =	shalt  }
0x65: {  	_ =	shalt  }
0x66: {  	_ =	shalt  }
0x67: {  	_ =	shalt  }
0x68: {  	_ =	shalt  }
0x69: {  	_ =	shalt  }
0x6a: {  	_ =	shalt  }
0x6b: {  	_ =	shalt  }
0x6c: {  	_ =	shalt  }
0x6d: {  	_ =	shalt  }
0x6e: {  	_ =	shalt  }
0x6f: {  	_ =	shalt  }
0x70: {  	_ =	shalt  }
0x71: {  	_ =	shalt  }
0x72: {  	_ =	shalt  }
0x73: {  	_ =	shalt  }
0x74: {  	_ =	shalt  }
0x75: {  	_ =	shalt  }
0x76: {  	_ =	shalt  }
0x77: {  	_ =	shalt  }
0x78: {  	_ =	shalt  }
0x79: {  	_ =	shalt  }
0x7a: {  	_ =	shalt  }
0x7b: {  	_ =	shalt  }
0x7c: {  	_ =	shalt  }
0x7d: {  	_ =	shalt  }
0x7e: {  	_ =	shalt  }
0x7f: {  	_ =	shalt  }
0x80: {  	_ =	shalt  }
0x81: {  	_ =	shalt  }
0x82: {  	_ =	shalt  }
0x83: {  	_ =	shalt  }
0x84: {  	_ =	shalt  }
0x85: {  	_ =	shalt  }
0x86: {  	_ =	shalt  }
0x87: {  	_ =	shalt  }
.Lfunc_end0:
.L_simem_size_0:
called_computation_lowered:
.L_overlay_start_0:
0x88: {  	s2 =	sld [smem:$0x3FD9]  }
0x89: {  	s3 =	sld [smem:$0x3FFE];
	_ =	sdelay $0x1  }
0x8a: {  	s1 =	srdreg.scid  }
0x8b: {  	s0 =	sand.u32 $0x1, s1  }
0x8c: {  	s18 =	sshll.u32 s0, $0xA;
	s2 =	sadd.s32 s3, s2  }
0x8d: {  	s2 =	sadd.s32 s2, s18  }
0x8e: {  	[smem:$0x3FC6] =	sst s2  }
0x8f: {  	_ = 	snop  }
0x90: {  	s2 =	sld [smem:$0x3FC9]  }
0x91: {  	s19 =	sld [smem:$0x3FC8]  }
0x92: {  	s4 =	sld [smem:$0x3FD0];
	(tm) =	ssettm $0x1  }
0x93: {  	s5 =	sld [smem:$0x3FFB];
	_ =	sdelay $0x3  }
0x94: {  	_ =	strace s5  }
0x95: {  	s5 =	sld [smem:$0x3FFC];
	_ =	sdelay $0x3  }
0x96: {  	_ =	strace s5  }
0x97: {  	s5 =	sld [smem:$0x3FFD];
	_ =	sdelay $0x3  }
0x98: {  	_ =	strace s5  }
0x99: {  	_ =	strace $0x8FFFFFFF  }
0x9a: {  	s20 =	sld [smem:$0x3FDB];
	_ =	sdelay $0x1  }
0x9b: {  	s6 =	simm.s32 $_scs_section_size  }
0x9c: {  	s7 =	simm.s32 $_size__tile_overlayer_lowered;
	s8 =	simm.s32 $_tile_overlayer_lowered  }
0x9d: {  	s23 =	simm.s32 $0x1BFF;
	s22 =	sshll.u32 s8, $0x1;
	s5 =	sadd.s32 s6, s20  }
0x9e: {  	s9 =	simm.s32 $0x0;
	s21 =	sshll.u32 s7, $0x1;
	s7 =	sadd.s32 s22, s5  }
0x9f: {  	[timem:s9], [sflag:s23] =	dma.local [hbm:s7], s21  }
0xa0: {  	_ =	swait.ge [sflag:s23], s21  }
0xa1: {  	s6 =	ssub.s32 $0x0, s21;
	[sflag:s23] =	ssyncset.done $0x0  }
0xa2: {  	[sflag:s23] =	ssyncadd.s32 s6;
	_ =	sdelay $0x1  }
0xa3: {  	s24 =	simm.s32 $0x1B8B  }
0xa4: {  	_ =	swait.ge [sflag:s24], $0x1  }
0xa5: {  	[sflag:s24] =	ssyncset.done $0x0  }
0xa6: {  	s25 =	simm.s32 $0x1B8E;
	[sflag:s24] =	ssyncadd.s32 $0xFFFFFFFF  }
0xa7: {  	s26 =	simm.s32 $execute0_lowered;
	[smem:$0x3FD2] =	sst s25  }
0xa8: {  	s6 =	sshll.u32 s26, $0x1;
	_ =	strace $0x80000046;
	[dreg:$0x1] =	wrdreg $0xFFFFFFFF  }
0xa9: {  	s28 =	simm.s32 $_size_execute0_lowered;
	s5 =	sadd.s32 s5, s6;
	[dreg:$0x0] =	wrdreg $0x0  }
0xaa: {  	s6 =	sshll.u32 s28, $0x1;
	[dreg:$0x2] =	wrdreg s5  }
0xab: {  	[dreg:$0x3] =	wrdreg s6  }
0xac: {  	[dreg:$0x4] =	wrdreg $0xC0  }
0xad: {  	_ =	task [dreg:s9], $0x5FFFF  }
0xae: {  	[dreg:$0x1] =	wrdreg $0xFFFFFFFF  }
0xaf: {  	[dreg:$0x0] =	wrdreg $0x60  }
0xb0: {  	[dreg:$0x2] =	wrdreg s19  }
0xb1: {  	[dreg:$0x3] =	wrdreg s2  }
0xb2: {  	[dreg:$0x4] =	wrdreg s4  }
0xb3: {  	[dreg:$0x5] =	wrdreg $0x9  }
0xb4: {  	_ =	task.clear_ibuf [dreg:s9], $0x6FFFF;
	_ =	strace $0x90000046  }
0xb5: {  	s29 =	simm.s32 $0x9;
	_ =	strace $0x80000048  }
0xb6: {  	_ =	swait.ge [sflag:s29], $0x1  }
0xb7: {  	[sflag:s29] =	ssyncadd.s32 $0xFFFFFFFF  }
0xb8: {  	_ =	strace $0x90000048  }
0xb9: {  	_ =	sfence  }
0xba: {  	s30 =	sld [smem:$0x0];
	_ =	sdelay $0x2  }
0xbb: {  	s31 =	sshll.u32 s1, $0xD;
	s1 =	sshrl.u32 s1, $0x2  }
0xbc: {  	s3 =	sand.u32 $0x4000, s31;
	s1 =	sadd.s32 s1, s30  }
0xbd: {  	s0 =	sor.u32 s3, s0;
	s1 =	sshll.u32 s1, $0x11  }
0xbe: {  	s0 =	sor.u32 s1, s0  }
0xbf: {  	s0 =	sadd.s32 $0x8F2B, s0  }
0xc0: {  	[sflag:s0] =	ssyncadd.remote.s32 $0x1  }
0xc1: {  	_ =	sfence.sel $0xFFFF  }
0xc2: {  	[dreg:$0x0] =	wrdreg $0xFFFFFFFF;
	(pc) =	sbr.abs _section_cstart, $3  }
0xc3: {  	[dreg:$0x1] =	wrdreg $0xFFFFFFFF  }
0xc4: {  	_ =	task.clear_ibuf [dreg:s9], $0x2FFFF;
	_ =	strace $0x9FFFFFFF  }
0xc5: {  	(tm) =	ssettm $0x7FFFFFFF  }
tec
execute0_lowered:
.L_overlay_start_1:
0x0: {  	(tag) =	ssettag $0x1  }
0x1: {  	s0 =	rddreg [dreg:$0x0]  }
0x2: {  	s1 =	rddreg [dreg:$0x1]  }
0x3: {  	s2 =	srdreg.scid;
	s4 =	stileid.u32;
	v4 =	vimm.s32 $0x76543210;
	v5 =	vimm.s32 $0xFEDCBA98;
	v6 =	vimm.s32 $0xBA98FEDC  }
0x4: {  	s3 =	rddreg [dreg:$0x2];
	s6 =	simm.s32 $0x0;
	v7 =	vimm.s32 $0x32107654;
	v8 =	vimm.s32 $0xDCFE98BA;
	s8 =	simm.s32 $0x400  }
0x5: {  	v9 =	vimm.s32 $0x54761032;
	s9 =	simm.s32 $0x7A1400;
	s7 =	simm.s32 $0x4280;
	s10 =	simm.s32 $0x6280  }
0x6: {  	v10 =	vimm.s32 $0xEFCDAB89;
	s11 =	simm.s32 $0x8280;
	s12 =	simm.s32 $0xA280;
	s13 =	simm.s32 $0xC280  }
0x7: {  	v0 =	vlaneseq.u32;
	v1 =	vimm.s32 $0x0;
	v11 =	vimm.s32 $0x67452301;
	s14 =	simm.s32 $0xE280;
	s15 =	simm.s32 $0x10280;
	s16 =	simm.s32 $0x12280  }
0x8: {  	s17 =	simm.s32 $0x14280;
	s18 =	simm.s32 $0x16280;
	s19 =	simm.s32 $0x18280;
	v0 =	vmul.u32 $0x80, v0;
	v4 =	vunpack.c.l.s4.s8 v4;
	v5 =	vunpack.c.l.s4.s8 v5  }
0x9: {  	s20 =	simm.s32 $0x1A280;
	s28 =	simm.s32 $0x3;
	s29 =	simm.s32 $0x4;
	v6 =	vunpack.c.l.s4.s8 v6;
	v7 =	vunpack.c.l.s4.s8 v7;
	v8 =	vunpack.c.l.s4.s8 v8  }
0xa: {  	s30 =	simm.s32 $0x5;
	s31 =	simm.s32 $0x6;
	s21 =	simm.s32 $0x10280;
	v9 =	vunpack.c.l.s4.s8 v9;
	v10 =	vunpack.c.l.s4.s8 v10;
	v11 =	vunpack.c.l.s4.s8 v11  }
0xb: {  	s22 =	simm.s32 $0x12280;
	s23 =	simm.s32 $0x14280;
	s2 =	sand.u32 $0x1, s2;
	v2 =	vor.u32 $0x800, v0;
	v3 =	vor.u32 $0x1000, v0;
	v6 =	vunpack.c.0.s8.s32 v6  }
0xc: {  	s4 =	sshll.u32 s4, $0xA;
	[smem:$0x7FF] =	sst s6;
	s5 =	sshll.u32 s2, $0x9;
	v7 =	vunpack.c.0.s8.s32 v7;
	v8 =	vunpack.c.0.s8.s32 v8;
	v9 =	vunpack.c.0.s8.s32 v9  }
0xd: {  	s6 =	simm.s32 $0x2280;
	s2 =	ssub.s32 $0x2, s2;
	s4 =	sor.u32 s5, s4;
	v5 =	vunpack.c.0.s8.s32 v5;
	v10 =	vunpack.c.0.s8.s32 v10;
	v11 =	vunpack.c.0.s8.s32 v11  }
0xe: {  	_ =	strace $0x80000047;
	s24 =	sshrl.u32 s2, $0x1;
	v12 =	vunpack.c.0.s8.s32 v4;
	v4 =	vor.u32 $0x1800, v0;
	v13 =	vor.u32 $0x1801, v0;
	s25 =	sshrl.u32 s4, $0x3  }
0xf: {  	s2 =	ssub.s32 s2, s24;
	s5 =	sadd.s32 s3, s4;
	s4 =	simm.s32 $0x280;
	v6 =	vcombine.low v7, v6;
	v7 =	vcombine.low v9, v8;
	v5 =	vand.u32 $0xF, v5  }
0x10: {  	s24 =	simm.s32 $0x1;
	s3 =	simm.s32 $0x0;
	s1 =	sadd.s32 s1, s25;
	v8 =	vcombine.low v11, v10;
	v9 =	vimm.s32 $0x1;
	v10 =	vor.u32 $0x1, v0  }
0x11: {  	s26 =	smax.u32 s2, $0x1;
	s25 =	simm.s32 $0x1C280;
	v11 =	vor.u32 $0x801, v0;
	[dreg:$0x4] =	wrdreg s1;
	v5 =	vcombine.low v5, v12;
	v12 =	vor.u32 $0x1001, v0  }
0x12: {  	s2 =	simm.s32 $0x7;
	[dreg:$0x5] =	wrdreg s26;
	s26 =	simm.s32 $0x2;
	v6 =	vand.u32 $0xF, v6;
	v7 =	vand.u32 $0xF, v7;
	v8 =	vand.u32 $0xF, v8  }
.LBB2_1:
0x13: {  	[dreg:$0x6] =	wrdreg s3  }
0x14: {  	s1 =	simm.s32 $0x0;
	s3 =	rddreg [dreg:$0x4]  }
0x15: {  	[tilespmem:s1], [sflag:$0x8] =	stream.linear.gather [hbm4b:s3+s1], $0x200, $0x38;
	[tilespmem:$0x1E280] =	vst v63  }
0x16: {  	s3 =	simm.s32 $0x8  }
0x17: {  	_ =	swait.ge [sflag:s3], $0x200  }
0x18: {  	[sflag:s3] =	ssyncset.done $0x0  }
0x19: {  	[sflag:s3] =	ssyncadd.s32 $0xFFFFFE00  }
0x1a: {  	v14 =	vld [tilespmem:$0x0];
	_ =	sdelay $0x4  }
0x1b: {  	(v2sf) =	vpush v14, $0x0;
	_ =	sdelay $0x3  }
0x1c: {  	(v2sf) =	vpush v14, $0x1;
	_ =	sdelay $0xa  }
0x1d: {  	s1 =	spop (v2sf)  }
0x1e: {  	s3 =	sand.u32 $0xFFFFF80, s1  }
0x1f: {  	s3 =	sadd.s32 s0, s3  }
0x20: {  	[tilespmem:s4], [sflag:$0x1] =	stream.strided.gather [hbm4b:s3+s8], $0x2000, s9, s8, $0x38;
	[tilespmem:$0x1E280] =	vst v63  }
0x21: {  	s4 =	spop (v2sf)  }
0x22: {  	s3 =	sand.u32 $0xFFFFF80, s4  }
0x23: {  	s3 =	sadd.s32 s0, s3  }
0x24: {  	[tilespmem:s6], [sflag:$0x1] =	stream.strided.gather [hbm4b:s3+s8], $0x2000, s9, s8, $0x38;
	[tilespmem:$0x1E280] =	vst v63  }
0x25: {  	v14 =	vld [tilespmem:$0x2];
	_ =	sdelay $0x4  }
0x26: {  	(v2sf) =	vpush v14, $0x0;
	_ =	sdelay $0x3  }
0x27: {  	(v2sf) =	vpush v14, $0x1;
	_ =	sdelay $0xa  }
0x28: {  	s6 =	spop (v2sf)  }
0x29: {  	s3 =	sand.u32 $0xFFFFF80, s6  }
0x2a: {  	s3 =	sadd.s32 s0, s3  }
0x2b: {  	[tilespmem:s7], [sflag:$0x2] =	stream.strided.gather [hbm4b:s3+s8], $0x2000, s9, s8, $0x38;
	[tilespmem:$0x1E280] =	vst v63  }
0x2c: {  	s7 =	spop (v2sf)  }
0x2d: {  	s3 =	sand.u32 $0xFFFFF80, s7  }
0x2e: {  	s3 =	sadd.s32 s0, s3  }
0x2f: {  	[tilespmem:s10], [sflag:$0x2] =	stream.strided.gather [hbm4b:s3+s8], $0x2000, s9, s8, $0x38;
	[tilespmem:$0x1E280] =	vst v63  }
0x30: {  	v14 =	vld [tilespmem:$0x4];
	_ =	sdelay $0x4  }
0x31: {  	(v2sf) =	vpush v14, $0x0;
	_ =	sdelay $0x3  }
0x32: {  	(v2sf) =	vpush v14, $0x1;
	_ =	sdelay $0xa  }
0x33: {  	s10 =	spop (v2sf)  }
0x34: {  	s3 =	sand.u32 $0xFFFFF80, s10  }
0x35: {  	s3 =	sadd.s32 s0, s3  }
0x36: {  	[tilespmem:s11], [sflag:$0x3] =	stream.strided.gather [hbm4b:s3+s8], $0x2000, s9, s8, $0x38;
	[tilespmem:$0x1E280] =	vst v63  }
0x37: {  	s11 =	spop (v2sf)  }
0x38: {  	s3 =	sand.u32 $0xFFFFF80, s11  }
0x39: {  	s3 =	sadd.s32 s0, s3  }
0x3a: {  	[tilespmem:s12], [sflag:$0x3] =	stream.strided.gather [hbm4b:s3+s8], $0x2000, s9, s8, $0x38;
	[tilespmem:$0x1E280] =	vst v63  }
0x3b: {  	v14 =	vld [tilespmem:$0x6];
	_ =	sdelay $0x4  }
0x3c: {  	(v2sf) =	vpush v14, $0x0;
	_ =	sdelay $0x3  }
0x3d: {  	(v2sf) =	vpush v14, $0x1;
	_ =	sdelay $0xa  }
0x3e: {  	s12 =	spop (v2sf)  }
0x3f: {  	s3 =	sand.u32 $0xFFFFF80, s12  }
0x40: {  	s3 =	sadd.s32 s0, s3  }
0x41: {  	[tilespmem:s13], [sflag:$0x4] =	stream.strided.gather [hbm4b:s3+s8], $0x2000, s9, s8, $0x38;
	[tilespmem:$0x1E280] =	vst v63  }
0x42: {  	s13 =	spop (v2sf)  }
0x43: {  	s3 =	sand.u32 $0xFFFFF80, s13  }
0x44: {  	s3 =	sadd.s32 s0, s3  }
0x45: {  	[tilespmem:s14], [sflag:$0x4] =	stream.strided.gather [hbm4b:s3+s8], $0x2000, s9, s8, $0x38;
	[tilespmem:$0x1E280] =	vst v63  }
0x46: {  	v14 =	vld [tilespmem:$0x8];
	_ =	sdelay $0x4  }
0x47: {  	(v2sf) =	vpush v14, $0x0;
	_ =	sdelay $0x3  }
0x48: {  	(v2sf) =	vpush v14, $0x1;
	_ =	sdelay $0xa  }
0x49: {  	s14 =	spop (v2sf)  }
0x4a: {  	s3 =	sand.u32 $0xFFFFF80, s14  }
0x4b: {  	s3 =	sadd.s32 s0, s3  }
0x4c: {  	[tilespmem:s15], [sflag:$0x5] =	stream.strided.gather [hbm4b:s3+s8], $0x2000, s9, s8, $0x38;
	[tilespmem:$0x1E280] =	vst v63  }
0x4d: {  	s15 =	spop (v2sf)  }
0x4e: {  	s3 =	sand.u32 $0xFFFFF80, s15  }
0x4f: {  	s3 =	sadd.s32 s0, s3  }
0x50: {  	[tilespmem:s16], [sflag:$0x5] =	stream.strided.gather [hbm4b:s3+s8], $0x2000, s9, s8, $0x38;
	[tilespmem:$0x1E280] =	vst v63  }
0x51: {  	v14 =	vld [tilespmem:$0xA];
	_ =	sdelay $0x4  }
0x52: {  	(v2sf) =	vpush v14, $0x0;
	_ =	sdelay $0x3  }
0x53: {  	(v2sf) =	vpush v14, $0x1;
	_ =	sdelay $0xa  }
0x54: {  	s16 =	spop (v2sf)  }
0x55: {  	s3 =	sand.u32 $0xFFFFF80, s16  }
0x56: {  	s3 =	sadd.s32 s0, s3  }
0x57: {  	[tilespmem:s17], [sflag:$0x6] =	stream.strided.gather [hbm4b:s3+s8], $0x2000, s9, s8, $0x38;
	[tilespmem:$0x1E280] =	vst v63  }
0x58: {  	s17 =	spop (v2sf)  }
0x59: {  	s3 =	sand.u32 $0xFFFFF80, s17  }
0x5a: {  	s3 =	sadd.s32 s0, s3  }
0x5b: {  	[tilespmem:s18], [sflag:$0x6] =	stream.strided.gather [hbm4b:s3+s8], $0x2000, s9, s8, $0x38;
	[tilespmem:$0x1E280] =	vst v63  }
0x5c: {  	v14 =	vld [tilespmem:$0xC];
	_ =	sdelay $0x4  }
0x5d: {  	(v2sf) =	vpush v14, $0x0;
	_ =	sdelay $0x3  }
0x5e: {  	(v2sf) =	vpush v14, $0x1;
	_ =	sdelay $0xa  }
0x5f: {  	s18 =	spop (v2sf)  }
0x60: {  	s3 =	sand.u32 $0xFFFFF80, s18  }
0x61: {  	s4 =	simm.s32 $0xC;
	s3 =	sadd.s32 s0, s3  }
0x62: {  	[tilespmem:s19], [sflag:$0x7] =	stream.strided.gather [hbm4b:s3+s8], $0x2000, s9, s8, $0x38;
	[tilespmem:$0x1E280] =	vst v63  }
0x63: {  	s6 =	simm.s32 $0x0;
	s13 =	simm.s32 $0x18280;
	s19 =	spop (v2sf)  }
0x64: {  	s14 =	simm.s32 $0x2280;
	s15 =	simm.s32 $0x4280;
	s3 =	sand.u32 $0xFFFFF80, s19  }
0x65: {  	s16 =	simm.s32 $0x6280;
	s17 =	simm.s32 $0x8280;
	s3 =	sadd.s32 s0, s3  }
0x66: {  	[tilespmem:s20], [sflag:$0x7] =	stream.strided.gather [hbm4b:s3+s8], $0x2000, s9, s8, $0x38;
	[tilespmem:$0x1E280] =	vst v63  }
0x67: {  	s18 =	simm.s32 $0x1A280;
	s3 =	simm.s32 $0x68;
	s20 =	simm.s32 $0xE280  }
.LBB2_2:
0x68: {  	_ =	swait.ge [sflag:s24], $0x2000  }
0x69: {  	[sflag:s24] =	ssyncset.done $0x0  }
0x6a: {  	[sflag:s24] =	ssyncadd.s32 $0xFFFFE000  }
0x6b: {  	_ =	swait.ge [sflag:s24], $0x2000  }
0x6c: {  	[sflag:s24] =	ssyncset.done $0x0  }
0x6d: {  	s7 =	sshra.s32 s3, $0x2;
	[sflag:s24] =	ssyncadd.s32 $0xFFFFE000  }
0x6e: {  	v14 =	vld [tilespmem:s7+$0xFFFFFFE6];
	_ =	sdelay $0x4  }
0x6f: {  	v14 =	vand.u32 $0x7F, v14  }
0x70: {  	v15 =	vperm.xlane v14, v1;
	_ =	sdelay $0x1  }
0x71: {  	v16 =	vadd.s32 v0, v15  }
0x72: {  	v17 =	vadd.s32 v2, v15;
	_ =	sdelay $0x1  }
0x73: {  	v18 =	vadd.s32 v3, v15  }
0x74: {  	s19 =	simm.s32 $0x280  }
0x75: {  	v15 =	vadd.s32 v4, v15;
	v16 =	vld.idx.msk [tilespmem:v16+s19+$0x0], $0xffff  }
0x76: {  	v17 =	vld.idx.msk [tilespmem:v17+s19+$0x0], $0xffff;
	_ =	sdelay $0x1  }
0x77: {  	v18 =	vld.idx.msk [tilespmem:v18+s19+$0x0], $0xffff;
	_ =	sdelay $0x1  }
0x78: {  	v15 =	vld.idx.msk [tilespmem:v15+s19+$0x0], $0xffff  }
0x79: {  	v19 =	vmul.f32 v16, v16;
	v20 =	vmul.f32 v17, v17;
	_ =	sdelay $0x1  }
0x7a: {  	v46 =	vmul.f32 v18, v18;
	v19 =	vadd.f32 v20, v19;
	_ =	sdelay $0x1  }
0x7b: {  	v47 =	vmul.f32 v15, v15;
	v19 =	vadd.f32 v46, v19;
	_ =	sdelay $0x1  }
0x7c: {  	v19 =	vadd.f32 v47, v19;
	_ =	sdelay $0x1  }
0x7d: {  	v20 =	vperm.xlane v19, v5;
	_ =	sdelay $0x1  }
0x7e: {  	v19 =	vadd.f32 v19, v20;
	_ =	sdelay $0x1  }
0x7f: {  	v20 =	vperm.xlane v19, v6;
	_ =	sdelay $0x1  }
0x80: {  	v19 =	vadd.f32 v19, v20;
	_ =	sdelay $0x1  }
0x81: {  	v20 =	vperm.xlane v19, v7;
	_ =	sdelay $0x1  }
0x82: {  	v19 =	vadd.f32 v19, v20;
	_ =	sdelay $0x1  }
0x83: {  	v20 =	vperm.xlane v19, v8;
	_ =	sdelay $0x1  }
0x84: {  	v19 =	vadd.f32 v19, v20;
	_ =	sdelay $0x1  }
0x85: {  	v19 =	vmax.f32 v19, $1.000000020e-16  }
0x86: {  	v48 =	vshra.s32 v19, $0x1;
	v19 =	vmul.f32 $5.000000000e-01, v19  }
0x87: {  	v20 =	vsub.s32 $0x5F3759DF, v48  }
0x88: {  	v21 =	vmul.f32 v20, v19;
	_ =	sdelay $0x1  }
0x89: {  	v21 =	vmul.f32 v20, v21;
	_ =	sdelay $0x1  }
0x8a: {  	v21 =	vsub.f32 $1.500000000e+00, v21;
	_ =	sdelay $0x1  }
0x8b: {  	v20 =	vmul.f32 v20, v21;
	_ =	sdelay $0x1  }
0x8c: {  	v21 =	vmul.f32 v20, v19;
	_ =	sdelay $0x1  }
0x8d: {  	v21 =	vmul.f32 v21, v20;
	_ =	sdelay $0x1  }
0x8e: {  	v21 =	vsub.f32 $1.500000000e+00, v21;
	_ =	sdelay $0x1  }
0x8f: {  	v20 =	vmul.f32 v21, v20;
	_ =	sdelay $0x1  }
0x90: {  	v19 =	vmul.f32 v20, v19;
	_ =	sdelay $0x1  }
0x91: {  	v19 =	vmul.f32 v19, v20  }
0x92: {  	s1 =	sand.u32 $0x3F, s6  }
0x93: {  	s10 =	sshll.u32 s1, $0x1;
	v19 =	vsub.f32 $1.500000000e+00, v19  }
0x94: {  	v49 =	vor.u32 s10, v0  }
0x95: {  	v50 =	vor.u32 s10, v2;
	v19 =	vmul.f32 v19, v20  }
0x96: {  	v22 =	vor.u32 s10, v3;
	v14 =	vperm.xlane v14, v9  }
0x97: {  	v23 =	vor.u32 s10, v4;
	v16 =	vmul.f32 v19, v16  }
0x98: {  	v24 =	vadd.s32 v0, v14;
	v17 =	vmul.f32 v19, v17  }
0x99: {  	v52 =	vadd.s32 v2, v14;
	v51 =	vmul.f32 v19, v18;
	[tilespmem:v49+s25+$0x0] =	vst.idx.msk $0xffff, v16  }
0x9a: {  	v15 =	vmul.f32 v19, v15;
	[tilespmem:v50+s25+$0x0] =	vst.idx.msk $0xffff, v17  }
0x9b: {  	v53 =	vadd.s32 v3, v14;
	[tilespmem:v22+s25+$0x0] =	vst.idx.msk $0xffff, v51  }
0x9c: {  	[tilespmem:v23+s25+$0x0] =	vst.idx.msk $0xffff, v15  }
0x9d: {  	v14 =	vadd.s32 v4, v14;
	v15 =	vld.idx.msk [tilespmem:v24+s14+$0x0], $0xffff  }
0x9e: {  	v17 =	vld.idx.msk [tilespmem:v52+s14+$0x0], $0xffff;
	_ =	sdelay $0x1  }
0x9f: {  	v16 =	vld.idx.msk [tilespmem:v53+s14+$0x0], $0xffff;
	_ =	sdelay $0x1  }
0xa0: {  	v14 =	vld.idx.msk [tilespmem:v14+s14+$0x0], $0xffff  }
0xa1: {  	v54 =	vmul.f32 v15, v15;
	v55 =	vmul.f32 v17, v17;
	_ =	sdelay $0x1  }
0xa2: {  	v56 =	vmul.f32 v16, v16;
	v18 =	vadd.f32 v55, v54;
	_ =	sdelay $0x1  }
0xa3: {  	v57 =	vmul.f32 v14, v14;
	v18 =	vadd.f32 v56, v18;
	_ =	sdelay $0x1  }
0xa4: {  	v18 =	vadd.f32 v57, v18;
	_ =	sdelay $0x1  }
0xa5: {  	v19 =	vperm.xlane v18, v5;
	_ =	sdelay $0x1  }
0xa6: {  	v18 =	vadd.f32 v18, v19;
	_ =	sdelay $0x1  }
0xa7: {  	v19 =	vperm.xlane v18, v6;
	_ =	sdelay $0x1  }
0xa8: {  	v18 =	vadd.f32 v18, v19;
	_ =	sdelay $0x1  }
0xa9: {  	v19 =	vperm.xlane v18, v7;
	_ =	sdelay $0x1  }
0xaa: {  	v18 =	vadd.f32 v18, v19;
	_ =	sdelay $0x1  }
0xab: {  	v19 =	vperm.xlane v18, v8;
	_ =	sdelay $0x1  }
0xac: {  	v18 =	vadd.f32 v18, v19;
	_ =	sdelay $0x1  }
0xad: {  	v18 =	vmax.f32 v18, $1.000000020e-16  }
0xae: {  	v58 =	vshra.s32 v18, $0x1;
	v18 =	vmul.f32 $5.000000000e-01, v18  }
0xaf: {  	v19 =	vsub.s32 $0x5F3759DF, v58  }
0xb0: {  	v59 =	vmul.f32 v19, v18;
	_ =	sdelay $0x1  }
0xb1: {  	v20 =	vmul.f32 v19, v59;
	_ =	sdelay $0x1  }
0xb2: {  	v20 =	vsub.f32 $1.500000000e+00, v20;
	_ =	sdelay $0x1  }
0xb3: {  	v19 =	vmul.f32 v19, v20;
	_ =	sdelay $0x1  }
0xb4: {  	v20 =	vmul.f32 v19, v18;
	_ =	sdelay $0x1  }
0xb5: {  	v20 =	vmul.f32 v20, v19;
	_ =	sdelay $0x1  }
0xb6: {  	v20 =	vsub.f32 $1.500000000e+00, v20;
	_ =	sdelay $0x1  }
0xb7: {  	v19 =	vmul.f32 v20, v19;
	_ =	sdelay $0x1  }
0xb8: {  	v18 =	vmul.f32 v19, v18;
	_ =	sdelay $0x1  }
0xb9: {  	v18 =	vmul.f32 v18, v19;
	_ =	sdelay $0x1  }
0xba: {  	v18 =	vsub.f32 $1.500000000e+00, v18  }
0xbb: {  	v60 =	vor.u32 s10, v10  }
0xbc: {  	v61 =	vor.u32 s10, v11;
	v18 =	vmul.f32 v18, v19  }
0xbd: {  	v62 =	vor.u32 s10, v12  }
0xbe: {  	v63 =	vor.u32 s10, v13;
	v15 =	vmul.f32 v18, v15  }
0xbf: {  	v17 =	vmul.f32 v18, v17  }
0xc0: {  	p0 =	sne.s32 s1, $0x3F;
	[tilespmem:v60+s25+$0x0] =	vst.idx.msk $0xffff, v15;
	v15 =	vmul.f32 v18, v16  }
0xc1: {  	s1 =	sadd.s32 @!p0 $0xFFFFFFF4, s4;
	v14 =	vmul.f32 v18, v14;
	[tilespmem:v61+s25+$0x0] =	vst.idx.msk $0xffff, v17  }
0xc2: {  	s10 =	simm.s32 @!p0 $0x400;
	s1 =	sand.u32 @!p0 $0x180, s1;
	[tilespmem:v62+s25+$0x0] =	vst.idx.msk $0xffff, v15  }
0xc3: {  	s11 =	simm.s32 @!p0 $0x20000;
	s12 =	simm.s32 @!p0 $0x1C280;
	s1 =	sadd.s32 @!p0 s1, s5;
	[tilespmem:v63+s25+$0x0] =	vst.idx.msk $0xffff, v14  }
0xc4: {  	[hbm4b:s1+s10] =	stream.strided.scatter @!p0 [tilespmem:s12], [sflag:$0x8], $0x2000, s11, s10, $0x38;
	[tilespmem:$0x1E280] =	vst v63  }
0xc5: {  	s1 =	simm.s32 @!p0 $0x8  }
0xc6: {  	s12 =	sadd.s32 $0xFFFFFFD0, s3;
	_ =	swait.ge @!p0 [sflag:s1], $0x2000  }
0xc7: {  	s10 =	sand.u32 $0x7F8, s12;
	[sflag:s1] =	ssyncset.done @!p0 $0x0  }
0xc8: {  	s11 =	sshrl.u32 s10, $0x2;
	[sflag:s1] =	ssyncadd.s32 @!p0 $0xFFFFE000  }
0xc9: {  	v14 =	vld [tilespmem:s11+$0x0];
	_ =	sdelay $0x4  }
0xca: {  	(v2sf) =	vpush v14, $0x0;
	_ =	sdelay $0x1  }
0xcb: {  	(v2sf) =	vpush v14, $0x1;
	_ =	sdelay $0xc  }
0xcc: {  	s12 =	spop (v2sf)  }
0xcd: {  	s1 =	sand.u32 $0xFFFFF80, s12  }
0xce: {  	s10 =	spop (v2sf);
	s1 =	sadd.s32 s0, s1  }
0xcf: {  	[tilespmem:s19], [sflag:$0x1] =	stream.strided.gather [hbm4b:s1+s8], $0x2000, s9, s8, $0x38;
	[tilespmem:$0x1E280] =	vst v63  }
0xd0: {  	s1 =	sand.u32 $0xFFFFF80, s10  }
0xd1: {  	s1 =	sadd.s32 s0, s1  }
0xd2: {  	[tilespmem:s14], [sflag:$0x1] =	stream.strided.gather [hbm4b:s1+s8], $0x2000, s9, s8, $0x38;
	[tilespmem:$0x1E280] =	vst v63  }
0xd3: {  	_ =	swait.ge [sflag:s26], $0x2000  }
0xd4: {  	[sflag:s26] =	ssyncset.done $0x0  }
0xd5: {  	[sflag:s26] =	ssyncadd.s32 $0xFFFFE000  }
0xd6: {  	_ =	swait.ge [sflag:s26], $0x2000  }
0xd7: {  	[sflag:s26] =	ssyncset.done $0x0  }
0xd8: {  	[sflag:s26] =	ssyncadd.s32 $0xFFFFE000  }
0xd9: {  	v14 =	vld [tilespmem:s7+$0xFFFFFFE8];
	_ =	sdelay $0x4  }
0xda: {  	v14 =	vand.u32 $0x7F, v14  }
0xdb: {  	v15 =	vperm.xlane v14, v1;
	_ =	sdelay $0x1  }
0xdc: {  	v23 =	vadd.s32 v0, v15  }
0xdd: {  	v24 =	vadd.s32 v2, v15;
	_ =	sdelay $0x1  }
0xde: {  	v25 =	vadd.s32 v3, v15;
	_ =	sdelay $0x1  }
0xdf: {  	v15 =	vadd.s32 v4, v15;
	v16 =	vld.idx.msk [tilespmem:v23+s15+$0x0], $0xffff  }
0xe0: {  	v17 =	vld.idx.msk [tilespmem:v24+s15+$0x0], $0xffff;
	_ =	sdelay $0x1  }
0xe1: {  	v18 =	vld.idx.msk [tilespmem:v25+s15+$0x0], $0xffff;
	_ =	sdelay $0x1  }
0xe2: {  	v15 =	vld.idx.msk [tilespmem:v15+s15+$0x0], $0xffff  }
0xe3: {  	v26 =	vmul.f32 v16, v16;
	v27 =	vmul.f32 v17, v17;
	_ =	sdelay $0x1  }
0xe4: {  	v28 =	vmul.f32 v18, v18;
	v19 =	vadd.f32 v27, v26;
	_ =	sdelay $0x1  }
0xe5: {  	v29 =	vmul.f32 v15, v15;
	v19 =	vadd.f32 v28, v19;
	_ =	sdelay $0x1  }
0xe6: {  	v19 =	vadd.f32 v29, v19;
	_ =	sdelay $0x1  }
0xe7: {  	v20 =	vperm.xlane v19, v5;
	_ =	sdelay $0x1  }
0xe8: {  	v19 =	vadd.f32 v19, v20;
	_ =	sdelay $0x1  }
0xe9: {  	v20 =	vperm.xlane v19, v6;
	_ =	sdelay $0x1  }
0xea: {  	v19 =	vadd.f32 v19, v20;
	_ =	sdelay $0x1  }
0xeb: {  	v20 =	vperm.xlane v19, v7;
	_ =	sdelay $0x1  }
0xec: {  	v19 =	vadd.f32 v19, v20;
	_ =	sdelay $0x1  }
0xed: {  	v20 =	vperm.xlane v19, v8;
	_ =	sdelay $0x1  }
0xee: {  	v19 =	vadd.f32 v19, v20;
	_ =	sdelay $0x1  }
0xef: {  	v19 =	vmax.f32 v19, $1.000000020e-16  }
0xf0: {  	v30 =	vshra.s32 v19, $0x1;
	v19 =	vmul.f32 $5.000000000e-01, v19  }
0xf1: {  	v20 =	vsub.s32 $0x5F3759DF, v30  }
0xf2: {  	v31 =	vmul.f32 v20, v19;
	_ =	sdelay $0x1  }
0xf3: {  	v21 =	vmul.f32 v20, v31;
	_ =	sdelay $0x1  }
0xf4: {  	v21 =	vsub.f32 $1.500000000e+00, v21;
	_ =	sdelay $0x1  }
0xf5: {  	v20 =	vmul.f32 v20, v21;
	_ =	sdelay $0x1  }
0xf6: {  	v21 =	vmul.f32 v20, v19;
	_ =	sdelay $0x1  }
0xf7: {  	v21 =	vmul.f32 v21, v20;
	_ =	sdelay $0x1  }
0xf8: {  	v21 =	vsub.f32 $1.500000000e+00, v21;
	_ =	sdelay $0x1  }
0xf9: {  	v20 =	vmul.f32 v21, v20;
	_ =	sdelay $0x1  }
0xfa: {  	v19 =	vmul.f32 v20, v19;
	_ =	sdelay $0x1  }
0xfb: {  	s11 =	sadd.s32 $0x1, s6;
	v19 =	vmul.f32 v19, v20  }
0xfc: {  	s1 =	sand.u32 $0x3F, s11  }
0xfd: {  	s12 =	sshll.u32 s1, $0x1;
	v19 =	vsub.f32 $1.500000000e+00, v19  }
0xfe: {  	v32 =	vor.u32 s12, v0  }
0xff: {  	v33 =	vor.u32 s12, v2;
	v19 =	vmul.f32 v19, v20  }
0x100: {  	v34 =	vor.u32 s12, v3;
	v14 =	vperm.xlane v14, v9  }
0x101: {  	v35 =	vor.u32 s12, v4;
	v16 =	vmul.f32 v19, v16  }
0x102: {  	v36 =	vadd.s32 v0, v14;
	v17 =	vmul.f32 v19, v17  }
0x103: {  	v38 =	vadd.s32 v2, v14;
	v37 =	vmul.f32 v19, v18;
	[tilespmem:v32+s25+$0x0] =	vst.idx.msk $0xffff, v16  }
0x104: {  	v15 =	vmul.f32 v19, v15;
	[tilespmem:v33+s25+$0x0] =	vst.idx.msk $0xffff, v17  }
0x105: {  	v39 =	vadd.s32 v3, v14;
	[tilespmem:v34+s25+$0x0] =	vst.idx.msk $0xffff, v37  }
0x106: {  	[tilespmem:v35+s25+$0x0] =	vst.idx.msk $0xffff, v15  }
0x107: {  	v14 =	vadd.s32 v4, v14;
	v15 =	vld.idx.msk [tilespmem:v36+s16+$0x0], $0xffff  }
0x108: {  	v17 =	vld.idx.msk [tilespmem:v38+s16+$0x0], $0xffff;
	_ =	sdelay $0x1  }
0x109: {  	v16 =	vld.idx.msk [tilespmem:v39+s16+$0x0], $0xffff;
	_ =	sdelay $0x1  }
0x10a: {  	v14 =	vld.idx.msk [tilespmem:v14+s16+$0x0], $0xffff  }
0x10b: {  	v40 =	vmul.f32 v15, v15;
	v41 =	vmul.f32 v17, v17;
	_ =	sdelay $0x1  }
0x10c: {  	v42 =	vmul.f32 v16, v16;
	v18 =	vadd.f32 v41, v40;
	_ =	sdelay $0x1  }
0x10d: {  	v43 =	vmul.f32 v14, v14;
	v18 =	vadd.f32 v42, v18;
	_ =	sdelay $0x1  }
0x10e: {  	v18 =	vadd.f32 v43, v18;
	_ =	sdelay $0x1  }
0x10f: {  	v19 =	vperm.xlane v18, v5;
	_ =	sdelay $0x1  }
0x110: {  	v18 =	vadd.f32 v18, v19;
	_ =	sdelay $0x1  }
0x111: {  	v19 =	vperm.xlane v18, v6;
	_ =	sdelay $0x1  }
0x112: {  	v18 =	vadd.f32 v18, v19;
	_ =	sdelay $0x1  }
0x113: {  	v19 =	vperm.xlane v18, v7;
	_ =	sdelay $0x1  }
0x114: {  	v18 =	vadd.f32 v18, v19;
	_ =	sdelay $0x1  }
0x115: {  	v19 =	vperm.xlane v18, v8;
	_ =	sdelay $0x1  }
0x116: {  	v18 =	vadd.f32 v18, v19;
	_ =	sdelay $0x1  }
0x117: {  	v18 =	vmax.f32 v18, $1.000000020e-16  }
0x118: {  	v44 =	vshra.s32 v18, $0x1;
	v18 =	vmul.f32 $5.000000000e-01, v18  }
0x119: {  	v19 =	vsub.s32 $0x5F3759DF, v44  }
0x11a: {  	v45 =	vmul.f32 v19, v18;
	_ =	sdelay $0x1  }
0x11b: {  	v20 =	vmul.f32 v19, v45;
	_ =	sdelay $0x1  }
0x11c: {  	v20 =	vsub.f32 $1.500000000e+00, v20;
	_ =	sdelay $0x1  }
0x11d: {  	v19 =	vmul.f32 v19, v20;
	_ =	sdelay $0x1  }
0x11e: {  	v20 =	vmul.f32 v19, v18;
	_ =	sdelay $0x1  }
0x11f: {  	v20 =	vmul.f32 v20, v19;
	_ =	sdelay $0x1  }
0x120: {  	v20 =	vsub.f32 $1.500000000e+00, v20;
	_ =	sdelay $0x1  }
0x121: {  	v19 =	vmul.f32 v20, v19;
	_ =	sdelay $0x1  }
0x122: {  	v18 =	vmul.f32 v19, v18;
	_ =	sdelay $0x1  }
0x123: {  	v18 =	vmul.f32 v18, v19;
	_ =	sdelay $0x1  }
0x124: {  	v18 =	vsub.f32 $1.500000000e+00, v18  }
0x125: {  	v46 =	vor.u32 s12, v10  }
0x126: {  	v47 =	vor.u32 s12, v11;
	v18 =	vmul.f32 v18, v19  }
0x127: {  	v48 =	vor.u32 s12, v12  }
0x128: {  	v49 =	vor.u32 s12, v13;
	v15 =	vmul.f32 v18, v15  }
0x129: {  	v17 =	vmul.f32 v18, v17  }
0x12a: {  	p0 =	sne.s32 s1, $0x3F;
	[tilespmem:v46+s25+$0x0] =	vst.idx.msk $0xffff, v15;
	v15 =	vmul.f32 v18, v16  }
0x12b: {  	s1 =	sadd.s32 @!p0 $0xFFFFFFF6, s4;
	v14 =	vmul.f32 v18, v14;
	[tilespmem:v47+s25+$0x0] =	vst.idx.msk $0xffff, v17  }
0x12c: {  	s10 =	simm.s32 @!p0 $0x400;
	s1 =	sand.u32 @!p0 $0x180, s1;
	[tilespmem:v48+s25+$0x0] =	vst.idx.msk $0xffff, v15  }
0x12d: {  	s11 =	simm.s32 @!p0 $0x20000;
	s12 =	simm.s32 @!p0 $0x1C280;
	s1 =	sadd.s32 @!p0 s1, s5;
	[tilespmem:v49+s25+$0x0] =	vst.idx.msk $0xffff, v14  }
0x12e: {  	[hbm4b:s1+s10] =	stream.strided.scatter @!p0 [tilespmem:s12], [sflag:$0x8], $0x2000, s11, s10, $0x38;
	[tilespmem:$0x1E280] =	vst v63  }
0x12f: {  	s1 =	simm.s32 @!p0 $0x8  }
0x130: {  	s19 =	sadd.s32 $0xFFFFFFD8, s3;
	_ =	swait.ge @!p0 [sflag:s1], $0x2000  }
0x131: {  	s10 =	sand.u32 $0x7F8, s19;
	[sflag:s1] =	ssyncset.done @!p0 $0x0  }
0x132: {  	s11 =	sshrl.u32 s10, $0x2;
	[sflag:s1] =	ssyncadd.s32 @!p0 $0xFFFFE000  }
0x133: {  	v14 =	vld [tilespmem:s11+$0x0];
	_ =	sdelay $0x4  }
0x134: {  	(v2sf) =	vpush v14, $0x0;
	_ =	sdelay $0x1  }
0x135: {  	(v2sf) =	vpush v14, $0x1;
	_ =	sdelay $0xc  }
0x136: {  	s12 =	spop (v2sf)  }
0x137: {  	s1 =	sand.u32 $0xFFFFF80, s12  }
0x138: {  	s19 =	spop (v2sf);
	s1 =	sadd.s32 s0, s1  }
0x139: {  	[tilespmem:s15], [sflag:$0x2] =	stream.strided.gather [hbm4b:s1+s8], $0x2000, s9, s8, $0x38;
	[tilespmem:$0x1E280] =	vst v63  }
0x13a: {  	s1 =	sand.u32 $0xFFFFF80, s19  }
0x13b: {  	s1 =	sadd.s32 s0, s1  }
0x13c: {  	[tilespmem:s16], [sflag:$0x2] =	stream.strided.gather [hbm4b:s1+s8], $0x2000, s9, s8, $0x38;
	[tilespmem:$0x1E280] =	vst v63  }
0x13d: {  	_ =	swait.ge [sflag:s28], $0x2000  }
0x13e: {  	[sflag:s28] =	ssyncset.done $0x0  }
0x13f: {  	[sflag:s28] =	ssyncadd.s32 $0xFFFFE000  }
0x140: {  	_ =	swait.ge [sflag:s28], $0x2000  }
0x141: {  	[sflag:s28] =	ssyncset.done $0x0  }
0x142: {  	[sflag:s28] =	ssyncadd.s32 $0xFFFFE000  }
0x143: {  	v14 =	vld [tilespmem:s7+$0xFFFFFFEA];
	_ =	sdelay $0x4  }
0x144: {  	v14 =	vand.u32 $0x7F, v14  }
0x145: {  	v15 =	vperm.xlane v14, v1;
	_ =	sdelay $0x1  }
0x146: {  	v50 =	vadd.s32 v0, v15  }
0x147: {  	v51 =	vadd.s32 v2, v15;
	_ =	sdelay $0x1  }
0x148: {  	v52 =	vadd.s32 v3, v15;
	_ =	sdelay $0x1  }
0x149: {  	v15 =	vadd.s32 v4, v15;
	v16 =	vld.idx.msk [tilespmem:v50+s17+$0x0], $0xffff  }
0x14a: {  	v17 =	vld.idx.msk [tilespmem:v51+s17+$0x0], $0xffff;
	_ =	sdelay $0x1  }
0x14b: {  	v18 =	vld.idx.msk [tilespmem:v52+s17+$0x0], $0xffff;
	_ =	sdelay $0x1  }
0x14c: {  	v15 =	vld.idx.msk [tilespmem:v15+s17+$0x0], $0xffff  }
0x14d: {  	v53 =	vmul.f32 v16, v16;
	v54 =	vmul.f32 v17, v17;
	_ =	sdelay $0x1  }
0x14e: {  	v55 =	vmul.f32 v18, v18;
	v19 =	vadd.f32 v54, v53;
	_ =	sdelay $0x1  }
0x14f: {  	v56 =	vmul.f32 v15, v15;
	v19 =	vadd.f32 v55, v19;
	_ =	sdelay $0x1  }
0x150: {  	v19 =	vadd.f32 v56, v19;
	_ =	sdelay $0x1  }
0x151: {  	v20 =	vperm.xlane v19, v5;
	_ =	sdelay $0x1  }
0x152: {  	v19 =	vadd.f32 v19, v20;
	_ =	sdelay $0x1  }
0x153: {  	v20 =	vperm.xlane v19, v6;
	_ =	sdelay $0x1  }
0x154: {  	v19 =	vadd.f32 v19, v20;
	_ =	sdelay $0x1  }
0x155: {  	v20 =	vperm.xlane v19, v7;
	_ =	sdelay $0x1  }
0x156: {  	v19 =	vadd.f32 v19, v20;
	_ =	sdelay $0x1  }
0x157: {  	v20 =	vperm.xlane v19, v8;
	_ =	sdelay $0x1  }
0x158: {  	v19 =	vadd.f32 v19, v20;
	_ =	sdelay $0x1  }
0x159: {  	v19 =	vmax.f32 v19, $1.000000020e-16  }
0x15a: {  	v57 =	vshra.s32 v19, $0x1;
	v19 =	vmul.f32 $5.000000000e-01, v19  }
0x15b: {  	v20 =	vsub.s32 $0x5F3759DF, v57  }
0x15c: {  	v58 =	vmul.f32 v20, v19;
	_ =	sdelay $0x1  }
0x15d: {  	v21 =	vmul.f32 v20, v58;
	_ =	sdelay $0x1  }
0x15e: {  	v21 =	vsub.f32 $1.500000000e+00, v21;
	_ =	sdelay $0x1  }
0x15f: {  	v20 =	vmul.f32 v20, v21;
	_ =	sdelay $0x1  }
0x160: {  	v21 =	vmul.f32 v20, v19;
	_ =	sdelay $0x1  }
0x161: {  	v21 =	vmul.f32 v21, v20;
	_ =	sdelay $0x1  }
0x162: {  	v21 =	vsub.f32 $1.500000000e+00, v21;
	_ =	sdelay $0x1  }
0x163: {  	v20 =	vmul.f32 v21, v20;
	_ =	sdelay $0x1  }
0x164: {  	v19 =	vmul.f32 v20, v19;
	_ =	sdelay $0x1  }
0x165: {  	s10 =	sadd.s32 $0x2, s6;
	v19 =	vmul.f32 v19, v20  }
0x166: {  	s1 =	sand.u32 $0x3F, s10  }
0x167: {  	s11 =	sshll.u32 s1, $0x1;
	v19 =	vsub.f32 $1.500000000e+00, v19  }
0x168: {  	v59 =	vor.u32 s11, v0  }
0x169: {  	v60 =	vor.u32 s11, v2;
	v19 =	vmul.f32 v19, v20  }
0x16a: {  	v61 =	vor.u32 s11, v3;
	v14 =	vperm.xlane v14, v9  }
0x16b: {  	v62 =	vor.u32 s11, v4;
	v16 =	vmul.f32 v19, v16  }
0x16c: {  	v63 =	vadd.s32 v0, v14;
	v17 =	vmul.f32 v19, v17  }
0x16d: {  	v25 =	vadd.s32 v2, v14;
	v21 =	vmul.f32 v19, v18;
	[tilespmem:v59+s25+$0x0] =	vst.idx.msk $0xffff, v16  }
0x16e: {  	v15 =	vmul.f32 v19, v15;
	[tilespmem:v60+s25+$0x0] =	vst.idx.msk $0xffff, v17  }
0x16f: {  	v26 =	vadd.s32 v3, v14;
	[tilespmem:v61+s25+$0x0] =	vst.idx.msk $0xffff, v21  }
0x170: {  	s19 =	simm.s32 $0xA280;
	[tilespmem:v62+s25+$0x0] =	vst.idx.msk $0xffff, v15  }
0x171: {  	v14 =	vadd.s32 v4, v14;
	v15 =	vld.idx.msk [tilespmem:v63+s19+$0x0], $0xffff  }
0x172: {  	v17 =	vld.idx.msk [tilespmem:v25+s19+$0x0], $0xffff;
	_ =	sdelay $0x1  }
0x173: {  	v16 =	vld.idx.msk [tilespmem:v26+s19+$0x0], $0xffff;
	_ =	sdelay $0x1  }
0x174: {  	v14 =	vld.idx.msk [tilespmem:v14+s19+$0x0], $0xffff  }
0x175: {  	v27 =	vmul.f32 v15, v15;
	v28 =	vmul.f32 v17, v17;
	_ =	sdelay $0x1  }
0x176: {  	v29 =	vmul.f32 v16, v16;
	v18 =	vadd.f32 v28, v27;
	_ =	sdelay $0x1  }
0x177: {  	v30 =	vmul.f32 v14, v14;
	v18 =	vadd.f32 v29, v18;
	_ =	sdelay $0x1  }
0x178: {  	v18 =	vadd.f32 v30, v18;
	_ =	sdelay $0x1  }
0x179: {  	v19 =	vperm.xlane v18, v5;
	_ =	sdelay $0x1  }
0x17a: {  	v18 =	vadd.f32 v18, v19;
	_ =	sdelay $0x1  }
0x17b: {  	v19 =	vperm.xlane v18, v6;
	_ =	sdelay $0x1  }
0x17c: {  	v18 =	vadd.f32 v18, v19;
	_ =	sdelay $0x1  }
0x17d: {  	v19 =	vperm.xlane v18, v7;
	_ =	sdelay $0x1  }
0x17e: {  	v18 =	vadd.f32 v18, v19;
	_ =	sdelay $0x1  }
0x17f: {  	v19 =	vperm.xlane v18, v8;
	_ =	sdelay $0x1  }
0x180: {  	v18 =	vadd.f32 v18, v19;
	_ =	sdelay $0x1  }
0x181: {  	v18 =	vmax.f32 v18, $1.000000020e-16  }
0x182: {  	v31 =	vshra.s32 v18, $0x1;
	v18 =	vmul.f32 $5.000000000e-01, v18  }
0x183: {  	v19 =	vsub.s32 $0x5F3759DF, v31  }
0x184: {  	v32 =	vmul.f32 v19, v18;
	_ =	sdelay $0x1  }
0x185: {  	v20 =	vmul.f32 v19, v32;
	_ =	sdelay $0x1  }
0x186: {  	v20 =	vsub.f32 $1.500000000e+00, v20;
	_ =	sdelay $0x1  }
0x187: {  	v19 =	vmul.f32 v19, v20;
	_ =	sdelay $0x1  }
0x188: {  	v20 =	vmul.f32 v19, v18;
	_ =	sdelay $0x1  }
0x189: {  	v20 =	vmul.f32 v20, v19;
	_ =	sdelay $0x1  }
0x18a: {  	v20 =	vsub.f32 $1.500000000e+00, v20;
	_ =	sdelay $0x1  }
0x18b: {  	v19 =	vmul.f32 v20, v19;
	_ =	sdelay $0x1  }
0x18c: {  	v18 =	vmul.f32 v19, v18;
	_ =	sdelay $0x1  }
0x18d: {  	v18 =	vmul.f32 v18, v19;
	_ =	sdelay $0x1  }
0x18e: {  	v18 =	vsub.f32 $1.500000000e+00, v18  }
0x18f: {  	v33 =	vor.u32 s11, v10  }
0x190: {  	v34 =	vor.u32 s11, v11;
	v18 =	vmul.f32 v18, v19  }
0x191: {  	v35 =	vor.u32 s11, v12  }
0x192: {  	v36 =	vor.u32 s11, v13;
	v15 =	vmul.f32 v18, v15  }
0x193: {  	v17 =	vmul.f32 v18, v17  }
0x194: {  	p0 =	sne.s32 s1, $0x3F;
	[tilespmem:v33+s25+$0x0] =	vst.idx.msk $0xffff, v15;
	v15 =	vmul.f32 v18, v16  }
0x195: {  	s1 =	sadd.s32 @!p0 $0xFFFFFFF8, s4;
	v14 =	vmul.f32 v18, v14;
	[tilespmem:v34+s25+$0x0] =	vst.idx.msk $0xffff, v17  }
0x196: {  	s10 =	simm.s32 @!p0 $0x400;
	s1 =	sand.u32 @!p0 $0x180, s1;
	[tilespmem:v35+s25+$0x0] =	vst.idx.msk $0xffff, v15  }
0x197: {  	s11 =	simm.s32 @!p0 $0x20000;
	s12 =	simm.s32 @!p0 $0x1C280;
	s1 =	sadd.s32 @!p0 s1, s5;
	[tilespmem:v36+s25+$0x0] =	vst.idx.msk $0xffff, v14  }
0x198: {  	[hbm4b:s1+s10] =	stream.strided.scatter @!p0 [tilespmem:s12], [sflag:$0x8], $0x2000, s11, s10, $0x38;
	[tilespmem:$0x1E280] =	vst v63  }
0x199: {  	s1 =	simm.s32 @!p0 $0x8  }
0x19a: {  	s12 =	sadd.s32 $0xFFFFFFE0, s3;
	_ =	swait.ge @!p0 [sflag:s1], $0x2000  }
0x19b: {  	s10 =	sand.u32 $0x7F8, s12;
	[sflag:s1] =	ssyncset.done @!p0 $0x0  }
0x19c: {  	s11 =	sshrl.u32 s10, $0x2;
	[sflag:s1] =	ssyncadd.s32 @!p0 $0xFFFFE000  }
0x19d: {  	v14 =	vld [tilespmem:s11+$0x0];
	_ =	sdelay $0x4  }
0x19e: {  	(v2sf) =	vpush v14, $0x0;
	_ =	sdelay $0x1  }
0x19f: {  	(v2sf) =	vpush v14, $0x1;
	_ =	sdelay $0xc  }
0x1a0: {  	s12 =	spop (v2sf)  }
0x1a1: {  	s1 =	sand.u32 $0xFFFFF80, s12  }
0x1a2: {  	s10 =	spop (v2sf);
	s1 =	sadd.s32 s0, s1  }
0x1a3: {  	[tilespmem:s17], [sflag:$0x3] =	stream.strided.gather [hbm4b:s1+s8], $0x2000, s9, s8, $0x38;
	[tilespmem:$0x1E280] =	vst v63  }
0x1a4: {  	s1 =	sand.u32 $0xFFFFF80, s10  }
0x1a5: {  	s1 =	sadd.s32 s0, s1  }
0x1a6: {  	[tilespmem:s19], [sflag:$0x3] =	stream.strided.gather [hbm4b:s1+s8], $0x2000, s9, s8, $0x38;
	[tilespmem:$0x1E280] =	vst v63  }
0x1a7: {  	_ =	swait.ge [sflag:s29], $0x2000  }
0x1a8: {  	[sflag:s29] =	ssyncset.done $0x0  }
0x1a9: {  	[sflag:s29] =	ssyncadd.s32 $0xFFFFE000  }
0x1aa: {  	_ =	swait.ge [sflag:s29], $0x2000  }
0x1ab: {  	[sflag:s29] =	ssyncset.done $0x0  }
0x1ac: {  	[sflag:s29] =	ssyncadd.s32 $0xFFFFE000  }
0x1ad: {  	v14 =	vld [tilespmem:s7+$0xFFFFFFEC];
	_ =	sdelay $0x4  }
0x1ae: {  	v14 =	vand.u32 $0x7F, v14  }
0x1af: {  	v15 =	vperm.xlane v14, v1;
	_ =	sdelay $0x1  }
0x1b0: {  	v37 =	vadd.s32 v0, v15  }
0x1b1: {  	v38 =	vadd.s32 v2, v15;
	_ =	sdelay $0x1  }
0x1b2: {  	v39 =	vadd.s32 v3, v15  }
0x1b3: {  	s12 =	simm.s32 $0xC280  }
0x1b4: {  	v15 =	vadd.s32 v4, v15;
	v16 =	vld.idx.msk [tilespmem:v37+s12+$0x0], $0xffff  }
0x1b5: {  	v17 =	vld.idx.msk [tilespmem:v38+s12+$0x0], $0xffff;
	_ =	sdelay $0x1  }
0x1b6: {  	v18 =	vld.idx.msk [tilespmem:v39+s12+$0x0], $0xffff;
	_ =	sdelay $0x1  }
0x1b7: {  	v15 =	vld.idx.msk [tilespmem:v15+s12+$0x0], $0xffff  }
0x1b8: {  	v40 =	vmul.f32 v16, v16;
	v41 =	vmul.f32 v17, v17;
	_ =	sdelay $0x1  }
0x1b9: {  	v42 =	vmul.f32 v18, v18;
	v19 =	vadd.f32 v41, v40;
	_ =	sdelay $0x1  }
0x1ba: {  	v43 =	vmul.f32 v15, v15;
	v19 =	vadd.f32 v42, v19;
	_ =	sdelay $0x1  }
0x1bb: {  	v19 =	vadd.f32 v43, v19;
	_ =	sdelay $0x1  }
0x1bc: {  	v20 =	vperm.xlane v19, v5;
	_ =	sdelay $0x1  }
0x1bd: {  	v19 =	vadd.f32 v19, v20;
	_ =	sdelay $0x1  }
0x1be: {  	v20 =	vperm.xlane v19, v6;
	_ =	sdelay $0x1  }
0x1bf: {  	v19 =	vadd.f32 v19, v20;
	_ =	sdelay $0x1  }
0x1c0: {  	v20 =	vperm.xlane v19, v7;
	_ =	sdelay $0x1  }
0x1c1: {  	v19 =	vadd.f32 v19, v20;
	_ =	sdelay $0x1  }
0x1c2: {  	v20 =	vperm.xlane v19, v8;
	_ =	sdelay $0x1  }
0x1c3: {  	v19 =	vadd.f32 v19, v20;
	_ =	sdelay $0x1  }
0x1c4: {  	v19 =	vmax.f32 v19, $1.000000020e-16  }
0x1c5: {  	v44 =	vshra.s32 v19, $0x1;
	v19 =	vmul.f32 $5.000000000e-01, v19  }
0x1c6: {  	v20 =	vsub.s32 $0x5F3759DF, v44  }
0x1c7: {  	v45 =	vmul.f32 v20, v19;
	_ =	sdelay $0x1  }
0x1c8: {  	v21 =	vmul.f32 v20, v45;
	_ =	sdelay $0x1  }
0x1c9: {  	v21 =	vsub.f32 $1.500000000e+00, v21;
	_ =	sdelay $0x1  }
0x1ca: {  	v20 =	vmul.f32 v20, v21;
	_ =	sdelay $0x1  }
0x1cb: {  	v21 =	vmul.f32 v20, v19;
	_ =	sdelay $0x1  }
0x1cc: {  	v21 =	vmul.f32 v21, v20;
	_ =	sdelay $0x1  }
0x1cd: {  	v21 =	vsub.f32 $1.500000000e+00, v21;
	_ =	sdelay $0x1  }
0x1ce: {  	v20 =	vmul.f32 v21, v20;
	_ =	sdelay $0x1  }
0x1cf: {  	v19 =	vmul.f32 v20, v19;
	_ =	sdelay $0x1  }
0x1d0: {  	s11 =	sadd.s32 $0x3, s6;
	v19 =	vmul.f32 v19, v20  }
0x1d1: {  	s1 =	sand.u32 $0x3F, s11  }
0x1d2: {  	s19 =	sshll.u32 s1, $0x1;
	v19 =	vsub.f32 $1.500000000e+00, v19  }
0x1d3: {  	v46 =	vor.u32 s19, v0  }
0x1d4: {  	v47 =	vor.u32 s19, v2;
	v19 =	vmul.f32 v19, v20  }
0x1d5: {  	v48 =	vor.u32 s19, v3;
	v14 =	vperm.xlane v14, v9  }
0x1d6: {  	v49 =	vor.u32 s19, v4;
	v16 =	vmul.f32 v19, v16  }
0x1d7: {  	v50 =	vadd.s32 v0, v14;
	v17 =	vmul.f32 v19, v17  }
0x1d8: {  	v52 =	vadd.s32 v2, v14;
	v51 =	vmul.f32 v19, v18;
	[tilespmem:v46+s25+$0x0] =	vst.idx.msk $0xffff, v16  }
0x1d9: {  	v15 =	vmul.f32 v19, v15;
	[tilespmem:v47+s25+$0x0] =	vst.idx.msk $0xffff, v17  }
0x1da: {  	v53 =	vadd.s32 v3, v14;
	[tilespmem:v48+s25+$0x0] =	vst.idx.msk $0xffff, v51  }
0x1db: {  	[tilespmem:v49+s25+$0x0] =	vst.idx.msk $0xffff, v15  }
0x1dc: {  	v14 =	vadd.s32 v4, v14;
	v15 =	vld.idx.msk [tilespmem:v50+s20+$0x0], $0xffff  }
0x1dd: {  	v17 =	vld.idx.msk [tilespmem:v52+s20+$0x0], $0xffff;
	_ =	sdelay $0x1  }
0x1de: {  	v16 =	vld.idx.msk [tilespmem:v53+s20+$0x0], $0xffff;
	_ =	sdelay $0x1  }
0x1df: {  	v14 =	vld.idx.msk [tilespmem:v14+s20+$0x0], $0xffff  }
0x1e0: {  	v54 =	vmul.f32 v15, v15;
	v55 =	vmul.f32 v17, v17;
	_ =	sdelay $0x1  }
0x1e1: {  	v56 =	vmul.f32 v16, v16;
	v18 =	vadd.f32 v55, v54;
	_ =	sdelay $0x1  }
0x1e2: {  	v57 =	vmul.f32 v14, v14;
	v18 =	vadd.f32 v56, v18;
	_ =	sdelay $0x1  }
0x1e3: {  	v18 =	vadd.f32 v57, v18;
	_ =	sdelay $0x1  }
0x1e4: {  	v19 =	vperm.xlane v18, v5;
	_ =	sdelay $0x1  }
0x1e5: {  	v18 =	vadd.f32 v18, v19;
	_ =	sdelay $0x1  }
0x1e6: {  	v19 =	vperm.xlane v18, v6;
	_ =	sdelay $0x1  }
0x1e7: {  	v18 =	vadd.f32 v18, v19;
	_ =	sdelay $0x1  }
0x1e8: {  	v19 =	vperm.xlane v18, v7;
	_ =	sdelay $0x1  }
0x1e9: {  	v18 =	vadd.f32 v18, v19;
	_ =	sdelay $0x1  }
0x1ea: {  	v19 =	vperm.xlane v18, v8;
	_ =	sdelay $0x1  }
0x1eb: {  	v18 =	vadd.f32 v18, v19;
	_ =	sdelay $0x1  }
0x1ec: {  	v18 =	vmax.f32 v18, $1.000000020e-16  }
0x1ed: {  	v58 =	vshra.s32 v18, $0x1;
	v18 =	vmul.f32 $5.000000000e-01, v18  }
0x1ee: {  	v19 =	vsub.s32 $0x5F3759DF, v58  }
0x1ef: {  	v59 =	vmul.f32 v19, v18;
	_ =	sdelay $0x1  }
0x1f0: {  	v20 =	vmul.f32 v19, v59;
	_ =	sdelay $0x1  }
0x1f1: {  	v20 =	vsub.f32 $1.500000000e+00, v20;
	_ =	sdelay $0x1  }
0x1f2: {  	v19 =	vmul.f32 v19, v20;
	_ =	sdelay $0x1  }
0x1f3: {  	v20 =	vmul.f32 v19, v18;
	_ =	sdelay $0x1  }
0x1f4: {  	v20 =	vmul.f32 v20, v19;
	_ =	sdelay $0x1  }
0x1f5: {  	v20 =	vsub.f32 $1.500000000e+00, v20;
	_ =	sdelay $0x1  }
0x1f6: {  	v19 =	vmul.f32 v20, v19;
	_ =	sdelay $0x1  }
0x1f7: {  	v18 =	vmul.f32 v19, v18;
	_ =	sdelay $0x1  }
0x1f8: {  	v18 =	vmul.f32 v18, v19;
	_ =	sdelay $0x1  }
0x1f9: {  	v18 =	vsub.f32 $1.500000000e+00, v18  }
0x1fa: {  	v60 =	vor.u32 s19, v10  }
0x1fb: {  	v61 =	vor.u32 s19, v11;
	v18 =	vmul.f32 v18, v19  }
0x1fc: {  	v62 =	vor.u32 s19, v12  }
0x1fd: {  	v63 =	vor.u32 s19, v13;
	v15 =	vmul.f32 v18, v15  }
0x1fe: {  	v17 =	vmul.f32 v18, v17  }
0x1ff: {  	p0 =	sne.s32 s1, $0x3F;
	[tilespmem:v60+s25+$0x0] =	vst.idx.msk $0xffff, v15;
	v15 =	vmul.f32 v18, v16  }
0x200: {  	s1 =	sadd.s32 @!p0 $0xFFFFFFFA, s4;
	v14 =	vmul.f32 v18, v14;
	[tilespmem:v61+s25+$0x0] =	vst.idx.msk $0xffff, v17  }
0x201: {  	s10 =	simm.s32 @!p0 $0x20000;
	s1 =	sand.u32 @!p0 $0x180, s1;
	[tilespmem:v62+s25+$0x0] =	vst.idx.msk $0xffff, v15  }
0x202: {  	s11 =	simm.s32 @!p0 $0x1C280;
	s1 =	sadd.s32 @!p0 s1, s5;
	s7 =	simm.s32 @!p0 $0x400;
	[tilespmem:v63+s25+$0x0] =	vst.idx.msk $0xffff, v14  }
0x203: {  	[hbm4b:s1+s7] =	stream.strided.scatter @!p0 [tilespmem:s11], [sflag:$0x8], $0x2000, s10, s7, $0x38;
	[tilespmem:$0x1E280] =	vst v63  }
0x204: {  	s1 =	simm.s32 @!p0 $0x8  }
0x205: {  	s10 =	sadd.s32 $0xFFFFFFE8, s3;
	_ =	swait.ge @!p0 [sflag:s1], $0x2000  }
0x206: {  	s7 =	sand.u32 $0x7F8, s10;
	[sflag:s1] =	ssyncset.done @!p0 $0x0  }
0x207: {  	s11 =	sshrl.u32 s7, $0x2;
	[sflag:s1] =	ssyncadd.s32 @!p0 $0xFFFFE000  }
0x208: {  	v14 =	vld [tilespmem:s11+$0x0];
	_ =	sdelay $0x4  }
0x209: {  	(v2sf) =	vpush v14, $0x0;
	_ =	sdelay $0x1  }
0x20a: {  	(v2sf) =	vpush v14, $0x1;
	_ =	sdelay $0xc  }
0x20b: {  	s19 =	spop (v2sf)  }
0x20c: {  	s1 =	sand.u32 $0xFFFFF80, s19  }
0x20d: {  	s7 =	spop (v2sf);
	s1 =	sadd.s32 s0, s1  }
0x20e: {  	[tilespmem:s12], [sflag:$0x4] =	stream.strided.gather [hbm4b:s1+s8], $0x2000, s9, s8, $0x38;
	[tilespmem:$0x1E280] =	vst v63  }
0x20f: {  	s1 =	sand.u32 $0xFFFFF80, s7  }
0x210: {  	s1 =	sadd.s32 s0, s1  }
0x211: {  	[tilespmem:s20], [sflag:$0x4] =	stream.strided.gather [hbm4b:s1+s8], $0x2000, s9, s8, $0x38;
	[tilespmem:$0x1E280] =	vst v63  }
0x212: {  	_ =	swait.ge [sflag:s30], $0x2000  }
0x213: {  	[sflag:s30] =	ssyncset.done $0x0  }
0x214: {  	[sflag:s30] =	ssyncadd.s32 $0xFFFFE000  }
0x215: {  	s10 =	sadd.s32 $0xFFFFFFB8, s3;
	_ =	swait.ge [sflag:s30], $0x2000  }
0x216: {  	s1 =	sand.u32 $0x7F8, s10;
	[sflag:s30] =	ssyncset.done $0x0  }
0x217: {  	s1 =	sshrl.u32 s1, $0x2;
	[sflag:s30] =	ssyncadd.s32 $0xFFFFE000  }
0x218: {  	v14 =	vld [tilespmem:s1+$0x0];
	_ =	sdelay $0x4  }
0x219: {  	v14 =	vand.u32 $0x7F, v14  }
0x21a: {  	v15 =	vperm.xlane v14, v1;
	_ =	sdelay $0x1  }
0x21b: {  	v23 =	vadd.s32 v0, v15  }
0x21c: {  	v24 =	vadd.s32 v2, v15;
	_ =	sdelay $0x1  }
0x21d: {  	v25 =	vadd.s32 v3, v15;
	_ =	sdelay $0x1  }
0x21e: {  	v15 =	vadd.s32 v4, v15;
	v16 =	vld.idx.msk [tilespmem:v23+s21+$0x0], $0xffff  }
0x21f: {  	v17 =	vld.idx.msk [tilespmem:v24+s21+$0x0], $0xffff;
	_ =	sdelay $0x1  }
0x220: {  	v18 =	vld.idx.msk [tilespmem:v25+s21+$0x0], $0xffff;
	_ =	sdelay $0x1  }
0x221: {  	v15 =	vld.idx.msk [tilespmem:v15+s21+$0x0], $0xffff  }
0x222: {  	v26 =	vmul.f32 v16, v16;
	v27 =	vmul.f32 v17, v17;
	_ =	sdelay $0x1  }
0x223: {  	v28 =	vmul.f32 v18, v18;
	v19 =	vadd.f32 v27, v26;
	_ =	sdelay $0x1  }
0x224: {  	v29 =	vmul.f32 v15, v15;
	v19 =	vadd.f32 v28, v19;
	_ =	sdelay $0x1  }
0x225: {  	v19 =	vadd.f32 v29, v19;
	_ =	sdelay $0x1  }
0x226: {  	v20 =	vperm.xlane v19, v5;
	_ =	sdelay $0x1  }
0x227: {  	v19 =	vadd.f32 v19, v20;
	_ =	sdelay $0x1  }
0x228: {  	v20 =	vperm.xlane v19, v6;
	_ =	sdelay $0x1  }
0x229: {  	v19 =	vadd.f32 v19, v20;
	_ =	sdelay $0x1  }
0x22a: {  	v20 =	vperm.xlane v19, v7;
	_ =	sdelay $0x1  }
0x22b: {  	v19 =	vadd.f32 v19, v20;
	_ =	sdelay $0x1  }
0x22c: {  	v20 =	vperm.xlane v19, v8;
	_ =	sdelay $0x1  }
0x22d: {  	v19 =	vadd.f32 v19, v20;
	_ =	sdelay $0x1  }
0x22e: {  	v19 =	vmax.f32 v19, $1.000000020e-16  }
0x22f: {  	v30 =	vshra.s32 v19, $0x1;
	v19 =	vmul.f32 $5.000000000e-01, v19  }
0x230: {  	v20 =	vsub.s32 $0x5F3759DF, v30  }
0x231: {  	v31 =	vmul.f32 v20, v19;
	_ =	sdelay $0x1  }
0x232: {  	v21 =	vmul.f32 v20, v31;
	_ =	sdelay $0x1  }
0x233: {  	v21 =	vsub.f32 $1.500000000e+00, v21;
	_ =	sdelay $0x1  }
0x234: {  	v20 =	vmul.f32 v20, v21;
	_ =	sdelay $0x1  }
0x235: {  	v21 =	vmul.f32 v20, v19;
	_ =	sdelay $0x1  }
0x236: {  	v21 =	vmul.f32 v21, v20;
	_ =	sdelay $0x1  }
0x237: {  	v21 =	vsub.f32 $1.500000000e+00, v21;
	_ =	sdelay $0x1  }
0x238: {  	v20 =	vmul.f32 v21, v20;
	_ =	sdelay $0x1  }
0x239: {  	v19 =	vmul.f32 v20, v19;
	_ =	sdelay $0x1  }
0x23a: {  	s11 =	sadd.s32 $0x4, s6;
	v19 =	vmul.f32 v19, v20  }
0x23b: {  	s1 =	sand.u32 $0x3F, s11  }
0x23c: {  	s12 =	sshll.u32 s1, $0x1;
	v19 =	vsub.f32 $1.500000000e+00, v19  }
0x23d: {  	v32 =	vor.u32 s12, v0  }
0x23e: {  	v33 =	vor.u32 s12, v2;
	v19 =	vmul.f32 v19, v20  }
0x23f: {  	v34 =	vor.u32 s12, v3;
	v14 =	vperm.xlane v14, v9  }
0x240: {  	v35 =	vor.u32 s12, v4;
	v16 =	vmul.f32 v19, v16  }
0x241: {  	v36 =	vadd.s32 v0, v14;
	v17 =	vmul.f32 v19, v17  }
0x242: {  	v38 =	vadd.s32 v2, v14;
	v37 =	vmul.f32 v19, v18;
	[tilespmem:v32+s25+$0x0] =	vst.idx.msk $0xffff, v16  }
0x243: {  	v15 =	vmul.f32 v19, v15;
	[tilespmem:v33+s25+$0x0] =	vst.idx.msk $0xffff, v17  }
0x244: {  	v39 =	vadd.s32 v3, v14;
	[tilespmem:v34+s25+$0x0] =	vst.idx.msk $0xffff, v37  }
0x245: {  	[tilespmem:v35+s25+$0x0] =	vst.idx.msk $0xffff, v15  }
0x246: {  	v14 =	vadd.s32 v4, v14;
	v15 =	vld.idx.msk [tilespmem:v36+s22+$0x0], $0xffff  }
0x247: {  	v17 =	vld.idx.msk [tilespmem:v38+s22+$0x0], $0xffff;
	_ =	sdelay $0x1  }
0x248: {  	v16 =	vld.idx.msk [tilespmem:v39+s22+$0x0], $0xffff;
	_ =	sdelay $0x1  }
0x249: {  	v14 =	vld.idx.msk [tilespmem:v14+s22+$0x0], $0xffff  }
0x24a: {  	v40 =	vmul.f32 v15, v15;
	v41 =	vmul.f32 v17, v17;
	_ =	sdelay $0x1  }
0x24b: {  	v42 =	vmul.f32 v16, v16;
	v18 =	vadd.f32 v41, v40;
	_ =	sdelay $0x1  }
0x24c: {  	v43 =	vmul.f32 v14, v14;
	v18 =	vadd.f32 v42, v18;
	_ =	sdelay $0x1  }
0x24d: {  	v18 =	vadd.f32 v43, v18;
	_ =	sdelay $0x1  }
0x24e: {  	v19 =	vperm.xlane v18, v5;
	_ =	sdelay $0x1  }
0x24f: {  	v18 =	vadd.f32 v18, v19;
	_ =	sdelay $0x1  }
0x250: {  	v19 =	vperm.xlane v18, v6;
	_ =	sdelay $0x1  }
0x251: {  	v18 =	vadd.f32 v18, v19;
	_ =	sdelay $0x1  }
0x252: {  	v19 =	vperm.xlane v18, v7;
	_ =	sdelay $0x1  }
0x253: {  	v18 =	vadd.f32 v18, v19;
	_ =	sdelay $0x1  }
0x254: {  	v19 =	vperm.xlane v18, v8;
	_ =	sdelay $0x1  }
0x255: {  	v18 =	vadd.f32 v18, v19;
	_ =	sdelay $0x1  }
0x256: {  	v18 =	vmax.f32 v18, $1.000000020e-16  }
0x257: {  	v44 =	vshra.s32 v18, $0x1;
	v18 =	vmul.f32 $5.000000000e-01, v18  }
0x258: {  	v19 =	vsub.s32 $0x5F3759DF, v44  }
0x259: {  	v45 =	vmul.f32 v19, v18;
	_ =	sdelay $0x1  }
0x25a: {  	v20 =	vmul.f32 v19, v45;
	_ =	sdelay $0x1  }
0x25b: {  	v20 =	vsub.f32 $1.500000000e+00, v20;
	_ =	sdelay $0x1  }
0x25c: {  	v19 =	vmul.f32 v19, v20;
	_ =	sdelay $0x1  }
0x25d: {  	v20 =	vmul.f32 v19, v18;
	_ =	sdelay $0x1  }
0x25e: {  	v20 =	vmul.f32 v20, v19;
	_ =	sdelay $0x1  }
0x25f: {  	v20 =	vsub.f32 $1.500000000e+00, v20;
	_ =	sdelay $0x1  }
0x260: {  	v19 =	vmul.f32 v20, v19;
	_ =	sdelay $0x1  }
0x261: {  	v18 =	vmul.f32 v19, v18;
	_ =	sdelay $0x1  }
0x262: {  	v18 =	vmul.f32 v18, v19;
	_ =	sdelay $0x1  }
0x263: {  	v18 =	vsub.f32 $1.500000000e+00, v18  }
0x264: {  	v46 =	vor.u32 s12, v10  }
0x265: {  	v47 =	vor.u32 s12, v11;
	v18 =	vmul.f32 v18, v19  }
0x266: {  	v48 =	vor.u32 s12, v12  }
0x267: {  	v49 =	vor.u32 s12, v13;
	v15 =	vmul.f32 v18, v15  }
0x268: {  	v17 =	vmul.f32 v18, v17  }
0x269: {  	p0 =	sne.s32 s1, $0x3F;
	[tilespmem:v46+s25+$0x0] =	vst.idx.msk $0xffff, v15;
	v15 =	vmul.f32 v18, v16  }
0x26a: {  	s1 =	sadd.s32 @!p0 $0xFFFFFFFC, s4;
	v14 =	vmul.f32 v18, v14;
	[tilespmem:v47+s25+$0x0] =	vst.idx.msk $0xffff, v17  }
0x26b: {  	s7 =	simm.s32 @!p0 $0x400;
	s1 =	sand.u32 @!p0 $0x180, s1;
	[tilespmem:v48+s25+$0x0] =	vst.idx.msk $0xffff, v15  }
0x26c: {  	s10 =	simm.s32 @!p0 $0x20000;
	s11 =	simm.s32 @!p0 $0x1C280;
	s1 =	sadd.s32 @!p0 s1, s5;
	[tilespmem:v49+s25+$0x0] =	vst.idx.msk $0xffff, v14  }
0x26d: {  	[hbm4b:s1+s7] =	stream.strided.scatter @!p0 [tilespmem:s11], [sflag:$0x8], $0x2000, s10, s7, $0x38;
	[tilespmem:$0x1E280] =	vst v63  }
0x26e: {  	s1 =	simm.s32 @!p0 $0x8  }
0x26f: {  	s19 =	sadd.s32 $0xFFFFFFF0, s3;
	_ =	swait.ge @!p0 [sflag:s1], $0x2000  }
0x270: {  	s7 =	sand.u32 $0x7F8, s19;
	[sflag:s1] =	ssyncset.done @!p0 $0x0  }
0x271: {  	s10 =	sshrl.u32 s7, $0x2;
	[sflag:s1] =	ssyncadd.s32 @!p0 $0xFFFFE000  }
0x272: {  	v14 =	vld [tilespmem:s10+$0x0];
	_ =	sdelay $0x4  }
0x273: {  	(v2sf) =	vpush v14, $0x0;
	_ =	sdelay $0x1  }
0x274: {  	(v2sf) =	vpush v14, $0x1;
	_ =	sdelay $0xc  }
0x275: {  	s11 =	spop (v2sf)  }
0x276: {  	s1 =	sand.u32 $0xFFFFF80, s11  }
0x277: {  	s12 =	spop (v2sf);
	s1 =	sadd.s32 s0, s1  }
0x278: {  	[tilespmem:s21], [sflag:$0x5] =	stream.strided.gather [hbm4b:s1+s8], $0x2000, s9, s8, $0x38;
	[tilespmem:$0x1E280] =	vst v63  }
0x279: {  	s1 =	sand.u32 $0xFFFFF80, s12  }
0x27a: {  	s1 =	sadd.s32 s0, s1  }
0x27b: {  	[tilespmem:s22], [sflag:$0x5] =	stream.strided.gather [hbm4b:s1+s8], $0x2000, s9, s8, $0x38;
	[tilespmem:$0x1E280] =	vst v63  }
0x27c: {  	_ =	swait.ge [sflag:s31], $0x2000  }
0x27d: {  	[sflag:s31] =	ssyncset.done $0x0  }
0x27e: {  	[sflag:s31] =	ssyncadd.s32 $0xFFFFE000  }
0x27f: {  	s19 =	sadd.s32 $0xFFFFFFC0, s3;
	_ =	swait.ge [sflag:s31], $0x2000  }
0x280: {  	s1 =	sand.u32 $0x7F8, s19;
	[sflag:s31] =	ssyncset.done $0x0  }
0x281: {  	s1 =	sshrl.u32 s1, $0x2;
	[sflag:s31] =	ssyncadd.s32 $0xFFFFE000  }
0x282: {  	v14 =	vld [tilespmem:s1+$0x0];
	_ =	sdelay $0x4  }
0x283: {  	v14 =	vand.u32 $0x7F, v14  }
0x284: {  	v15 =	vperm.xlane v14, v1;
	_ =	sdelay $0x1  }
0x285: {  	v50 =	vadd.s32 v0, v15  }
0x286: {  	v51 =	vadd.s32 v2, v15;
	_ =	sdelay $0x1  }
0x287: {  	v52 =	vadd.s32 v3, v15;
	_ =	sdelay $0x1  }
0x288: {  	v15 =	vadd.s32 v4, v15;
	v16 =	vld.idx.msk [tilespmem:v50+s23+$0x0], $0xffff  }
0x289: {  	v17 =	vld.idx.msk [tilespmem:v51+s23+$0x0], $0xffff;
	_ =	sdelay $0x1  }
0x28a: {  	v18 =	vld.idx.msk [tilespmem:v52+s23+$0x0], $0xffff;
	_ =	sdelay $0x1  }
0x28b: {  	v15 =	vld.idx.msk [tilespmem:v15+s23+$0x0], $0xffff  }
0x28c: {  	v53 =	vmul.f32 v16, v16;
	v54 =	vmul.f32 v17, v17;
	_ =	sdelay $0x1  }
0x28d: {  	v55 =	vmul.f32 v18, v18;
	v19 =	vadd.f32 v54, v53;
	_ =	sdelay $0x1  }
0x28e: {  	v56 =	vmul.f32 v15, v15;
	v19 =	vadd.f32 v55, v19;
	_ =	sdelay $0x1  }
0x28f: {  	v19 =	vadd.f32 v56, v19;
	_ =	sdelay $0x1  }
0x290: {  	v20 =	vperm.xlane v19, v5;
	_ =	sdelay $0x1  }
0x291: {  	v19 =	vadd.f32 v19, v20;
	_ =	sdelay $0x1  }
0x292: {  	v20 =	vperm.xlane v19, v6;
	_ =	sdelay $0x1  }
0x293: {  	v19 =	vadd.f32 v19, v20;
	_ =	sdelay $0x1  }
0x294: {  	v20 =	vperm.xlane v19, v7;
	_ =	sdelay $0x1  }
0x295: {  	v19 =	vadd.f32 v19, v20;
	_ =	sdelay $0x1  }
0x296: {  	v20 =	vperm.xlane v19, v8;
	_ =	sdelay $0x1  }
0x297: {  	v19 =	vadd.f32 v19, v20;
	_ =	sdelay $0x1  }
0x298: {  	v19 =	vmax.f32 v19, $1.000000020e-16  }
0x299: {  	v57 =	vshra.s32 v19, $0x1;
	v19 =	vmul.f32 $5.000000000e-01, v19  }
0x29a: {  	v20 =	vsub.s32 $0x5F3759DF, v57  }
0x29b: {  	v58 =	vmul.f32 v20, v19;
	_ =	sdelay $0x1  }
0x29c: {  	v21 =	vmul.f32 v20, v58;
	_ =	sdelay $0x1  }
0x29d: {  	v21 =	vsub.f32 $1.500000000e+00, v21;
	_ =	sdelay $0x1  }
0x29e: {  	v20 =	vmul.f32 v20, v21;
	_ =	sdelay $0x1  }
0x29f: {  	v21 =	vmul.f32 v20, v19;
	_ =	sdelay $0x1  }
0x2a0: {  	v21 =	vmul.f32 v21, v20;
	_ =	sdelay $0x1  }
0x2a1: {  	v21 =	vsub.f32 $1.500000000e+00, v21;
	_ =	sdelay $0x1  }
0x2a2: {  	v20 =	vmul.f32 v21, v20;
	_ =	sdelay $0x1  }
0x2a3: {  	v19 =	vmul.f32 v20, v19;
	_ =	sdelay $0x1  }
0x2a4: {  	s7 =	sadd.s32 $0x5, s6;
	v19 =	vmul.f32 v19, v20  }
0x2a5: {  	s1 =	sand.u32 $0x3F, s7  }
0x2a6: {  	s10 =	sshll.u32 s1, $0x1;
	v19 =	vsub.f32 $1.500000000e+00, v19  }
0x2a7: {  	v59 =	vor.u32 s10, v0  }
0x2a8: {  	v60 =	vor.u32 s10, v2;
	v19 =	vmul.f32 v19, v20  }
0x2a9: {  	v61 =	vor.u32 s10, v3;
	v14 =	vperm.xlane v14, v9  }
0x2aa: {  	v62 =	vor.u32 s10, v4;
	v16 =	vmul.f32 v19, v16  }
0x2ab: {  	v63 =	vadd.s32 v0, v14;
	v17 =	vmul.f32 v19, v17  }
0x2ac: {  	v25 =	vadd.s32 v2, v14;
	v21 =	vmul.f32 v19, v18;
	[tilespmem:v59+s25+$0x0] =	vst.idx.msk $0xffff, v16  }
0x2ad: {  	v15 =	vmul.f32 v19, v15;
	[tilespmem:v60+s25+$0x0] =	vst.idx.msk $0xffff, v17  }
0x2ae: {  	v26 =	vadd.s32 v3, v14;
	[tilespmem:v61+s25+$0x0] =	vst.idx.msk $0xffff, v21  }
0x2af: {  	s12 =	simm.s32 $0x16280;
	[tilespmem:v62+s25+$0x0] =	vst.idx.msk $0xffff, v15  }
0x2b0: {  	v14 =	vadd.s32 v4, v14;
	v15 =	vld.idx.msk [tilespmem:v63+s12+$0x0], $0xffff  }
0x2b1: {  	v17 =	vld.idx.msk [tilespmem:v25+s12+$0x0], $0xffff;
	_ =	sdelay $0x1  }
0x2b2: {  	v16 =	vld.idx.msk [tilespmem:v26+s12+$0x0], $0xffff;
	_ =	sdelay $0x1  }
0x2b3: {  	v14 =	vld.idx.msk [tilespmem:v14+s12+$0x0], $0xffff  }
0x2b4: {  	v27 =	vmul.f32 v15, v15;
	v28 =	vmul.f32 v17, v17;
	_ =	sdelay $0x1  }
0x2b5: {  	v29 =	vmul.f32 v16, v16;
	v18 =	vadd.f32 v28, v27;
	_ =	sdelay $0x1  }
0x2b6: {  	v30 =	vmul.f32 v14, v14;
	v18 =	vadd.f32 v29, v18;
	_ =	sdelay $0x1  }
0x2b7: {  	v18 =	vadd.f32 v30, v18;
	_ =	sdelay $0x1  }
0x2b8: {  	v19 =	vperm.xlane v18, v5;
	_ =	sdelay $0x1  }
0x2b9: {  	v18 =	vadd.f32 v18, v19;
	_ =	sdelay $0x1  }
0x2ba: {  	v19 =	vperm.xlane v18, v6;
	_ =	sdelay $0x1  }
0x2bb: {  	v18 =	vadd.f32 v18, v19;
	_ =	sdelay $0x1  }
0x2bc: {  	v19 =	vperm.xlane v18, v7;
	_ =	sdelay $0x1  }
0x2bd: {  	v18 =	vadd.f32 v18, v19;
	_ =	sdelay $0x1  }
0x2be: {  	v19 =	vperm.xlane v18, v8;
	_ =	sdelay $0x1  }
0x2bf: {  	v18 =	vadd.f32 v18, v19;
	_ =	sdelay $0x1  }
0x2c0: {  	v18 =	vmax.f32 v18, $1.000000020e-16  }
0x2c1: {  	v31 =	vshra.s32 v18, $0x1;
	v18 =	vmul.f32 $5.000000000e-01, v18  }
0x2c2: {  	v19 =	vsub.s32 $0x5F3759DF, v31  }
0x2c3: {  	v32 =	vmul.f32 v19, v18;
	_ =	sdelay $0x1  }
0x2c4: {  	v20 =	vmul.f32 v19, v32;
	_ =	sdelay $0x1  }
0x2c5: {  	v20 =	vsub.f32 $1.500000000e+00, v20;
	_ =	sdelay $0x1  }
0x2c6: {  	v19 =	vmul.f32 v19, v20;
	_ =	sdelay $0x1  }
0x2c7: {  	v20 =	vmul.f32 v19, v18;
	_ =	sdelay $0x1  }
0x2c8: {  	v20 =	vmul.f32 v20, v19;
	_ =	sdelay $0x1  }
0x2c9: {  	v20 =	vsub.f32 $1.500000000e+00, v20;
	_ =	sdelay $0x1  }
0x2ca: {  	v19 =	vmul.f32 v20, v19;
	_ =	sdelay $0x1  }
0x2cb: {  	v18 =	vmul.f32 v19, v18;
	_ =	sdelay $0x1  }
0x2cc: {  	v18 =	vmul.f32 v18, v19;
	_ =	sdelay $0x1  }
0x2cd: {  	v18 =	vsub.f32 $1.500000000e+00, v18  }
0x2ce: {  	v33 =	vor.u32 s10, v10  }
0x2cf: {  	v34 =	vor.u32 s10, v11;
	v18 =	vmul.f32 v18, v19  }
0x2d0: {  	v35 =	vor.u32 s10, v12  }
0x2d1: {  	v36 =	vor.u32 s10, v13;
	v15 =	vmul.f32 v18, v15  }
0x2d2: {  	v17 =	vmul.f32 v18, v17  }
0x2d3: {  	p0 =	sne.s32 s1, $0x3F;
	[tilespmem:v33+s25+$0x0] =	vst.idx.msk $0xffff, v15;
	v15 =	vmul.f32 v18, v16  }
0x2d4: {  	s1 =	sadd.s32 @!p0 $0xFFFFFFFE, s4;
	v14 =	vmul.f32 v18, v14;
	[tilespmem:v34+s25+$0x0] =	vst.idx.msk $0xffff, v17  }
0x2d5: {  	s7 =	simm.s32 @!p0 $0x400;
	s1 =	sand.u32 @!p0 $0x180, s1;
	[tilespmem:v35+s25+$0x0] =	vst.idx.msk $0xffff, v15  }
0x2d6: {  	s10 =	simm.s32 @!p0 $0x20000;
	s11 =	simm.s32 @!p0 $0x1C280;
	s1 =	sadd.s32 @!p0 s1, s5;
	[tilespmem:v36+s25+$0x0] =	vst.idx.msk $0xffff, v14  }
0x2d7: {  	[hbm4b:s1+s7] =	stream.strided.scatter @!p0 [tilespmem:s11], [sflag:$0x8], $0x2000, s10, s7, $0x38;
	[tilespmem:$0x1E280] =	vst v63  }
0x2d8: {  	s1 =	simm.s32 @!p0 $0x8  }
0x2d9: {  	s11 =	sadd.s32 $0xFFFFFFF8, s3;
	_ =	swait.ge @!p0 [sflag:s1], $0x2000  }
0x2da: {  	s7 =	sand.u32 $0x7F8, s11;
	[sflag:s1] =	ssyncset.done @!p0 $0x0  }
0x2db: {  	s19 =	sshrl.u32 s7, $0x2;
	[sflag:s1] =	ssyncadd.s32 @!p0 $0xFFFFE000  }
0x2dc: {  	v14 =	vld [tilespmem:s19+$0x0];
	_ =	sdelay $0x4  }
0x2dd: {  	(v2sf) =	vpush v14, $0x0;
	_ =	sdelay $0x1  }
0x2de: {  	(v2sf) =	vpush v14, $0x1;
	_ =	sdelay $0xc  }
0x2df: {  	s7 =	spop (v2sf)  }
0x2e0: {  	s1 =	sand.u32 $0xFFFFF80, s7  }
0x2e1: {  	s10 =	spop (v2sf);
	s1 =	sadd.s32 s0, s1  }
0x2e2: {  	[tilespmem:s23], [sflag:$0x6] =	stream.strided.gather [hbm4b:s1+s8], $0x2000, s9, s8, $0x38;
	[tilespmem:$0x1E280] =	vst v63  }
0x2e3: {  	s1 =	sand.u32 $0xFFFFF80, s10  }
0x2e4: {  	s1 =	sadd.s32 s0, s1  }
0x2e5: {  	[tilespmem:s12], [sflag:$0x6] =	stream.strided.gather [hbm4b:s1+s8], $0x2000, s9, s8, $0x38;
	[tilespmem:$0x1E280] =	vst v63  }
0x2e6: {  	_ =	swait.ge [sflag:s2], $0x2000  }
0x2e7: {  	[sflag:s2] =	ssyncset.done $0x0  }
0x2e8: {  	[sflag:s2] =	ssyncadd.s32 $0xFFFFE000  }
0x2e9: {  	s11 =	sadd.s32 $0xFFFFFFC8, s3;
	_ =	swait.ge [sflag:s2], $0x2000  }
0x2ea: {  	s1 =	sand.u32 $0x7F8, s11;
	[sflag:s2] =	ssyncset.done $0x0  }
0x2eb: {  	s1 =	sshrl.u32 s1, $0x2;
	[sflag:s2] =	ssyncadd.s32 $0xFFFFE000  }
0x2ec: {  	v14 =	vld [tilespmem:s1+$0x0];
	_ =	sdelay $0x4  }
0x2ed: {  	v14 =	vand.u32 $0x7F, v14  }
0x2ee: {  	v15 =	vperm.xlane v14, v1;
	_ =	sdelay $0x1  }
0x2ef: {  	v37 =	vadd.s32 v0, v15  }
0x2f0: {  	v38 =	vadd.s32 v2, v15;
	_ =	sdelay $0x1  }
0x2f1: {  	v39 =	vadd.s32 v3, v15;
	_ =	sdelay $0x1  }
0x2f2: {  	v15 =	vadd.s32 v4, v15;
	v16 =	vld.idx.msk [tilespmem:v37+s13+$0x0], $0xffff  }
0x2f3: {  	v17 =	vld.idx.msk [tilespmem:v38+s13+$0x0], $0xffff;
	_ =	sdelay $0x1  }
0x2f4: {  	v18 =	vld.idx.msk [tilespmem:v39+s13+$0x0], $0xffff;
	_ =	sdelay $0x1  }
0x2f5: {  	v15 =	vld.idx.msk [tilespmem:v15+s13+$0x0], $0xffff  }
0x2f6: {  	v40 =	vmul.f32 v16, v16;
	v41 =	vmul.f32 v17, v17;
	_ =	sdelay $0x1  }
0x2f7: {  	v42 =	vmul.f32 v18, v18;
	v19 =	vadd.f32 v41, v40;
	_ =	sdelay $0x1  }
0x2f8: {  	v43 =	vmul.f32 v15, v15;
	v19 =	vadd.f32 v42, v19;
	_ =	sdelay $0x1  }
0x2f9: {  	v19 =	vadd.f32 v43, v19;
	_ =	sdelay $0x1  }
0x2fa: {  	v20 =	vperm.xlane v19, v5;
	_ =	sdelay $0x1  }
0x2fb: {  	v19 =	vadd.f32 v19, v20;
	_ =	sdelay $0x1  }
0x2fc: {  	v20 =	vperm.xlane v19, v6;
	_ =	sdelay $0x1  }
0x2fd: {  	v19 =	vadd.f32 v19, v20;
	_ =	sdelay $0x1  }
0x2fe: {  	v20 =	vperm.xlane v19, v7;
	_ =	sdelay $0x1  }
0x2ff: {  	v19 =	vadd.f32 v19, v20;
	_ =	sdelay $0x1  }
0x300: {  	v20 =	vperm.xlane v19, v8;
	_ =	sdelay $0x1  }
0x301: {  	v19 =	vadd.f32 v19, v20;
	_ =	sdelay $0x1  }
0x302: {  	v19 =	vmax.f32 v19, $1.000000020e-16  }
0x303: {  	v44 =	vshra.s32 v19, $0x1;
	v19 =	vmul.f32 $5.000000000e-01, v19  }
0x304: {  	v20 =	vsub.s32 $0x5F3759DF, v44  }
0x305: {  	v45 =	vmul.f32 v20, v19;
	_ =	sdelay $0x1  }
0x306: {  	v21 =	vmul.f32 v20, v45;
	_ =	sdelay $0x1  }
0x307: {  	v21 =	vsub.f32 $1.500000000e+00, v21;
	_ =	sdelay $0x1  }
0x308: {  	v20 =	vmul.f32 v20, v21;
	_ =	sdelay $0x1  }
0x309: {  	v21 =	vmul.f32 v20, v19;
	_ =	sdelay $0x1  }
0x30a: {  	v21 =	vmul.f32 v21, v20;
	_ =	sdelay $0x1  }
0x30b: {  	v21 =	vsub.f32 $1.500000000e+00, v21;
	_ =	sdelay $0x1  }
0x30c: {  	v20 =	vmul.f32 v21, v20;
	_ =	sdelay $0x1  }
0x30d: {  	v19 =	vmul.f32 v20, v19;
	_ =	sdelay $0x1  }
0x30e: {  	s12 =	sadd.s32 $0x6, s6;
	v19 =	vmul.f32 v19, v20  }
0x30f: {  	s19 =	sand.u32 $0x3F, s12  }
0x310: {  	s1 =	sshll.u32 s19, $0x1;
	v19 =	vsub.f32 $1.500000000e+00, v19  }
0x311: {  	v46 =	vor.u32 s1, v0  }
0x312: {  	v47 =	vor.u32 s1, v2;
	v19 =	vmul.f32 v19, v20  }
0x313: {  	v48 =	vor.u32 s1, v3;
	v14 =	vperm.xlane v14, v9  }
0x314: {  	v49 =	vor.u32 s1, v4;
	v16 =	vmul.f32 v19, v16  }
0x315: {  	v50 =	vadd.s32 v0, v14;
	v17 =	vmul.f32 v19, v17  }
0x316: {  	v52 =	vadd.s32 v2, v14;
	v51 =	vmul.f32 v19, v18;
	[tilespmem:v46+s25+$0x0] =	vst.idx.msk $0xffff, v16  }
0x317: {  	v15 =	vmul.f32 v19, v15;
	[tilespmem:v47+s25+$0x0] =	vst.idx.msk $0xffff, v17  }
0x318: {  	v53 =	vadd.s32 v3, v14;
	[tilespmem:v48+s25+$0x0] =	vst.idx.msk $0xffff, v51  }
0x319: {  	[tilespmem:v49+s25+$0x0] =	vst.idx.msk $0xffff, v15  }
0x31a: {  	v14 =	vadd.s32 v4, v14;
	v15 =	vld.idx.msk [tilespmem:v50+s18+$0x0], $0xffff  }
0x31b: {  	v17 =	vld.idx.msk [tilespmem:v52+s18+$0x0], $0xffff;
	_ =	sdelay $0x1  }
0x31c: {  	v16 =	vld.idx.msk [tilespmem:v53+s18+$0x0], $0xffff;
	_ =	sdelay $0x1  }
0x31d: {  	v14 =	vld.idx.msk [tilespmem:v14+s18+$0x0], $0xffff  }
0x31e: {  	v54 =	vmul.f32 v15, v15;
	v55 =	vmul.f32 v17, v17;
	_ =	sdelay $0x1  }
0x31f: {  	v56 =	vmul.f32 v16, v16;
	v18 =	vadd.f32 v55, v54;
	_ =	sdelay $0x1  }
0x320: {  	v57 =	vmul.f32 v14, v14;
	v18 =	vadd.f32 v56, v18;
	_ =	sdelay $0x1  }
0x321: {  	v18 =	vadd.f32 v57, v18;
	_ =	sdelay $0x1  }
0x322: {  	v19 =	vperm.xlane v18, v5;
	_ =	sdelay $0x1  }
0x323: {  	v18 =	vadd.f32 v18, v19;
	_ =	sdelay $0x1  }
0x324: {  	v19 =	vperm.xlane v18, v6;
	_ =	sdelay $0x1  }
0x325: {  	v18 =	vadd.f32 v18, v19;
	_ =	sdelay $0x1  }
0x326: {  	v19 =	vperm.xlane v18, v7;
	_ =	sdelay $0x1  }
0x327: {  	v18 =	vadd.f32 v18, v19;
	_ =	sdelay $0x1  }
0x328: {  	v19 =	vperm.xlane v18, v8;
	_ =	sdelay $0x1  }
0x329: {  	v18 =	vadd.f32 v18, v19;
	_ =	sdelay $0x1  }
0x32a: {  	v18 =	vmax.f32 v18, $1.000000020e-16  }
0x32b: {  	v58 =	vshra.s32 v18, $0x1;
	v18 =	vmul.f32 $5.000000000e-01, v18  }
0x32c: {  	v19 =	vsub.s32 $0x5F3759DF, v58  }
0x32d: {  	v59 =	vmul.f32 v19, v18;
	_ =	sdelay $0x1  }
0x32e: {  	v20 =	vmul.f32 v19, v59;
	_ =	sdelay $0x1  }
0x32f: {  	v20 =	vsub.f32 $1.500000000e+00, v20;
	_ =	sdelay $0x1  }
0x330: {  	v19 =	vmul.f32 v19, v20;
	_ =	sdelay $0x1  }
0x331: {  	v20 =	vmul.f32 v19, v18;
	_ =	sdelay $0x1  }
0x332: {  	v20 =	vmul.f32 v20, v19;
	_ =	sdelay $0x1  }
0x333: {  	v20 =	vsub.f32 $1.500000000e+00, v20;
	_ =	sdelay $0x1  }
0x334: {  	v19 =	vmul.f32 v20, v19;
	_ =	sdelay $0x1  }
0x335: {  	v18 =	vmul.f32 v19, v18;
	_ =	sdelay $0x1  }
0x336: {  	v18 =	vmul.f32 v18, v19;
	_ =	sdelay $0x1  }
0x337: {  	v18 =	vsub.f32 $1.500000000e+00, v18  }
0x338: {  	v60 =	vor.u32 s1, v10  }
0x339: {  	v61 =	vor.u32 s1, v11;
	v18 =	vmul.f32 v18, v19  }
0x33a: {  	v62 =	vor.u32 s1, v12  }
0x33b: {  	v63 =	vor.u32 s1, v13;
	v15 =	vmul.f32 v18, v15  }
0x33c: {  	v17 =	vmul.f32 v18, v17  }
0x33d: {  	[tilespmem:v60+s25+$0x0] =	vst.idx.msk $0xffff, v15;
	v15 =	vmul.f32 v18, v16  }
0x33e: {  	p0 =	sne.s32 s19, $0x3F;
	v14 =	vmul.f32 v18, v14;
	[tilespmem:v61+s25+$0x0] =	vst.idx.msk $0xffff, v17  }
0x33f: {  	s7 =	simm.s32 @!p0 $0x400;
	s1 =	sand.u32 @!p0 $0x180, s4;
	[tilespmem:v62+s25+$0x0] =	vst.idx.msk $0xffff, v15  }
0x340: {  	s10 =	simm.s32 @!p0 $0x20000;
	s11 =	simm.s32 @!p0 $0x1C280;
	s1 =	sadd.s32 @!p0 s1, s5;
	[tilespmem:v63+s25+$0x0] =	vst.idx.msk $0xffff, v14  }
0x341: {  	[hbm4b:s1+s7] =	stream.strided.scatter @!p0 [tilespmem:s11], [sflag:$0x8], $0x2000, s10, s7, $0x38;
	[tilespmem:$0x1E280] =	vst v63  }
0x342: {  	s1 =	simm.s32 @!p0 $0x8  }
0x343: {  	_ =	swait.ge @!p0 [sflag:s1], $0x2000  }
0x344: {  	s10 =	sand.u32 $0x7F8, s3;
	[sflag:s1] =	ssyncset.done @!p0 $0x0  }
0x345: {  	s11 =	sshrl.u32 s10, $0x2;
	[sflag:s1] =	ssyncadd.s32 @!p0 $0xFFFFE000  }
0x346: {  	v14 =	vld [tilespmem:s11+$0x0];
	_ =	sdelay $0x4  }
0x347: {  	(v2sf) =	vpush v14, $0x0;
	_ =	sdelay $0x1  }
0x348: {  	(v2sf) =	vpush v14, $0x1;
	_ =	sdelay $0xc  }
0x349: {  	s3 =	sadd.s32 $0x38, s3;
	s12 =	spop (v2sf)  }
0x34a: {  	p0 =	sne.s32 s3, $0x880;
	s1 =	sand.u32 $0xFFFFF80, s12  }
.Ltmp0:
0x34b: {  	s19 =	spop (v2sf);
	s1 =	sadd.s32 s0, s1;
	(pc) =	sbr.rel @p0 .LBB2_2-.Ltmp0, $4  }
0x34c: {  	[tilespmem:s13], [sflag:$0x7] =	stream.strided.gather [hbm4b:s1+s8], $0x2000, s9, s8, $0x38;
	[tilespmem:$0x1E280] =	vst v63  }
0x34d: {  	s1 =	sand.u32 $0xFFFFF80, s19  }
0x34e: {  	s6 =	sadd.s32 $0x7, s6;
	s4 =	sadd.s32 $0xE, s4;
	s1 =	sadd.s32 s0, s1  }
0x34f: {  	[tilespmem:s18], [sflag:$0x7] =	stream.strided.gather [hbm4b:s1+s8], $0x2000, s9, s8, $0x38;
	[tilespmem:$0x1E280] =	vst v63  }
0x350: {  	_ =	swait.ge [sflag:s24], $0x2000  }
0x351: {  	[sflag:s24] =	ssyncset.done $0x0  }
0x352: {  	[sflag:s24] =	ssyncadd.s32 $0xFFFFE000  }
0x353: {  	_ =	swait.ge [sflag:s24], $0x2000  }
0x354: {  	[sflag:s24] =	ssyncset.done $0x0  }
0x355: {  	[sflag:s24] =	ssyncadd.s32 $0xFFFFE000  }
0x356: {  	_ =	swait.ge [sflag:s26], $0x2000  }
0x357: {  	[sflag:s26] =	ssyncset.done $0x0  }
0x358: {  	[sflag:s26] =	ssyncadd.s32 $0xFFFFE000  }
0x359: {  	_ =	swait.ge [sflag:s26], $0x2000  }
0x35a: {  	[sflag:s26] =	ssyncset.done $0x0  }
0x35b: {  	[sflag:s26] =	ssyncadd.s32 $0xFFFFE000  }
0x35c: {  	_ =	swait.ge [sflag:s28], $0x2000  }
0x35d: {  	[sflag:s28] =	ssyncset.done $0x0  }
0x35e: {  	[sflag:s28] =	ssyncadd.s32 $0xFFFFE000  }
0x35f: {  	_ =	swait.ge [sflag:s28], $0x2000  }
0x360: {  	[sflag:s28] =	ssyncset.done $0x0  }
0x361: {  	[sflag:s28] =	ssyncadd.s32 $0xFFFFE000  }
0x362: {  	_ =	swait.ge [sflag:s29], $0x2000  }
0x363: {  	[sflag:s29] =	ssyncset.done $0x0  }
0x364: {  	[sflag:s29] =	ssyncadd.s32 $0xFFFFE000  }
0x365: {  	_ =	swait.ge [sflag:s29], $0x2000  }
0x366: {  	[sflag:s29] =	ssyncset.done $0x0  }
0x367: {  	[sflag:s29] =	ssyncadd.s32 $0xFFFFE000  }
0x368: {  	_ =	swait.ge [sflag:s30], $0x2000  }
0x369: {  	[sflag:s30] =	ssyncset.done $0x0  }
0x36a: {  	[sflag:s30] =	ssyncadd.s32 $0xFFFFE000  }
0x36b: {  	_ =	swait.ge [sflag:s30], $0x2000  }
0x36c: {  	[sflag:s30] =	ssyncset.done $0x0  }
0x36d: {  	[sflag:s30] =	ssyncadd.s32 $0xFFFFE000  }
0x36e: {  	_ =	swait.ge [sflag:s31], $0x2000  }
0x36f: {  	[sflag:s31] =	ssyncset.done $0x0  }
0x370: {  	[sflag:s31] =	ssyncadd.s32 $0xFFFFE000  }
0x371: {  	_ =	swait.ge [sflag:s31], $0x2000  }
0x372: {  	[sflag:s31] =	ssyncset.done $0x0  }
0x373: {  	[sflag:s31] =	ssyncadd.s32 $0xFFFFE000  }
0x374: {  	_ =	swait.ge [sflag:s2], $0x2000  }
0x375: {  	[sflag:s2] =	ssyncset.done $0x0  }
0x376: {  	[sflag:s2] =	ssyncadd.s32 $0xFFFFE000  }
0x377: {  	_ =	swait.ge [sflag:s2], $0x2000  }
0x378: {  	s3 =	rddreg [dreg:$0x6]  }
0x379: {  	s1 =	rddreg [dreg:$0x5];
	s3 =	sadd.s32 $0x1, s3  }
0x37a: {  	s4 =	simm.s32 $0x280;
	s6 =	simm.s32 $0x2280;
	p0 =	sne.s32 s3, s1  }
.Ltmp1:
0x37b: {  	s7 =	simm.s32 $0x4280;
	s10 =	simm.s32 $0x6280;
	(pc) =	sbr.rel @p0 .LBB2_1-.Ltmp1, $4  }
0x37c: {  	s11 =	simm.s32 $0x8280;
	s12 =	simm.s32 $0xA280;
	s13 =	simm.s32 $0xC280  }
0x37d: {  	s14 =	simm.s32 $0xE280;
	s15 =	simm.s32 $0x10280;
	s16 =	simm.s32 $0x12280  }
0x37e: {  	s17 =	simm.s32 $0x14280;
	s18 =	simm.s32 $0x16280;
	[sflag:s2] =	ssyncset.done $0x0  }
0x37f: {  	s19 =	simm.s32 $0x18280;
	s20 =	simm.s32 $0x1A280;
	[sflag:s2] =	ssyncadd.s32 $0xFFFFE000  }
0x380: {  	_ =	sfence.sel $0x180000  }
0x381: {  	[bflag:$0x0] =	sbarrier.arrive $0xFFFF  }
0x382: {  	_ =	strace $0x90000047  }
0x383: {  	s0 =	stileid.u32;
	[bflag:$0x2] =	sbarrier.arrive $0xFFFF  }
0x384: {  	p0 =	sne.s32 s0, $0x0;
	s0 =	rddreg [dreg:$0x3]  }
0x385: {  	s0 =	sadd.s32 @!p0 $0x100000, s0  }
0x386: {  	[sflag:s0] =	ssyncadd.tile.s32 @!p0 $0x1;
	_ =	shalt  }
.Lfunc_end2:
_tile_overlayer_lowered:
.L_overlay_start_2:
0x387: {  	(tag) =	ssettag $0x2  }
0x388: {  	s0 =	rddreg [dreg:$0x0];
	s2 =	stileid.u32  }
0x389: {  	s1 =	rddreg [dreg:$0x1];
	p0 =	sne.s32 s2, $0x0  }
0x38a: {  	s3 =	rddreg [dreg:$0x2];
	[bflag:$0x3] =	sbarrier.arrive $0xFFFF;
	s2 =	simm.s32 @!p0 $0x1C08  }
0x38b: {  	[timem:s3], [sflag:s2] =	dma.local @!p0 [hbm:s0], s1  }
0x38c: {  	s0 =	simm.s32 @!p0 $0x8  }
0x38d: {  	_ =	swait.ge @!p0 [sflag:s0], s1  }
0x38e: {  	s1 =	ssub.s32 @!p0 $0x0, s1;
	[sflag:s0] =	ssyncset.done @!p0 $0x0  }
0x38f: {  	[sflag:s0] =	ssyncadd.s32 @!p0 s1  }
0x390: {  	[bflag:$0x3] =	sbarrier.arrive $0xFFFF  }
0x391: {  	_ =	shalt  }

</sc_bundles>
